<compile_context>
chip_gen: v7x
topology: tpu7x:2x2x1
jax: 0.10.2.dev20260603
libtpu: 0.0.44.dev20260713+nightly
codegen_flags: <defaults>
</compile_context>

<pallas_src>
import functools

import jax
import jax.numpy as jnp
from jax import lax
from jax.experimental import pallas as pl
from jax.experimental.pallas import tpu as pltpu
from jax.experimental.pallas import tpu_sc as plsc

N = 10000
E = 320000
F_IN = 128
F_H = 128
F_C = 40
F_CP = 48

NC, NS = 2, 16
NW = NC * NS
EPW = E // NW
K = 80
NCHUNK = EPW // K
KA = 96
NB = 4
NF = EPW // KA
KT = EPW - NF * KA
RPS = N // NS

_MESH = dict(core_axis_name="c", subcore_axis_name="s",
             num_cores=NC, num_subcores=NS)


@functools.cache
def _make_agg(D):

    @functools.partial(
        pl.kernel,
        out_type=jax.ShapeDtypeStruct((NC, NS, RPS, D), jnp.float32),
        mesh=plsc.VectorSubcoreMesh(**_MESH),
        scratch_types=[
            [pltpu.VMEM((KA, D), jnp.float32)] * NB,
            [pltpu.VMEM((2, KA), jnp.int32)] * NB,
            pltpu.VMEM_SHARED((N, D), jnp.float32),
            [pltpu.SemaphoreType.DMA] * NB,
            [pltpu.SemaphoreType.DMA] * NB,
            [pltpu.SemaphoreType.DMA] * NB,
        ],
    )
    def agg(h_hbm, src_hbm, dst_hbm, z_hbm, out_hbm,
            rows, idx, acc, isem, gsem, ssem):
        c = lax.axis_index("c")
        s = lax.axis_index("s")
        wid = s * NC + c
        base = wid * EPW

        def fire_i(t, b, size=KA):
            pltpu.async_copy(src_hbm.at[pl.ds(base + t * KA, size)],
                             idx[b].at[0, pl.ds(0, size)], isem[b])
            pltpu.async_copy(dst_hbm.at[pl.ds(base + t * KA, size)],
                             idx[b].at[1, pl.ds(0, size)], isem[b])

        def wait_i(t, b, size=KA):
            pltpu.make_async_copy(src_hbm.at[pl.ds(base + t * KA, size)],
                                  idx[b].at[0, pl.ds(0, size)], isem[b]).wait()
            pltpu.make_async_copy(dst_hbm.at[pl.ds(base + t * KA, size)],
                                  idx[b].at[1, pl.ds(0, size)], isem[b]).wait()

        def fire_g(b):
            pltpu.async_copy(h_hbm.at[idx[b].at[0]], rows[b], gsem[b])

        def wait_g(b):
            pltpu.make_async_copy(h_hbm.at[idx[b].at[0]], rows[b], gsem[b]).wait()

        def fire_s(b):
            pltpu.async_copy(rows[b], acc.at[idx[b].at[1]], ssem[b], add=True)

        def wait_s(b):
            pltpu.make_async_copy(rows[b], acc.at[idx[b].at[1]], ssem[b]).wait()

        fire_i(0, 0)
        fire_i(1, 1)
        pltpu.sync_copy(z_hbm.at[s], acc.at[pl.ds(s * RPS, RPS)])
        wait_i(0, 0)
        fire_g(0)
        plsc.subcore_barrier()

        def step(q, carry):
            for b in range(NB):
                t = NB * q + b
                bi = (b + 2) % NB
                bn = (b + 1) % NB
                if b < 2:
                    @pl.when(q > 0)
                    def _():
                        wait_s(bi)
                else:
                    wait_s(bi)
                fire_i(t + 2, bi)
                wait_g(b)
                fire_s(b)
                wait_i(t + 1, bn)
                fire_g(bn)
            return carry

        lax.fori_loop(0, NF // NB - 1, step, 0)
        for t in range(NF - NB, NF):
            b, bi, bn = t % NB, (t + 2) % NB, (t + 1) % NB
            wait_s(bi)
            if t <= NF - 3:
                fire_i(t + 2, bi)
            elif t == NF - 2:
                fire_i(NF, bi, size=KT)
            wait_g(b)
            fire_s(b)
            if t < NF - 1:
                wait_i(t + 1, bn)
                fire_g(bn)
        bt = NF % NB
        wait_i(NF, bt, size=KT)
        d_t = pltpu.async_copy(h_hbm.at[idx[bt].at[0, pl.ds(0, KT)]],
                               rows[bt].at[pl.ds(0, KT), :], gsem[bt])
        wait_s((NF - 2) % NB)
        wait_s((NF - 1) % NB)
        d_t.wait()
        pltpu.sync_copy(rows[bt].at[pl.ds(0, KT), :],
                        acc.at[idx[bt].at[1, pl.ds(0, KT)]], add=True)
        plsc.subcore_barrier()
        pltpu.sync_copy(acc.at[pl.ds(s * RPS, RPS)], out_hbm.at[c, s])

    return agg


@functools.cache
def _make_deg():
    @functools.partial(
        pl.kernel,
        out_type=jax.ShapeDtypeStruct((NC, 2, NS, RPS, 16), jnp.float32),
        mesh=plsc.VectorSubcoreMesh(**_MESH),
        scratch_types=[
            pltpu.VMEM((EPW,), jnp.int32),
            pltpu.VMEM((EPW,), jnp.int32),
            pltpu.VMEM((K, 16), jnp.float32),
            pltpu.VMEM_SHARED((N, 16), jnp.float32),
            pltpu.VMEM_SHARED((N, 16), jnp.float32),
            pltpu.SemaphoreType.DMA,
        ],
        compiler_params=pltpu.CompilerParams(use_tc_tiling_on_sc=False),
    )
    def _deg(src_hbm, dst_hbm, z_hbm, ones_hbm, out_hbm,
             srcv, dstv, ones_v, acc_o, acc_i, sem):
        c = lax.axis_index("c")
        s = lax.axis_index("s")
        wid = s * NC + c
        base = wid * EPW
        pltpu.sync_copy(src_hbm.at[pl.ds(base, EPW)], srcv)
        pltpu.sync_copy(dst_hbm.at[pl.ds(base, EPW)], dstv)
        pltpu.sync_copy(ones_hbm, ones_v)
        pltpu.sync_copy(z_hbm.at[s], acc_o.at[pl.ds(s * RPS, RPS)])
        pltpu.sync_copy(z_hbm.at[s], acc_i.at[pl.ds(s * RPS, RPS)])
        plsc.subcore_barrier()

        def fire(t, carry):
            pltpu.async_copy(ones_v, acc_o.at[srcv.at[pl.ds(t * K, K)]], sem,
                             add=True)
            pltpu.async_copy(ones_v, acc_i.at[dstv.at[pl.ds(t * K, K)]], sem,
                             add=True)
            return carry

        lax.fori_loop(0, NCHUNK, fire, 0)

        def drain(t, carry):
            pltpu.make_async_copy(ones_v, acc_o.at[srcv.at[pl.ds(t * K, K)]],
                                  sem).wait()
            pltpu.make_async_copy(ones_v, acc_i.at[dstv.at[pl.ds(t * K, K)]],
                                  sem).wait()
            return carry

        lax.fori_loop(0, NCHUNK, drain, 0)
        plsc.subcore_barrier()
        pltpu.sync_copy(acc_o.at[pl.ds(s * RPS, RPS)], out_hbm.at[c, 0, s])
        pltpu.sync_copy(acc_i.at[pl.ds(s * RPS, RPS)], out_hbm.at[c, 1, s])

    return _deg


R = 400


def _norms(dg, which):
    d = dg[0, which, :, 0:1] + dg[1, which, :, 0:1]
    return lax.rsqrt(jnp.maximum(d, 1.0))


def _tc_h1(x, degs, W1):
    def body(x_ref, deg_ref, w_ref, o_ref):
        dg = deg_ref[...]
        n_out = _norms(dg, 0)
        o_ref[...] = jnp.dot(x_ref[...] * n_out, w_ref[...],
                             preferred_element_type=jnp.float32)

    return pl.pallas_call(
        body,
        grid=(N // R,),
        in_specs=[
            pl.BlockSpec((R, F_IN), lambda i: (i, 0)),
            pl.BlockSpec((2, 2, R, 16), lambda i: (0, 0, i, 0)),
            pl.BlockSpec((F_IN, F_H), lambda i: (0, 0)),
        ],
        out_specs=pl.BlockSpec((R, F_H), lambda i: (i, 0)),
        out_shape=jax.ShapeDtypeStruct((N, F_H), jnp.float32),
    )(x, degs, W1)


def _tc_mid(agg_parts, degs, b1):

    def body(a_ref, deg_ref, b_ref, o_ref):
        dg = deg_ref[...]
        n_out = _norms(dg, 0)
        n_in = _norms(dg, 1)
        aggv = a_ref[0] + a_ref[1]
        z = aggv * n_in + b_ref[...]
        o_ref[...] = jnp.maximum(z, 0.0) * n_out

    return pl.pallas_call(
        body,
        grid=(N // R,),
        in_specs=[
            pl.BlockSpec((2, R, F_H), lambda i: (0, i, 0)),
            pl.BlockSpec((2, 2, R, 16), lambda i: (0, 0, i, 0)),
            pl.BlockSpec((1, F_H), lambda i: (0, 0)),
        ],
        out_specs=pl.BlockSpec((R, F_H), lambda i: (i, 0)),
        out_shape=jax.ShapeDtypeStruct((N, F_H), jnp.float32),
    )(agg_parts, degs, b1)


def _tc_out(agg_parts, degs, W2, b2):
    def body(a_ref, deg_ref, w_ref, b_ref, o_ref):
        dg = deg_ref[...]
        n_in = _norms(dg, 1)
        aggv = (a_ref[0] + a_ref[1]) * n_in
        o_ref[...] = jnp.dot(aggv, w_ref[...],
                             preferred_element_type=jnp.float32) + b_ref[...]

    return pl.pallas_call(
        body,
        grid=(N // R,),
        in_specs=[
            pl.BlockSpec((2, R, F_H), lambda i: (0, i, 0)),
            pl.BlockSpec((2, 2, R, 16), lambda i: (0, 0, i, 0)),
            pl.BlockSpec((F_H, F_C), lambda i: (0, 0)),
            pl.BlockSpec((1, F_C), lambda i: (0, 0)),
        ],
        out_specs=pl.BlockSpec((R, F_C), lambda i: (i, 0)),
        out_shape=jax.ShapeDtypeStruct((N, F_C), jnp.float32),
    )(agg_parts, degs, W2, b2)


def kernel(in_feat, edge_index, W1, b1, W2, b2):
    ei = edge_index.astype(jnp.int32)
    src = ei[0]
    dst = ei[1]
    z16 = jnp.zeros((NS, RPS, 16), jnp.float32)
    z128 = jnp.zeros((NS, RPS, F_H), jnp.float32)
    ones16 = jnp.ones((K, 16), jnp.float32)

    degs = _make_deg()(src, dst, z16, ones16).reshape(NC, 2, N, 16)
    h1 = _tc_h1(in_feat, degs, W1)
    agg1 = _make_agg(F_H)(h1, src, dst, z128).reshape(NC, N, F_H)
    u = _tc_mid(agg1, degs, b1.reshape(1, F_H))
    agg2 = _make_agg(F_H)(u, src, dst, z128).reshape(NC, N, F_H)
    return _tc_out(agg2, degs, W2, b2.reshape(1, F_C))

# --- scband reference (transcript-rebuilt; emitter-appended) ---
"""Pipeline reference for scband-gcn-nifa-39367670235688 (READ-ONLY COPY).

The authoritative reference and input builder live on the scoring server;
editing this copy changes nothing except your own understanding.
"""

import jax, jax.numpy as jnp
import numpy as np

N_NODES = 10000
N_EDGES = 320000
IN_FEATS = 128
H_FEATS = 128
NUM_CLASSES = 40


def setup_inputs(seed: int = 0) -> dict:
    key = jax.random.key(seed)
    k1, k2, k3, k4, k5, k6 = jax.random.split(key, 6)
    in_feat = jax.random.normal(k1, (N_NODES, IN_FEATS), dtype=jnp.float32)
    edge_index = jax.random.randint(k2, (2, N_EDGES), 0, N_NODES, dtype=jnp.int64)
    # Glorot-style init for GraphConv weights
    s1 = float(np.sqrt(6.0 / (IN_FEATS + H_FEATS)))
    s2 = float(np.sqrt(6.0 / (H_FEATS + NUM_CLASSES)))
    W1 = jax.random.uniform(k3, (IN_FEATS, H_FEATS), minval=-s1, maxval=s1, dtype=jnp.float32)
    b1 = jnp.zeros((H_FEATS,), dtype=jnp.float32)
    W2 = jax.random.uniform(k4, (H_FEATS, NUM_CLASSES), minval=-s2, maxval=s2, dtype=jnp.float32)
    b2 = jnp.zeros((NUM_CLASSES,), dtype=jnp.float32)
    return {"in_feat": in_feat, "edge_index": edge_index, "W1": W1, "b1": b1, "W2": W2, "b2": b2}


def _graph_conv_both(x, W, b, src, dst, n_nodes):
    # DGL GraphConv with norm='both':
    # h = D_in^{-1/2} * A^T * (D_out^{-1/2} * x) * W + b
    deg_out = jax.ops.segment_sum(jnp.ones_like(src, dtype=jnp.float32), src, num_segments=n_nodes)
    deg_in = jax.ops.segment_sum(jnp.ones_like(dst, dtype=jnp.float32), dst, num_segments=n_nodes)
    norm_out = jnp.power(jnp.maximum(deg_out, 1.0), -0.5)
    norm_in = jnp.power(jnp.maximum(deg_in, 1.0), -0.5)
    h = x * norm_out[:, None]
    h = h @ W  # apply weight before aggregation (mathematically identical)
    msg = jnp.take(h, src, axis=0)  # gather source features per edge
    agg = jax.ops.segment_sum(msg, dst, num_segments=n_nodes)  # scatter-add to dst
    out = agg * norm_in[:, None] + b
    return out


def reference(in_feat, edge_index, W1, b1, W2, b2):
    src = edge_index[0]
    dst = edge_index[1]
    h = _graph_conv_both(in_feat, W1, b1, src, dst, N_NODES)
    h = jax.nn.relu(h)
    h = _graph_conv_both(h, W2, b2, src, dst, N_NODES)
    return h

if __name__ == "__main__":
    import jax
    _d = setup_inputs()
    print(jax.jit(kernel)(*tuple(_d.values())))

</pallas_src>

<mosaic_0001>
#map = affine_map<(d0, d1) -> (0)>
#map1 = affine_map<(d0, d1) -> (0, 0, 0)>
#map2 = affine_map<(d0, d1) -> (0, 0)>
#map3 = affine_map<(d0, d1) -> (0, 0, 0, 0, 0)>
module attributes {stable_mosaic.version = 14 : i64} {
  func.func @_deg(%arg0: i32, %arg1: i32, %arg2: memref<320000xi32, #tpu.memory_space<hbm>>, %arg3: memref<320000xi32, #tpu.memory_space<hbm>>, %arg4: memref<16x625x16xf32, #tpu.memory_space<hbm>>, %arg5: memref<80x16xf32, #tpu.memory_space<hbm>>, %arg6: memref<2x2x16x625x16xf32, #tpu.memory_space<hbm>>, %arg7: memref<10000xi32, #tpu.memory_space<vmem>>, %arg8: memref<10000xi32, #tpu.memory_space<vmem>>, %arg9: memref<80x16xf32, #tpu.memory_space<vmem>>, %arg10: memref<10000x16xf32, #tpu.memory_space<vmem_shared>>, %arg11: memref<10000x16xf32, #tpu.memory_space<vmem_shared>>, %arg12: memref<!tpu.dma_semaphore, #tpu.memory_space<semaphore_mem>>) attributes {dimension_semantics = [#tpu.dimension_semantics<core_parallel>, #tpu.dimension_semantics<subcore_parallel>], iteration_bounds = array<i64: 2, 16>, scalar_prefetch = 0 : i64, scratch_operands = 6 : i64, tpu.core_type = #tpu.core_type<sc_vector_subcore>, window_params = [{transform_indices = #map}, {transform_indices = #map}, {transform_indices = #map1}, {transform_indices = #map2}, {transform_indices = #map3}]} {
    %mul3A = arith.constant 2 : i32
    %mul3A_0 = arith.muli %arg1, %mul3A : i32
    %add3A = arith.addi %mul3A_0, %arg0 : i32
    %mul3A_1 = arith.constant 10000 : i32
    %mul3A_2 = arith.muli %add3A, %mul3A_1 : i32
    "tpu.region"() ({
      %run_scoped3A_24 = tpu.sem_alloc : memref<!tpu.dma_semaphore, #tpu.memory_space<semaphore_mem>>
      %dma_start3A = tpu.memref_slice %arg2[%mul3A_2] : memref<320000xi32, #tpu.memory_space<hbm>> -> memref<10000xi32, #tpu.memory_space<hbm>>
      %dma_start3A_25 = tpu.memref_slice %arg2[%mul3A_2] : memref<320000xi32, #tpu.memory_space<hbm>> -> memref<10000xi32, #tpu.memory_space<hbm>>
      tpu.enqueue_dma source(%dma_start3A_25 : memref<10000xi32, #tpu.memory_space<hbm>>) target(%arg7 : memref<10000xi32, #tpu.memory_space<vmem>>) target_semaphore(%run_scoped3A_24 : memref<!tpu.dma_semaphore, #tpu.memory_space<semaphore_mem>>)
      %dma_wait3A = tpu.memref_slice %arg2[%mul3A_2] : memref<320000xi32, #tpu.memory_space<hbm>> -> memref<10000xi32, #tpu.memory_space<hbm>>
      %dma_wait3A_26 = tpu.memref_slice %arg2[%mul3A_2] : memref<320000xi32, #tpu.memory_space<hbm>> -> memref<10000xi32, #tpu.memory_space<hbm>>
      tpu.wait_dma2 semaphore(%run_scoped3A_24 : memref<!tpu.dma_semaphore, #tpu.memory_space<semaphore_mem>>) src(%dma_wait3A_26 : memref<10000xi32, #tpu.memory_space<hbm>>) dst(%arg7 : memref<10000xi32, #tpu.memory_space<vmem>>)
      tpu.yield
    }) : () -> ()
    "tpu.region"() ({
      %run_scoped3A_24 = tpu.sem_alloc : memref<!tpu.dma_semaphore, #tpu.memory_space<semaphore_mem>>
      %dma_start3A = tpu.memref_slice %arg3[%mul3A_2] : memref<320000xi32, #tpu.memory_space<hbm>> -> memref<10000xi32, #tpu.memory_space<hbm>>
      %dma_start3A_25 = tpu.memref_slice %arg3[%mul3A_2] : memref<320000xi32, #tpu.memory_space<hbm>> -> memref<10000xi32, #tpu.memory_space<hbm>>
      tpu.enqueue_dma source(%dma_start3A_25 : memref<10000xi32, #tpu.memory_space<hbm>>) target(%arg8 : memref<10000xi32, #tpu.memory_space<vmem>>) target_semaphore(%run_scoped3A_24 : memref<!tpu.dma_semaphore, #tpu.memory_space<semaphore_mem>>)
      %dma_wait3A = tpu.memref_slice %arg3[%mul3A_2] : memref<320000xi32, #tpu.memory_space<hbm>> -> memref<10000xi32, #tpu.memory_space<hbm>>
      %dma_wait3A_26 = tpu.memref_slice %arg3[%mul3A_2] : memref<320000xi32, #tpu.memory_space<hbm>> -> memref<10000xi32, #tpu.memory_space<hbm>>
      tpu.wait_dma2 semaphore(%run_scoped3A_24 : memref<!tpu.dma_semaphore, #tpu.memory_space<semaphore_mem>>) src(%dma_wait3A_26 : memref<10000xi32, #tpu.memory_space<hbm>>) dst(%arg8 : memref<10000xi32, #tpu.memory_space<vmem>>)
      tpu.yield
    }) : () -> ()
    "tpu.region"() ({
      %run_scoped3A_24 = tpu.sem_alloc : memref<!tpu.dma_semaphore, #tpu.memory_space<semaphore_mem>>
      tpu.enqueue_dma source(%arg5 : memref<80x16xf32, #tpu.memory_space<hbm>>) target(%arg9 : memref<80x16xf32, #tpu.memory_space<vmem>>) target_semaphore(%run_scoped3A_24 : memref<!tpu.dma_semaphore, #tpu.memory_space<semaphore_mem>>)
      tpu.wait_dma2 semaphore(%run_scoped3A_24 : memref<!tpu.dma_semaphore, #tpu.memory_space<semaphore_mem>>) src(%arg5 : memref<80x16xf32, #tpu.memory_space<hbm>>) dst(%arg9 : memref<80x16xf32, #tpu.memory_space<vmem>>)
      tpu.yield
    }) : () -> ()
    %mul3A_3 = arith.constant 625 : i32
    %mul3A_4 = arith.muli %arg1, %mul3A_3 : i32
    "tpu.region"() ({
      %run_scoped3A_24 = tpu.sem_alloc : memref<!tpu.dma_semaphore, #tpu.memory_space<semaphore_mem>>
      %dma_start3A = arith.constant 0 : i32
      %dma_start3A_25 = tpu.memref_slice %arg10[%mul3A_4, %dma_start3A] : memref<10000x16xf32, #tpu.memory_space<vmem_shared>> -> memref<625x16xf32, #tpu.memory_space<vmem_shared>>
      %dma_start3A_26 = arith.constant 0 : i32
      %dma_start3A_27 = arith.constant 0 : i32
      %dma_start3A_28 = tpu.memref_slice %arg4[%arg1, %dma_start3A_26, %dma_start3A_27] : memref<16x625x16xf32, #tpu.memory_space<hbm>> -> memref<1x625x16xf32, #tpu.memory_space<hbm>>
      %dma_start3A_29 = tpu.memref_squeeze %dma_start3A_28 : memref<1x625x16xf32, #tpu.memory_space<hbm>> -> memref<625x16xf32, #tpu.memory_space<hbm>>
      tpu.enqueue_dma source(%dma_start3A_29 : memref<625x16xf32, #tpu.memory_space<hbm>>) target(%dma_start3A_25 : memref<625x16xf32, #tpu.memory_space<vmem_shared>>) target_semaphore(%run_scoped3A_24 : memref<!tpu.dma_semaphore, #tpu.memory_space<semaphore_mem>>)
      %dma_wait3A = arith.constant 0 : i32
      %dma_wait3A_30 = tpu.memref_slice %arg10[%mul3A_4, %dma_wait3A] : memref<10000x16xf32, #tpu.memory_space<vmem_shared>> -> memref<625x16xf32, #tpu.memory_space<vmem_shared>>
      %dma_wait3A_31 = arith.constant 0 : i32
      %dma_wait3A_32 = arith.constant 0 : i32
      %dma_wait3A_33 = tpu.memref_slice %arg4[%arg1, %dma_wait3A_31, %dma_wait3A_32] : memref<16x625x16xf32, #tpu.memory_space<hbm>> -> memref<1x625x16xf32, #tpu.memory_space<hbm>>
      %dma_wait3A_34 = tpu.memref_squeeze %dma_wait3A_33 : memref<1x625x16xf32, #tpu.memory_space<hbm>> -> memref<625x16xf32, #tpu.memory_space<hbm>>
      tpu.wait_dma2 semaphore(%run_scoped3A_24 : memref<!tpu.dma_semaphore, #tpu.memory_space<semaphore_mem>>) src(%dma_wait3A_34 : memref<625x16xf32, #tpu.memory_space<hbm>>) dst(%dma_wait3A_30 : memref<625x16xf32, #tpu.memory_space<vmem_shared>>)
      tpu.yield
    }) : () -> ()
    %mul3A_5 = arith.constant 625 : i32
    %mul3A_6 = arith.muli %arg1, %mul3A_5 : i32
    "tpu.region"() ({
      %run_scoped3A_24 = tpu.sem_alloc : memref<!tpu.dma_semaphore, #tpu.memory_space<semaphore_mem>>
      %dma_start3A = arith.constant 0 : i32
      %dma_start3A_25 = tpu.memref_slice %arg11[%mul3A_6, %dma_start3A] : memref<10000x16xf32, #tpu.memory_space<vmem_shared>> -> memref<625x16xf32, #tpu.memory_space<vmem_shared>>
      %dma_start3A_26 = arith.constant 0 : i32
      %dma_start3A_27 = arith.constant 0 : i32
      %dma_start3A_28 = tpu.memref_slice %arg4[%arg1, %dma_start3A_26, %dma_start3A_27] : memref<16x625x16xf32, #tpu.memory_space<hbm>> -> memref<1x625x16xf32, #tpu.memory_space<hbm>>
      %dma_start3A_29 = tpu.memref_squeeze %dma_start3A_28 : memref<1x625x16xf32, #tpu.memory_space<hbm>> -> memref<625x16xf32, #tpu.memory_space<hbm>>
      tpu.enqueue_dma source(%dma_start3A_29 : memref<625x16xf32, #tpu.memory_space<hbm>>) target(%dma_start3A_25 : memref<625x16xf32, #tpu.memory_space<vmem_shared>>) target_semaphore(%run_scoped3A_24 : memref<!tpu.dma_semaphore, #tpu.memory_space<semaphore_mem>>)
      %dma_wait3A = arith.constant 0 : i32
      %dma_wait3A_30 = tpu.memref_slice %arg11[%mul3A_6, %dma_wait3A] : memref<10000x16xf32, #tpu.memory_space<vmem_shared>> -> memref<625x16xf32, #tpu.memory_space<vmem_shared>>
      %dma_wait3A_31 = arith.constant 0 : i32
      %dma_wait3A_32 = arith.constant 0 : i32
      %dma_wait3A_33 = tpu.memref_slice %arg4[%arg1, %dma_wait3A_31, %dma_wait3A_32] : memref<16x625x16xf32, #tpu.memory_space<hbm>> -> memref<1x625x16xf32, #tpu.memory_space<hbm>>
      %dma_wait3A_34 = tpu.memref_squeeze %dma_wait3A_33 : memref<1x625x16xf32, #tpu.memory_space<hbm>> -> memref<625x16xf32, #tpu.memory_space<hbm>>
      tpu.wait_dma2 semaphore(%run_scoped3A_24 : memref<!tpu.dma_semaphore, #tpu.memory_space<semaphore_mem>>) src(%dma_wait3A_34 : memref<625x16xf32, #tpu.memory_space<hbm>>) dst(%dma_wait3A_30 : memref<625x16xf32, #tpu.memory_space<vmem_shared>>)
      tpu.yield
    }) : () -> ()
    %barrier3A = arith.constant 0 : index
    tpu.barrier barrier_id(%barrier3A)
    %scan3A = arith.constant 0 : i32
    %scan3A_7 = arith.constant 0 : i32
    %scan3A_8 = arith.constant 125 : i32
    %scan3A_9 = arith.addi %scan3A_7, %scan3A_8 : i32
    %scan3A_10 = arith.constant 1 : i32
    scf.for %scan3A_24 = %scan3A_7 to %scan3A_9 step %scan3A_10  : i32 {
      %mul3A_25 = arith.constant 80 : i32
      %mul3A_26 = arith.muli %scan3A_24, %mul3A_25 : i32
      %dma_start3A = tpu.memref_slice %arg7[%mul3A_26] : memref<10000xi32, #tpu.memory_space<vmem>> -> memref<80xi32, #tpu.memory_space<vmem>>
      %dma_start3A_27 = arith.constant 0 : i32
      %dma_start3A_28 = arith.constant 0 : i32
      %dma_start3A_29 = tpu.memref_slice %arg10[%dma_start3A_27, %dma_start3A_28] : memref<10000x16xf32, #tpu.memory_space<vmem_shared>> -> memref<10000x16xf32, #tpu.memory_space<vmem_shared>>
      tpu.enqueue_indirect_dma source(%arg9 : memref<80x16xf32, #tpu.memory_space<vmem>>) target(%dma_start3A_29 : memref<10000x16xf32, #tpu.memory_space<vmem_shared>>) offsets(%dma_start3A : memref<80xi32, #tpu.memory_space<vmem>>) semaphore(%arg12 : memref<!tpu.dma_semaphore, #tpu.memory_space<semaphore_mem>>) {add = true}
      %mul3A_30 = arith.constant 80 : i32
      %mul3A_31 = arith.muli %scan3A_24, %mul3A_30 : i32
      %dma_start3A_32 = tpu.memref_slice %arg8[%mul3A_31] : memref<10000xi32, #tpu.memory_space<vmem>> -> memref<80xi32, #tpu.memory_space<vmem>>
      %dma_start3A_33 = arith.constant 0 : i32
      %dma_start3A_34 = arith.constant 0 : i32
      %dma_start3A_35 = tpu.memref_slice %arg11[%dma_start3A_33, %dma_start3A_34] : memref<10000x16xf32, #tpu.memory_space<vmem_shared>> -> memref<10000x16xf32, #tpu.memory_space<vmem_shared>>
      tpu.enqueue_indirect_dma source(%arg9 : memref<80x16xf32, #tpu.memory_space<vmem>>) target(%dma_start3A_35 : memref<10000x16xf32, #tpu.memory_space<vmem_shared>>) offsets(%dma_start3A_32 : memref<80xi32, #tpu.memory_space<vmem>>) semaphore(%arg12 : memref<!tpu.dma_semaphore, #tpu.memory_space<semaphore_mem>>) {add = true}
    }
    %scan3A_11 = arith.constant 125 : i32
    %scan3A_12 = arith.constant 0 : i32
    %scan3A_13 = arith.constant 0 : i32
    %scan3A_14 = arith.constant 125 : i32
    %scan3A_15 = arith.addi %scan3A_13, %scan3A_14 : i32
    %scan3A_16 = arith.constant 1 : i32
    scf.for %scan3A_24 = %scan3A_13 to %scan3A_15 step %scan3A_16  : i32 {
      %mul3A_25 = arith.constant 80 : i32
      %mul3A_26 = arith.muli %scan3A_24, %mul3A_25 : i32
      %dma_wait3A = tpu.memref_slice %arg7[%mul3A_26] : memref<10000xi32, #tpu.memory_space<vmem>> -> memref<80xi32, #tpu.memory_space<vmem>>
      %dma_wait3A_27 = arith.constant 0 : i32
      %dma_wait3A_28 = arith.constant 0 : i32
      %dma_wait3A_29 = tpu.memref_slice %arg10[%dma_wait3A_27, %dma_wait3A_28] : memref<10000x16xf32, #tpu.memory_space<vmem_shared>> -> memref<10000x16xf32, #tpu.memory_space<vmem_shared>>
      tpu.wait_indirect_dma semaphore(%arg12 : memref<!tpu.dma_semaphore, #tpu.memory_space<semaphore_mem>>) src(%arg9 : memref<80x16xf32, #tpu.memory_space<vmem>>) dst(%dma_wait3A_29 : memref<10000x16xf32, #tpu.memory_space<vmem_shared>>)
      %mul3A_30 = arith.constant 80 : i32
      %mul3A_31 = arith.muli %scan3A_24, %mul3A_30 : i32
      %dma_wait3A_32 = tpu.memref_slice %arg8[%mul3A_31] : memref<10000xi32, #tpu.memory_space<vmem>> -> memref<80xi32, #tpu.memory_space<vmem>>
      %dma_wait3A_33 = arith.constant 0 : i32
      %dma_wait3A_34 = arith.constant 0 : i32
      %dma_wait3A_35 = tpu.memref_slice %arg11[%dma_wait3A_33, %dma_wait3A_34] : memref<10000x16xf32, #tpu.memory_space<vmem_shared>> -> memref<10000x16xf32, #tpu.memory_space<vmem_shared>>
      tpu.wait_indirect_dma semaphore(%arg12 : memref<!tpu.dma_semaphore, #tpu.memory_space<semaphore_mem>>) src(%arg9 : memref<80x16xf32, #tpu.memory_space<vmem>>) dst(%dma_wait3A_35 : memref<10000x16xf32, #tpu.memory_space<vmem_shared>>)
    }
    %scan3A_17 = arith.constant 125 : i32
    %barrier3A_18 = arith.constant 0 : index
    tpu.barrier barrier_id(%barrier3A_18)
    %mul3A_19 = arith.constant 625 : i32
    %mul3A_20 = arith.muli %arg1, %mul3A_19 : i32
    %run_scoped3A = arith.constant 0 : i32
    "tpu.region"() ({
      %run_scoped3A_24 = tpu.sem_alloc : memref<!tpu.dma_semaphore, #tpu.memory_space<semaphore_mem>>
      %dma_start3A = arith.constant 0 : i32
      %dma_start3A_25 = arith.constant 0 : i32
      %dma_start3A_26 = tpu.memref_slice %arg6[%arg0, %run_scoped3A, %arg1, %dma_start3A, %dma_start3A_25] : memref<2x2x16x625x16xf32, #tpu.memory_space<hbm>> -> memref<1x1x1x625x16xf32, #tpu.memory_space<hbm>>
      %dma_start3A_27 = tpu.memref_squeeze %dma_start3A_26 : memref<1x1x1x625x16xf32, #tpu.memory_space<hbm>> -> memref<625x16xf32, #tpu.memory_space<hbm>>
      %dma_start3A_28 = arith.constant 0 : i32
      %dma_start3A_29 = tpu.memref_slice %arg10[%mul3A_20, %dma_start3A_28] : memref<10000x16xf32, #tpu.memory_space<vmem_shared>> -> memref<625x16xf32, #tpu.memory_space<vmem_shared>>
      tpu.enqueue_dma source(%dma_start3A_29 : memref<625x16xf32, #tpu.memory_space<vmem_shared>>) target(%dma_start3A_27 : memref<625x16xf32, #tpu.memory_space<hbm>>) target_semaphore(%run_scoped3A_24 : memref<!tpu.dma_semaphore, #tpu.memory_space<semaphore_mem>>)
      %dma_wait3A = arith.constant 0 : i32
      %dma_wait3A_30 = arith.constant 0 : i32
      %dma_wait3A_31 = tpu.memref_slice %arg6[%arg0, %run_scoped3A, %arg1, %dma_wait3A, %dma_wait3A_30] : memref<2x2x16x625x16xf32, #tpu.memory_space<hbm>> -> memref<1x1x1x625x16xf32, #tpu.memory_space<hbm>>
      %dma_wait3A_32 = tpu.memref_squeeze %dma_wait3A_31 : memref<1x1x1x625x16xf32, #tpu.memory_space<hbm>> -> memref<625x16xf32, #tpu.memory_space<hbm>>
      %dma_wait3A_33 = arith.constant 0 : i32
      %dma_wait3A_34 = tpu.memref_slice %arg10[%mul3A_20, %dma_wait3A_33] : memref<10000x16xf32, #tpu.memory_space<vmem_shared>> -> memref<625x16xf32, #tpu.memory_space<vmem_shared>>
      tpu.wait_dma2 semaphore(%run_scoped3A_24 : memref<!tpu.dma_semaphore, #tpu.memory_space<semaphore_mem>>) src(%dma_wait3A_34 : memref<625x16xf32, #tpu.memory_space<vmem_shared>>) dst(%dma_wait3A_32 : memref<625x16xf32, #tpu.memory_space<hbm>>)
      tpu.yield
    }) : () -> ()
    %mul3A_21 = arith.constant 625 : i32
    %mul3A_22 = arith.muli %arg1, %mul3A_21 : i32
    %run_scoped3A_23 = arith.constant 1 : i32
    "tpu.region"() ({
      %run_scoped3A_24 = tpu.sem_alloc : memref<!tpu.dma_semaphore, #tpu.memory_space<semaphore_mem>>
      %dma_start3A = arith.constant 0 : i32
      %dma_start3A_25 = arith.constant 0 : i32
      %dma_start3A_26 = tpu.memref_slice %arg6[%arg0, %run_scoped3A_23, %arg1, %dma_start3A, %dma_start3A_25] : memref<2x2x16x625x16xf32, #tpu.memory_space<hbm>> -> memref<1x1x1x625x16xf32, #tpu.memory_space<hbm>>
      %dma_start3A_27 = tpu.memref_squeeze %dma_start3A_26 : memref<1x1x1x625x16xf32, #tpu.memory_space<hbm>> -> memref<625x16xf32, #tpu.memory_space<hbm>>
      %dma_start3A_28 = arith.constant 0 : i32
      %dma_start3A_29 = tpu.memref_slice %arg11[%mul3A_22, %dma_start3A_28] : memref<10000x16xf32, #tpu.memory_space<vmem_shared>> -> memref<625x16xf32, #tpu.memory_space<vmem_shared>>
      tpu.enqueue_dma source(%dma_start3A_29 : memref<625x16xf32, #tpu.memory_space<vmem_shared>>) target(%dma_start3A_27 : memref<625x16xf32, #tpu.memory_space<hbm>>) target_semaphore(%run_scoped3A_24 : memref<!tpu.dma_semaphore, #tpu.memory_space<semaphore_mem>>)
      %dma_wait3A = arith.constant 0 : i32
      %dma_wait3A_30 = arith.constant 0 : i32
      %dma_wait3A_31 = tpu.memref_slice %arg6[%arg0, %run_scoped3A_23, %arg1, %dma_wait3A, %dma_wait3A_30] : memref<2x2x16x625x16xf32, #tpu.memory_space<hbm>> -> memref<1x1x1x625x16xf32, #tpu.memory_space<hbm>>
      %dma_wait3A_32 = tpu.memref_squeeze %dma_wait3A_31 : memref<1x1x1x625x16xf32, #tpu.memory_space<hbm>> -> memref<625x16xf32, #tpu.memory_space<hbm>>
      %dma_wait3A_33 = arith.constant 0 : i32
      %dma_wait3A_34 = tpu.memref_slice %arg11[%mul3A_22, %dma_wait3A_33] : memref<10000x16xf32, #tpu.memory_space<vmem_shared>> -> memref<625x16xf32, #tpu.memory_space<vmem_shared>>
      tpu.wait_dma2 semaphore(%run_scoped3A_24 : memref<!tpu.dma_semaphore, #tpu.memory_space<semaphore_mem>>) src(%dma_wait3A_34 : memref<625x16xf32, #tpu.memory_space<vmem_shared>>) dst(%dma_wait3A_32 : memref<625x16xf32, #tpu.memory_space<hbm>>)
      tpu.yield
    }) : () -> ()
    return
  }
}

#map = affine_map<(d0, d1) -> (0, 0)>
#map1 = affine_map<(d0, d1) -> (0)>
#map2 = affine_map<(d0, d1) -> (0, 0, 0)>
#map3 = affine_map<(d0, d1) -> (0, 0, 0, 0)>
module attributes {stable_mosaic.version = 14 : i64} {
  func.func @agg(%arg0: i32, %arg1: i32, %arg2: memref<10000x128xf32, #tpu.memory_space<hbm>>, %arg3: memref<320000xi32, #tpu.memory_space<hbm>>, %arg4: memref<320000xi32, #tpu.memory_space<hbm>>, %arg5: memref<16x625x128xf32, #tpu.memory_space<hbm>>, %arg6: memref<2x16x625x128xf32, #tpu.memory_space<hbm>>, %arg7: memref<96x128xf32, #tpu.memory_space<vmem>>, %arg8: memref<96x128xf32, #tpu.memory_space<vmem>>, %arg9: memref<96x128xf32, #tpu.memory_space<vmem>>, %arg10: memref<96x128xf32, #tpu.memory_space<vmem>>, %arg11: memref<2x96xi32, #tpu.memory_space<vmem>>, %arg12: memref<2x96xi32, #tpu.memory_space<vmem>>, %arg13: memref<2x96xi32, #tpu.memory_space<vmem>>, %arg14: memref<2x96xi32, #tpu.memory_space<vmem>>, %arg15: memref<10000x128xf32, #tpu.memory_space<vmem_shared>>, %arg16: memref<!tpu.dma_semaphore, #tpu.memory_space<semaphore_mem>>, %arg17: memref<!tpu.dma_semaphore, #tpu.memory_space<semaphore_mem>>, %arg18: memref<!tpu.dma_semaphore, #tpu.memory_space<semaphore_mem>>, %arg19: memref<!tpu.dma_semaphore, #tpu.memory_space<semaphore_mem>>, %arg20: memref<!tpu.dma_semaphore, #tpu.memory_space<semaphore_mem>>, %arg21: memref<!tpu.dma_semaphore, #tpu.memory_space<semaphore_mem>>, %arg22: memref<!tpu.dma_semaphore, #tpu.memory_space<semaphore_mem>>, %arg23: memref<!tpu.dma_semaphore, #tpu.memory_space<semaphore_mem>>, %arg24: memref<!tpu.dma_semaphore, #tpu.memory_space<semaphore_mem>>, %arg25: memref<!tpu.dma_semaphore, #tpu.memory_space<semaphore_mem>>, %arg26: memref<!tpu.dma_semaphore, #tpu.memory_space<semaphore_mem>>, %arg27: memref<!tpu.dma_semaphore, #tpu.memory_space<semaphore_mem>>) attributes {dimension_semantics = [#tpu.dimension_semantics<core_parallel>, #tpu.dimension_semantics<subcore_parallel>], iteration_bounds = array<i64: 2, 16>, scalar_prefetch = 0 : i64, scratch_operands = 21 : i64, tpu.core_type = #tpu.core_type<sc_vector_subcore>, window_params = [{transform_indices = #map}, {transform_indices = #map1}, {transform_indices = #map1}, {transform_indices = #map2}, {transform_indices = #map3}]} {
    %mul3A = arith.constant 2 : i32
    %mul3A_0 = arith.muli %arg1, %mul3A : i32
    %add3A = arith.addi %mul3A_0, %arg0 : i32
    %mul3A_1 = arith.constant 10000 : i32
    %mul3A_2 = arith.muli %add3A, %mul3A_1 : i32
    %add3A_3 = arith.constant 0 : i32
    %add3A_4 = arith.addi %mul3A_2, %add3A_3 : i32
    %dma_start3A = arith.constant 0 : i32
    %dma_start3A_5 = arith.constant 0 : i32
    %dma_start3A_6 = tpu.memref_slice %arg11[%dma_start3A, %dma_start3A_5] : memref<2x96xi32, #tpu.memory_space<vmem>> -> memref<1x96xi32, #tpu.memory_space<vmem>>
    %dma_start3A_7 = tpu.memref_squeeze %dma_start3A_6 : memref<1x96xi32, #tpu.memory_space<vmem>> -> memref<96xi32, #tpu.memory_space<vmem>>
    %dma_start3A_8 = tpu.memref_slice %arg3[%add3A_4] : memref<320000xi32, #tpu.memory_space<hbm>> -> memref<96xi32, #tpu.memory_space<hbm>>
    %dma_start3A_9 = arith.constant 0 : i32
    %dma_start3A_10 = tpu.memref_slice %arg11[%dma_start3A, %dma_start3A_9] : memref<2x96xi32, #tpu.memory_space<vmem>> -> memref<1x96xi32, #tpu.memory_space<vmem>>
    %dma_start3A_11 = tpu.memref_squeeze %dma_start3A_10 : memref<1x96xi32, #tpu.memory_space<vmem>> -> memref<96xi32, #tpu.memory_space<vmem>>
    %dma_start3A_12 = tpu.memref_slice %arg3[%add3A_4] : memref<320000xi32, #tpu.memory_space<hbm>> -> memref<96xi32, #tpu.memory_space<hbm>>
    tpu.enqueue_dma source(%dma_start3A_12 : memref<96xi32, #tpu.memory_space<hbm>>) target(%dma_start3A_11 : memref<96xi32, #tpu.memory_space<vmem>>) target_semaphore(%arg16 : memref<!tpu.dma_semaphore, #tpu.memory_space<semaphore_mem>>)
    %add3A_13 = arith.constant 0 : i32
    %add3A_14 = arith.addi %mul3A_2, %add3A_13 : i32
    %dma_start3A_15 = arith.constant 1 : i32
    %dma_start3A_16 = arith.constant 0 : i32
    %dma_start3A_17 = tpu.memref_slice %arg11[%dma_start3A_15, %dma_start3A_16] : memref<2x96xi32, #tpu.memory_space<vmem>> -> memref<1x96xi32, #tpu.memory_space<vmem>>
    %dma_start3A_18 = tpu.memref_squeeze %dma_start3A_17 : memref<1x96xi32, #tpu.memory_space<vmem>> -> memref<96xi32, #tpu.memory_space<vmem>>
    %dma_start3A_19 = tpu.memref_slice %arg4[%add3A_14] : memref<320000xi32, #tpu.memory_space<hbm>> -> memref<96xi32, #tpu.memory_space<hbm>>
    %dma_start3A_20 = arith.constant 0 : i32
    %dma_start3A_21 = tpu.memref_slice %arg11[%dma_start3A_15, %dma_start3A_20] : memref<2x96xi32, #tpu.memory_space<vmem>> -> memref<1x96xi32, #tpu.memory_space<vmem>>
    %dma_start3A_22 = tpu.memref_squeeze %dma_start3A_21 : memref<1x96xi32, #tpu.memory_space<vmem>> -> memref<96xi32, #tpu.memory_space<vmem>>
    %dma_start3A_23 = tpu.memref_slice %arg4[%add3A_14] : memref<320000xi32, #tpu.memory_space<hbm>> -> memref<96xi32, #tpu.memory_space<hbm>>
    tpu.enqueue_dma source(%dma_start3A_23 : memref<96xi32, #tpu.memory_space<hbm>>) target(%dma_start3A_22 : memref<96xi32, #tpu.memory_space<vmem>>) target_semaphore(%arg16 : memref<!tpu.dma_semaphore, #tpu.memory_space<semaphore_mem>>)
    %add3A_24 = arith.constant 96 : i32
    %add3A_25 = arith.addi %mul3A_2, %add3A_24 : i32
    %dma_start3A_26 = arith.constant 0 : i32
    %dma_start3A_27 = arith.constant 0 : i32
    %dma_start3A_28 = tpu.memref_slice %arg12[%dma_start3A_26, %dma_start3A_27] : memref<2x96xi32, #tpu.memory_space<vmem>> -> memref<1x96xi32, #tpu.memory_space<vmem>>
    %dma_start3A_29 = tpu.memref_squeeze %dma_start3A_28 : memref<1x96xi32, #tpu.memory_space<vmem>> -> memref<96xi32, #tpu.memory_space<vmem>>
    %dma_start3A_30 = tpu.memref_slice %arg3[%add3A_25] : memref<320000xi32, #tpu.memory_space<hbm>> -> memref<96xi32, #tpu.memory_space<hbm>>
    %dma_start3A_31 = arith.constant 0 : i32
    %dma_start3A_32 = tpu.memref_slice %arg12[%dma_start3A_26, %dma_start3A_31] : memref<2x96xi32, #tpu.memory_space<vmem>> -> memref<1x96xi32, #tpu.memory_space<vmem>>
    %dma_start3A_33 = tpu.memref_squeeze %dma_start3A_32 : memref<1x96xi32, #tpu.memory_space<vmem>> -> memref<96xi32, #tpu.memory_space<vmem>>
    %dma_start3A_34 = tpu.memref_slice %arg3[%add3A_25] : memref<320000xi32, #tpu.memory_space<hbm>> -> memref<96xi32, #tpu.memory_space<hbm>>
    tpu.enqueue_dma source(%dma_start3A_34 : memref<96xi32, #tpu.memory_space<hbm>>) target(%dma_start3A_33 : memref<96xi32, #tpu.memory_space<vmem>>) target_semaphore(%arg17 : memref<!tpu.dma_semaphore, #tpu.memory_space<semaphore_mem>>)
    %add3A_35 = arith.constant 96 : i32
    %add3A_36 = arith.addi %mul3A_2, %add3A_35 : i32
    %dma_start3A_37 = arith.constant 1 : i32
    %dma_start3A_38 = arith.constant 0 : i32
    %dma_start3A_39 = tpu.memref_slice %arg12[%dma_start3A_37, %dma_start3A_38] : memref<2x96xi32, #tpu.memory_space<vmem>> -> memref<1x96xi32, #tpu.memory_space<vmem>>
    %dma_start3A_40 = tpu.memref_squeeze %dma_start3A_39 : memref<1x96xi32, #tpu.memory_space<vmem>> -> memref<96xi32, #tpu.memory_space<vmem>>
    %dma_start3A_41 = tpu.memref_slice %arg4[%add3A_36] : memref<320000xi32, #tpu.memory_space<hbm>> -> memref<96xi32, #tpu.memory_space<hbm>>
    %dma_start3A_42 = arith.constant 0 : i32
    %dma_start3A_43 = tpu.memref_slice %arg12[%dma_start3A_37, %dma_start3A_42] : memref<2x96xi32, #tpu.memory_space<vmem>> -> memref<1x96xi32, #tpu.memory_space<vmem>>
    %dma_start3A_44 = tpu.memref_squeeze %dma_start3A_43 : memref<1x96xi32, #tpu.memory_space<vmem>> -> memref<96xi32, #tpu.memory_space<vmem>>
    %dma_start3A_45 = tpu.memref_slice %arg4[%add3A_36] : memref<320000xi32, #tpu.memory_space<hbm>> -> memref<96xi32, #tpu.memory_space<hbm>>
    tpu.enqueue_dma source(%dma_start3A_45 : memref<96xi32, #tpu.memory_space<hbm>>) target(%dma_start3A_44 : memref<96xi32, #tpu.memory_space<vmem>>) target_semaphore(%arg17 : memref<!tpu.dma_semaphore, #tpu.memory_space<semaphore_mem>>)
    %mul3A_46 = arith.constant 625 : i32
    %mul3A_47 = arith.muli %arg1, %mul3A_46 : i32
    "tpu.region"() ({
      %run_scoped3A_377 = tpu.sem_alloc : memref<!tpu.dma_semaphore, #tpu.memory_space<semaphore_mem>>
      %dma_start3A_378 = arith.constant 0 : i32
      %dma_start3A_379 = tpu.memref_slice %arg15[%mul3A_47, %dma_start3A_378] : memref<10000x128xf32, #tpu.memory_space<vmem_shared>> -> memref<625x128xf32, #tpu.memory_space<vmem_shared>>
      %dma_start3A_380 = arith.constant 0 : i32
      %dma_start3A_381 = arith.constant 0 : i32
      %dma_start3A_382 = tpu.memref_slice %arg5[%arg1, %dma_start3A_380, %dma_start3A_381] : memref<16x625x128xf32, #tpu.memory_space<hbm>> -> memref<1x625x128xf32, #tpu.memory_space<hbm>>
      %dma_start3A_383 = tpu.memref_squeeze %dma_start3A_382 : memref<1x625x128xf32, #tpu.memory_space<hbm>> -> memref<625x128xf32, #tpu.memory_space<hbm>>
      tpu.enqueue_dma source(%dma_start3A_383 : memref<625x128xf32, #tpu.memory_space<hbm>>) target(%dma_start3A_379 : memref<625x128xf32, #tpu.memory_space<vmem_shared>>) target_semaphore(%run_scoped3A_377 : memref<!tpu.dma_semaphore, #tpu.memory_space<semaphore_mem>>)
      %dma_wait3A_384 = arith.constant 0 : i32
      %dma_wait3A_385 = tpu.memref_slice %arg15[%mul3A_47, %dma_wait3A_384] : memref<10000x128xf32, #tpu.memory_space<vmem_shared>> -> memref<625x128xf32, #tpu.memory_space<vmem_shared>>
      %dma_wait3A_386 = arith.constant 0 : i32
      %dma_wait3A_387 = arith.constant 0 : i32
      %dma_wait3A_388 = tpu.memref_slice %arg5[%arg1, %dma_wait3A_386, %dma_wait3A_387] : memref<16x625x128xf32, #tpu.memory_space<hbm>> -> memref<1x625x128xf32, #tpu.memory_space<hbm>>
      %dma_wait3A_389 = tpu.memref_squeeze %dma_wait3A_388 : memref<1x625x128xf32, #tpu.memory_space<hbm>> -> memref<625x128xf32, #tpu.memory_space<hbm>>
      tpu.wait_dma2 semaphore(%run_scoped3A_377 : memref<!tpu.dma_semaphore, #tpu.memory_space<semaphore_mem>>) src(%dma_wait3A_389 : memref<625x128xf32, #tpu.memory_space<hbm>>) dst(%dma_wait3A_385 : memref<625x128xf32, #tpu.memory_space<vmem_shared>>)
      tpu.yield
    }) : () -> ()
    %add3A_48 = arith.constant 0 : i32
    %add3A_49 = arith.addi %mul3A_2, %add3A_48 : i32
    %dma_wait3A = arith.constant 0 : i32
    %dma_wait3A_50 = arith.constant 0 : i32
    %dma_wait3A_51 = tpu.memref_slice %arg11[%dma_wait3A, %dma_wait3A_50] : memref<2x96xi32, #tpu.memory_space<vmem>> -> memref<1x96xi32, #tpu.memory_space<vmem>>
    %dma_wait3A_52 = tpu.memref_squeeze %dma_wait3A_51 : memref<1x96xi32, #tpu.memory_space<vmem>> -> memref<96xi32, #tpu.memory_space<vmem>>
    %dma_wait3A_53 = tpu.memref_slice %arg3[%add3A_49] : memref<320000xi32, #tpu.memory_space<hbm>> -> memref<96xi32, #tpu.memory_space<hbm>>
    %dma_wait3A_54 = arith.constant 0 : i32
    %dma_wait3A_55 = tpu.memref_slice %arg11[%dma_wait3A, %dma_wait3A_54] : memref<2x96xi32, #tpu.memory_space<vmem>> -> memref<1x96xi32, #tpu.memory_space<vmem>>
    %dma_wait3A_56 = tpu.memref_squeeze %dma_wait3A_55 : memref<1x96xi32, #tpu.memory_space<vmem>> -> memref<96xi32, #tpu.memory_space<vmem>>
    %dma_wait3A_57 = tpu.memref_slice %arg3[%add3A_49] : memref<320000xi32, #tpu.memory_space<hbm>> -> memref<96xi32, #tpu.memory_space<hbm>>
    tpu.wait_dma2 semaphore(%arg16 : memref<!tpu.dma_semaphore, #tpu.memory_space<semaphore_mem>>) src(%dma_wait3A_57 : memref<96xi32, #tpu.memory_space<hbm>>) dst(%dma_wait3A_56 : memref<96xi32, #tpu.memory_space<vmem>>)
    %add3A_58 = arith.constant 0 : i32
    %add3A_59 = arith.addi %mul3A_2, %add3A_58 : i32
    %dma_wait3A_60 = arith.constant 1 : i32
    %dma_wait3A_61 = arith.constant 0 : i32
    %dma_wait3A_62 = tpu.memref_slice %arg11[%dma_wait3A_60, %dma_wait3A_61] : memref<2x96xi32, #tpu.memory_space<vmem>> -> memref<1x96xi32, #tpu.memory_space<vmem>>
    %dma_wait3A_63 = tpu.memref_squeeze %dma_wait3A_62 : memref<1x96xi32, #tpu.memory_space<vmem>> -> memref<96xi32, #tpu.memory_space<vmem>>
    %dma_wait3A_64 = tpu.memref_slice %arg4[%add3A_59] : memref<320000xi32, #tpu.memory_space<hbm>> -> memref<96xi32, #tpu.memory_space<hbm>>
    %dma_wait3A_65 = arith.constant 0 : i32
    %dma_wait3A_66 = tpu.memref_slice %arg11[%dma_wait3A_60, %dma_wait3A_65] : memref<2x96xi32, #tpu.memory_space<vmem>> -> memref<1x96xi32, #tpu.memory_space<vmem>>
    %dma_wait3A_67 = tpu.memref_squeeze %dma_wait3A_66 : memref<1x96xi32, #tpu.memory_space<vmem>> -> memref<96xi32, #tpu.memory_space<vmem>>
    %dma_wait3A_68 = tpu.memref_slice %arg4[%add3A_59] : memref<320000xi32, #tpu.memory_space<hbm>> -> memref<96xi32, #tpu.memory_space<hbm>>
    tpu.wait_dma2 semaphore(%arg16 : memref<!tpu.dma_semaphore, #tpu.memory_space<semaphore_mem>>) src(%dma_wait3A_68 : memref<96xi32, #tpu.memory_space<hbm>>) dst(%dma_wait3A_67 : memref<96xi32, #tpu.memory_space<vmem>>)
    %dma_start3A_69 = arith.constant 0 : i32
    %dma_start3A_70 = arith.constant 0 : i32
    %dma_start3A_71 = tpu.memref_slice %arg11[%dma_start3A_69, %dma_start3A_70] : memref<2x96xi32, #tpu.memory_space<vmem>> -> memref<1x96xi32, #tpu.memory_space<vmem>>
    %dma_start3A_72 = tpu.memref_squeeze %dma_start3A_71 : memref<1x96xi32, #tpu.memory_space<vmem>> -> memref<96xi32, #tpu.memory_space<vmem>>
    %dma_start3A_73 = arith.constant 0 : i32
    %dma_start3A_74 = arith.constant 0 : i32
    %dma_start3A_75 = tpu.memref_slice %arg2[%dma_start3A_73, %dma_start3A_74] : memref<10000x128xf32, #tpu.memory_space<hbm>> -> memref<10000x128xf32, #tpu.memory_space<hbm>>
    tpu.enqueue_indirect_dma source(%dma_start3A_75 : memref<10000x128xf32, #tpu.memory_space<hbm>>) target(%arg7 : memref<96x128xf32, #tpu.memory_space<vmem>>) offsets(%dma_start3A_72 : memref<96xi32, #tpu.memory_space<vmem>>) semaphore(%arg20 : memref<!tpu.dma_semaphore, #tpu.memory_space<semaphore_mem>>)
    %barrier3A = arith.constant 0 : index
    tpu.barrier barrier_id(%barrier3A)
    %scan3A = arith.constant 0 : i32
    %scan3A_76 = arith.constant 0 : i32
    %scan3A_77 = arith.constant 25 : i32
    %scan3A_78 = arith.addi %scan3A_76, %scan3A_77 : i32
    %scan3A_79 = arith.constant 1 : i32
    scf.for %scan3A_377 = %scan3A_76 to %scan3A_78 step %scan3A_79  : i32 {
      %mul3A_378 = arith.constant 4 : i32
      %mul3A_379 = arith.muli %mul3A_378, %scan3A_377 : i32
      %add3A_380 = arith.constant 0 : i32
      %add3A_381 = arith.addi %mul3A_379, %add3A_380 : i32
      %gt3A = arith.constant 0 : i32
      %gt3A_382 = arith.cmpi sgt, %scan3A_377, %gt3A : i32
      %convert_element_type3A = arith.extui %gt3A_382 : i1 to i32
      %cond3A = arith.constant 0 : i32
      %cond3A_383 = arith.cmpi ne, %convert_element_type3A, %cond3A : i32
      scf.if %cond3A_383 {
        %dma_wait3A_707 = arith.constant 1 : i32
        %dma_wait3A_708 = arith.constant 0 : i32
        %dma_wait3A_709 = tpu.memref_slice %arg13[%dma_wait3A_707, %dma_wait3A_708] : memref<2x96xi32, #tpu.memory_space<vmem>> -> memref<1x96xi32, #tpu.memory_space<vmem>>
        %dma_wait3A_710 = tpu.memref_squeeze %dma_wait3A_709 : memref<1x96xi32, #tpu.memory_space<vmem>> -> memref<96xi32, #tpu.memory_space<vmem>>
        %dma_wait3A_711 = arith.constant 0 : i32
        %dma_wait3A_712 = arith.constant 0 : i32
        %dma_wait3A_713 = tpu.memref_slice %arg15[%dma_wait3A_711, %dma_wait3A_712] : memref<10000x128xf32, #tpu.memory_space<vmem_shared>> -> memref<10000x128xf32, #tpu.memory_space<vmem_shared>>
        tpu.wait_indirect_dma semaphore(%arg26 : memref<!tpu.dma_semaphore, #tpu.memory_space<semaphore_mem>>) src(%arg9 : memref<96x128xf32, #tpu.memory_space<vmem>>) dst(%dma_wait3A_713 : memref<10000x128xf32, #tpu.memory_space<vmem_shared>>)
      } else {
      }
      %add3A_384 = arith.constant 2 : i32
      %add3A_385 = arith.addi %add3A_381, %add3A_384 : i32
      %mul3A_386 = arith.constant 96 : i32
      %mul3A_387 = arith.muli %add3A_385, %mul3A_386 : i32
      %add3A_388 = arith.addi %mul3A_2, %mul3A_387 : i32
      %dma_start3A_389 = arith.constant 0 : i32
      %dma_start3A_390 = arith.constant 0 : i32
      %dma_start3A_391 = tpu.memref_slice %arg13[%dma_start3A_389, %dma_start3A_390] : memref<2x96xi32, #tpu.memory_space<vmem>> -> memref<1x96xi32, #tpu.memory_space<vmem>>
      %dma_start3A_392 = tpu.memref_squeeze %dma_start3A_391 : memref<1x96xi32, #tpu.memory_space<vmem>> -> memref<96xi32, #tpu.memory_space<vmem>>
      %dma_start3A_393 = tpu.memref_slice %arg3[%add3A_388] : memref<320000xi32, #tpu.memory_space<hbm>> -> memref<96xi32, #tpu.memory_space<hbm>>
      %dma_start3A_394 = arith.constant 0 : i32
      %dma_start3A_395 = tpu.memref_slice %arg13[%dma_start3A_389, %dma_start3A_394] : memref<2x96xi32, #tpu.memory_space<vmem>> -> memref<1x96xi32, #tpu.memory_space<vmem>>
      %dma_start3A_396 = tpu.memref_squeeze %dma_start3A_395 : memref<1x96xi32, #tpu.memory_space<vmem>> -> memref<96xi32, #tpu.memory_space<vmem>>
      %dma_start3A_397 = tpu.memref_slice %arg3[%add3A_388] : memref<320000xi32, #tpu.memory_space<hbm>> -> memref<96xi32, #tpu.memory_space<hbm>>
      tpu.enqueue_dma source(%dma_start3A_397 : memref<96xi32, #tpu.memory_space<hbm>>) target(%dma_start3A_396 : memref<96xi32, #tpu.memory_space<vmem>>) target_semaphore(%arg18 : memref<!tpu.dma_semaphore, #tpu.memory_space<semaphore_mem>>)
      %mul3A_398 = arith.constant 96 : i32
      %mul3A_399 = arith.muli %add3A_385, %mul3A_398 : i32
      %add3A_400 = arith.addi %mul3A_2, %mul3A_399 : i32
      %dma_start3A_401 = arith.constant 1 : i32
      %dma_start3A_402 = arith.constant 0 : i32
      %dma_start3A_403 = tpu.memref_slice %arg13[%dma_start3A_401, %dma_start3A_402] : memref<2x96xi32, #tpu.memory_space<vmem>> -> memref<1x96xi32, #tpu.memory_space<vmem>>
      %dma_start3A_404 = tpu.memref_squeeze %dma_start3A_403 : memref<1x96xi32, #tpu.memory_space<vmem>> -> memref<96xi32, #tpu.memory_space<vmem>>
      %dma_start3A_405 = tpu.memref_slice %arg4[%add3A_400] : memref<320000xi32, #tpu.memory_space<hbm>> -> memref<96xi32, #tpu.memory_space<hbm>>
      %dma_start3A_406 = arith.constant 0 : i32
      %dma_start3A_407 = tpu.memref_slice %arg13[%dma_start3A_401, %dma_start3A_406] : memref<2x96xi32, #tpu.memory_space<vmem>> -> memref<1x96xi32, #tpu.memory_space<vmem>>
      %dma_start3A_408 = tpu.memref_squeeze %dma_start3A_407 : memref<1x96xi32, #tpu.memory_space<vmem>> -> memref<96xi32, #tpu.memory_space<vmem>>
      %dma_start3A_409 = tpu.memref_slice %arg4[%add3A_400] : memref<320000xi32, #tpu.memory_space<hbm>> -> memref<96xi32, #tpu.memory_space<hbm>>
      tpu.enqueue_dma source(%dma_start3A_409 : memref<96xi32, #tpu.memory_space<hbm>>) target(%dma_start3A_408 : memref<96xi32, #tpu.memory_space<vmem>>) target_semaphore(%arg18 : memref<!tpu.dma_semaphore, #tpu.memory_space<semaphore_mem>>)
      %dma_wait3A_410 = arith.constant 0 : i32
      %dma_wait3A_411 = arith.constant 0 : i32
      %dma_wait3A_412 = tpu.memref_slice %arg11[%dma_wait3A_410, %dma_wait3A_411] : memref<2x96xi32, #tpu.memory_space<vmem>> -> memref<1x96xi32, #tpu.memory_space<vmem>>
      %dma_wait3A_413 = tpu.memref_squeeze %dma_wait3A_412 : memref<1x96xi32, #tpu.memory_space<vmem>> -> memref<96xi32, #tpu.memory_space<vmem>>
      %dma_wait3A_414 = arith.constant 0 : i32
      %dma_wait3A_415 = arith.constant 0 : i32
      %dma_wait3A_416 = tpu.memref_slice %arg2[%dma_wait3A_414, %dma_wait3A_415] : memref<10000x128xf32, #tpu.memory_space<hbm>> -> memref<10000x128xf32, #tpu.memory_space<hbm>>
      tpu.wait_indirect_dma semaphore(%arg20 : memref<!tpu.dma_semaphore, #tpu.memory_space<semaphore_mem>>) src(%dma_wait3A_416 : memref<10000x128xf32, #tpu.memory_space<hbm>>) dst(%arg7 : memref<96x128xf32, #tpu.memory_space<vmem>>)
      %dma_start3A_417 = arith.constant 1 : i32
      %dma_start3A_418 = arith.constant 0 : i32
      %dma_start3A_419 = tpu.memref_slice %arg11[%dma_start3A_417, %dma_start3A_418] : memref<2x96xi32, #tpu.memory_space<vmem>> -> memref<1x96xi32, #tpu.memory_space<vmem>>
      %dma_start3A_420 = tpu.memref_squeeze %dma_start3A_419 : memref<1x96xi32, #tpu.memory_space<vmem>> -> memref<96xi32, #tpu.memory_space<vmem>>
      %dma_start3A_421 = arith.constant 0 : i32
      %dma_start3A_422 = arith.constant 0 : i32
      %dma_start3A_423 = tpu.memref_slice %arg15[%dma_start3A_421, %dma_start3A_422] : memref<10000x128xf32, #tpu.memory_space<vmem_shared>> -> memref<10000x128xf32, #tpu.memory_space<vmem_shared>>
      tpu.enqueue_indirect_dma source(%arg7 : memref<96x128xf32, #tpu.memory_space<vmem>>) target(%dma_start3A_423 : memref<10000x128xf32, #tpu.memory_space<vmem_shared>>) offsets(%dma_start3A_420 : memref<96xi32, #tpu.memory_space<vmem>>) semaphore(%arg24 : memref<!tpu.dma_semaphore, #tpu.memory_space<semaphore_mem>>) {add = true}
      %add3A_424 = arith.constant 1 : i32
      %add3A_425 = arith.addi %add3A_381, %add3A_424 : i32
      %mul3A_426 = arith.constant 96 : i32
      %mul3A_427 = arith.muli %add3A_425, %mul3A_426 : i32
      %add3A_428 = arith.addi %mul3A_2, %mul3A_427 : i32
      %dma_wait3A_429 = arith.constant 0 : i32
      %dma_wait3A_430 = arith.constant 0 : i32
      %dma_wait3A_431 = tpu.memref_slice %arg12[%dma_wait3A_429, %dma_wait3A_430] : memref<2x96xi32, #tpu.memory_space<vmem>> -> memref<1x96xi32, #tpu.memory_space<vmem>>
      %dma_wait3A_432 = tpu.memref_squeeze %dma_wait3A_431 : memref<1x96xi32, #tpu.memory_space<vmem>> -> memref<96xi32, #tpu.memory_space<vmem>>
      %dma_wait3A_433 = tpu.memref_slice %arg3[%add3A_428] : memref<320000xi32, #tpu.memory_space<hbm>> -> memref<96xi32, #tpu.memory_space<hbm>>
      %dma_wait3A_434 = arith.constant 0 : i32
      %dma_wait3A_435 = tpu.memref_slice %arg12[%dma_wait3A_429, %dma_wait3A_434] : memref<2x96xi32, #tpu.memory_space<vmem>> -> memref<1x96xi32, #tpu.memory_space<vmem>>
      %dma_wait3A_436 = tpu.memref_squeeze %dma_wait3A_435 : memref<1x96xi32, #tpu.memory_space<vmem>> -> memref<96xi32, #tpu.memory_space<vmem>>
      %dma_wait3A_437 = tpu.memref_slice %arg3[%add3A_428] : memref<320000xi32, #tpu.memory_space<hbm>> -> memref<96xi32, #tpu.memory_space<hbm>>
      tpu.wait_dma2 semaphore(%arg17 : memref<!tpu.dma_semaphore, #tpu.memory_space<semaphore_mem>>) src(%dma_wait3A_437 : memref<96xi32, #tpu.memory_space<hbm>>) dst(%dma_wait3A_436 : memref<96xi32, #tpu.memory_space<vmem>>)
      %mul3A_438 = arith.constant 96 : i32
      %mul3A_439 = arith.muli %add3A_425, %mul3A_438 : i32
      %add3A_440 = arith.addi %mul3A_2, %mul3A_439 : i32
      %dma_wait3A_441 = arith.constant 1 : i32
      %dma_wait3A_442 = arith.constant 0 : i32
      %dma_wait3A_443 = tpu.memref_slice %arg12[%dma_wait3A_441, %dma_wait3A_442] : memref<2x96xi32, #tpu.memory_space<vmem>> -> memref<1x96xi32, #tpu.memory_space<vmem>>
      %dma_wait3A_444 = tpu.memref_squeeze %dma_wait3A_443 : memref<1x96xi32, #tpu.memory_space<vmem>> -> memref<96xi32, #tpu.memory_space<vmem>>
      %dma_wait3A_445 = tpu.memref_slice %arg4[%add3A_440] : memref<320000xi32, #tpu.memory_space<hbm>> -> memref<96xi32, #tpu.memory_space<hbm>>
      %dma_wait3A_446 = arith.constant 0 : i32
      %dma_wait3A_447 = tpu.memref_slice %arg12[%dma_wait3A_441, %dma_wait3A_446] : memref<2x96xi32, #tpu.memory_space<vmem>> -> memref<1x96xi32, #tpu.memory_space<vmem>>
      %dma_wait3A_448 = tpu.memref_squeeze %dma_wait3A_447 : memref<1x96xi32, #tpu.memory_space<vmem>> -> memref<96xi32, #tpu.memory_space<vmem>>
      %dma_wait3A_449 = tpu.memref_slice %arg4[%add3A_440] : memref<320000xi32, #tpu.memory_space<hbm>> -> memref<96xi32, #tpu.memory_space<hbm>>
      tpu.wait_dma2 semaphore(%arg17 : memref<!tpu.dma_semaphore, #tpu.memory_space<semaphore_mem>>) src(%dma_wait3A_449 : memref<96xi32, #tpu.memory_space<hbm>>) dst(%dma_wait3A_448 : memref<96xi32, #tpu.memory_space<vmem>>)
      %dma_start3A_450 = arith.constant 0 : i32
      %dma_start3A_451 = arith.constant 0 : i32
      %dma_start3A_452 = tpu.memref_slice %arg12[%dma_start3A_450, %dma_start3A_451] : memref<2x96xi32, #tpu.memory_space<vmem>> -> memref<1x96xi32, #tpu.memory_space<vmem>>
      %dma_start3A_453 = tpu.memref_squeeze %dma_start3A_452 : memref<1x96xi32, #tpu.memory_space<vmem>> -> memref<96xi32, #tpu.memory_space<vmem>>
      %dma_start3A_454 = arith.constant 0 : i32
      %dma_start3A_455 = arith.constant 0 : i32
      %dma_start3A_456 = tpu.memref_slice %arg2[%dma_start3A_454, %dma_start3A_455] : memref<10000x128xf32, #tpu.memory_space<hbm>> -> memref<10000x128xf32, #tpu.memory_space<hbm>>
      tpu.enqueue_indirect_dma source(%dma_start3A_456 : memref<10000x128xf32, #tpu.memory_space<hbm>>) target(%arg8 : memref<96x128xf32, #tpu.memory_space<vmem>>) offsets(%dma_start3A_453 : memref<96xi32, #tpu.memory_space<vmem>>) semaphore(%arg21 : memref<!tpu.dma_semaphore, #tpu.memory_space<semaphore_mem>>)
      %mul3A_457 = arith.constant 4 : i32
      %mul3A_458 = arith.muli %mul3A_457, %scan3A_377 : i32
      %add3A_459 = arith.constant 1 : i32
      %add3A_460 = arith.addi %mul3A_458, %add3A_459 : i32
      %gt3A_461 = arith.constant 0 : i32
      %gt3A_462 = arith.cmpi sgt, %scan3A_377, %gt3A_461 : i32
      %convert_element_type3A_463 = arith.extui %gt3A_462 : i1 to i32
      %cond3A_464 = arith.constant 0 : i32
      %cond3A_465 = arith.cmpi ne, %convert_element_type3A_463, %cond3A_464 : i32
      scf.if %cond3A_465 {
        %dma_wait3A_707 = arith.constant 1 : i32
        %dma_wait3A_708 = arith.constant 0 : i32
        %dma_wait3A_709 = tpu.memref_slice %arg14[%dma_wait3A_707, %dma_wait3A_708] : memref<2x96xi32, #tpu.memory_space<vmem>> -> memref<1x96xi32, #tpu.memory_space<vmem>>
        %dma_wait3A_710 = tpu.memref_squeeze %dma_wait3A_709 : memref<1x96xi32, #tpu.memory_space<vmem>> -> memref<96xi32, #tpu.memory_space<vmem>>
        %dma_wait3A_711 = arith.constant 0 : i32
        %dma_wait3A_712 = arith.constant 0 : i32
        %dma_wait3A_713 = tpu.memref_slice %arg15[%dma_wait3A_711, %dma_wait3A_712] : memref<10000x128xf32, #tpu.memory_space<vmem_shared>> -> memref<10000x128xf32, #tpu.memory_space<vmem_shared>>
        tpu.wait_indirect_dma semaphore(%arg27 : memref<!tpu.dma_semaphore, #tpu.memory_space<semaphore_mem>>) src(%arg10 : memref<96x128xf32, #tpu.memory_space<vmem>>) dst(%dma_wait3A_713 : memref<10000x128xf32, #tpu.memory_space<vmem_shared>>)
      } else {
      }
      %add3A_466 = arith.constant 2 : i32
      %add3A_467 = arith.addi %add3A_460, %add3A_466 : i32
      %mul3A_468 = arith.constant 96 : i32
      %mul3A_469 = arith.muli %add3A_467, %mul3A_468 : i32
      %add3A_470 = arith.addi %mul3A_2, %mul3A_469 : i32
      %dma_start3A_471 = arith.constant 0 : i32
      %dma_start3A_472 = arith.constant 0 : i32
      %dma_start3A_473 = tpu.memref_slice %arg14[%dma_start3A_471, %dma_start3A_472] : memref<2x96xi32, #tpu.memory_space<vmem>> -> memref<1x96xi32, #tpu.memory_space<vmem>>
      %dma_start3A_474 = tpu.memref_squeeze %dma_start3A_473 : memref<1x96xi32, #tpu.memory_space<vmem>> -> memref<96xi32, #tpu.memory_space<vmem>>
      %dma_start3A_475 = tpu.memref_slice %arg3[%add3A_470] : memref<320000xi32, #tpu.memory_space<hbm>> -> memref<96xi32, #tpu.memory_space<hbm>>
      %dma_start3A_476 = arith.constant 0 : i32
      %dma_start3A_477 = tpu.memref_slice %arg14[%dma_start3A_471, %dma_start3A_476] : memref<2x96xi32, #tpu.memory_space<vmem>> -> memref<1x96xi32, #tpu.memory_space<vmem>>
      %dma_start3A_478 = tpu.memref_squeeze %dma_start3A_477 : memref<1x96xi32, #tpu.memory_space<vmem>> -> memref<96xi32, #tpu.memory_space<vmem>>
      %dma_start3A_479 = tpu.memref_slice %arg3[%add3A_470] : memref<320000xi32, #tpu.memory_space<hbm>> -> memref<96xi32, #tpu.memory_space<hbm>>
      tpu.enqueue_dma source(%dma_start3A_479 : memref<96xi32, #tpu.memory_space<hbm>>) target(%dma_start3A_478 : memref<96xi32, #tpu.memory_space<vmem>>) target_semaphore(%arg19 : memref<!tpu.dma_semaphore, #tpu.memory_space<semaphore_mem>>)
      %mul3A_480 = arith.constant 96 : i32
      %mul3A_481 = arith.muli %add3A_467, %mul3A_480 : i32
      %add3A_482 = arith.addi %mul3A_2, %mul3A_481 : i32
      %dma_start3A_483 = arith.constant 1 : i32
      %dma_start3A_484 = arith.constant 0 : i32
      %dma_start3A_485 = tpu.memref_slice %arg14[%dma_start3A_483, %dma_start3A_484] : memref<2x96xi32, #tpu.memory_space<vmem>> -> memref<1x96xi32, #tpu.memory_space<vmem>>
      %dma_start3A_486 = tpu.memref_squeeze %dma_start3A_485 : memref<1x96xi32, #tpu.memory_space<vmem>> -> memref<96xi32, #tpu.memory_space<vmem>>
      %dma_start3A_487 = tpu.memref_slice %arg4[%add3A_482] : memref<320000xi32, #tpu.memory_space<hbm>> -> memref<96xi32, #tpu.memory_space<hbm>>
      %dma_start3A_488 = arith.constant 0 : i32
      %dma_start3A_489 = tpu.memref_slice %arg14[%dma_start3A_483, %dma_start3A_488] : memref<2x96xi32, #tpu.memory_space<vmem>> -> memref<1x96xi32, #tpu.memory_space<vmem>>
      %dma_start3A_490 = tpu.memref_squeeze %dma_start3A_489 : memref<1x96xi32, #tpu.memory_space<vmem>> -> memref<96xi32, #tpu.memory_space<vmem>>
      %dma_start3A_491 = tpu.memref_slice %arg4[%add3A_482] : memref<320000xi32, #tpu.memory_space<hbm>> -> memref<96xi32, #tpu.memory_space<hbm>>
      tpu.enqueue_dma source(%dma_start3A_491 : memref<96xi32, #tpu.memory_space<hbm>>) target(%dma_start3A_490 : memref<96xi32, #tpu.memory_space<vmem>>) target_semaphore(%arg19 : memref<!tpu.dma_semaphore, #tpu.memory_space<semaphore_mem>>)
      %dma_wait3A_492 = arith.constant 0 : i32
      %dma_wait3A_493 = arith.constant 0 : i32
      %dma_wait3A_494 = tpu.memref_slice %arg12[%dma_wait3A_492, %dma_wait3A_493] : memref<2x96xi32, #tpu.memory_space<vmem>> -> memref<1x96xi32, #tpu.memory_space<vmem>>
      %dma_wait3A_495 = tpu.memref_squeeze %dma_wait3A_494 : memref<1x96xi32, #tpu.memory_space<vmem>> -> memref<96xi32, #tpu.memory_space<vmem>>
      %dma_wait3A_496 = arith.constant 0 : i32
      %dma_wait3A_497 = arith.constant 0 : i32
      %dma_wait3A_498 = tpu.memref_slice %arg2[%dma_wait3A_496, %dma_wait3A_497] : memref<10000x128xf32, #tpu.memory_space<hbm>> -> memref<10000x128xf32, #tpu.memory_space<hbm>>
      tpu.wait_indirect_dma semaphore(%arg21 : memref<!tpu.dma_semaphore, #tpu.memory_space<semaphore_mem>>) src(%dma_wait3A_498 : memref<10000x128xf32, #tpu.memory_space<hbm>>) dst(%arg8 : memref<96x128xf32, #tpu.memory_space<vmem>>)
      %dma_start3A_499 = arith.constant 1 : i32
      %dma_start3A_500 = arith.constant 0 : i32
      %dma_start3A_501 = tpu.memref_slice %arg12[%dma_start3A_499, %dma_start3A_500] : memref<2x96xi32, #tpu.memory_space<vmem>> -> memref<1x96xi32, #tpu.memory_space<vmem>>
      %dma_start3A_502 = tpu.memref_squeeze %dma_start3A_501 : memref<1x96xi32, #tpu.memory_space<vmem>> -> memref<96xi32, #tpu.memory_space<vmem>>
      %dma_start3A_503 = arith.constant 0 : i32
      %dma_start3A_504 = arith.constant 0 : i32
      %dma_start3A_505 = tpu.memref_slice %arg15[%dma_start3A_503, %dma_start3A_504] : memref<10000x128xf32, #tpu.memory_space<vmem_shared>> -> memref<10000x128xf32, #tpu.memory_space<vmem_shared>>
      tpu.enqueue_indirect_dma source(%arg8 : memref<96x128xf32, #tpu.memory_space<vmem>>) target(%dma_start3A_505 : memref<10000x128xf32, #tpu.memory_space<vmem_shared>>) offsets(%dma_start3A_502 : memref<96xi32, #tpu.memory_space<vmem>>) semaphore(%arg25 : memref<!tpu.dma_semaphore, #tpu.memory_space<semaphore_mem>>) {add = true}
      %add3A_506 = arith.constant 1 : i32
      %add3A_507 = arith.addi %add3A_460, %add3A_506 : i32
      %mul3A_508 = arith.constant 96 : i32
      %mul3A_509 = arith.muli %add3A_507, %mul3A_508 : i32
      %add3A_510 = arith.addi %mul3A_2, %mul3A_509 : i32
      %dma_wait3A_511 = arith.constant 0 : i32
      %dma_wait3A_512 = arith.constant 0 : i32
      %dma_wait3A_513 = tpu.memref_slice %arg13[%dma_wait3A_511, %dma_wait3A_512] : memref<2x96xi32, #tpu.memory_space<vmem>> -> memref<1x96xi32, #tpu.memory_space<vmem>>
      %dma_wait3A_514 = tpu.memref_squeeze %dma_wait3A_513 : memref<1x96xi32, #tpu.memory_space<vmem>> -> memref<96xi32, #tpu.memory_space<vmem>>
      %dma_wait3A_515 = tpu.memref_slice %arg3[%add3A_510] : memref<320000xi32, #tpu.memory_space<hbm>> -> memref<96xi32, #tpu.memory_space<hbm>>
      %dma_wait3A_516 = arith.constant 0 : i32
      %dma_wait3A_517 = tpu.memref_slice %arg13[%dma_wait3A_511, %dma_wait3A_516] : memref<2x96xi32, #tpu.memory_space<vmem>> -> memref<1x96xi32, #tpu.memory_space<vmem>>
      %dma_wait3A_518 = tpu.memref_squeeze %dma_wait3A_517 : memref<1x96xi32, #tpu.memory_space<vmem>> -> memref<96xi32, #tpu.memory_space<vmem>>
      %dma_wait3A_519 = tpu.memref_slice %arg3[%add3A_510] : memref<320000xi32, #tpu.memory_space<hbm>> -> memref<96xi32, #tpu.memory_space<hbm>>
      tpu.wait_dma2 semaphore(%arg18 : memref<!tpu.dma_semaphore, #tpu.memory_space<semaphore_mem>>) src(%dma_wait3A_519 : memref<96xi32, #tpu.memory_space<hbm>>) dst(%dma_wait3A_518 : memref<96xi32, #tpu.memory_space<vmem>>)
      %mul3A_520 = arith.constant 96 : i32
      %mul3A_521 = arith.muli %add3A_507, %mul3A_520 : i32
      %add3A_522 = arith.addi %mul3A_2, %mul3A_521 : i32
      %dma_wait3A_523 = arith.constant 1 : i32
      %dma_wait3A_524 = arith.constant 0 : i32
      %dma_wait3A_525 = tpu.memref_slice %arg13[%dma_wait3A_523, %dma_wait3A_524] : memref<2x96xi32, #tpu.memory_space<vmem>> -> memref<1x96xi32, #tpu.memory_space<vmem>>
      %dma_wait3A_526 = tpu.memref_squeeze %dma_wait3A_525 : memref<1x96xi32, #tpu.memory_space<vmem>> -> memref<96xi32, #tpu.memory_space<vmem>>
      %dma_wait3A_527 = tpu.memref_slice %arg4[%add3A_522] : memref<320000xi32, #tpu.memory_space<hbm>> -> memref<96xi32, #tpu.memory_space<hbm>>
      %dma_wait3A_528 = arith.constant 0 : i32
      %dma_wait3A_529 = tpu.memref_slice %arg13[%dma_wait3A_523, %dma_wait3A_528] : memref<2x96xi32, #tpu.memory_space<vmem>> -> memref<1x96xi32, #tpu.memory_space<vmem>>
      %dma_wait3A_530 = tpu.memref_squeeze %dma_wait3A_529 : memref<1x96xi32, #tpu.memory_space<vmem>> -> memref<96xi32, #tpu.memory_space<vmem>>
      %dma_wait3A_531 = tpu.memref_slice %arg4[%add3A_522] : memref<320000xi32, #tpu.memory_space<hbm>> -> memref<96xi32, #tpu.memory_space<hbm>>
      tpu.wait_dma2 semaphore(%arg18 : memref<!tpu.dma_semaphore, #tpu.memory_space<semaphore_mem>>) src(%dma_wait3A_531 : memref<96xi32, #tpu.memory_space<hbm>>) dst(%dma_wait3A_530 : memref<96xi32, #tpu.memory_space<vmem>>)
      %dma_start3A_532 = arith.constant 0 : i32
      %dma_start3A_533 = arith.constant 0 : i32
      %dma_start3A_534 = tpu.memref_slice %arg13[%dma_start3A_532, %dma_start3A_533] : memref<2x96xi32, #tpu.memory_space<vmem>> -> memref<1x96xi32, #tpu.memory_space<vmem>>
      %dma_start3A_535 = tpu.memref_squeeze %dma_start3A_534 : memref<1x96xi32, #tpu.memory_space<vmem>> -> memref<96xi32, #tpu.memory_space<vmem>>
      %dma_start3A_536 = arith.constant 0 : i32
      %dma_start3A_537 = arith.constant 0 : i32
      %dma_start3A_538 = tpu.memref_slice %arg2[%dma_start3A_536, %dma_start3A_537] : memref<10000x128xf32, #tpu.memory_space<hbm>> -> memref<10000x128xf32, #tpu.memory_space<hbm>>
      tpu.enqueue_indirect_dma source(%dma_start3A_538 : memref<10000x128xf32, #tpu.memory_space<hbm>>) target(%arg9 : memref<96x128xf32, #tpu.memory_space<vmem>>) offsets(%dma_start3A_535 : memref<96xi32, #tpu.memory_space<vmem>>) semaphore(%arg22 : memref<!tpu.dma_semaphore, #tpu.memory_space<semaphore_mem>>)
      %mul3A_539 = arith.constant 4 : i32
      %mul3A_540 = arith.muli %mul3A_539, %scan3A_377 : i32
      %add3A_541 = arith.constant 2 : i32
      %add3A_542 = arith.addi %mul3A_540, %add3A_541 : i32
      %dma_wait3A_543 = arith.constant 1 : i32
      %dma_wait3A_544 = arith.constant 0 : i32
      %dma_wait3A_545 = tpu.memref_slice %arg11[%dma_wait3A_543, %dma_wait3A_544] : memref<2x96xi32, #tpu.memory_space<vmem>> -> memref<1x96xi32, #tpu.memory_space<vmem>>
      %dma_wait3A_546 = tpu.memref_squeeze %dma_wait3A_545 : memref<1x96xi32, #tpu.memory_space<vmem>> -> memref<96xi32, #tpu.memory_space<vmem>>
      %dma_wait3A_547 = arith.constant 0 : i32
      %dma_wait3A_548 = arith.constant 0 : i32
      %dma_wait3A_549 = tpu.memref_slice %arg15[%dma_wait3A_547, %dma_wait3A_548] : memref<10000x128xf32, #tpu.memory_space<vmem_shared>> -> memref<10000x128xf32, #tpu.memory_space<vmem_shared>>
      tpu.wait_indirect_dma semaphore(%arg24 : memref<!tpu.dma_semaphore, #tpu.memory_space<semaphore_mem>>) src(%arg7 : memref<96x128xf32, #tpu.memory_space<vmem>>) dst(%dma_wait3A_549 : memref<10000x128xf32, #tpu.memory_space<vmem_shared>>)
      %add3A_550 = arith.constant 2 : i32
      %add3A_551 = arith.addi %add3A_542, %add3A_550 : i32
      %mul3A_552 = arith.constant 96 : i32
      %mul3A_553 = arith.muli %add3A_551, %mul3A_552 : i32
      %add3A_554 = arith.addi %mul3A_2, %mul3A_553 : i32
      %dma_start3A_555 = arith.constant 0 : i32
      %dma_start3A_556 = arith.constant 0 : i32
      %dma_start3A_557 = tpu.memref_slice %arg11[%dma_start3A_555, %dma_start3A_556] : memref<2x96xi32, #tpu.memory_space<vmem>> -> memref<1x96xi32, #tpu.memory_space<vmem>>
      %dma_start3A_558 = tpu.memref_squeeze %dma_start3A_557 : memref<1x96xi32, #tpu.memory_space<vmem>> -> memref<96xi32, #tpu.memory_space<vmem>>
      %dma_start3A_559 = tpu.memref_slice %arg3[%add3A_554] : memref<320000xi32, #tpu.memory_space<hbm>> -> memref<96xi32, #tpu.memory_space<hbm>>
      %dma_start3A_560 = arith.constant 0 : i32
      %dma_start3A_561 = tpu.memref_slice %arg11[%dma_start3A_555, %dma_start3A_560] : memref<2x96xi32, #tpu.memory_space<vmem>> -> memref<1x96xi32, #tpu.memory_space<vmem>>
      %dma_start3A_562 = tpu.memref_squeeze %dma_start3A_561 : memref<1x96xi32, #tpu.memory_space<vmem>> -> memref<96xi32, #tpu.memory_space<vmem>>
      %dma_start3A_563 = tpu.memref_slice %arg3[%add3A_554] : memref<320000xi32, #tpu.memory_space<hbm>> -> memref<96xi32, #tpu.memory_space<hbm>>
      tpu.enqueue_dma source(%dma_start3A_563 : memref<96xi32, #tpu.memory_space<hbm>>) target(%dma_start3A_562 : memref<96xi32, #tpu.memory_space<vmem>>) target_semaphore(%arg16 : memref<!tpu.dma_semaphore, #tpu.memory_space<semaphore_mem>>)
      %mul3A_564 = arith.constant 96 : i32
      %mul3A_565 = arith.muli %add3A_551, %mul3A_564 : i32
      %add3A_566 = arith.addi %mul3A_2, %mul3A_565 : i32
      %dma_start3A_567 = arith.constant 1 : i32
      %dma_start3A_568 = arith.constant 0 : i32
      %dma_start3A_569 = tpu.memref_slice %arg11[%dma_start3A_567, %dma_start3A_568] : memref<2x96xi32, #tpu.memory_space<vmem>> -> memref<1x96xi32, #tpu.memory_space<vmem>>
      %dma_start3A_570 = tpu.memref_squeeze %dma_start3A_569 : memref<1x96xi32, #tpu.memory_space<vmem>> -> memref<96xi32, #tpu.memory_space<vmem>>
      %dma_start3A_571 = tpu.memref_slice %arg4[%add3A_566] : memref<320000xi32, #tpu.memory_space<hbm>> -> memref<96xi32, #tpu.memory_space<hbm>>
      %dma_start3A_572 = arith.constant 0 : i32
      %dma_start3A_573 = tpu.memref_slice %arg11[%dma_start3A_567, %dma_start3A_572] : memref<2x96xi32, #tpu.memory_space<vmem>> -> memref<1x96xi32, #tpu.memory_space<vmem>>
      %dma_start3A_574 = tpu.memref_squeeze %dma_start3A_573 : memref<1x96xi32, #tpu.memory_space<vmem>> -> memref<96xi32, #tpu.memory_space<vmem>>
      %dma_start3A_575 = tpu.memref_slice %arg4[%add3A_566] : memref<320000xi32, #tpu.memory_space<hbm>> -> memref<96xi32, #tpu.memory_space<hbm>>
      tpu.enqueue_dma source(%dma_start3A_575 : memref<96xi32, #tpu.memory_space<hbm>>) target(%dma_start3A_574 : memref<96xi32, #tpu.memory_space<vmem>>) target_semaphore(%arg16 : memref<!tpu.dma_semaphore, #tpu.memory_space<semaphore_mem>>)
      %dma_wait3A_576 = arith.constant 0 : i32
      %dma_wait3A_577 = arith.constant 0 : i32
      %dma_wait3A_578 = tpu.memref_slice %arg13[%dma_wait3A_576, %dma_wait3A_577] : memref<2x96xi32, #tpu.memory_space<vmem>> -> memref<1x96xi32, #tpu.memory_space<vmem>>
      %dma_wait3A_579 = tpu.memref_squeeze %dma_wait3A_578 : memref<1x96xi32, #tpu.memory_space<vmem>> -> memref<96xi32, #tpu.memory_space<vmem>>
      %dma_wait3A_580 = arith.constant 0 : i32
      %dma_wait3A_581 = arith.constant 0 : i32
      %dma_wait3A_582 = tpu.memref_slice %arg2[%dma_wait3A_580, %dma_wait3A_581] : memref<10000x128xf32, #tpu.memory_space<hbm>> -> memref<10000x128xf32, #tpu.memory_space<hbm>>
      tpu.wait_indirect_dma semaphore(%arg22 : memref<!tpu.dma_semaphore, #tpu.memory_space<semaphore_mem>>) src(%dma_wait3A_582 : memref<10000x128xf32, #tpu.memory_space<hbm>>) dst(%arg9 : memref<96x128xf32, #tpu.memory_space<vmem>>)
      %dma_start3A_583 = arith.constant 1 : i32
      %dma_start3A_584 = arith.constant 0 : i32
      %dma_start3A_585 = tpu.memref_slice %arg13[%dma_start3A_583, %dma_start3A_584] : memref<2x96xi32, #tpu.memory_space<vmem>> -> memref<1x96xi32, #tpu.memory_space<vmem>>
      %dma_start3A_586 = tpu.memref_squeeze %dma_start3A_585 : memref<1x96xi32, #tpu.memory_space<vmem>> -> memref<96xi32, #tpu.memory_space<vmem>>
      %dma_start3A_587 = arith.constant 0 : i32
      %dma_start3A_588 = arith.constant 0 : i32
      %dma_start3A_589 = tpu.memref_slice %arg15[%dma_start3A_587, %dma_start3A_588] : memref<10000x128xf32, #tpu.memory_space<vmem_shared>> -> memref<10000x128xf32, #tpu.memory_space<vmem_shared>>
      tpu.enqueue_indirect_dma source(%arg9 : memref<96x128xf32, #tpu.memory_space<vmem>>) target(%dma_start3A_589 : memref<10000x128xf32, #tpu.memory_space<vmem_shared>>) offsets(%dma_start3A_586 : memref<96xi32, #tpu.memory_space<vmem>>) semaphore(%arg26 : memref<!tpu.dma_semaphore, #tpu.memory_space<semaphore_mem>>) {add = true}
      %add3A_590 = arith.constant 1 : i32
      %add3A_591 = arith.addi %add3A_542, %add3A_590 : i32
      %mul3A_592 = arith.constant 96 : i32
      %mul3A_593 = arith.muli %add3A_591, %mul3A_592 : i32
      %add3A_594 = arith.addi %mul3A_2, %mul3A_593 : i32
      %dma_wait3A_595 = arith.constant 0 : i32
      %dma_wait3A_596 = arith.constant 0 : i32
      %dma_wait3A_597 = tpu.memref_slice %arg14[%dma_wait3A_595, %dma_wait3A_596] : memref<2x96xi32, #tpu.memory_space<vmem>> -> memref<1x96xi32, #tpu.memory_space<vmem>>
      %dma_wait3A_598 = tpu.memref_squeeze %dma_wait3A_597 : memref<1x96xi32, #tpu.memory_space<vmem>> -> memref<96xi32, #tpu.memory_space<vmem>>
      %dma_wait3A_599 = tpu.memref_slice %arg3[%add3A_594] : memref<320000xi32, #tpu.memory_space<hbm>> -> memref<96xi32, #tpu.memory_space<hbm>>
      %dma_wait3A_600 = arith.constant 0 : i32
      %dma_wait3A_601 = tpu.memref_slice %arg14[%dma_wait3A_595, %dma_wait3A_600] : memref<2x96xi32, #tpu.memory_space<vmem>> -> memref<1x96xi32, #tpu.memory_space<vmem>>
      %dma_wait3A_602 = tpu.memref_squeeze %dma_wait3A_601 : memref<1x96xi32, #tpu.memory_space<vmem>> -> memref<96xi32, #tpu.memory_space<vmem>>
      %dma_wait3A_603 = tpu.memref_slice %arg3[%add3A_594] : memref<320000xi32, #tpu.memory_space<hbm>> -> memref<96xi32, #tpu.memory_space<hbm>>
      tpu.wait_dma2 semaphore(%arg19 : memref<!tpu.dma_semaphore, #tpu.memory_space<semaphore_mem>>) src(%dma_wait3A_603 : memref<96xi32, #tpu.memory_space<hbm>>) dst(%dma_wait3A_602 : memref<96xi32, #tpu.memory_space<vmem>>)
      %mul3A_604 = arith.constant 96 : i32
      %mul3A_605 = arith.muli %add3A_591, %mul3A_604 : i32
      %add3A_606 = arith.addi %mul3A_2, %mul3A_605 : i32
      %dma_wait3A_607 = arith.constant 1 : i32
      %dma_wait3A_608 = arith.constant 0 : i32
      %dma_wait3A_609 = tpu.memref_slice %arg14[%dma_wait3A_607, %dma_wait3A_608] : memref<2x96xi32, #tpu.memory_space<vmem>> -> memref<1x96xi32, #tpu.memory_space<vmem>>
      %dma_wait3A_610 = tpu.memref_squeeze %dma_wait3A_609 : memref<1x96xi32, #tpu.memory_space<vmem>> -> memref<96xi32, #tpu.memory_space<vmem>>
      %dma_wait3A_611 = tpu.memref_slice %arg4[%add3A_606] : memref<320000xi32, #tpu.memory_space<hbm>> -> memref<96xi32, #tpu.memory_space<hbm>>
      %dma_wait3A_612 = arith.constant 0 : i32
      %dma_wait3A_613 = tpu.memref_slice %arg14[%dma_wait3A_607, %dma_wait3A_612] : memref<2x96xi32, #tpu.memory_space<vmem>> -> memref<1x96xi32, #tpu.memory_space<vmem>>
      %dma_wait3A_614 = tpu.memref_squeeze %dma_wait3A_613 : memref<1x96xi32, #tpu.memory_space<vmem>> -> memref<96xi32, #tpu.memory_space<vmem>>
      %dma_wait3A_615 = tpu.memref_slice %arg4[%add3A_606] : memref<320000xi32, #tpu.memory_space<hbm>> -> memref<96xi32, #tpu.memory_space<hbm>>
      tpu.wait_dma2 semaphore(%arg19 : memref<!tpu.dma_semaphore, #tpu.memory_space<semaphore_mem>>) src(%dma_wait3A_615 : memref<96xi32, #tpu.memory_space<hbm>>) dst(%dma_wait3A_614 : memref<96xi32, #tpu.memory_space<vmem>>)
      %dma_start3A_616 = arith.constant 0 : i32
      %dma_start3A_617 = arith.constant 0 : i32
      %dma_start3A_618 = tpu.memref_slice %arg14[%dma_start3A_616, %dma_start3A_617] : memref<2x96xi32, #tpu.memory_space<vmem>> -> memref<1x96xi32, #tpu.memory_space<vmem>>
      %dma_start3A_619 = tpu.memref_squeeze %dma_start3A_618 : memref<1x96xi32, #tpu.memory_space<vmem>> -> memref<96xi32, #tpu.memory_space<vmem>>
      %dma_start3A_620 = arith.constant 0 : i32
      %dma_start3A_621 = arith.constant 0 : i32
      %dma_start3A_622 = tpu.memref_slice %arg2[%dma_start3A_620, %dma_start3A_621] : memref<10000x128xf32, #tpu.memory_space<hbm>> -> memref<10000x128xf32, #tpu.memory_space<hbm>>
      tpu.enqueue_indirect_dma source(%dma_start3A_622 : memref<10000x128xf32, #tpu.memory_space<hbm>>) target(%arg10 : memref<96x128xf32, #tpu.memory_space<vmem>>) offsets(%dma_start3A_619 : memref<96xi32, #tpu.memory_space<vmem>>) semaphore(%arg23 : memref<!tpu.dma_semaphore, #tpu.memory_space<semaphore_mem>>)
      %mul3A_623 = arith.constant 4 : i32
      %mul3A_624 = arith.muli %mul3A_623, %scan3A_377 : i32
      %add3A_625 = arith.constant 3 : i32
      %add3A_626 = arith.addi %mul3A_624, %add3A_625 : i32
      %dma_wait3A_627 = arith.constant 1 : i32
      %dma_wait3A_628 = arith.constant 0 : i32
      %dma_wait3A_629 = tpu.memref_slice %arg12[%dma_wait3A_627, %dma_wait3A_628] : memref<2x96xi32, #tpu.memory_space<vmem>> -> memref<1x96xi32, #tpu.memory_space<vmem>>
      %dma_wait3A_630 = tpu.memref_squeeze %dma_wait3A_629 : memref<1x96xi32, #tpu.memory_space<vmem>> -> memref<96xi32, #tpu.memory_space<vmem>>
      %dma_wait3A_631 = arith.constant 0 : i32
      %dma_wait3A_632 = arith.constant 0 : i32
      %dma_wait3A_633 = tpu.memref_slice %arg15[%dma_wait3A_631, %dma_wait3A_632] : memref<10000x128xf32, #tpu.memory_space<vmem_shared>> -> memref<10000x128xf32, #tpu.memory_space<vmem_shared>>
      tpu.wait_indirect_dma semaphore(%arg25 : memref<!tpu.dma_semaphore, #tpu.memory_space<semaphore_mem>>) src(%arg8 : memref<96x128xf32, #tpu.memory_space<vmem>>) dst(%dma_wait3A_633 : memref<10000x128xf32, #tpu.memory_space<vmem_shared>>)
      %add3A_634 = arith.constant 2 : i32
      %add3A_635 = arith.addi %add3A_626, %add3A_634 : i32
      %mul3A_636 = arith.constant 96 : i32
      %mul3A_637 = arith.muli %add3A_635, %mul3A_636 : i32
      %add3A_638 = arith.addi %mul3A_2, %mul3A_637 : i32
      %dma_start3A_639 = arith.constant 0 : i32
      %dma_start3A_640 = arith.constant 0 : i32
      %dma_start3A_641 = tpu.memref_slice %arg12[%dma_start3A_639, %dma_start3A_640] : memref<2x96xi32, #tpu.memory_space<vmem>> -> memref<1x96xi32, #tpu.memory_space<vmem>>
      %dma_start3A_642 = tpu.memref_squeeze %dma_start3A_641 : memref<1x96xi32, #tpu.memory_space<vmem>> -> memref<96xi32, #tpu.memory_space<vmem>>
      %dma_start3A_643 = tpu.memref_slice %arg3[%add3A_638] : memref<320000xi32, #tpu.memory_space<hbm>> -> memref<96xi32, #tpu.memory_space<hbm>>
      %dma_start3A_644 = arith.constant 0 : i32
      %dma_start3A_645 = tpu.memref_slice %arg12[%dma_start3A_639, %dma_start3A_644] : memref<2x96xi32, #tpu.memory_space<vmem>> -> memref<1x96xi32, #tpu.memory_space<vmem>>
      %dma_start3A_646 = tpu.memref_squeeze %dma_start3A_645 : memref<1x96xi32, #tpu.memory_space<vmem>> -> memref<96xi32, #tpu.memory_space<vmem>>
      %dma_start3A_647 = tpu.memref_slice %arg3[%add3A_638] : memref<320000xi32, #tpu.memory_space<hbm>> -> memref<96xi32, #tpu.memory_space<hbm>>
      tpu.enqueue_dma source(%dma_start3A_647 : memref<96xi32, #tpu.memory_space<hbm>>) target(%dma_start3A_646 : memref<96xi32, #tpu.memory_space<vmem>>) target_semaphore(%arg17 : memref<!tpu.dma_semaphore, #tpu.memory_space<semaphore_mem>>)
      %mul3A_648 = arith.constant 96 : i32
      %mul3A_649 = arith.muli %add3A_635, %mul3A_648 : i32
      %add3A_650 = arith.addi %mul3A_2, %mul3A_649 : i32
      %dma_start3A_651 = arith.constant 1 : i32
      %dma_start3A_652 = arith.constant 0 : i32
      %dma_start3A_653 = tpu.memref_slice %arg12[%dma_start3A_651, %dma_start3A_652] : memref<2x96xi32, #tpu.memory_space<vmem>> -> memref<1x96xi32, #tpu.memory_space<vmem>>
      %dma_start3A_654 = tpu.memref_squeeze %dma_start3A_653 : memref<1x96xi32, #tpu.memory_space<vmem>> -> memref<96xi32, #tpu.memory_space<vmem>>
      %dma_start3A_655 = tpu.memref_slice %arg4[%add3A_650] : memref<320000xi32, #tpu.memory_space<hbm>> -> memref<96xi32, #tpu.memory_space<hbm>>
      %dma_start3A_656 = arith.constant 0 : i32
      %dma_start3A_657 = tpu.memref_slice %arg12[%dma_start3A_651, %dma_start3A_656] : memref<2x96xi32, #tpu.memory_space<vmem>> -> memref<1x96xi32, #tpu.memory_space<vmem>>
      %dma_start3A_658 = tpu.memref_squeeze %dma_start3A_657 : memref<1x96xi32, #tpu.memory_space<vmem>> -> memref<96xi32, #tpu.memory_space<vmem>>
      %dma_start3A_659 = tpu.memref_slice %arg4[%add3A_650] : memref<320000xi32, #tpu.memory_space<hbm>> -> memref<96xi32, #tpu.memory_space<hbm>>
      tpu.enqueue_dma source(%dma_start3A_659 : memref<96xi32, #tpu.memory_space<hbm>>) target(%dma_start3A_658 : memref<96xi32, #tpu.memory_space<vmem>>) target_semaphore(%arg17 : memref<!tpu.dma_semaphore, #tpu.memory_space<semaphore_mem>>)
      %dma_wait3A_660 = arith.constant 0 : i32
      %dma_wait3A_661 = arith.constant 0 : i32
      %dma_wait3A_662 = tpu.memref_slice %arg14[%dma_wait3A_660, %dma_wait3A_661] : memref<2x96xi32, #tpu.memory_space<vmem>> -> memref<1x96xi32, #tpu.memory_space<vmem>>
      %dma_wait3A_663 = tpu.memref_squeeze %dma_wait3A_662 : memref<1x96xi32, #tpu.memory_space<vmem>> -> memref<96xi32, #tpu.memory_space<vmem>>
      %dma_wait3A_664 = arith.constant 0 : i32
      %dma_wait3A_665 = arith.constant 0 : i32
      %dma_wait3A_666 = tpu.memref_slice %arg2[%dma_wait3A_664, %dma_wait3A_665] : memref<10000x128xf32, #tpu.memory_space<hbm>> -> memref<10000x128xf32, #tpu.memory_space<hbm>>
      tpu.wait_indirect_dma semaphore(%arg23 : memref<!tpu.dma_semaphore, #tpu.memory_space<semaphore_mem>>) src(%dma_wait3A_666 : memref<10000x128xf32, #tpu.memory_space<hbm>>) dst(%arg10 : memref<96x128xf32, #tpu.memory_space<vmem>>)
      %dma_start3A_667 = arith.constant 1 : i32
      %dma_start3A_668 = arith.constant 0 : i32
      %dma_start3A_669 = tpu.memref_slice %arg14[%dma_start3A_667, %dma_start3A_668] : memref<2x96xi32, #tpu.memory_space<vmem>> -> memref<1x96xi32, #tpu.memory_space<vmem>>
      %dma_start3A_670 = tpu.memref_squeeze %dma_start3A_669 : memref<1x96xi32, #tpu.memory_space<vmem>> -> memref<96xi32, #tpu.memory_space<vmem>>
      %dma_start3A_671 = arith.constant 0 : i32
      %dma_start3A_672 = arith.constant 0 : i32
      %dma_start3A_673 = tpu.memref_slice %arg15[%dma_start3A_671, %dma_start3A_672] : memref<10000x128xf32, #tpu.memory_space<vmem_shared>> -> memref<10000x128xf32, #tpu.memory_space<vmem_shared>>
      tpu.enqueue_indirect_dma source(%arg10 : memref<96x128xf32, #tpu.memory_space<vmem>>) target(%dma_start3A_673 : memref<10000x128xf32, #tpu.memory_space<vmem_shared>>) offsets(%dma_start3A_670 : memref<96xi32, #tpu.memory_space<vmem>>) semaphore(%arg27 : memref<!tpu.dma_semaphore, #tpu.memory_space<semaphore_mem>>) {add = true}
      %add3A_674 = arith.constant 1 : i32
      %add3A_675 = arith.addi %add3A_626, %add3A_674 : i32
      %mul3A_676 = arith.constant 96 : i32
      %mul3A_677 = arith.muli %add3A_675, %mul3A_676 : i32
      %add3A_678 = arith.addi %mul3A_2, %mul3A_677 : i32
      %dma_wait3A_679 = arith.constant 0 : i32
      %dma_wait3A_680 = arith.constant 0 : i32
      %dma_wait3A_681 = tpu.memref_slice %arg11[%dma_wait3A_679, %dma_wait3A_680] : memref<2x96xi32, #tpu.memory_space<vmem>> -> memref<1x96xi32, #tpu.memory_space<vmem>>
      %dma_wait3A_682 = tpu.memref_squeeze %dma_wait3A_681 : memref<1x96xi32, #tpu.memory_space<vmem>> -> memref<96xi32, #tpu.memory_space<vmem>>
      %dma_wait3A_683 = tpu.memref_slice %arg3[%add3A_678] : memref<320000xi32, #tpu.memory_space<hbm>> -> memref<96xi32, #tpu.memory_space<hbm>>
      %dma_wait3A_684 = arith.constant 0 : i32
      %dma_wait3A_685 = tpu.memref_slice %arg11[%dma_wait3A_679, %dma_wait3A_684] : memref<2x96xi32, #tpu.memory_space<vmem>> -> memref<1x96xi32, #tpu.memory_space<vmem>>
      %dma_wait3A_686 = tpu.memref_squeeze %dma_wait3A_685 : memref<1x96xi32, #tpu.memory_space<vmem>> -> memref<96xi32, #tpu.memory_space<vmem>>
      %dma_wait3A_687 = tpu.memref_slice %arg3[%add3A_678] : memref<320000xi32, #tpu.memory_space<hbm>> -> memref<96xi32, #tpu.memory_space<hbm>>
      tpu.wait_dma2 semaphore(%arg16 : memref<!tpu.dma_semaphore, #tpu.memory_space<semaphore_mem>>) src(%dma_wait3A_687 : memref<96xi32, #tpu.memory_space<hbm>>) dst(%dma_wait3A_686 : memref<96xi32, #tpu.memory_space<vmem>>)
      %mul3A_688 = arith.constant 96 : i32
      %mul3A_689 = arith.muli %add3A_675, %mul3A_688 : i32
      %add3A_690 = arith.addi %mul3A_2, %mul3A_689 : i32
      %dma_wait3A_691 = arith.constant 1 : i32
      %dma_wait3A_692 = arith.constant 0 : i32
      %dma_wait3A_693 = tpu.memref_slice %arg11[%dma_wait3A_691, %dma_wait3A_692] : memref<2x96xi32, #tpu.memory_space<vmem>> -> memref<1x96xi32, #tpu.memory_space<vmem>>
      %dma_wait3A_694 = tpu.memref_squeeze %dma_wait3A_693 : memref<1x96xi32, #tpu.memory_space<vmem>> -> memref<96xi32, #tpu.memory_space<vmem>>
      %dma_wait3A_695 = tpu.memref_slice %arg4[%add3A_690] : memref<320000xi32, #tpu.memory_space<hbm>> -> memref<96xi32, #tpu.memory_space<hbm>>
      %dma_wait3A_696 = arith.constant 0 : i32
      %dma_wait3A_697 = tpu.memref_slice %arg11[%dma_wait3A_691, %dma_wait3A_696] : memref<2x96xi32, #tpu.memory_space<vmem>> -> memref<1x96xi32, #tpu.memory_space<vmem>>
      %dma_wait3A_698 = tpu.memref_squeeze %dma_wait3A_697 : memref<1x96xi32, #tpu.memory_space<vmem>> -> memref<96xi32, #tpu.memory_space<vmem>>
      %dma_wait3A_699 = tpu.memref_slice %arg4[%add3A_690] : memref<320000xi32, #tpu.memory_space<hbm>> -> memref<96xi32, #tpu.memory_space<hbm>>
      tpu.wait_dma2 semaphore(%arg16 : memref<!tpu.dma_semaphore, #tpu.memory_space<semaphore_mem>>) src(%dma_wait3A_699 : memref<96xi32, #tpu.memory_space<hbm>>) dst(%dma_wait3A_698 : memref<96xi32, #tpu.memory_space<vmem>>)
      %dma_start3A_700 = arith.constant 0 : i32
      %dma_start3A_701 = arith.constant 0 : i32
      %dma_start3A_702 = tpu.memref_slice %arg11[%dma_start3A_700, %dma_start3A_701] : memref<2x96xi32, #tpu.memory_space<vmem>> -> memref<1x96xi32, #tpu.memory_space<vmem>>
      %dma_start3A_703 = tpu.memref_squeeze %dma_start3A_702 : memref<1x96xi32, #tpu.memory_space<vmem>> -> memref<96xi32, #tpu.memory_space<vmem>>
      %dma_start3A_704 = arith.constant 0 : i32
      %dma_start3A_705 = arith.constant 0 : i32
      %dma_start3A_706 = tpu.memref_slice %arg2[%dma_start3A_704, %dma_start3A_705] : memref<10000x128xf32, #tpu.memory_space<hbm>> -> memref<10000x128xf32, #tpu.memory_space<hbm>>
      tpu.enqueue_indirect_dma source(%dma_start3A_706 : memref<10000x128xf32, #tpu.memory_space<hbm>>) target(%arg7 : memref<96x128xf32, #tpu.memory_space<vmem>>) offsets(%dma_start3A_703 : memref<96xi32, #tpu.memory_space<vmem>>) semaphore(%arg20 : memref<!tpu.dma_semaphore, #tpu.memory_space<semaphore_mem>>)
    }
    %scan3A_80 = arith.constant 25 : i32
    %dma_wait3A_81 = arith.constant 1 : i32
    %dma_wait3A_82 = arith.constant 0 : i32
    %dma_wait3A_83 = tpu.memref_slice %arg13[%dma_wait3A_81, %dma_wait3A_82] : memref<2x96xi32, #tpu.memory_space<vmem>> -> memref<1x96xi32, #tpu.memory_space<vmem>>
    %dma_wait3A_84 = tpu.memref_squeeze %dma_wait3A_83 : memref<1x96xi32, #tpu.memory_space<vmem>> -> memref<96xi32, #tpu.memory_space<vmem>>
    %dma_wait3A_85 = arith.constant 0 : i32
    %dma_wait3A_86 = arith.constant 0 : i32
    %dma_wait3A_87 = tpu.memref_slice %arg15[%dma_wait3A_85, %dma_wait3A_86] : memref<10000x128xf32, #tpu.memory_space<vmem_shared>> -> memref<10000x128xf32, #tpu.memory_space<vmem_shared>>
    tpu.wait_indirect_dma semaphore(%arg26 : memref<!tpu.dma_semaphore, #tpu.memory_space<semaphore_mem>>) src(%arg9 : memref<96x128xf32, #tpu.memory_space<vmem>>) dst(%dma_wait3A_87 : memref<10000x128xf32, #tpu.memory_space<vmem_shared>>)
    %add3A_88 = arith.constant 9792 : i32
    %add3A_89 = arith.addi %mul3A_2, %add3A_88 : i32
    %dma_start3A_90 = arith.constant 0 : i32
    %dma_start3A_91 = arith.constant 0 : i32
    %dma_start3A_92 = tpu.memref_slice %arg13[%dma_start3A_90, %dma_start3A_91] : memref<2x96xi32, #tpu.memory_space<vmem>> -> memref<1x96xi32, #tpu.memory_space<vmem>>
    %dma_start3A_93 = tpu.memref_squeeze %dma_start3A_92 : memref<1x96xi32, #tpu.memory_space<vmem>> -> memref<96xi32, #tpu.memory_space<vmem>>
    %dma_start3A_94 = tpu.memref_slice %arg3[%add3A_89] : memref<320000xi32, #tpu.memory_space<hbm>> -> memref<96xi32, #tpu.memory_space<hbm>>
    %dma_start3A_95 = arith.constant 0 : i32
    %dma_start3A_96 = tpu.memref_slice %arg13[%dma_start3A_90, %dma_start3A_95] : memref<2x96xi32, #tpu.memory_space<vmem>> -> memref<1x96xi32, #tpu.memory_space<vmem>>
    %dma_start3A_97 = tpu.memref_squeeze %dma_start3A_96 : memref<1x96xi32, #tpu.memory_space<vmem>> -> memref<96xi32, #tpu.memory_space<vmem>>
    %dma_start3A_98 = tpu.memref_slice %arg3[%add3A_89] : memref<320000xi32, #tpu.memory_space<hbm>> -> memref<96xi32, #tpu.memory_space<hbm>>
    tpu.enqueue_dma source(%dma_start3A_98 : memref<96xi32, #tpu.memory_space<hbm>>) target(%dma_start3A_97 : memref<96xi32, #tpu.memory_space<vmem>>) target_semaphore(%arg18 : memref<!tpu.dma_semaphore, #tpu.memory_space<semaphore_mem>>)
    %add3A_99 = arith.constant 9792 : i32
    %add3A_100 = arith.addi %mul3A_2, %add3A_99 : i32
    %dma_start3A_101 = arith.constant 1 : i32
    %dma_start3A_102 = arith.constant 0 : i32
    %dma_start3A_103 = tpu.memref_slice %arg13[%dma_start3A_101, %dma_start3A_102] : memref<2x96xi32, #tpu.memory_space<vmem>> -> memref<1x96xi32, #tpu.memory_space<vmem>>
    %dma_start3A_104 = tpu.memref_squeeze %dma_start3A_103 : memref<1x96xi32, #tpu.memory_space<vmem>> -> memref<96xi32, #tpu.memory_space<vmem>>
    %dma_start3A_105 = tpu.memref_slice %arg4[%add3A_100] : memref<320000xi32, #tpu.memory_space<hbm>> -> memref<96xi32, #tpu.memory_space<hbm>>
    %dma_start3A_106 = arith.constant 0 : i32
    %dma_start3A_107 = tpu.memref_slice %arg13[%dma_start3A_101, %dma_start3A_106] : memref<2x96xi32, #tpu.memory_space<vmem>> -> memref<1x96xi32, #tpu.memory_space<vmem>>
    %dma_start3A_108 = tpu.memref_squeeze %dma_start3A_107 : memref<1x96xi32, #tpu.memory_space<vmem>> -> memref<96xi32, #tpu.memory_space<vmem>>
    %dma_start3A_109 = tpu.memref_slice %arg4[%add3A_100] : memref<320000xi32, #tpu.memory_space<hbm>> -> memref<96xi32, #tpu.memory_space<hbm>>
    tpu.enqueue_dma source(%dma_start3A_109 : memref<96xi32, #tpu.memory_space<hbm>>) target(%dma_start3A_108 : memref<96xi32, #tpu.memory_space<vmem>>) target_semaphore(%arg18 : memref<!tpu.dma_semaphore, #tpu.memory_space<semaphore_mem>>)
    %dma_wait3A_110 = arith.constant 0 : i32
    %dma_wait3A_111 = arith.constant 0 : i32
    %dma_wait3A_112 = tpu.memref_slice %arg11[%dma_wait3A_110, %dma_wait3A_111] : memref<2x96xi32, #tpu.memory_space<vmem>> -> memref<1x96xi32, #tpu.memory_space<vmem>>
    %dma_wait3A_113 = tpu.memref_squeeze %dma_wait3A_112 : memref<1x96xi32, #tpu.memory_space<vmem>> -> memref<96xi32, #tpu.memory_space<vmem>>
    %dma_wait3A_114 = arith.constant 0 : i32
    %dma_wait3A_115 = arith.constant 0 : i32
    %dma_wait3A_116 = tpu.memref_slice %arg2[%dma_wait3A_114, %dma_wait3A_115] : memref<10000x128xf32, #tpu.memory_space<hbm>> -> memref<10000x128xf32, #tpu.memory_space<hbm>>
    tpu.wait_indirect_dma semaphore(%arg20 : memref<!tpu.dma_semaphore, #tpu.memory_space<semaphore_mem>>) src(%dma_wait3A_116 : memref<10000x128xf32, #tpu.memory_space<hbm>>) dst(%arg7 : memref<96x128xf32, #tpu.memory_space<vmem>>)
    %dma_start3A_117 = arith.constant 1 : i32
    %dma_start3A_118 = arith.constant 0 : i32
    %dma_start3A_119 = tpu.memref_slice %arg11[%dma_start3A_117, %dma_start3A_118] : memref<2x96xi32, #tpu.memory_space<vmem>> -> memref<1x96xi32, #tpu.memory_space<vmem>>
    %dma_start3A_120 = tpu.memref_squeeze %dma_start3A_119 : memref<1x96xi32, #tpu.memory_space<vmem>> -> memref<96xi32, #tpu.memory_space<vmem>>
    %dma_start3A_121 = arith.constant 0 : i32
    %dma_start3A_122 = arith.constant 0 : i32
    %dma_start3A_123 = tpu.memref_slice %arg15[%dma_start3A_121, %dma_start3A_122] : memref<10000x128xf32, #tpu.memory_space<vmem_shared>> -> memref<10000x128xf32, #tpu.memory_space<vmem_shared>>
    tpu.enqueue_indirect_dma source(%arg7 : memref<96x128xf32, #tpu.memory_space<vmem>>) target(%dma_start3A_123 : memref<10000x128xf32, #tpu.memory_space<vmem_shared>>) offsets(%dma_start3A_120 : memref<96xi32, #tpu.memory_space<vmem>>) semaphore(%arg24 : memref<!tpu.dma_semaphore, #tpu.memory_space<semaphore_mem>>) {add = true}
    %add3A_124 = arith.constant 9696 : i32
    %add3A_125 = arith.addi %mul3A_2, %add3A_124 : i32
    %dma_wait3A_126 = arith.constant 0 : i32
    %dma_wait3A_127 = arith.constant 0 : i32
    %dma_wait3A_128 = tpu.memref_slice %arg12[%dma_wait3A_126, %dma_wait3A_127] : memref<2x96xi32, #tpu.memory_space<vmem>> -> memref<1x96xi32, #tpu.memory_space<vmem>>
    %dma_wait3A_129 = tpu.memref_squeeze %dma_wait3A_128 : memref<1x96xi32, #tpu.memory_space<vmem>> -> memref<96xi32, #tpu.memory_space<vmem>>
    %dma_wait3A_130 = tpu.memref_slice %arg3[%add3A_125] : memref<320000xi32, #tpu.memory_space<hbm>> -> memref<96xi32, #tpu.memory_space<hbm>>
    %dma_wait3A_131 = arith.constant 0 : i32
    %dma_wait3A_132 = tpu.memref_slice %arg12[%dma_wait3A_126, %dma_wait3A_131] : memref<2x96xi32, #tpu.memory_space<vmem>> -> memref<1x96xi32, #tpu.memory_space<vmem>>
    %dma_wait3A_133 = tpu.memref_squeeze %dma_wait3A_132 : memref<1x96xi32, #tpu.memory_space<vmem>> -> memref<96xi32, #tpu.memory_space<vmem>>
    %dma_wait3A_134 = tpu.memref_slice %arg3[%add3A_125] : memref<320000xi32, #tpu.memory_space<hbm>> -> memref<96xi32, #tpu.memory_space<hbm>>
    tpu.wait_dma2 semaphore(%arg17 : memref<!tpu.dma_semaphore, #tpu.memory_space<semaphore_mem>>) src(%dma_wait3A_134 : memref<96xi32, #tpu.memory_space<hbm>>) dst(%dma_wait3A_133 : memref<96xi32, #tpu.memory_space<vmem>>)
    %add3A_135 = arith.constant 9696 : i32
    %add3A_136 = arith.addi %mul3A_2, %add3A_135 : i32
    %dma_wait3A_137 = arith.constant 1 : i32
    %dma_wait3A_138 = arith.constant 0 : i32
    %dma_wait3A_139 = tpu.memref_slice %arg12[%dma_wait3A_137, %dma_wait3A_138] : memref<2x96xi32, #tpu.memory_space<vmem>> -> memref<1x96xi32, #tpu.memory_space<vmem>>
    %dma_wait3A_140 = tpu.memref_squeeze %dma_wait3A_139 : memref<1x96xi32, #tpu.memory_space<vmem>> -> memref<96xi32, #tpu.memory_space<vmem>>
    %dma_wait3A_141 = tpu.memref_slice %arg4[%add3A_136] : memref<320000xi32, #tpu.memory_space<hbm>> -> memref<96xi32, #tpu.memory_space<hbm>>
    %dma_wait3A_142 = arith.constant 0 : i32
    %dma_wait3A_143 = tpu.memref_slice %arg12[%dma_wait3A_137, %dma_wait3A_142] : memref<2x96xi32, #tpu.memory_space<vmem>> -> memref<1x96xi32, #tpu.memory_space<vmem>>
    %dma_wait3A_144 = tpu.memref_squeeze %dma_wait3A_143 : memref<1x96xi32, #tpu.memory_space<vmem>> -> memref<96xi32, #tpu.memory_space<vmem>>
    %dma_wait3A_145 = tpu.memref_slice %arg4[%add3A_136] : memref<320000xi32, #tpu.memory_space<hbm>> -> memref<96xi32, #tpu.memory_space<hbm>>
    tpu.wait_dma2 semaphore(%arg17 : memref<!tpu.dma_semaphore, #tpu.memory_space<semaphore_mem>>) src(%dma_wait3A_145 : memref<96xi32, #tpu.memory_space<hbm>>) dst(%dma_wait3A_144 : memref<96xi32, #tpu.memory_space<vmem>>)
    %dma_start3A_146 = arith.constant 0 : i32
    %dma_start3A_147 = arith.constant 0 : i32
    %dma_start3A_148 = tpu.memref_slice %arg12[%dma_start3A_146, %dma_start3A_147] : memref<2x96xi32, #tpu.memory_space<vmem>> -> memref<1x96xi32, #tpu.memory_space<vmem>>
    %dma_start3A_149 = tpu.memref_squeeze %dma_start3A_148 : memref<1x96xi32, #tpu.memory_space<vmem>> -> memref<96xi32, #tpu.memory_space<vmem>>
    %dma_start3A_150 = arith.constant 0 : i32
    %dma_start3A_151 = arith.constant 0 : i32
    %dma_start3A_152 = tpu.memref_slice %arg2[%dma_start3A_150, %dma_start3A_151] : memref<10000x128xf32, #tpu.memory_space<hbm>> -> memref<10000x128xf32, #tpu.memory_space<hbm>>
    tpu.enqueue_indirect_dma source(%dma_start3A_152 : memref<10000x128xf32, #tpu.memory_space<hbm>>) target(%arg8 : memref<96x128xf32, #tpu.memory_space<vmem>>) offsets(%dma_start3A_149 : memref<96xi32, #tpu.memory_space<vmem>>) semaphore(%arg21 : memref<!tpu.dma_semaphore, #tpu.memory_space<semaphore_mem>>)
    %dma_wait3A_153 = arith.constant 1 : i32
    %dma_wait3A_154 = arith.constant 0 : i32
    %dma_wait3A_155 = tpu.memref_slice %arg14[%dma_wait3A_153, %dma_wait3A_154] : memref<2x96xi32, #tpu.memory_space<vmem>> -> memref<1x96xi32, #tpu.memory_space<vmem>>
    %dma_wait3A_156 = tpu.memref_squeeze %dma_wait3A_155 : memref<1x96xi32, #tpu.memory_space<vmem>> -> memref<96xi32, #tpu.memory_space<vmem>>
    %dma_wait3A_157 = arith.constant 0 : i32
    %dma_wait3A_158 = arith.constant 0 : i32
    %dma_wait3A_159 = tpu.memref_slice %arg15[%dma_wait3A_157, %dma_wait3A_158] : memref<10000x128xf32, #tpu.memory_space<vmem_shared>> -> memref<10000x128xf32, #tpu.memory_space<vmem_shared>>
    tpu.wait_indirect_dma semaphore(%arg27 : memref<!tpu.dma_semaphore, #tpu.memory_space<semaphore_mem>>) src(%arg10 : memref<96x128xf32, #tpu.memory_space<vmem>>) dst(%dma_wait3A_159 : memref<10000x128xf32, #tpu.memory_space<vmem_shared>>)
    %add3A_160 = arith.constant 9888 : i32
    %add3A_161 = arith.addi %mul3A_2, %add3A_160 : i32
    %dma_start3A_162 = arith.constant 0 : i32
    %dma_start3A_163 = arith.constant 0 : i32
    %dma_start3A_164 = tpu.memref_slice %arg14[%dma_start3A_162, %dma_start3A_163] : memref<2x96xi32, #tpu.memory_space<vmem>> -> memref<1x96xi32, #tpu.memory_space<vmem>>
    %dma_start3A_165 = tpu.memref_squeeze %dma_start3A_164 : memref<1x96xi32, #tpu.memory_space<vmem>> -> memref<96xi32, #tpu.memory_space<vmem>>
    %dma_start3A_166 = tpu.memref_slice %arg3[%add3A_161] : memref<320000xi32, #tpu.memory_space<hbm>> -> memref<96xi32, #tpu.memory_space<hbm>>
    %dma_start3A_167 = arith.constant 0 : i32
    %dma_start3A_168 = tpu.memref_slice %arg14[%dma_start3A_162, %dma_start3A_167] : memref<2x96xi32, #tpu.memory_space<vmem>> -> memref<1x96xi32, #tpu.memory_space<vmem>>
    %dma_start3A_169 = tpu.memref_squeeze %dma_start3A_168 : memref<1x96xi32, #tpu.memory_space<vmem>> -> memref<96xi32, #tpu.memory_space<vmem>>
    %dma_start3A_170 = tpu.memref_slice %arg3[%add3A_161] : memref<320000xi32, #tpu.memory_space<hbm>> -> memref<96xi32, #tpu.memory_space<hbm>>
    tpu.enqueue_dma source(%dma_start3A_170 : memref<96xi32, #tpu.memory_space<hbm>>) target(%dma_start3A_169 : memref<96xi32, #tpu.memory_space<vmem>>) target_semaphore(%arg19 : memref<!tpu.dma_semaphore, #tpu.memory_space<semaphore_mem>>)
    %add3A_171 = arith.constant 9888 : i32
    %add3A_172 = arith.addi %mul3A_2, %add3A_171 : i32
    %dma_start3A_173 = arith.constant 1 : i32
    %dma_start3A_174 = arith.constant 0 : i32
    %dma_start3A_175 = tpu.memref_slice %arg14[%dma_start3A_173, %dma_start3A_174] : memref<2x96xi32, #tpu.memory_space<vmem>> -> memref<1x96xi32, #tpu.memory_space<vmem>>
    %dma_start3A_176 = tpu.memref_squeeze %dma_start3A_175 : memref<1x96xi32, #tpu.memory_space<vmem>> -> memref<96xi32, #tpu.memory_space<vmem>>
    %dma_start3A_177 = tpu.memref_slice %arg4[%add3A_172] : memref<320000xi32, #tpu.memory_space<hbm>> -> memref<96xi32, #tpu.memory_space<hbm>>
    %dma_start3A_178 = arith.constant 0 : i32
    %dma_start3A_179 = tpu.memref_slice %arg14[%dma_start3A_173, %dma_start3A_178] : memref<2x96xi32, #tpu.memory_space<vmem>> -> memref<1x96xi32, #tpu.memory_space<vmem>>
    %dma_start3A_180 = tpu.memref_squeeze %dma_start3A_179 : memref<1x96xi32, #tpu.memory_space<vmem>> -> memref<96xi32, #tpu.memory_space<vmem>>
    %dma_start3A_181 = tpu.memref_slice %arg4[%add3A_172] : memref<320000xi32, #tpu.memory_space<hbm>> -> memref<96xi32, #tpu.memory_space<hbm>>
    tpu.enqueue_dma source(%dma_start3A_181 : memref<96xi32, #tpu.memory_space<hbm>>) target(%dma_start3A_180 : memref<96xi32, #tpu.memory_space<vmem>>) target_semaphore(%arg19 : memref<!tpu.dma_semaphore, #tpu.memory_space<semaphore_mem>>)
    %dma_wait3A_182 = arith.constant 0 : i32
    %dma_wait3A_183 = arith.constant 0 : i32
    %dma_wait3A_184 = tpu.memref_slice %arg12[%dma_wait3A_182, %dma_wait3A_183] : memref<2x96xi32, #tpu.memory_space<vmem>> -> memref<1x96xi32, #tpu.memory_space<vmem>>
    %dma_wait3A_185 = tpu.memref_squeeze %dma_wait3A_184 : memref<1x96xi32, #tpu.memory_space<vmem>> -> memref<96xi32, #tpu.memory_space<vmem>>
    %dma_wait3A_186 = arith.constant 0 : i32
    %dma_wait3A_187 = arith.constant 0 : i32
    %dma_wait3A_188 = tpu.memref_slice %arg2[%dma_wait3A_186, %dma_wait3A_187] : memref<10000x128xf32, #tpu.memory_space<hbm>> -> memref<10000x128xf32, #tpu.memory_space<hbm>>
    tpu.wait_indirect_dma semaphore(%arg21 : memref<!tpu.dma_semaphore, #tpu.memory_space<semaphore_mem>>) src(%dma_wait3A_188 : memref<10000x128xf32, #tpu.memory_space<hbm>>) dst(%arg8 : memref<96x128xf32, #tpu.memory_space<vmem>>)
    %dma_start3A_189 = arith.constant 1 : i32
    %dma_start3A_190 = arith.constant 0 : i32
    %dma_start3A_191 = tpu.memref_slice %arg12[%dma_start3A_189, %dma_start3A_190] : memref<2x96xi32, #tpu.memory_space<vmem>> -> memref<1x96xi32, #tpu.memory_space<vmem>>
    %dma_start3A_192 = tpu.memref_squeeze %dma_start3A_191 : memref<1x96xi32, #tpu.memory_space<vmem>> -> memref<96xi32, #tpu.memory_space<vmem>>
    %dma_start3A_193 = arith.constant 0 : i32
    %dma_start3A_194 = arith.constant 0 : i32
    %dma_start3A_195 = tpu.memref_slice %arg15[%dma_start3A_193, %dma_start3A_194] : memref<10000x128xf32, #tpu.memory_space<vmem_shared>> -> memref<10000x128xf32, #tpu.memory_space<vmem_shared>>
    tpu.enqueue_indirect_dma source(%arg8 : memref<96x128xf32, #tpu.memory_space<vmem>>) target(%dma_start3A_195 : memref<10000x128xf32, #tpu.memory_space<vmem_shared>>) offsets(%dma_start3A_192 : memref<96xi32, #tpu.memory_space<vmem>>) semaphore(%arg25 : memref<!tpu.dma_semaphore, #tpu.memory_space<semaphore_mem>>) {add = true}
    %add3A_196 = arith.constant 9792 : i32
    %add3A_197 = arith.addi %mul3A_2, %add3A_196 : i32
    %dma_wait3A_198 = arith.constant 0 : i32
    %dma_wait3A_199 = arith.constant 0 : i32
    %dma_wait3A_200 = tpu.memref_slice %arg13[%dma_wait3A_198, %dma_wait3A_199] : memref<2x96xi32, #tpu.memory_space<vmem>> -> memref<1x96xi32, #tpu.memory_space<vmem>>
    %dma_wait3A_201 = tpu.memref_squeeze %dma_wait3A_200 : memref<1x96xi32, #tpu.memory_space<vmem>> -> memref<96xi32, #tpu.memory_space<vmem>>
    %dma_wait3A_202 = tpu.memref_slice %arg3[%add3A_197] : memref<320000xi32, #tpu.memory_space<hbm>> -> memref<96xi32, #tpu.memory_space<hbm>>
    %dma_wait3A_203 = arith.constant 0 : i32
    %dma_wait3A_204 = tpu.memref_slice %arg13[%dma_wait3A_198, %dma_wait3A_203] : memref<2x96xi32, #tpu.memory_space<vmem>> -> memref<1x96xi32, #tpu.memory_space<vmem>>
    %dma_wait3A_205 = tpu.memref_squeeze %dma_wait3A_204 : memref<1x96xi32, #tpu.memory_space<vmem>> -> memref<96xi32, #tpu.memory_space<vmem>>
    %dma_wait3A_206 = tpu.memref_slice %arg3[%add3A_197] : memref<320000xi32, #tpu.memory_space<hbm>> -> memref<96xi32, #tpu.memory_space<hbm>>
    tpu.wait_dma2 semaphore(%arg18 : memref<!tpu.dma_semaphore, #tpu.memory_space<semaphore_mem>>) src(%dma_wait3A_206 : memref<96xi32, #tpu.memory_space<hbm>>) dst(%dma_wait3A_205 : memref<96xi32, #tpu.memory_space<vmem>>)
    %add3A_207 = arith.constant 9792 : i32
    %add3A_208 = arith.addi %mul3A_2, %add3A_207 : i32
    %dma_wait3A_209 = arith.constant 1 : i32
    %dma_wait3A_210 = arith.constant 0 : i32
    %dma_wait3A_211 = tpu.memref_slice %arg13[%dma_wait3A_209, %dma_wait3A_210] : memref<2x96xi32, #tpu.memory_space<vmem>> -> memref<1x96xi32, #tpu.memory_space<vmem>>
    %dma_wait3A_212 = tpu.memref_squeeze %dma_wait3A_211 : memref<1x96xi32, #tpu.memory_space<vmem>> -> memref<96xi32, #tpu.memory_space<vmem>>
    %dma_wait3A_213 = tpu.memref_slice %arg4[%add3A_208] : memref<320000xi32, #tpu.memory_space<hbm>> -> memref<96xi32, #tpu.memory_space<hbm>>
    %dma_wait3A_214 = arith.constant 0 : i32
    %dma_wait3A_215 = tpu.memref_slice %arg13[%dma_wait3A_209, %dma_wait3A_214] : memref<2x96xi32, #tpu.memory_space<vmem>> -> memref<1x96xi32, #tpu.memory_space<vmem>>
    %dma_wait3A_216 = tpu.memref_squeeze %dma_wait3A_215 : memref<1x96xi32, #tpu.memory_space<vmem>> -> memref<96xi32, #tpu.memory_space<vmem>>
    %dma_wait3A_217 = tpu.memref_slice %arg4[%add3A_208] : memref<320000xi32, #tpu.memory_space<hbm>> -> memref<96xi32, #tpu.memory_space<hbm>>
    tpu.wait_dma2 semaphore(%arg18 : memref<!tpu.dma_semaphore, #tpu.memory_space<semaphore_mem>>) src(%dma_wait3A_217 : memref<96xi32, #tpu.memory_space<hbm>>) dst(%dma_wait3A_216 : memref<96xi32, #tpu.memory_space<vmem>>)
    %dma_start3A_218 = arith.constant 0 : i32
    %dma_start3A_219 = arith.constant 0 : i32
    %dma_start3A_220 = tpu.memref_slice %arg13[%dma_start3A_218, %dma_start3A_219] : memref<2x96xi32, #tpu.memory_space<vmem>> -> memref<1x96xi32, #tpu.memory_space<vmem>>
    %dma_start3A_221 = tpu.memref_squeeze %dma_start3A_220 : memref<1x96xi32, #tpu.memory_space<vmem>> -> memref<96xi32, #tpu.memory_space<vmem>>
    %dma_start3A_222 = arith.constant 0 : i32
    %dma_start3A_223 = arith.constant 0 : i32
    %dma_start3A_224 = tpu.memref_slice %arg2[%dma_start3A_222, %dma_start3A_223] : memref<10000x128xf32, #tpu.memory_space<hbm>> -> memref<10000x128xf32, #tpu.memory_space<hbm>>
    tpu.enqueue_indirect_dma source(%dma_start3A_224 : memref<10000x128xf32, #tpu.memory_space<hbm>>) target(%arg9 : memref<96x128xf32, #tpu.memory_space<vmem>>) offsets(%dma_start3A_221 : memref<96xi32, #tpu.memory_space<vmem>>) semaphore(%arg22 : memref<!tpu.dma_semaphore, #tpu.memory_space<semaphore_mem>>)
    %dma_wait3A_225 = arith.constant 1 : i32
    %dma_wait3A_226 = arith.constant 0 : i32
    %dma_wait3A_227 = tpu.memref_slice %arg11[%dma_wait3A_225, %dma_wait3A_226] : memref<2x96xi32, #tpu.memory_space<vmem>> -> memref<1x96xi32, #tpu.memory_space<vmem>>
    %dma_wait3A_228 = tpu.memref_squeeze %dma_wait3A_227 : memref<1x96xi32, #tpu.memory_space<vmem>> -> memref<96xi32, #tpu.memory_space<vmem>>
    %dma_wait3A_229 = arith.constant 0 : i32
    %dma_wait3A_230 = arith.constant 0 : i32
    %dma_wait3A_231 = tpu.memref_slice %arg15[%dma_wait3A_229, %dma_wait3A_230] : memref<10000x128xf32, #tpu.memory_space<vmem_shared>> -> memref<10000x128xf32, #tpu.memory_space<vmem_shared>>
    tpu.wait_indirect_dma semaphore(%arg24 : memref<!tpu.dma_semaphore, #tpu.memory_space<semaphore_mem>>) src(%arg7 : memref<96x128xf32, #tpu.memory_space<vmem>>) dst(%dma_wait3A_231 : memref<10000x128xf32, #tpu.memory_space<vmem_shared>>)
    %add3A_232 = arith.constant 9984 : i32
    %add3A_233 = arith.addi %mul3A_2, %add3A_232 : i32
    %dma_start3A_234 = arith.constant 0 : i32
    %dma_start3A_235 = arith.constant 0 : i32
    %dma_start3A_236 = tpu.memref_slice %arg11[%dma_start3A_234, %dma_start3A_235] : memref<2x96xi32, #tpu.memory_space<vmem>> -> memref<1x16xi32, #tpu.memory_space<vmem>>
    %dma_start3A_237 = tpu.memref_squeeze %dma_start3A_236 : memref<1x16xi32, #tpu.memory_space<vmem>> -> memref<16xi32, #tpu.memory_space<vmem>>
    %dma_start3A_238 = tpu.memref_slice %arg3[%add3A_233] : memref<320000xi32, #tpu.memory_space<hbm>> -> memref<16xi32, #tpu.memory_space<hbm>>
    %dma_start3A_239 = arith.constant 0 : i32
    %dma_start3A_240 = tpu.memref_slice %arg11[%dma_start3A_234, %dma_start3A_239] : memref<2x96xi32, #tpu.memory_space<vmem>> -> memref<1x16xi32, #tpu.memory_space<vmem>>
    %dma_start3A_241 = tpu.memref_squeeze %dma_start3A_240 : memref<1x16xi32, #tpu.memory_space<vmem>> -> memref<16xi32, #tpu.memory_space<vmem>>
    %dma_start3A_242 = tpu.memref_slice %arg3[%add3A_233] : memref<320000xi32, #tpu.memory_space<hbm>> -> memref<16xi32, #tpu.memory_space<hbm>>
    tpu.enqueue_dma source(%dma_start3A_242 : memref<16xi32, #tpu.memory_space<hbm>>) target(%dma_start3A_241 : memref<16xi32, #tpu.memory_space<vmem>>) target_semaphore(%arg16 : memref<!tpu.dma_semaphore, #tpu.memory_space<semaphore_mem>>)
    %add3A_243 = arith.constant 9984 : i32
    %add3A_244 = arith.addi %mul3A_2, %add3A_243 : i32
    %dma_start3A_245 = arith.constant 1 : i32
    %dma_start3A_246 = arith.constant 0 : i32
    %dma_start3A_247 = tpu.memref_slice %arg11[%dma_start3A_245, %dma_start3A_246] : memref<2x96xi32, #tpu.memory_space<vmem>> -> memref<1x16xi32, #tpu.memory_space<vmem>>
    %dma_start3A_248 = tpu.memref_squeeze %dma_start3A_247 : memref<1x16xi32, #tpu.memory_space<vmem>> -> memref<16xi32, #tpu.memory_space<vmem>>
    %dma_start3A_249 = tpu.memref_slice %arg4[%add3A_244] : memref<320000xi32, #tpu.memory_space<hbm>> -> memref<16xi32, #tpu.memory_space<hbm>>
    %dma_start3A_250 = arith.constant 0 : i32
    %dma_start3A_251 = tpu.memref_slice %arg11[%dma_start3A_245, %dma_start3A_250] : memref<2x96xi32, #tpu.memory_space<vmem>> -> memref<1x16xi32, #tpu.memory_space<vmem>>
    %dma_start3A_252 = tpu.memref_squeeze %dma_start3A_251 : memref<1x16xi32, #tpu.memory_space<vmem>> -> memref<16xi32, #tpu.memory_space<vmem>>
    %dma_start3A_253 = tpu.memref_slice %arg4[%add3A_244] : memref<320000xi32, #tpu.memory_space<hbm>> -> memref<16xi32, #tpu.memory_space<hbm>>
    tpu.enqueue_dma source(%dma_start3A_253 : memref<16xi32, #tpu.memory_space<hbm>>) target(%dma_start3A_252 : memref<16xi32, #tpu.memory_space<vmem>>) target_semaphore(%arg16 : memref<!tpu.dma_semaphore, #tpu.memory_space<semaphore_mem>>)
    %dma_wait3A_254 = arith.constant 0 : i32
    %dma_wait3A_255 = arith.constant 0 : i32
    %dma_wait3A_256 = tpu.memref_slice %arg13[%dma_wait3A_254, %dma_wait3A_255] : memref<2x96xi32, #tpu.memory_space<vmem>> -> memref<1x96xi32, #tpu.memory_space<vmem>>
    %dma_wait3A_257 = tpu.memref_squeeze %dma_wait3A_256 : memref<1x96xi32, #tpu.memory_space<vmem>> -> memref<96xi32, #tpu.memory_space<vmem>>
    %dma_wait3A_258 = arith.constant 0 : i32
    %dma_wait3A_259 = arith.constant 0 : i32
    %dma_wait3A_260 = tpu.memref_slice %arg2[%dma_wait3A_258, %dma_wait3A_259] : memref<10000x128xf32, #tpu.memory_space<hbm>> -> memref<10000x128xf32, #tpu.memory_space<hbm>>
    tpu.wait_indirect_dma semaphore(%arg22 : memref<!tpu.dma_semaphore, #tpu.memory_space<semaphore_mem>>) src(%dma_wait3A_260 : memref<10000x128xf32, #tpu.memory_space<hbm>>) dst(%arg9 : memref<96x128xf32, #tpu.memory_space<vmem>>)
    %dma_start3A_261 = arith.constant 1 : i32
    %dma_start3A_262 = arith.constant 0 : i32
    %dma_start3A_263 = tpu.memref_slice %arg13[%dma_start3A_261, %dma_start3A_262] : memref<2x96xi32, #tpu.memory_space<vmem>> -> memref<1x96xi32, #tpu.memory_space<vmem>>
    %dma_start3A_264 = tpu.memref_squeeze %dma_start3A_263 : memref<1x96xi32, #tpu.memory_space<vmem>> -> memref<96xi32, #tpu.memory_space<vmem>>
    %dma_start3A_265 = arith.constant 0 : i32
    %dma_start3A_266 = arith.constant 0 : i32
    %dma_start3A_267 = tpu.memref_slice %arg15[%dma_start3A_265, %dma_start3A_266] : memref<10000x128xf32, #tpu.memory_space<vmem_shared>> -> memref<10000x128xf32, #tpu.memory_space<vmem_shared>>
    tpu.enqueue_indirect_dma source(%arg9 : memref<96x128xf32, #tpu.memory_space<vmem>>) target(%dma_start3A_267 : memref<10000x128xf32, #tpu.memory_space<vmem_shared>>) offsets(%dma_start3A_264 : memref<96xi32, #tpu.memory_space<vmem>>) semaphore(%arg26 : memref<!tpu.dma_semaphore, #tpu.memory_space<semaphore_mem>>) {add = true}
    %add3A_268 = arith.constant 9888 : i32
    %add3A_269 = arith.addi %mul3A_2, %add3A_268 : i32
    %dma_wait3A_270 = arith.constant 0 : i32
    %dma_wait3A_271 = arith.constant 0 : i32
    %dma_wait3A_272 = tpu.memref_slice %arg14[%dma_wait3A_270, %dma_wait3A_271] : memref<2x96xi32, #tpu.memory_space<vmem>> -> memref<1x96xi32, #tpu.memory_space<vmem>>
    %dma_wait3A_273 = tpu.memref_squeeze %dma_wait3A_272 : memref<1x96xi32, #tpu.memory_space<vmem>> -> memref<96xi32, #tpu.memory_space<vmem>>
    %dma_wait3A_274 = tpu.memref_slice %arg3[%add3A_269] : memref<320000xi32, #tpu.memory_space<hbm>> -> memref<96xi32, #tpu.memory_space<hbm>>
    %dma_wait3A_275 = arith.constant 0 : i32
    %dma_wait3A_276 = tpu.memref_slice %arg14[%dma_wait3A_270, %dma_wait3A_275] : memref<2x96xi32, #tpu.memory_space<vmem>> -> memref<1x96xi32, #tpu.memory_space<vmem>>
    %dma_wait3A_277 = tpu.memref_squeeze %dma_wait3A_276 : memref<1x96xi32, #tpu.memory_space<vmem>> -> memref<96xi32, #tpu.memory_space<vmem>>
    %dma_wait3A_278 = tpu.memref_slice %arg3[%add3A_269] : memref<320000xi32, #tpu.memory_space<hbm>> -> memref<96xi32, #tpu.memory_space<hbm>>
    tpu.wait_dma2 semaphore(%arg19 : memref<!tpu.dma_semaphore, #tpu.memory_space<semaphore_mem>>) src(%dma_wait3A_278 : memref<96xi32, #tpu.memory_space<hbm>>) dst(%dma_wait3A_277 : memref<96xi32, #tpu.memory_space<vmem>>)
    %add3A_279 = arith.constant 9888 : i32
    %add3A_280 = arith.addi %mul3A_2, %add3A_279 : i32
    %dma_wait3A_281 = arith.constant 1 : i32
    %dma_wait3A_282 = arith.constant 0 : i32
    %dma_wait3A_283 = tpu.memref_slice %arg14[%dma_wait3A_281, %dma_wait3A_282] : memref<2x96xi32, #tpu.memory_space<vmem>> -> memref<1x96xi32, #tpu.memory_space<vmem>>
    %dma_wait3A_284 = tpu.memref_squeeze %dma_wait3A_283 : memref<1x96xi32, #tpu.memory_space<vmem>> -> memref<96xi32, #tpu.memory_space<vmem>>
    %dma_wait3A_285 = tpu.memref_slice %arg4[%add3A_280] : memref<320000xi32, #tpu.memory_space<hbm>> -> memref<96xi32, #tpu.memory_space<hbm>>
    %dma_wait3A_286 = arith.constant 0 : i32
    %dma_wait3A_287 = tpu.memref_slice %arg14[%dma_wait3A_281, %dma_wait3A_286] : memref<2x96xi32, #tpu.memory_space<vmem>> -> memref<1x96xi32, #tpu.memory_space<vmem>>
    %dma_wait3A_288 = tpu.memref_squeeze %dma_wait3A_287 : memref<1x96xi32, #tpu.memory_space<vmem>> -> memref<96xi32, #tpu.memory_space<vmem>>
    %dma_wait3A_289 = tpu.memref_slice %arg4[%add3A_280] : memref<320000xi32, #tpu.memory_space<hbm>> -> memref<96xi32, #tpu.memory_space<hbm>>
    tpu.wait_dma2 semaphore(%arg19 : memref<!tpu.dma_semaphore, #tpu.memory_space<semaphore_mem>>) src(%dma_wait3A_289 : memref<96xi32, #tpu.memory_space<hbm>>) dst(%dma_wait3A_288 : memref<96xi32, #tpu.memory_space<vmem>>)
    %dma_start3A_290 = arith.constant 0 : i32
    %dma_start3A_291 = arith.constant 0 : i32
    %dma_start3A_292 = tpu.memref_slice %arg14[%dma_start3A_290, %dma_start3A_291] : memref<2x96xi32, #tpu.memory_space<vmem>> -> memref<1x96xi32, #tpu.memory_space<vmem>>
    %dma_start3A_293 = tpu.memref_squeeze %dma_start3A_292 : memref<1x96xi32, #tpu.memory_space<vmem>> -> memref<96xi32, #tpu.memory_space<vmem>>
    %dma_start3A_294 = arith.constant 0 : i32
    %dma_start3A_295 = arith.constant 0 : i32
    %dma_start3A_296 = tpu.memref_slice %arg2[%dma_start3A_294, %dma_start3A_295] : memref<10000x128xf32, #tpu.memory_space<hbm>> -> memref<10000x128xf32, #tpu.memory_space<hbm>>
    tpu.enqueue_indirect_dma source(%dma_start3A_296 : memref<10000x128xf32, #tpu.memory_space<hbm>>) target(%arg10 : memref<96x128xf32, #tpu.memory_space<vmem>>) offsets(%dma_start3A_293 : memref<96xi32, #tpu.memory_space<vmem>>) semaphore(%arg23 : memref<!tpu.dma_semaphore, #tpu.memory_space<semaphore_mem>>)
    %dma_wait3A_297 = arith.constant 1 : i32
    %dma_wait3A_298 = arith.constant 0 : i32
    %dma_wait3A_299 = tpu.memref_slice %arg12[%dma_wait3A_297, %dma_wait3A_298] : memref<2x96xi32, #tpu.memory_space<vmem>> -> memref<1x96xi32, #tpu.memory_space<vmem>>
    %dma_wait3A_300 = tpu.memref_squeeze %dma_wait3A_299 : memref<1x96xi32, #tpu.memory_space<vmem>> -> memref<96xi32, #tpu.memory_space<vmem>>
    %dma_wait3A_301 = arith.constant 0 : i32
    %dma_wait3A_302 = arith.constant 0 : i32
    %dma_wait3A_303 = tpu.memref_slice %arg15[%dma_wait3A_301, %dma_wait3A_302] : memref<10000x128xf32, #tpu.memory_space<vmem_shared>> -> memref<10000x128xf32, #tpu.memory_space<vmem_shared>>
    tpu.wait_indirect_dma semaphore(%arg25 : memref<!tpu.dma_semaphore, #tpu.memory_space<semaphore_mem>>) src(%arg8 : memref<96x128xf32, #tpu.memory_space<vmem>>) dst(%dma_wait3A_303 : memref<10000x128xf32, #tpu.memory_space<vmem_shared>>)
    %dma_wait3A_304 = arith.constant 0 : i32
    %dma_wait3A_305 = arith.constant 0 : i32
    %dma_wait3A_306 = tpu.memref_slice %arg14[%dma_wait3A_304, %dma_wait3A_305] : memref<2x96xi32, #tpu.memory_space<vmem>> -> memref<1x96xi32, #tpu.memory_space<vmem>>
    %dma_wait3A_307 = tpu.memref_squeeze %dma_wait3A_306 : memref<1x96xi32, #tpu.memory_space<vmem>> -> memref<96xi32, #tpu.memory_space<vmem>>
    %dma_wait3A_308 = arith.constant 0 : i32
    %dma_wait3A_309 = arith.constant 0 : i32
    %dma_wait3A_310 = tpu.memref_slice %arg2[%dma_wait3A_308, %dma_wait3A_309] : memref<10000x128xf32, #tpu.memory_space<hbm>> -> memref<10000x128xf32, #tpu.memory_space<hbm>>
    tpu.wait_indirect_dma semaphore(%arg23 : memref<!tpu.dma_semaphore, #tpu.memory_space<semaphore_mem>>) src(%dma_wait3A_310 : memref<10000x128xf32, #tpu.memory_space<hbm>>) dst(%arg10 : memref<96x128xf32, #tpu.memory_space<vmem>>)
    %dma_start3A_311 = arith.constant 1 : i32
    %dma_start3A_312 = arith.constant 0 : i32
    %dma_start3A_313 = tpu.memref_slice %arg14[%dma_start3A_311, %dma_start3A_312] : memref<2x96xi32, #tpu.memory_space<vmem>> -> memref<1x96xi32, #tpu.memory_space<vmem>>
    %dma_start3A_314 = tpu.memref_squeeze %dma_start3A_313 : memref<1x96xi32, #tpu.memory_space<vmem>> -> memref<96xi32, #tpu.memory_space<vmem>>
    %dma_start3A_315 = arith.constant 0 : i32
    %dma_start3A_316 = arith.constant 0 : i32
    %dma_start3A_317 = tpu.memref_slice %arg15[%dma_start3A_315, %dma_start3A_316] : memref<10000x128xf32, #tpu.memory_space<vmem_shared>> -> memref<10000x128xf32, #tpu.memory_space<vmem_shared>>
    tpu.enqueue_indirect_dma source(%arg10 : memref<96x128xf32, #tpu.memory_space<vmem>>) target(%dma_start3A_317 : memref<10000x128xf32, #tpu.memory_space<vmem_shared>>) offsets(%dma_start3A_314 : memref<96xi32, #tpu.memory_space<vmem>>) semaphore(%arg27 : memref<!tpu.dma_semaphore, #tpu.memory_space<semaphore_mem>>) {add = true}
    %add3A_318 = arith.constant 9984 : i32
    %add3A_319 = arith.addi %mul3A_2, %add3A_318 : i32
    %dma_wait3A_320 = arith.constant 0 : i32
    %dma_wait3A_321 = arith.constant 0 : i32
    %dma_wait3A_322 = tpu.memref_slice %arg11[%dma_wait3A_320, %dma_wait3A_321] : memref<2x96xi32, #tpu.memory_space<vmem>> -> memref<1x16xi32, #tpu.memory_space<vmem>>
    %dma_wait3A_323 = tpu.memref_squeeze %dma_wait3A_322 : memref<1x16xi32, #tpu.memory_space<vmem>> -> memref<16xi32, #tpu.memory_space<vmem>>
    %dma_wait3A_324 = tpu.memref_slice %arg3[%add3A_319] : memref<320000xi32, #tpu.memory_space<hbm>> -> memref<16xi32, #tpu.memory_space<hbm>>
    %dma_wait3A_325 = arith.constant 0 : i32
    %dma_wait3A_326 = tpu.memref_slice %arg11[%dma_wait3A_320, %dma_wait3A_325] : memref<2x96xi32, #tpu.memory_space<vmem>> -> memref<1x16xi32, #tpu.memory_space<vmem>>
    %dma_wait3A_327 = tpu.memref_squeeze %dma_wait3A_326 : memref<1x16xi32, #tpu.memory_space<vmem>> -> memref<16xi32, #tpu.memory_space<vmem>>
    %dma_wait3A_328 = tpu.memref_slice %arg3[%add3A_319] : memref<320000xi32, #tpu.memory_space<hbm>> -> memref<16xi32, #tpu.memory_space<hbm>>
    tpu.wait_dma2 semaphore(%arg16 : memref<!tpu.dma_semaphore, #tpu.memory_space<semaphore_mem>>) src(%dma_wait3A_328 : memref<16xi32, #tpu.memory_space<hbm>>) dst(%dma_wait3A_327 : memref<16xi32, #tpu.memory_space<vmem>>)
    %add3A_329 = arith.constant 9984 : i32
    %add3A_330 = arith.addi %mul3A_2, %add3A_329 : i32
    %dma_wait3A_331 = arith.constant 1 : i32
    %dma_wait3A_332 = arith.constant 0 : i32
    %dma_wait3A_333 = tpu.memref_slice %arg11[%dma_wait3A_331, %dma_wait3A_332] : memref<2x96xi32, #tpu.memory_space<vmem>> -> memref<1x16xi32, #tpu.memory_space<vmem>>
    %dma_wait3A_334 = tpu.memref_squeeze %dma_wait3A_333 : memref<1x16xi32, #tpu.memory_space<vmem>> -> memref<16xi32, #tpu.memory_space<vmem>>
    %dma_wait3A_335 = tpu.memref_slice %arg4[%add3A_330] : memref<320000xi32, #tpu.memory_space<hbm>> -> memref<16xi32, #tpu.memory_space<hbm>>
    %dma_wait3A_336 = arith.constant 0 : i32
    %dma_wait3A_337 = tpu.memref_slice %arg11[%dma_wait3A_331, %dma_wait3A_336] : memref<2x96xi32, #tpu.memory_space<vmem>> -> memref<1x16xi32, #tpu.memory_space<vmem>>
    %dma_wait3A_338 = tpu.memref_squeeze %dma_wait3A_337 : memref<1x16xi32, #tpu.memory_space<vmem>> -> memref<16xi32, #tpu.memory_space<vmem>>
    %dma_wait3A_339 = tpu.memref_slice %arg4[%add3A_330] : memref<320000xi32, #tpu.memory_space<hbm>> -> memref<16xi32, #tpu.memory_space<hbm>>
    tpu.wait_dma2 semaphore(%arg16 : memref<!tpu.dma_semaphore, #tpu.memory_space<semaphore_mem>>) src(%dma_wait3A_339 : memref<16xi32, #tpu.memory_space<hbm>>) dst(%dma_wait3A_338 : memref<16xi32, #tpu.memory_space<vmem>>)
    %dma_start3A_340 = arith.constant 0 : i32
    %dma_start3A_341 = arith.constant 0 : i32
    %dma_start3A_342 = arith.constant 0 : i32
    %dma_start3A_343 = tpu.memref_slice %arg7[%dma_start3A_341, %dma_start3A_342] : memref<96x128xf32, #tpu.memory_space<vmem>> -> memref<16x128xf32, #tpu.memory_space<vmem>>
    %dma_start3A_344 = arith.constant 0 : i32
    %dma_start3A_345 = tpu.memref_slice %arg11[%dma_start3A_340, %dma_start3A_344] : memref<2x96xi32, #tpu.memory_space<vmem>> -> memref<1x16xi32, #tpu.memory_space<vmem>>
    %dma_start3A_346 = tpu.memref_squeeze %dma_start3A_345 : memref<1x16xi32, #tpu.memory_space<vmem>> -> memref<16xi32, #tpu.memory_space<vmem>>
    %dma_start3A_347 = arith.constant 0 : i32
    %dma_start3A_348 = arith.constant 0 : i32
    %dma_start3A_349 = tpu.memref_slice %arg2[%dma_start3A_347, %dma_start3A_348] : memref<10000x128xf32, #tpu.memory_space<hbm>> -> memref<10000x128xf32, #tpu.memory_space<hbm>>
    tpu.enqueue_indirect_dma source(%dma_start3A_349 : memref<10000x128xf32, #tpu.memory_space<hbm>>) target(%dma_start3A_343 : memref<16x128xf32, #tpu.memory_space<vmem>>) offsets(%dma_start3A_346 : memref<16xi32, #tpu.memory_space<vmem>>) semaphore(%arg20 : memref<!tpu.dma_semaphore, #tpu.memory_space<semaphore_mem>>)
    %dma_wait3A_350 = arith.constant 1 : i32
    %dma_wait3A_351 = arith.constant 0 : i32
    %dma_wait3A_352 = tpu.memref_slice %arg13[%dma_wait3A_350, %dma_wait3A_351] : memref<2x96xi32, #tpu.memory_space<vmem>> -> memref<1x96xi32, #tpu.memory_space<vmem>>
    %dma_wait3A_353 = tpu.memref_squeeze %dma_wait3A_352 : memref<1x96xi32, #tpu.memory_space<vmem>> -> memref<96xi32, #tpu.memory_space<vmem>>
    %dma_wait3A_354 = arith.constant 0 : i32
    %dma_wait3A_355 = arith.constant 0 : i32
    %dma_wait3A_356 = tpu.memref_slice %arg15[%dma_wait3A_354, %dma_wait3A_355] : memref<10000x128xf32, #tpu.memory_space<vmem_shared>> -> memref<10000x128xf32, #tpu.memory_space<vmem_shared>>
    tpu.wait_indirect_dma semaphore(%arg26 : memref<!tpu.dma_semaphore, #tpu.memory_space<semaphore_mem>>) src(%arg9 : memref<96x128xf32, #tpu.memory_space<vmem>>) dst(%dma_wait3A_356 : memref<10000x128xf32, #tpu.memory_space<vmem_shared>>)
    %dma_wait3A_357 = arith.constant 1 : i32
    %dma_wait3A_358 = arith.constant 0 : i32
    %dma_wait3A_359 = tpu.memref_slice %arg14[%dma_wait3A_357, %dma_wait3A_358] : memref<2x96xi32, #tpu.memory_space<vmem>> -> memref<1x96xi32, #tpu.memory_space<vmem>>
    %dma_wait3A_360 = tpu.memref_squeeze %dma_wait3A_359 : memref<1x96xi32, #tpu.memory_space<vmem>> -> memref<96xi32, #tpu.memory_space<vmem>>
    %dma_wait3A_361 = arith.constant 0 : i32
    %dma_wait3A_362 = arith.constant 0 : i32
    %dma_wait3A_363 = tpu.memref_slice %arg15[%dma_wait3A_361, %dma_wait3A_362] : memref<10000x128xf32, #tpu.memory_space<vmem_shared>> -> memref<10000x128xf32, #tpu.memory_space<vmem_shared>>
    tpu.wait_indirect_dma semaphore(%arg27 : memref<!tpu.dma_semaphore, #tpu.memory_space<semaphore_mem>>) src(%arg10 : memref<96x128xf32, #tpu.memory_space<vmem>>) dst(%dma_wait3A_363 : memref<10000x128xf32, #tpu.memory_space<vmem_shared>>)
    %dma_wait3A_364 = arith.constant 0 : i32
    %dma_wait3A_365 = arith.constant 0 : i32
    %dma_wait3A_366 = arith.constant 0 : i32
    %dma_wait3A_367 = tpu.memref_slice %arg7[%dma_wait3A_365, %dma_wait3A_366] : memref<96x128xf32, #tpu.memory_space<vmem>> -> memref<16x128xf32, #tpu.memory_space<vmem>>
    %dma_wait3A_368 = arith.constant 0 : i32
    %dma_wait3A_369 = tpu.memref_slice %arg11[%dma_wait3A_364, %dma_wait3A_368] : memref<2x96xi32, #tpu.memory_space<vmem>> -> memref<1x16xi32, #tpu.memory_space<vmem>>
    %dma_wait3A_370 = tpu.memref_squeeze %dma_wait3A_369 : memref<1x16xi32, #tpu.memory_space<vmem>> -> memref<16xi32, #tpu.memory_space<vmem>>
    %dma_wait3A_371 = arith.constant 0 : i32
    %dma_wait3A_372 = arith.constant 0 : i32
    %dma_wait3A_373 = tpu.memref_slice %arg2[%dma_wait3A_371, %dma_wait3A_372] : memref<10000x128xf32, #tpu.memory_space<hbm>> -> memref<10000x128xf32, #tpu.memory_space<hbm>>
    tpu.wait_indirect_dma semaphore(%arg20 : memref<!tpu.dma_semaphore, #tpu.memory_space<semaphore_mem>>) src(%dma_wait3A_373 : memref<10000x128xf32, #tpu.memory_space<hbm>>) dst(%dma_wait3A_367 : memref<16x128xf32, #tpu.memory_space<vmem>>)
    %run_scoped3A = arith.constant 1 : i32
    "tpu.region"() ({
      %run_scoped3A_377 = tpu.sem_alloc : memref<!tpu.dma_semaphore, #tpu.memory_space<semaphore_mem>>
      %dma_start3A_378 = arith.constant 0 : i32
      %dma_start3A_379 = arith.constant 0 : i32
      %dma_start3A_380 = tpu.memref_slice %arg7[%dma_start3A_378, %dma_start3A_379] : memref<96x128xf32, #tpu.memory_space<vmem>> -> memref<16x128xf32, #tpu.memory_space<vmem>>
      %dma_start3A_381 = arith.constant 0 : i32
      %dma_start3A_382 = tpu.memref_slice %arg11[%run_scoped3A, %dma_start3A_381] : memref<2x96xi32, #tpu.memory_space<vmem>> -> memref<1x16xi32, #tpu.memory_space<vmem>>
      %dma_start3A_383 = tpu.memref_squeeze %dma_start3A_382 : memref<1x16xi32, #tpu.memory_space<vmem>> -> memref<16xi32, #tpu.memory_space<vmem>>
      %dma_start3A_384 = arith.constant 0 : i32
      %dma_start3A_385 = arith.constant 0 : i32
      %dma_start3A_386 = tpu.memref_slice %arg15[%dma_start3A_384, %dma_start3A_385] : memref<10000x128xf32, #tpu.memory_space<vmem_shared>> -> memref<10000x128xf32, #tpu.memory_space<vmem_shared>>
      tpu.enqueue_indirect_dma source(%dma_start3A_380 : memref<16x128xf32, #tpu.memory_space<vmem>>) target(%dma_start3A_386 : memref<10000x128xf32, #tpu.memory_space<vmem_shared>>) offsets(%dma_start3A_383 : memref<16xi32, #tpu.memory_space<vmem>>) semaphore(%run_scoped3A_377 : memref<!tpu.dma_semaphore, #tpu.memory_space<semaphore_mem>>) {add = true}
      %dma_wait3A_387 = arith.constant 0 : i32
      %dma_wait3A_388 = arith.constant 0 : i32
      %dma_wait3A_389 = tpu.memref_slice %arg7[%dma_wait3A_387, %dma_wait3A_388] : memref<96x128xf32, #tpu.memory_space<vmem>> -> memref<16x128xf32, #tpu.memory_space<vmem>>
      %dma_wait3A_390 = arith.constant 0 : i32
      %dma_wait3A_391 = tpu.memref_slice %arg11[%run_scoped3A, %dma_wait3A_390] : memref<2x96xi32, #tpu.memory_space<vmem>> -> memref<1x16xi32, #tpu.memory_space<vmem>>
      %dma_wait3A_392 = tpu.memref_squeeze %dma_wait3A_391 : memref<1x16xi32, #tpu.memory_space<vmem>> -> memref<16xi32, #tpu.memory_space<vmem>>
      %dma_wait3A_393 = arith.constant 0 : i32
      %dma_wait3A_394 = arith.constant 0 : i32
      %dma_wait3A_395 = tpu.memref_slice %arg15[%dma_wait3A_393, %dma_wait3A_394] : memref<10000x128xf32, #tpu.memory_space<vmem_shared>> -> memref<10000x128xf32, #tpu.memory_space<vmem_shared>>
      tpu.wait_indirect_dma semaphore(%run_scoped3A_377 : memref<!tpu.dma_semaphore, #tpu.memory_space<semaphore_mem>>) src(%dma_wait3A_389 : memref<16x128xf32, #tpu.memory_space<vmem>>) dst(%dma_wait3A_395 : memref<10000x128xf32, #tpu.memory_space<vmem_shared>>)
      tpu.yield
    }) : () -> ()
    %barrier3A_374 = arith.constant 0 : index
    tpu.barrier barrier_id(%barrier3A_374)
    %mul3A_375 = arith.constant 625 : i32
    %mul3A_376 = arith.muli %arg1, %mul3A_375 : i32
    "tpu.region"() ({
      %run_scoped3A_377 = tpu.sem_alloc : memref<!tpu.dma_semaphore, #tpu.memory_space<semaphore_mem>>
      %dma_start3A_378 = arith.constant 0 : i32
      %dma_start3A_379 = arith.constant 0 : i32
      %dma_start3A_380 = tpu.memref_slice %arg6[%arg0, %arg1, %dma_start3A_378, %dma_start3A_379] : memref<2x16x625x128xf32, #tpu.memory_space<hbm>> -> memref<1x1x625x128xf32, #tpu.memory_space<hbm>>
      %dma_start3A_381 = tpu.memref_squeeze %dma_start3A_380 : memref<1x1x625x128xf32, #tpu.memory_space<hbm>> -> memref<625x128xf32, #tpu.memory_space<hbm>>
      %dma_start3A_382 = arith.constant 0 : i32
      %dma_start3A_383 = tpu.memref_slice %arg15[%mul3A_376, %dma_start3A_382] : memref<10000x128xf32, #tpu.memory_space<vmem_shared>> -> memref<625x128xf32, #tpu.memory_space<vmem_shared>>
      tpu.enqueue_dma source(%dma_start3A_383 : memref<625x128xf32, #tpu.memory_space<vmem_shared>>) target(%dma_start3A_381 : memref<625x128xf32, #tpu.memory_space<hbm>>) target_semaphore(%run_scoped3A_377 : memref<!tpu.dma_semaphore, #tpu.memory_space<semaphore_mem>>)
      %dma_wait3A_384 = arith.constant 0 : i32
      %dma_wait3A_385 = arith.constant 0 : i32
      %dma_wait3A_386 = tpu.memref_slice %arg6[%arg0, %arg1, %dma_wait3A_384, %dma_wait3A_385] : memref<2x16x625x128xf32, #tpu.memory_space<hbm>> -> memref<1x1x625x128xf32, #tpu.memory_space<hbm>>
      %dma_wait3A_387 = tpu.memref_squeeze %dma_wait3A_386 : memref<1x1x625x128xf32, #tpu.memory_space<hbm>> -> memref<625x128xf32, #tpu.memory_space<hbm>>
      %dma_wait3A_388 = arith.constant 0 : i32
      %dma_wait3A_389 = tpu.memref_slice %arg15[%mul3A_376, %dma_wait3A_388] : memref<10000x128xf32, #tpu.memory_space<vmem_shared>> -> memref<625x128xf32, #tpu.memory_space<vmem_shared>>
      tpu.wait_dma2 semaphore(%run_scoped3A_377 : memref<!tpu.dma_semaphore, #tpu.memory_space<semaphore_mem>>) src(%dma_wait3A_389 : memref<625x128xf32, #tpu.memory_space<vmem_shared>>) dst(%dma_wait3A_387 : memref<625x128xf32, #tpu.memory_space<hbm>>)
      tpu.yield
    }) : () -> ()
    return
  }
}

#map = affine_map<(d0, d1) -> (0, 0)>
#map1 = affine_map<(d0, d1) -> (0)>
#map2 = affine_map<(d0, d1) -> (0, 0, 0)>
#map3 = affine_map<(d0, d1) -> (0, 0, 0, 0)>
module attributes {stable_mosaic.version = 14 : i64} {
  func.func @agg(%arg0: i32, %arg1: i32, %arg2: memref<10000x128xf32, #tpu.memory_space<hbm>>, %arg3: memref<320000xi32, #tpu.memory_space<hbm>>, %arg4: memref<320000xi32, #tpu.memory_space<hbm>>, %arg5: memref<16x625x128xf32, #tpu.memory_space<hbm>>, %arg6: memref<2x16x625x128xf32, #tpu.memory_space<hbm>>, %arg7: memref<96x128xf32, #tpu.memory_space<vmem>>, %arg8: memref<96x128xf32, #tpu.memory_space<vmem>>, %arg9: memref<96x128xf32, #tpu.memory_space<vmem>>, %arg10: memref<96x128xf32, #tpu.memory_space<vmem>>, %arg11: memref<2x96xi32, #tpu.memory_space<vmem>>, %arg12: memref<2x96xi32, #tpu.memory_space<vmem>>, %arg13: memref<2x96xi32, #tpu.memory_space<vmem>>, %arg14: memref<2x96xi32, #tpu.memory_space<vmem>>, %arg15: memref<10000x128xf32, #tpu.memory_space<vmem_shared>>, %arg16: memref<!tpu.dma_semaphore, #tpu.memory_space<semaphore_mem>>, %arg17: memref<!tpu.dma_semaphore, #tpu.memory_space<semaphore_mem>>, %arg18: memref<!tpu.dma_semaphore, #tpu.memory_space<semaphore_mem>>, %arg19: memref<!tpu.dma_semaphore, #tpu.memory_space<semaphore_mem>>, %arg20: memref<!tpu.dma_semaphore, #tpu.memory_space<semaphore_mem>>, %arg21: memref<!tpu.dma_semaphore, #tpu.memory_space<semaphore_mem>>, %arg22: memref<!tpu.dma_semaphore, #tpu.memory_space<semaphore_mem>>, %arg23: memref<!tpu.dma_semaphore, #tpu.memory_space<semaphore_mem>>, %arg24: memref<!tpu.dma_semaphore, #tpu.memory_space<semaphore_mem>>, %arg25: memref<!tpu.dma_semaphore, #tpu.memory_space<semaphore_mem>>, %arg26: memref<!tpu.dma_semaphore, #tpu.memory_space<semaphore_mem>>, %arg27: memref<!tpu.dma_semaphore, #tpu.memory_space<semaphore_mem>>) attributes {dimension_semantics = [#tpu.dimension_semantics<core_parallel>, #tpu.dimension_semantics<subcore_parallel>], iteration_bounds = array<i64: 2, 16>, scalar_prefetch = 0 : i64, scratch_operands = 21 : i64, tpu.core_type = #tpu.core_type<sc_vector_subcore>, window_params = [{transform_indices = #map}, {transform_indices = #map1}, {transform_indices = #map1}, {transform_indices = #map2}, {transform_indices = #map3}]} {
    %mul3A = arith.constant 2 : i32
    %mul3A_0 = arith.muli %arg1, %mul3A : i32
    %add3A = arith.addi %mul3A_0, %arg0 : i32
    %mul3A_1 = arith.constant 10000 : i32
    %mul3A_2 = arith.muli %add3A, %mul3A_1 : i32
    %add3A_3 = arith.constant 0 : i32
    %add3A_4 = arith.addi %mul3A_2, %add3A_3 : i32
    %dma_start3A = arith.constant 0 : i32
    %dma_start3A_5 = arith.constant 0 : i32
    %dma_start3A_6 = tpu.memref_slice %arg11[%dma_start3A, %dma_start3A_5] : memref<2x96xi32, #tpu.memory_space<vmem>> -> memref<1x96xi32, #tpu.memory_space<vmem>>
    %dma_start3A_7 = tpu.memref_squeeze %dma_start3A_6 : memref<1x96xi32, #tpu.memory_space<vmem>> -> memref<96xi32, #tpu.memory_space<vmem>>
    %dma_start3A_8 = tpu.memref_slice %arg3[%add3A_4] : memref<320000xi32, #tpu.memory_space<hbm>> -> memref<96xi32, #tpu.memory_space<hbm>>
    %dma_start3A_9 = arith.constant 0 : i32
    %dma_start3A_10 = tpu.memref_slice %arg11[%dma_start3A, %dma_start3A_9] : memref<2x96xi32, #tpu.memory_space<vmem>> -> memref<1x96xi32, #tpu.memory_space<vmem>>
    %dma_start3A_11 = tpu.memref_squeeze %dma_start3A_10 : memref<1x96xi32, #tpu.memory_space<vmem>> -> memref<96xi32, #tpu.memory_space<vmem>>
    %dma_start3A_12 = tpu.memref_slice %arg3[%add3A_4] : memref<320000xi32, #tpu.memory_space<hbm>> -> memref<96xi32, #tpu.memory_space<hbm>>
    tpu.enqueue_dma source(%dma_start3A_12 : memref<96xi32, #tpu.memory_space<hbm>>) target(%dma_start3A_11 : memref<96xi32, #tpu.memory_space<vmem>>) target_semaphore(%arg16 : memref<!tpu.dma_semaphore, #tpu.memory_space<semaphore_mem>>)
    %add3A_13 = arith.constant 0 : i32
    %add3A_14 = arith.addi %mul3A_2, %add3A_13 : i32
    %dma_start3A_15 = arith.constant 1 : i32
    %dma_start3A_16 = arith.constant 0 : i32
    %dma_start3A_17 = tpu.memref_slice %arg11[%dma_start3A_15, %dma_start3A_16] : memref<2x96xi32, #tpu.memory_space<vmem>> -> memref<1x96xi32, #tpu.memory_space<vmem>>
    %dma_start3A_18 = tpu.memref_squeeze %dma_start3A_17 : memref<1x96xi32, #tpu.memory_space<vmem>> -> memref<96xi32, #tpu.memory_space<vmem>>
    %dma_start3A_19 = tpu.memref_slice %arg4[%add3A_14] : memref<320000xi32, #tpu.memory_space<hbm>> -> memref<96xi32, #tpu.memory_space<hbm>>
    %dma_start3A_20 = arith.constant 0 : i32
    %dma_start3A_21 = tpu.memref_slice %arg11[%dma_start3A_15, %dma_start3A_20] : memref<2x96xi32, #tpu.memory_space<vmem>> -> memref<1x96xi32, #tpu.memory_space<vmem>>
    %dma_start3A_22 = tpu.memref_squeeze %dma_start3A_21 : memref<1x96xi32, #tpu.memory_space<vmem>> -> memref<96xi32, #tpu.memory_space<vmem>>
    %dma_start3A_23 = tpu.memref_slice %arg4[%add3A_14] : memref<320000xi32, #tpu.memory_space<hbm>> -> memref<96xi32, #tpu.memory_space<hbm>>
    tpu.enqueue_dma source(%dma_start3A_23 : memref<96xi32, #tpu.memory_space<hbm>>) target(%dma_start3A_22 : memref<96xi32, #tpu.memory_space<vmem>>) target_semaphore(%arg16 : memref<!tpu.dma_semaphore, #tpu.memory_space<semaphore_mem>>)
    %add3A_24 = arith.constant 96 : i32
    %add3A_25 = arith.addi %mul3A_2, %add3A_24 : i32
    %dma_start3A_26 = arith.constant 0 : i32
    %dma_start3A_27 = arith.constant 0 : i32
    %dma_start3A_28 = tpu.memref_slice %arg12[%dma_start3A_26, %dma_start3A_27] : memref<2x96xi32, #tpu.memory_space<vmem>> -> memref<1x96xi32, #tpu.memory_space<vmem>>
    %dma_start3A_29 = tpu.memref_squeeze %dma_start3A_28 : memref<1x96xi32, #tpu.memory_space<vmem>> -> memref<96xi32, #tpu.memory_space<vmem>>
    %dma_start3A_30 = tpu.memref_slice %arg3[%add3A_25] : memref<320000xi32, #tpu.memory_space<hbm>> -> memref<96xi32, #tpu.memory_space<hbm>>
    %dma_start3A_31 = arith.constant 0 : i32
    %dma_start3A_32 = tpu.memref_slice %arg12[%dma_start3A_26, %dma_start3A_31] : memref<2x96xi32, #tpu.memory_space<vmem>> -> memref<1x96xi32, #tpu.memory_space<vmem>>
    %dma_start3A_33 = tpu.memref_squeeze %dma_start3A_32 : memref<1x96xi32, #tpu.memory_space<vmem>> -> memref<96xi32, #tpu.memory_space<vmem>>
    %dma_start3A_34 = tpu.memref_slice %arg3[%add3A_25] : memref<320000xi32, #tpu.memory_space<hbm>> -> memref<96xi32, #tpu.memory_space<hbm>>
    tpu.enqueue_dma source(%dma_start3A_34 : memref<96xi32, #tpu.memory_space<hbm>>) target(%dma_start3A_33 : memref<96xi32, #tpu.memory_space<vmem>>) target_semaphore(%arg17 : memref<!tpu.dma_semaphore, #tpu.memory_space<semaphore_mem>>)
    %add3A_35 = arith.constant 96 : i32
    %add3A_36 = arith.addi %mul3A_2, %add3A_35 : i32
    %dma_start3A_37 = arith.constant 1 : i32
    %dma_start3A_38 = arith.constant 0 : i32
    %dma_start3A_39 = tpu.memref_slice %arg12[%dma_start3A_37, %dma_start3A_38] : memref<2x96xi32, #tpu.memory_space<vmem>> -> memref<1x96xi32, #tpu.memory_space<vmem>>
    %dma_start3A_40 = tpu.memref_squeeze %dma_start3A_39 : memref<1x96xi32, #tpu.memory_space<vmem>> -> memref<96xi32, #tpu.memory_space<vmem>>
    %dma_start3A_41 = tpu.memref_slice %arg4[%add3A_36] : memref<320000xi32, #tpu.memory_space<hbm>> -> memref<96xi32, #tpu.memory_space<hbm>>
    %dma_start3A_42 = arith.constant 0 : i32
    %dma_start3A_43 = tpu.memref_slice %arg12[%dma_start3A_37, %dma_start3A_42] : memref<2x96xi32, #tpu.memory_space<vmem>> -> memref<1x96xi32, #tpu.memory_space<vmem>>
    %dma_start3A_44 = tpu.memref_squeeze %dma_start3A_43 : memref<1x96xi32, #tpu.memory_space<vmem>> -> memref<96xi32, #tpu.memory_space<vmem>>
    %dma_start3A_45 = tpu.memref_slice %arg4[%add3A_36] : memref<320000xi32, #tpu.memory_space<hbm>> -> memref<96xi32, #tpu.memory_space<hbm>>
    tpu.enqueue_dma source(%dma_start3A_45 : memref<96xi32, #tpu.memory_space<hbm>>) target(%dma_start3A_44 : memref<96xi32, #tpu.memory_space<vmem>>) target_semaphore(%arg17 : memref<!tpu.dma_semaphore, #tpu.memory_space<semaphore_mem>>)
    %mul3A_46 = arith.constant 625 : i32
    %mul3A_47 = arith.muli %arg1, %mul3A_46 : i32
    "tpu.region"() ({
      %run_scoped3A_377 = tpu.sem_alloc : memref<!tpu.dma_semaphore, #tpu.memory_space<semaphore_mem>>
      %dma_start3A_378 = arith.constant 0 : i32
      %dma_start3A_379 = tpu.memref_slice %arg15[%mul3A_47, %dma_start3A_378] : memref<10000x128xf32, #tpu.memory_space<vmem_shared>> -> memref<625x128xf32, #tpu.memory_space<vmem_shared>>
      %dma_start3A_380 = arith.constant 0 : i32
      %dma_start3A_381 = arith.constant 0 : i32
      %dma_start3A_382 = tpu.memref_slice %arg5[%arg1, %dma_start3A_380, %dma_start3A_381] : memref<16x625x128xf32, #tpu.memory_space<hbm>> -> memref<1x625x128xf32, #tpu.memory_space<hbm>>
      %dma_start3A_383 = tpu.memref_squeeze %dma_start3A_382 : memref<1x625x128xf32, #tpu.memory_space<hbm>> -> memref<625x128xf32, #tpu.memory_space<hbm>>
      tpu.enqueue_dma source(%dma_start3A_383 : memref<625x128xf32, #tpu.memory_space<hbm>>) target(%dma_start3A_379 : memref<625x128xf32, #tpu.memory_space<vmem_shared>>) target_semaphore(%run_scoped3A_377 : memref<!tpu.dma_semaphore, #tpu.memory_space<semaphore_mem>>)
      %dma_wait3A_384 = arith.constant 0 : i32
      %dma_wait3A_385 = tpu.memref_slice %arg15[%mul3A_47, %dma_wait3A_384] : memref<10000x128xf32, #tpu.memory_space<vmem_shared>> -> memref<625x128xf32, #tpu.memory_space<vmem_shared>>
      %dma_wait3A_386 = arith.constant 0 : i32
      %dma_wait3A_387 = arith.constant 0 : i32
      %dma_wait3A_388 = tpu.memref_slice %arg5[%arg1, %dma_wait3A_386, %dma_wait3A_387] : memref<16x625x128xf32, #tpu.memory_space<hbm>> -> memref<1x625x128xf32, #tpu.memory_space<hbm>>
      %dma_wait3A_389 = tpu.memref_squeeze %dma_wait3A_388 : memref<1x625x128xf32, #tpu.memory_space<hbm>> -> memref<625x128xf32, #tpu.memory_space<hbm>>
      tpu.wait_dma2 semaphore(%run_scoped3A_377 : memref<!tpu.dma_semaphore, #tpu.memory_space<semaphore_mem>>) src(%dma_wait3A_389 : memref<625x128xf32, #tpu.memory_space<hbm>>) dst(%dma_wait3A_385 : memref<625x128xf32, #tpu.memory_space<vmem_shared>>)
      tpu.yield
    }) : () -> ()
    %add3A_48 = arith.constant 0 : i32
    %add3A_49 = arith.addi %mul3A_2, %add3A_48 : i32
    %dma_wait3A = arith.constant 0 : i32
    %dma_wait3A_50 = arith.constant 0 : i32
    %dma_wait3A_51 = tpu.memref_slice %arg11[%dma_wait3A, %dma_wait3A_50] : memref<2x96xi32, #tpu.memory_space<vmem>> -> memref<1x96xi32, #tpu.memory_space<vmem>>
    %dma_wait3A_52 = tpu.memref_squeeze %dma_wait3A_51 : memref<1x96xi32, #tpu.memory_space<vmem>> -> memref<96xi32, #tpu.memory_space<vmem>>
    %dma_wait3A_53 = tpu.memref_slice %arg3[%add3A_49] : memref<320000xi32, #tpu.memory_space<hbm>> -> memref<96xi32, #tpu.memory_space<hbm>>
    %dma_wait3A_54 = arith.constant 0 : i32
    %dma_wait3A_55 = tpu.memref_slice %arg11[%dma_wait3A, %dma_wait3A_54] : memref<2x96xi32, #tpu.memory_space<vmem>> -> memref<1x96xi32, #tpu.memory_space<vmem>>
    %dma_wait3A_56 = tpu.memref_squeeze %dma_wait3A_55 : memref<1x96xi32, #tpu.memory_space<vmem>> -> memref<96xi32, #tpu.memory_space<vmem>>
    %dma_wait3A_57 = tpu.memref_slice %arg3[%add3A_49] : memref<320000xi32, #tpu.memory_space<hbm>> -> memref<96xi32, #tpu.memory_space<hbm>>
    tpu.wait_dma2 semaphore(%arg16 : memref<!tpu.dma_semaphore, #tpu.memory_space<semaphore_mem>>) src(%dma_wait3A_57 : memref<96xi32, #tpu.memory_space<hbm>>) dst(%dma_wait3A_56 : memref<96xi32, #tpu.memory_space<vmem>>)
    %add3A_58 = arith.constant 0 : i32
    %add3A_59 = arith.addi %mul3A_2, %add3A_58 : i32
    %dma_wait3A_60 = arith.constant 1 : i32
    %dma_wait3A_61 = arith.constant 0 : i32
    %dma_wait3A_62 = tpu.memref_slice %arg11[%dma_wait3A_60, %dma_wait3A_61] : memref<2x96xi32, #tpu.memory_space<vmem>> -> memref<1x96xi32, #tpu.memory_space<vmem>>
    %dma_wait3A_63 = tpu.memref_squeeze %dma_wait3A_62 : memref<1x96xi32, #tpu.memory_space<vmem>> -> memref<96xi32, #tpu.memory_space<vmem>>
    %dma_wait3A_64 = tpu.memref_slice %arg4[%add3A_59] : memref<320000xi32, #tpu.memory_space<hbm>> -> memref<96xi32, #tpu.memory_space<hbm>>
    %dma_wait3A_65 = arith.constant 0 : i32
    %dma_wait3A_66 = tpu.memref_slice %arg11[%dma_wait3A_60, %dma_wait3A_65] : memref<2x96xi32, #tpu.memory_space<vmem>> -> memref<1x96xi32, #tpu.memory_space<vmem>>
    %dma_wait3A_67 = tpu.memref_squeeze %dma_wait3A_66 : memref<1x96xi32, #tpu.memory_space<vmem>> -> memref<96xi32, #tpu.memory_space<vmem>>
    %dma_wait3A_68 = tpu.memref_slice %arg4[%add3A_59] : memref<320000xi32, #tpu.memory_space<hbm>> -> memref<96xi32, #tpu.memory_space<hbm>>
    tpu.wait_dma2 semaphore(%arg16 : memref<!tpu.dma_semaphore, #tpu.memory_space<semaphore_mem>>) src(%dma_wait3A_68 : memref<96xi32, #tpu.memory_space<hbm>>) dst(%dma_wait3A_67 : memref<96xi32, #tpu.memory_space<vmem>>)
    %dma_start3A_69 = arith.constant 0 : i32
    %dma_start3A_70 = arith.constant 0 : i32
    %dma_start3A_71 = tpu.memref_slice %arg11[%dma_start3A_69, %dma_start3A_70] : memref<2x96xi32, #tpu.memory_space<vmem>> -> memref<1x96xi32, #tpu.memory_space<vmem>>
    %dma_start3A_72 = tpu.memref_squeeze %dma_start3A_71 : memref<1x96xi32, #tpu.memory_space<vmem>> -> memref<96xi32, #tpu.memory_space<vmem>>
    %dma_start3A_73 = arith.constant 0 : i32
    %dma_start3A_74 = arith.constant 0 : i32
    %dma_start3A_75 = tpu.memref_slice %arg2[%dma_start3A_73, %dma_start3A_74] : memref<10000x128xf32, #tpu.memory_space<hbm>> -> memref<10000x128xf32, #tpu.memory_space<hbm>>
    tpu.enqueue_indirect_dma source(%dma_start3A_75 : memref<10000x128xf32, #tpu.memory_space<hbm>>) target(%arg7 : memref<96x128xf32, #tpu.memory_space<vmem>>) offsets(%dma_start3A_72 : memref<96xi32, #tpu.memory_space<vmem>>) semaphore(%arg20 : memref<!tpu.dma_semaphore, #tpu.memory_space<semaphore_mem>>)
    %barrier3A = arith.constant 0 : index
    tpu.barrier barrier_id(%barrier3A)
    %scan3A = arith.constant 0 : i32
    %scan3A_76 = arith.constant 0 : i32
    %scan3A_77 = arith.constant 25 : i32
    %scan3A_78 = arith.addi %scan3A_76, %scan3A_77 : i32
    %scan3A_79 = arith.constant 1 : i32
    scf.for %scan3A_377 = %scan3A_76 to %scan3A_78 step %scan3A_79  : i32 {
      %mul3A_378 = arith.constant 4 : i32
      %mul3A_379 = arith.muli %mul3A_378, %scan3A_377 : i32
      %add3A_380 = arith.constant 0 : i32
      %add3A_381 = arith.addi %mul3A_379, %add3A_380 : i32
      %gt3A = arith.constant 0 : i32
      %gt3A_382 = arith.cmpi sgt, %scan3A_377, %gt3A : i32
      %convert_element_type3A = arith.extui %gt3A_382 : i1 to i32
      %cond3A = arith.constant 0 : i32
      %cond3A_383 = arith.cmpi ne, %convert_element_type3A, %cond3A : i32
      scf.if %cond3A_383 {
        %dma_wait3A_707 = arith.constant 1 : i32
        %dma_wait3A_708 = arith.constant 0 : i32
        %dma_wait3A_709 = tpu.memref_slice %arg13[%dma_wait3A_707, %dma_wait3A_708] : memref<2x96xi32, #tpu.memory_space<vmem>> -> memref<1x96xi32, #tpu.memory_space<vmem>>
        %dma_wait3A_710 = tpu.memref_squeeze %dma_wait3A_709 : memref<1x96xi32, #tpu.memory_space<vmem>> -> memref<96xi32, #tpu.memory_space<vmem>>
        %dma_wait3A_711 = arith.constant 0 : i32
        %dma_wait3A_712 = arith.constant 0 : i32
        %dma_wait3A_713 = tpu.memref_slice %arg15[%dma_wait3A_711, %dma_wait3A_712] : memref<10000x128xf32, #tpu.memory_space<vmem_shared>> -> memref<10000x128xf32, #tpu.memory_space<vmem_shared>>
        tpu.wait_indirect_dma semaphore(%arg26 : memref<!tpu.dma_semaphore, #tpu.memory_space<semaphore_mem>>) src(%arg9 : memref<96x128xf32, #tpu.memory_space<vmem>>) dst(%dma_wait3A_713 : memref<10000x128xf32, #tpu.memory_space<vmem_shared>>)
      } else {
      }
      %add3A_384 = arith.constant 2 : i32
      %add3A_385 = arith.addi %add3A_381, %add3A_384 : i32
      %mul3A_386 = arith.constant 96 : i32
      %mul3A_387 = arith.muli %add3A_385, %mul3A_386 : i32
      %add3A_388 = arith.addi %mul3A_2, %mul3A_387 : i32
      %dma_start3A_389 = arith.constant 0 : i32
      %dma_start3A_390 = arith.constant 0 : i32
      %dma_start3A_391 = tpu.memref_slice %arg13[%dma_start3A_389, %dma_start3A_390] : memref<2x96xi32, #tpu.memory_space<vmem>> -> memref<1x96xi32, #tpu.memory_space<vmem>>
      %dma_start3A_392 = tpu.memref_squeeze %dma_start3A_391 : memref<1x96xi32, #tpu.memory_space<vmem>> -> memref<96xi32, #tpu.memory_space<vmem>>
      %dma_start3A_393 = tpu.memref_slice %arg3[%add3A_388] : memref<320000xi32, #tpu.memory_space<hbm>> -> memref<96xi32, #tpu.memory_space<hbm>>
      %dma_start3A_394 = arith.constant 0 : i32
      %dma_start3A_395 = tpu.memref_slice %arg13[%dma_start3A_389, %dma_start3A_394] : memref<2x96xi32, #tpu.memory_space<vmem>> -> memref<1x96xi32, #tpu.memory_space<vmem>>
      %dma_start3A_396 = tpu.memref_squeeze %dma_start3A_395 : memref<1x96xi32, #tpu.memory_space<vmem>> -> memref<96xi32, #tpu.memory_space<vmem>>
      %dma_start3A_397 = tpu.memref_slice %arg3[%add3A_388] : memref<320000xi32, #tpu.memory_space<hbm>> -> memref<96xi32, #tpu.memory_space<hbm>>
      tpu.enqueue_dma source(%dma_start3A_397 : memref<96xi32, #tpu.memory_space<hbm>>) target(%dma_start3A_396 : memref<96xi32, #tpu.memory_space<vmem>>) target_semaphore(%arg18 : memref<!tpu.dma_semaphore, #tpu.memory_space<semaphore_mem>>)
      %mul3A_398 = arith.constant 96 : i32
      %mul3A_399 = arith.muli %add3A_385, %mul3A_398 : i32
      %add3A_400 = arith.addi %mul3A_2, %mul3A_399 : i32
      %dma_start3A_401 = arith.constant 1 : i32
      %dma_start3A_402 = arith.constant 0 : i32
      %dma_start3A_403 = tpu.memref_slice %arg13[%dma_start3A_401, %dma_start3A_402] : memref<2x96xi32, #tpu.memory_space<vmem>> -> memref<1x96xi32, #tpu.memory_space<vmem>>
      %dma_start3A_404 = tpu.memref_squeeze %dma_start3A_403 : memref<1x96xi32, #tpu.memory_space<vmem>> -> memref<96xi32, #tpu.memory_space<vmem>>
      %dma_start3A_405 = tpu.memref_slice %arg4[%add3A_400] : memref<320000xi32, #tpu.memory_space<hbm>> -> memref<96xi32, #tpu.memory_space<hbm>>
      %dma_start3A_406 = arith.constant 0 : i32
      %dma_start3A_407 = tpu.memref_slice %arg13[%dma_start3A_401, %dma_start3A_406] : memref<2x96xi32, #tpu.memory_space<vmem>> -> memref<1x96xi32, #tpu.memory_space<vmem>>
      %dma_start3A_408 = tpu.memref_squeeze %dma_start3A_407 : memref<1x96xi32, #tpu.memory_space<vmem>> -> memref<96xi32, #tpu.memory_space<vmem>>
      %dma_start3A_409 = tpu.memref_slice %arg4[%add3A_400] : memref<320000xi32, #tpu.memory_space<hbm>> -> memref<96xi32, #tpu.memory_space<hbm>>
      tpu.enqueue_dma source(%dma_start3A_409 : memref<96xi32, #tpu.memory_space<hbm>>) target(%dma_start3A_408 : memref<96xi32, #tpu.memory_space<vmem>>) target_semaphore(%arg18 : memref<!tpu.dma_semaphore, #tpu.memory_space<semaphore_mem>>)
      %dma_wait3A_410 = arith.constant 0 : i32
      %dma_wait3A_411 = arith.constant 0 : i32
      %dma_wait3A_412 = tpu.memref_slice %arg11[%dma_wait3A_410, %dma_wait3A_411] : memref<2x96xi32, #tpu.memory_space<vmem>> -> memref<1x96xi32, #tpu.memory_space<vmem>>
      %dma_wait3A_413 = tpu.memref_squeeze %dma_wait3A_412 : memref<1x96xi32, #tpu.memory_space<vmem>> -> memref<96xi32, #tpu.memory_space<vmem>>
      %dma_wait3A_414 = arith.constant 0 : i32
      %dma_wait3A_415 = arith.constant 0 : i32
      %dma_wait3A_416 = tpu.memref_slice %arg2[%dma_wait3A_414, %dma_wait3A_415] : memref<10000x128xf32, #tpu.memory_space<hbm>> -> memref<10000x128xf32, #tpu.memory_space<hbm>>
      tpu.wait_indirect_dma semaphore(%arg20 : memref<!tpu.dma_semaphore, #tpu.memory_space<semaphore_mem>>) src(%dma_wait3A_416 : memref<10000x128xf32, #tpu.memory_space<hbm>>) dst(%arg7 : memref<96x128xf32, #tpu.memory_space<vmem>>)
      %dma_start3A_417 = arith.constant 1 : i32
      %dma_start3A_418 = arith.constant 0 : i32
      %dma_start3A_419 = tpu.memref_slice %arg11[%dma_start3A_417, %dma_start3A_418] : memref<2x96xi32, #tpu.memory_space<vmem>> -> memref<1x96xi32, #tpu.memory_space<vmem>>
      %dma_start3A_420 = tpu.memref_squeeze %dma_start3A_419 : memref<1x96xi32, #tpu.memory_space<vmem>> -> memref<96xi32, #tpu.memory_space<vmem>>
      %dma_start3A_421 = arith.constant 0 : i32
      %dma_start3A_422 = arith.constant 0 : i32
      %dma_start3A_423 = tpu.memref_slice %arg15[%dma_start3A_421, %dma_start3A_422] : memref<10000x128xf32, #tpu.memory_space<vmem_shared>> -> memref<10000x128xf32, #tpu.memory_space<vmem_shared>>
      tpu.enqueue_indirect_dma source(%arg7 : memref<96x128xf32, #tpu.memory_space<vmem>>) target(%dma_start3A_423 : memref<10000x128xf32, #tpu.memory_space<vmem_shared>>) offsets(%dma_start3A_420 : memref<96xi32, #tpu.memory_space<vmem>>) semaphore(%arg24 : memref<!tpu.dma_semaphore, #tpu.memory_space<semaphore_mem>>) {add = true}
      %add3A_424 = arith.constant 1 : i32
      %add3A_425 = arith.addi %add3A_381, %add3A_424 : i32
      %mul3A_426 = arith.constant 96 : i32
      %mul3A_427 = arith.muli %add3A_425, %mul3A_426 : i32
      %add3A_428 = arith.addi %mul3A_2, %mul3A_427 : i32
      %dma_wait3A_429 = arith.constant 0 : i32
      %dma_wait3A_430 = arith.constant 0 : i32
      %dma_wait3A_431 = tpu.memref_slice %arg12[%dma_wait3A_429, %dma_wait3A_430] : memref<2x96xi32, #tpu.memory_space<vmem>> -> memref<1x96xi32, #tpu.memory_space<vmem>>
      %dma_wait3A_432 = tpu.memref_squeeze %dma_wait3A_431 : memref<1x96xi32, #tpu.memory_space<vmem>> -> memref<96xi32, #tpu.memory_space<vmem>>
      %dma_wait3A_433 = tpu.memref_slice %arg3[%add3A_428] : memref<320000xi32, #tpu.memory_space<hbm>> -> memref<96xi32, #tpu.memory_space<hbm>>
      %dma_wait3A_434 = arith.constant 0 : i32
      %dma_wait3A_435 = tpu.memref_slice %arg12[%dma_wait3A_429, %dma_wait3A_434] : memref<2x96xi32, #tpu.memory_space<vmem>> -> memref<1x96xi32, #tpu.memory_space<vmem>>
      %dma_wait3A_436 = tpu.memref_squeeze %dma_wait3A_435 : memref<1x96xi32, #tpu.memory_space<vmem>> -> memref<96xi32, #tpu.memory_space<vmem>>
      %dma_wait3A_437 = tpu.memref_slice %arg3[%add3A_428] : memref<320000xi32, #tpu.memory_space<hbm>> -> memref<96xi32, #tpu.memory_space<hbm>>
      tpu.wait_dma2 semaphore(%arg17 : memref<!tpu.dma_semaphore, #tpu.memory_space<semaphore_mem>>) src(%dma_wait3A_437 : memref<96xi32, #tpu.memory_space<hbm>>) dst(%dma_wait3A_436 : memref<96xi32, #tpu.memory_space<vmem>>)
      %mul3A_438 = arith.constant 96 : i32
      %mul3A_439 = arith.muli %add3A_425, %mul3A_438 : i32
      %add3A_440 = arith.addi %mul3A_2, %mul3A_439 : i32
      %dma_wait3A_441 = arith.constant 1 : i32
      %dma_wait3A_442 = arith.constant 0 : i32
      %dma_wait3A_443 = tpu.memref_slice %arg12[%dma_wait3A_441, %dma_wait3A_442] : memref<2x96xi32, #tpu.memory_space<vmem>> -> memref<1x96xi32, #tpu.memory_space<vmem>>
      %dma_wait3A_444 = tpu.memref_squeeze %dma_wait3A_443 : memref<1x96xi32, #tpu.memory_space<vmem>> -> memref<96xi32, #tpu.memory_space<vmem>>
      %dma_wait3A_445 = tpu.memref_slice %arg4[%add3A_440] : memref<320000xi32, #tpu.memory_space<hbm>> -> memref<96xi32, #tpu.memory_space<hbm>>
      %dma_wait3A_446 = arith.constant 0 : i32
      %dma_wait3A_447 = tpu.memref_slice %arg12[%dma_wait3A_441, %dma_wait3A_446] : memref<2x96xi32, #tpu.memory_space<vmem>> -> memref<1x96xi32, #tpu.memory_space<vmem>>
      %dma_wait3A_448 = tpu.memref_squeeze %dma_wait3A_447 : memref<1x96xi32, #tpu.memory_space<vmem>> -> memref<96xi32, #tpu.memory_space<vmem>>
      %dma_wait3A_449 = tpu.memref_slice %arg4[%add3A_440] : memref<320000xi32, #tpu.memory_space<hbm>> -> memref<96xi32, #tpu.memory_space<hbm>>
      tpu.wait_dma2 semaphore(%arg17 : memref<!tpu.dma_semaphore, #tpu.memory_space<semaphore_mem>>) src(%dma_wait3A_449 : memref<96xi32, #tpu.memory_space<hbm>>) dst(%dma_wait3A_448 : memref<96xi32, #tpu.memory_space<vmem>>)
      %dma_start3A_450 = arith.constant 0 : i32
      %dma_start3A_451 = arith.constant 0 : i32
      %dma_start3A_452 = tpu.memref_slice %arg12[%dma_start3A_450, %dma_start3A_451] : memref<2x96xi32, #tpu.memory_space<vmem>> -> memref<1x96xi32, #tpu.memory_space<vmem>>
      %dma_start3A_453 = tpu.memref_squeeze %dma_start3A_452 : memref<1x96xi32, #tpu.memory_space<vmem>> -> memref<96xi32, #tpu.memory_space<vmem>>
      %dma_start3A_454 = arith.constant 0 : i32
      %dma_start3A_455 = arith.constant 0 : i32
      %dma_start3A_456 = tpu.memref_slice %arg2[%dma_start3A_454, %dma_start3A_455] : memref<10000x128xf32, #tpu.memory_space<hbm>> -> memref<10000x128xf32, #tpu.memory_space<hbm>>
      tpu.enqueue_indirect_dma source(%dma_start3A_456 : memref<10000x128xf32, #tpu.memory_space<hbm>>) target(%arg8 : memref<96x128xf32, #tpu.memory_space<vmem>>) offsets(%dma_start3A_453 : memref<96xi32, #tpu.memory_space<vmem>>) semaphore(%arg21 : memref<!tpu.dma_semaphore, #tpu.memory_space<semaphore_mem>>)
      %mul3A_457 = arith.constant 4 : i32
      %mul3A_458 = arith.muli %mul3A_457, %scan3A_377 : i32
      %add3A_459 = arith.constant 1 : i32
      %add3A_460 = arith.addi %mul3A_458, %add3A_459 : i32
      %gt3A_461 = arith.constant 0 : i32
      %gt3A_462 = arith.cmpi sgt, %scan3A_377, %gt3A_461 : i32
      %convert_element_type3A_463 = arith.extui %gt3A_462 : i1 to i32
      %cond3A_464 = arith.constant 0 : i32
      %cond3A_465 = arith.cmpi ne, %convert_element_type3A_463, %cond3A_464 : i32
      scf.if %cond3A_465 {
        %dma_wait3A_707 = arith.constant 1 : i32
        %dma_wait3A_708 = arith.constant 0 : i32
        %dma_wait3A_709 = tpu.memref_slice %arg14[%dma_wait3A_707, %dma_wait3A_708] : memref<2x96xi32, #tpu.memory_space<vmem>> -> memref<1x96xi32, #tpu.memory_space<vmem>>
        %dma_wait3A_710 = tpu.memref_squeeze %dma_wait3A_709 : memref<1x96xi32, #tpu.memory_space<vmem>> -> memref<96xi32, #tpu.memory_space<vmem>>
        %dma_wait3A_711 = arith.constant 0 : i32
        %dma_wait3A_712 = arith.constant 0 : i32
        %dma_wait3A_713 = tpu.memref_slice %arg15[%dma_wait3A_711, %dma_wait3A_712] : memref<10000x128xf32, #tpu.memory_space<vmem_shared>> -> memref<10000x128xf32, #tpu.memory_space<vmem_shared>>
        tpu.wait_indirect_dma semaphore(%arg27 : memref<!tpu.dma_semaphore, #tpu.memory_space<semaphore_mem>>) src(%arg10 : memref<96x128xf32, #tpu.memory_space<vmem>>) dst(%dma_wait3A_713 : memref<10000x128xf32, #tpu.memory_space<vmem_shared>>)
      } else {
      }
      %add3A_466 = arith.constant 2 : i32
      %add3A_467 = arith.addi %add3A_460, %add3A_466 : i32
      %mul3A_468 = arith.constant 96 : i32
      %mul3A_469 = arith.muli %add3A_467, %mul3A_468 : i32
      %add3A_470 = arith.addi %mul3A_2, %mul3A_469 : i32
      %dma_start3A_471 = arith.constant 0 : i32
      %dma_start3A_472 = arith.constant 0 : i32
      %dma_start3A_473 = tpu.memref_slice %arg14[%dma_start3A_471, %dma_start3A_472] : memref<2x96xi32, #tpu.memory_space<vmem>> -> memref<1x96xi32, #tpu.memory_space<vmem>>
      %dma_start3A_474 = tpu.memref_squeeze %dma_start3A_473 : memref<1x96xi32, #tpu.memory_space<vmem>> -> memref<96xi32, #tpu.memory_space<vmem>>
      %dma_start3A_475 = tpu.memref_slice %arg3[%add3A_470] : memref<320000xi32, #tpu.memory_space<hbm>> -> memref<96xi32, #tpu.memory_space<hbm>>
      %dma_start3A_476 = arith.constant 0 : i32
      %dma_start3A_477 = tpu.memref_slice %arg14[%dma_start3A_471, %dma_start3A_476] : memref<2x96xi32, #tpu.memory_space<vmem>> -> memref<1x96xi32, #tpu.memory_space<vmem>>
      %dma_start3A_478 = tpu.memref_squeeze %dma_start3A_477 : memref<1x96xi32, #tpu.memory_space<vmem>> -> memref<96xi32, #tpu.memory_space<vmem>>
      %dma_start3A_479 = tpu.memref_slice %arg3[%add3A_470] : memref<320000xi32, #tpu.memory_space<hbm>> -> memref<96xi32, #tpu.memory_space<hbm>>
      tpu.enqueue_dma source(%dma_start3A_479 : memref<96xi32, #tpu.memory_space<hbm>>) target(%dma_start3A_478 : memref<96xi32, #tpu.memory_space<vmem>>) target_semaphore(%arg19 : memref<!tpu.dma_semaphore, #tpu.memory_space<semaphore_mem>>)
      %mul3A_480 = arith.constant 96 : i32
      %mul3A_481 = arith.muli %add3A_467, %mul3A_480 : i32
      %add3A_482 = arith.addi %mul3A_2, %mul3A_481 : i32
      %dma_start3A_483 = arith.constant 1 : i32
      %dma_start3A_484 = arith.constant 0 : i32
      %dma_start3A_485 = tpu.memref_slice %arg14[%dma_start3A_483, %dma_start3A_484] : memref<2x96xi32, #tpu.memory_space<vmem>> -> memref<1x96xi32, #tpu.memory_space<vmem>>
      %dma_start3A_486 = tpu.memref_squeeze %dma_start3A_485 : memref<1x96xi32, #tpu.memory_space<vmem>> -> memref<96xi32, #tpu.memory_space<vmem>>
      %dma_start3A_487 = tpu.memref_slice %arg4[%add3A_482] : memref<320000xi32, #tpu.memory_space<hbm>> -> memref<96xi32, #tpu.memory_space<hbm>>
      %dma_start3A_488 = arith.constant 0 : i32
      %dma_start3A_489 = tpu.memref_slice %arg14[%dma_start3A_483, %dma_start3A_488] : memref<2x96xi32, #tpu.memory_space<vmem>> -> memref<1x96xi32, #tpu.memory_space<vmem>>
      %dma_start3A_490 = tpu.memref_squeeze %dma_start3A_489 : memref<1x96xi32, #tpu.memory_space<vmem>> -> memref<96xi32, #tpu.memory_space<vmem>>
      %dma_start3A_491 = tpu.memref_slice %arg4[%add3A_482] : memref<320000xi32, #tpu.memory_space<hbm>> -> memref<96xi32, #tpu.memory_space<hbm>>
      tpu.enqueue_dma source(%dma_start3A_491 : memref<96xi32, #tpu.memory_space<hbm>>) target(%dma_start3A_490 : memref<96xi32, #tpu.memory_space<vmem>>) target_semaphore(%arg19 : memref<!tpu.dma_semaphore, #tpu.memory_space<semaphore_mem>>)
      %dma_wait3A_492 = arith.constant 0 : i32
      %dma_wait3A_493 = arith.constant 0 : i32
      %dma_wait3A_494 = tpu.memref_slice %arg12[%dma_wait3A_492, %dma_wait3A_493] : memref<2x96xi32, #tpu.memory_space<vmem>> -> memref<1x96xi32, #tpu.memory_space<vmem>>
      %dma_wait3A_495 = tpu.memref_squeeze %dma_wait3A_494 : memref<1x96xi32, #tpu.memory_space<vmem>> -> memref<96xi32, #tpu.memory_space<vmem>>
      %dma_wait3A_496 = arith.constant 0 : i32
      %dma_wait3A_497 = arith.constant 0 : i32
      %dma_wait3A_498 = tpu.memref_slice %arg2[%dma_wait3A_496, %dma_wait3A_497] : memref<10000x128xf32, #tpu.memory_space<hbm>> -> memref<10000x128xf32, #tpu.memory_space<hbm>>
      tpu.wait_indirect_dma semaphore(%arg21 : memref<!tpu.dma_semaphore, #tpu.memory_space<semaphore_mem>>) src(%dma_wait3A_498 : memref<10000x128xf32, #tpu.memory_space<hbm>>) dst(%arg8 : memref<96x128xf32, #tpu.memory_space<vmem>>)
      %dma_start3A_499 = arith.constant 1 : i32
      %dma_start3A_500 = arith.constant 0 : i32
      %dma_start3A_501 = tpu.memref_slice %arg12[%dma_start3A_499, %dma_start3A_500] : memref<2x96xi32, #tpu.memory_space<vmem>> -> memref<1x96xi32, #tpu.memory_space<vmem>>
      %dma_start3A_502 = tpu.memref_squeeze %dma_start3A_501 : memref<1x96xi32, #tpu.memory_space<vmem>> -> memref<96xi32, #tpu.memory_space<vmem>>
      %dma_start3A_503 = arith.constant 0 : i32
      %dma_start3A_504 = arith.constant 0 : i32
      %dma_start3A_505 = tpu.memref_slice %arg15[%dma_start3A_503, %dma_start3A_504] : memref<10000x128xf32, #tpu.memory_space<vmem_shared>> -> memref<10000x128xf32, #tpu.memory_space<vmem_shared>>
      tpu.enqueue_indirect_dma source(%arg8 : memref<96x128xf32, #tpu.memory_space<vmem>>) target(%dma_start3A_505 : memref<10000x128xf32, #tpu.memory_space<vmem_shared>>) offsets(%dma_start3A_502 : memref<96xi32, #tpu.memory_space<vmem>>) semaphore(%arg25 : memref<!tpu.dma_semaphore, #tpu.memory_space<semaphore_mem>>) {add = true}
      %add3A_506 = arith.constant 1 : i32
      %add3A_507 = arith.addi %add3A_460, %add3A_506 : i32
      %mul3A_508 = arith.constant 96 : i32
      %mul3A_509 = arith.muli %add3A_507, %mul3A_508 : i32
      %add3A_510 = arith.addi %mul3A_2, %mul3A_509 : i32
      %dma_wait3A_511 = arith.constant 0 : i32
      %dma_wait3A_512 = arith.constant 0 : i32
      %dma_wait3A_513 = tpu.memref_slice %arg13[%dma_wait3A_511, %dma_wait3A_512] : memref<2x96xi32, #tpu.memory_space<vmem>> -> memref<1x96xi32, #tpu.memory_space<vmem>>
      %dma_wait3A_514 = tpu.memref_squeeze %dma_wait3A_513 : memref<1x96xi32, #tpu.memory_space<vmem>> -> memref<96xi32, #tpu.memory_space<vmem>>
      %dma_wait3A_515 = tpu.memref_slice %arg3[%add3A_510] : memref<320000xi32, #tpu.memory_space<hbm>> -> memref<96xi32, #tpu.memory_space<hbm>>
      %dma_wait3A_516 = arith.constant 0 : i32
      %dma_wait3A_517 = tpu.memref_slice %arg13[%dma_wait3A_511, %dma_wait3A_516] : memref<2x96xi32, #tpu.memory_space<vmem>> -> memref<1x96xi32, #tpu.memory_space<vmem>>
      %dma_wait3A_518 = tpu.memref_squeeze %dma_wait3A_517 : memref<1x96xi32, #tpu.memory_space<vmem>> -> memref<96xi32, #tpu.memory_space<vmem>>
      %dma_wait3A_519 = tpu.memref_slice %arg3[%add3A_510] : memref<320000xi32, #tpu.memory_space<hbm>> -> memref<96xi32, #tpu.memory_space<hbm>>
      tpu.wait_dma2 semaphore(%arg18 : memref<!tpu.dma_semaphore, #tpu.memory_space<semaphore_mem>>) src(%dma_wait3A_519 : memref<96xi32, #tpu.memory_space<hbm>>) dst(%dma_wait3A_518 : memref<96xi32, #tpu.memory_space<vmem>>)
      %mul3A_520 = arith.constant 96 : i32
      %mul3A_521 = arith.muli %add3A_507, %mul3A_520 : i32
      %add3A_522 = arith.addi %mul3A_2, %mul3A_521 : i32
      %dma_wait3A_523 = arith.constant 1 : i32
      %dma_wait3A_524 = arith.constant 0 : i32
      %dma_wait3A_525 = tpu.memref_slice %arg13[%dma_wait3A_523, %dma_wait3A_524] : memref<2x96xi32, #tpu.memory_space<vmem>> -> memref<1x96xi32, #tpu.memory_space<vmem>>
      %dma_wait3A_526 = tpu.memref_squeeze %dma_wait3A_525 : memref<1x96xi32, #tpu.memory_space<vmem>> -> memref<96xi32, #tpu.memory_space<vmem>>
      %dma_wait3A_527 = tpu.memref_slice %arg4[%add3A_522] : memref<320000xi32, #tpu.memory_space<hbm>> -> memref<96xi32, #tpu.memory_space<hbm>>
      %dma_wait3A_528 = arith.constant 0 : i32
      %dma_wait3A_529 = tpu.memref_slice %arg13[%dma_wait3A_523, %dma_wait3A_528] : memref<2x96xi32, #tpu.memory_space<vmem>> -> memref<1x96xi32, #tpu.memory_space<vmem>>
      %dma_wait3A_530 = tpu.memref_squeeze %dma_wait3A_529 : memref<1x96xi32, #tpu.memory_space<vmem>> -> memref<96xi32, #tpu.memory_space<vmem>>
      %dma_wait3A_531 = tpu.memref_slice %arg4[%add3A_522] : memref<320000xi32, #tpu.memory_space<hbm>> -> memref<96xi32, #tpu.memory_space<hbm>>
      tpu.wait_dma2 semaphore(%arg18 : memref<!tpu.dma_semaphore, #tpu.memory_space<semaphore_mem>>) src(%dma_wait3A_531 : memref<96xi32, #tpu.memory_space<hbm>>) dst(%dma_wait3A_530 : memref<96xi32, #tpu.memory_space<vmem>>)
      %dma_start3A_532 = arith.constant 0 : i32
      %dma_start3A_533 = arith.constant 0 : i32
      %dma_start3A_534 = tpu.memref_slice %arg13[%dma_start3A_532, %dma_start3A_533] : memref<2x96xi32, #tpu.memory_space<vmem>> -> memref<1x96xi32, #tpu.memory_space<vmem>>
      %dma_start3A_535 = tpu.memref_squeeze %dma_start3A_534 : memref<1x96xi32, #tpu.memory_space<vmem>> -> memref<96xi32, #tpu.memory_space<vmem>>
      %dma_start3A_536 = arith.constant 0 : i32
      %dma_start3A_537 = arith.constant 0 : i32
      %dma_start3A_538 = tpu.memref_slice %arg2[%dma_start3A_536, %dma_start3A_537] : memref<10000x128xf32, #tpu.memory_space<hbm>> -> memref<10000x128xf32, #tpu.memory_space<hbm>>
      tpu.enqueue_indirect_dma source(%dma_start3A_538 : memref<10000x128xf32, #tpu.memory_space<hbm>>) target(%arg9 : memref<96x128xf32, #tpu.memory_space<vmem>>) offsets(%dma_start3A_535 : memref<96xi32, #tpu.memory_space<vmem>>) semaphore(%arg22 : memref<!tpu.dma_semaphore, #tpu.memory_space<semaphore_mem>>)
      %mul3A_539 = arith.constant 4 : i32
      %mul3A_540 = arith.muli %mul3A_539, %scan3A_377 : i32
      %add3A_541 = arith.constant 2 : i32
      %add3A_542 = arith.addi %mul3A_540, %add3A_541 : i32
      %dma_wait3A_543 = arith.constant 1 : i32
      %dma_wait3A_544 = arith.constant 0 : i32
      %dma_wait3A_545 = tpu.memref_slice %arg11[%dma_wait3A_543, %dma_wait3A_544] : memref<2x96xi32, #tpu.memory_space<vmem>> -> memref<1x96xi32, #tpu.memory_space<vmem>>
      %dma_wait3A_546 = tpu.memref_squeeze %dma_wait3A_545 : memref<1x96xi32, #tpu.memory_space<vmem>> -> memref<96xi32, #tpu.memory_space<vmem>>
      %dma_wait3A_547 = arith.constant 0 : i32
      %dma_wait3A_548 = arith.constant 0 : i32
      %dma_wait3A_549 = tpu.memref_slice %arg15[%dma_wait3A_547, %dma_wait3A_548] : memref<10000x128xf32, #tpu.memory_space<vmem_shared>> -> memref<10000x128xf32, #tpu.memory_space<vmem_shared>>
      tpu.wait_indirect_dma semaphore(%arg24 : memref<!tpu.dma_semaphore, #tpu.memory_space<semaphore_mem>>) src(%arg7 : memref<96x128xf32, #tpu.memory_space<vmem>>) dst(%dma_wait3A_549 : memref<10000x128xf32, #tpu.memory_space<vmem_shared>>)
      %add3A_550 = arith.constant 2 : i32
      %add3A_551 = arith.addi %add3A_542, %add3A_550 : i32
      %mul3A_552 = arith.constant 96 : i32
      %mul3A_553 = arith.muli %add3A_551, %mul3A_552 : i32
      %add3A_554 = arith.addi %mul3A_2, %mul3A_553 : i32
      %dma_start3A_555 = arith.constant 0 : i32
      %dma_start3A_556 = arith.constant 0 : i32
      %dma_start3A_557 = tpu.memref_slice %arg11[%dma_start3A_555, %dma_start3A_556] : memref<2x96xi32, #tpu.memory_space<vmem>> -> memref<1x96xi32, #tpu.memory_space<vmem>>
      %dma_start3A_558 = tpu.memref_squeeze %dma_start3A_557 : memref<1x96xi32, #tpu.memory_space<vmem>> -> memref<96xi32, #tpu.memory_space<vmem>>
      %dma_start3A_559 = tpu.memref_slice %arg3[%add3A_554] : memref<320000xi32, #tpu.memory_space<hbm>> -> memref<96xi32, #tpu.memory_space<hbm>>
      %dma_start3A_560 = arith.constant 0 : i32
      %dma_start3A_561 = tpu.memref_slice %arg11[%dma_start3A_555, %dma_start3A_560] : memref<2x96xi32, #tpu.memory_space<vmem>> -> memref<1x96xi32, #tpu.memory_space<vmem>>
      %dma_start3A_562 = tpu.memref_squeeze %dma_start3A_561 : memref<1x96xi32, #tpu.memory_space<vmem>> -> memref<96xi32, #tpu.memory_space<vmem>>
      %dma_start3A_563 = tpu.memref_slice %arg3[%add3A_554] : memref<320000xi32, #tpu.memory_space<hbm>> -> memref<96xi32, #tpu.memory_space<hbm>>
      tpu.enqueue_dma source(%dma_start3A_563 : memref<96xi32, #tpu.memory_space<hbm>>) target(%dma_start3A_562 : memref<96xi32, #tpu.memory_space<vmem>>) target_semaphore(%arg16 : memref<!tpu.dma_semaphore, #tpu.memory_space<semaphore_mem>>)
      %mul3A_564 = arith.constant 96 : i32
      %mul3A_565 = arith.muli %add3A_551, %mul3A_564 : i32
      %add3A_566 = arith.addi %mul3A_2, %mul3A_565 : i32
      %dma_start3A_567 = arith.constant 1 : i32
      %dma_start3A_568 = arith.constant 0 : i32
      %dma_start3A_569 = tpu.memref_slice %arg11[%dma_start3A_567, %dma_start3A_568] : memref<2x96xi32, #tpu.memory_space<vmem>> -> memref<1x96xi32, #tpu.memory_space<vmem>>
      %dma_start3A_570 = tpu.memref_squeeze %dma_start3A_569 : memref<1x96xi32, #tpu.memory_space<vmem>> -> memref<96xi32, #tpu.memory_space<vmem>>
      %dma_start3A_571 = tpu.memref_slice %arg4[%add3A_566] : memref<320000xi32, #tpu.memory_space<hbm>> -> memref<96xi32, #tpu.memory_space<hbm>>
      %dma_start3A_572 = arith.constant 0 : i32
      %dma_start3A_573 = tpu.memref_slice %arg11[%dma_start3A_567, %dma_start3A_572] : memref<2x96xi32, #tpu.memory_space<vmem>> -> memref<1x96xi32, #tpu.memory_space<vmem>>
      %dma_start3A_574 = tpu.memref_squeeze %dma_start3A_573 : memref<1x96xi32, #tpu.memory_space<vmem>> -> memref<96xi32, #tpu.memory_space<vmem>>
      %dma_start3A_575 = tpu.memref_slice %arg4[%add3A_566] : memref<320000xi32, #tpu.memory_space<hbm>> -> memref<96xi32, #tpu.memory_space<hbm>>
      tpu.enqueue_dma source(%dma_start3A_575 : memref<96xi32, #tpu.memory_space<hbm>>) target(%dma_start3A_574 : memref<96xi32, #tpu.memory_space<vmem>>) target_semaphore(%arg16 : memref<!tpu.dma_semaphore, #tpu.memory_space<semaphore_mem>>)
      %dma_wait3A_576 = arith.constant 0 : i32
      %dma_wait3A_577 = arith.constant 0 : i32
      %dma_wait3A_578 = tpu.memref_slice %arg13[%dma_wait3A_576, %dma_wait3A_577] : memref<2x96xi32, #tpu.memory_space<vmem>> -> memref<1x96xi32, #tpu.memory_space<vmem>>
      %dma_wait3A_579 = tpu.memref_squeeze %dma_wait3A_578 : memref<1x96xi32, #tpu.memory_space<vmem>> -> memref<96xi32, #tpu.memory_space<vmem>>
      %dma_wait3A_580 = arith.constant 0 : i32
      %dma_wait3A_581 = arith.constant 0 : i32
      %dma_wait3A_582 = tpu.memref_slice %arg2[%dma_wait3A_580, %dma_wait3A_581] : memref<10000x128xf32, #tpu.memory_space<hbm>> -> memref<10000x128xf32, #tpu.memory_space<hbm>>
      tpu.wait_indirect_dma semaphore(%arg22 : memref<!tpu.dma_semaphore, #tpu.memory_space<semaphore_mem>>) src(%dma_wait3A_582 : memref<10000x128xf32, #tpu.memory_space<hbm>>) dst(%arg9 : memref<96x128xf32, #tpu.memory_space<vmem>>)
      %dma_start3A_583 = arith.constant 1 : i32
      %dma_start3A_584 = arith.constant 0 : i32
      %dma_start3A_585 = tpu.memref_slice %arg13[%dma_start3A_583, %dma_start3A_584] : memref<2x96xi32, #tpu.memory_space<vmem>> -> memref<1x96xi32, #tpu.memory_space<vmem>>
      %dma_start3A_586 = tpu.memref_squeeze %dma_start3A_585 : memref<1x96xi32, #tpu.memory_space<vmem>> -> memref<96xi32, #tpu.memory_space<vmem>>
      %dma_start3A_587 = arith.constant 0 : i32
      %dma_start3A_588 = arith.constant 0 : i32
      %dma_start3A_589 = tpu.memref_slice %arg15[%dma_start3A_587, %dma_start3A_588] : memref<10000x128xf32, #tpu.memory_space<vmem_shared>> -> memref<10000x128xf32, #tpu.memory_space<vmem_shared>>
      tpu.enqueue_indirect_dma source(%arg9 : memref<96x128xf32, #tpu.memory_space<vmem>>) target(%dma_start3A_589 : memref<10000x128xf32, #tpu.memory_space<vmem_shared>>) offsets(%dma_start3A_586 : memref<96xi32, #tpu.memory_space<vmem>>) semaphore(%arg26 : memref<!tpu.dma_semaphore, #tpu.memory_space<semaphore_mem>>) {add = true}
      %add3A_590 = arith.constant 1 : i32
      %add3A_591 = arith.addi %add3A_542, %add3A_590 : i32
      %mul3A_592 = arith.constant 96 : i32
      %mul3A_593 = arith.muli %add3A_591, %mul3A_592 : i32
      %add3A_594 = arith.addi %mul3A_2, %mul3A_593 : i32
      %dma_wait3A_595 = arith.constant 0 : i32
      %dma_wait3A_596 = arith.constant 0 : i32
      %dma_wait3A_597 = tpu.memref_slice %arg14[%dma_wait3A_595, %dma_wait3A_596] : memref<2x96xi32, #tpu.memory_space<vmem>> -> memref<1x96xi32, #tpu.memory_space<vmem>>
      %dma_wait3A_598 = tpu.memref_squeeze %dma_wait3A_597 : memref<1x96xi32, #tpu.memory_space<vmem>> -> memref<96xi32, #tpu.memory_space<vmem>>
      %dma_wait3A_599 = tpu.memref_slice %arg3[%add3A_594] : memref<320000xi32, #tpu.memory_space<hbm>> -> memref<96xi32, #tpu.memory_space<hbm>>
      %dma_wait3A_600 = arith.constant 0 : i32
      %dma_wait3A_601 = tpu.memref_slice %arg14[%dma_wait3A_595, %dma_wait3A_600] : memref<2x96xi32, #tpu.memory_space<vmem>> -> memref<1x96xi32, #tpu.memory_space<vmem>>
      %dma_wait3A_602 = tpu.memref_squeeze %dma_wait3A_601 : memref<1x96xi32, #tpu.memory_space<vmem>> -> memref<96xi32, #tpu.memory_space<vmem>>
      %dma_wait3A_603 = tpu.memref_slice %arg3[%add3A_594] : memref<320000xi32, #tpu.memory_space<hbm>> -> memref<96xi32, #tpu.memory_space<hbm>>
      tpu.wait_dma2 semaphore(%arg19 : memref<!tpu.dma_semaphore, #tpu.memory_space<semaphore_mem>>) src(%dma_wait3A_603 : memref<96xi32, #tpu.memory_space<hbm>>) dst(%dma_wait3A_602 : memref<96xi32, #tpu.memory_space<vmem>>)
      %mul3A_604 = arith.constant 96 : i32
      %mul3A_605 = arith.muli %add3A_591, %mul3A_604 : i32
      %add3A_606 = arith.addi %mul3A_2, %mul3A_605 : i32
      %dma_wait3A_607 = arith.constant 1 : i32
      %dma_wait3A_608 = arith.constant 0 : i32
      %dma_wait3A_609 = tpu.memref_slice %arg14[%dma_wait3A_607, %dma_wait3A_608] : memref<2x96xi32, #tpu.memory_space<vmem>> -> memref<1x96xi32, #tpu.memory_space<vmem>>
      %dma_wait3A_610 = tpu.memref_squeeze %dma_wait3A_609 : memref<1x96xi32, #tpu.memory_space<vmem>> -> memref<96xi32, #tpu.memory_space<vmem>>
      %dma_wait3A_611 = tpu.memref_slice %arg4[%add3A_606] : memref<320000xi32, #tpu.memory_space<hbm>> -> memref<96xi32, #tpu.memory_space<hbm>>
      %dma_wait3A_612 = arith.constant 0 : i32
      %dma_wait3A_613 = tpu.memref_slice %arg14[%dma_wait3A_607, %dma_wait3A_612] : memref<2x96xi32, #tpu.memory_space<vmem>> -> memref<1x96xi32, #tpu.memory_space<vmem>>
      %dma_wait3A_614 = tpu.memref_squeeze %dma_wait3A_613 : memref<1x96xi32, #tpu.memory_space<vmem>> -> memref<96xi32, #tpu.memory_space<vmem>>
      %dma_wait3A_615 = tpu.memref_slice %arg4[%add3A_606] : memref<320000xi32, #tpu.memory_space<hbm>> -> memref<96xi32, #tpu.memory_space<hbm>>
      tpu.wait_dma2 semaphore(%arg19 : memref<!tpu.dma_semaphore, #tpu.memory_space<semaphore_mem>>) src(%dma_wait3A_615 : memref<96xi32, #tpu.memory_space<hbm>>) dst(%dma_wait3A_614 : memref<96xi32, #tpu.memory_space<vmem>>)
      %dma_start3A_616 = arith.constant 0 : i32
      %dma_start3A_617 = arith.constant 0 : i32
      %dma_start3A_618 = tpu.memref_slice %arg14[%dma_start3A_616, %dma_start3A_617] : memref<2x96xi32, #tpu.memory_space<vmem>> -> memref<1x96xi32, #tpu.memory_space<vmem>>
      %dma_start3A_619 = tpu.memref_squeeze %dma_start3A_618 : memref<1x96xi32, #tpu.memory_space<vmem>> -> memref<96xi32, #tpu.memory_space<vmem>>
      %dma_start3A_620 = arith.constant 0 : i32
      %dma_start3A_621 = arith.constant 0 : i32
      %dma_start3A_622 = tpu.memref_slice %arg2[%dma_start3A_620, %dma_start3A_621] : memref<10000x128xf32, #tpu.memory_space<hbm>> -> memref<10000x128xf32, #tpu.memory_space<hbm>>
      tpu.enqueue_indirect_dma source(%dma_start3A_622 : memref<10000x128xf32, #tpu.memory_space<hbm>>) target(%arg10 : memref<96x128xf32, #tpu.memory_space<vmem>>) offsets(%dma_start3A_619 : memref<96xi32, #tpu.memory_space<vmem>>) semaphore(%arg23 : memref<!tpu.dma_semaphore, #tpu.memory_space<semaphore_mem>>)
      %mul3A_623 = arith.constant 4 : i32
      %mul3A_624 = arith.muli %mul3A_623, %scan3A_377 : i32
      %add3A_625 = arith.constant 3 : i32
      %add3A_626 = arith.addi %mul3A_624, %add3A_625 : i32
      %dma_wait3A_627 = arith.constant 1 : i32
      %dma_wait3A_628 = arith.constant 0 : i32
      %dma_wait3A_629 = tpu.memref_slice %arg12[%dma_wait3A_627, %dma_wait3A_628] : memref<2x96xi32, #tpu.memory_space<vmem>> -> memref<1x96xi32, #tpu.memory_space<vmem>>
      %dma_wait3A_630 = tpu.memref_squeeze %dma_wait3A_629 : memref<1x96xi32, #tpu.memory_space<vmem>> -> memref<96xi32, #tpu.memory_space<vmem>>
      %dma_wait3A_631 = arith.constant 0 : i32
      %dma_wait3A_632 = arith.constant 0 : i32
      %dma_wait3A_633 = tpu.memref_slice %arg15[%dma_wait3A_631, %dma_wait3A_632] : memref<10000x128xf32, #tpu.memory_space<vmem_shared>> -> memref<10000x128xf32, #tpu.memory_space<vmem_shared>>
      tpu.wait_indirect_dma semaphore(%arg25 : memref<!tpu.dma_semaphore, #tpu.memory_space<semaphore_mem>>) src(%arg8 : memref<96x128xf32, #tpu.memory_space<vmem>>) dst(%dma_wait3A_633 : memref<10000x128xf32, #tpu.memory_space<vmem_shared>>)
      %add3A_634 = arith.constant 2 : i32
      %add3A_635 = arith.addi %add3A_626, %add3A_634 : i32
      %mul3A_636 = arith.constant 96 : i32
      %mul3A_637 = arith.muli %add3A_635, %mul3A_636 : i32
      %add3A_638 = arith.addi %mul3A_2, %mul3A_637 : i32
      %dma_start3A_639 = arith.constant 0 : i32
      %dma_start3A_640 = arith.constant 0 : i32
      %dma_start3A_641 = tpu.memref_slice %arg12[%dma_start3A_639, %dma_start3A_640] : memref<2x96xi32, #tpu.memory_space<vmem>> -> memref<1x96xi32, #tpu.memory_space<vmem>>
      %dma_start3A_642 = tpu.memref_squeeze %dma_start3A_641 : memref<1x96xi32, #tpu.memory_space<vmem>> -> memref<96xi32, #tpu.memory_space<vmem>>
      %dma_start3A_643 = tpu.memref_slice %arg3[%add3A_638] : memref<320000xi32, #tpu.memory_space<hbm>> -> memref<96xi32, #tpu.memory_space<hbm>>
      %dma_start3A_644 = arith.constant 0 : i32
      %dma_start3A_645 = tpu.memref_slice %arg12[%dma_start3A_639, %dma_start3A_644] : memref<2x96xi32, #tpu.memory_space<vmem>> -> memref<1x96xi32, #tpu.memory_space<vmem>>
      %dma_start3A_646 = tpu.memref_squeeze %dma_start3A_645 : memref<1x96xi32, #tpu.memory_space<vmem>> -> memref<96xi32, #tpu.memory_space<vmem>>
      %dma_start3A_647 = tpu.memref_slice %arg3[%add3A_638] : memref<320000xi32, #tpu.memory_space<hbm>> -> memref<96xi32, #tpu.memory_space<hbm>>
      tpu.enqueue_dma source(%dma_start3A_647 : memref<96xi32, #tpu.memory_space<hbm>>) target(%dma_start3A_646 : memref<96xi32, #tpu.memory_space<vmem>>) target_semaphore(%arg17 : memref<!tpu.dma_semaphore, #tpu.memory_space<semaphore_mem>>)
      %mul3A_648 = arith.constant 96 : i32
      %mul3A_649 = arith.muli %add3A_635, %mul3A_648 : i32
      %add3A_650 = arith.addi %mul3A_2, %mul3A_649 : i32
      %dma_start3A_651 = arith.constant 1 : i32
      %dma_start3A_652 = arith.constant 0 : i32
      %dma_start3A_653 = tpu.memref_slice %arg12[%dma_start3A_651, %dma_start3A_652] : memref<2x96xi32, #tpu.memory_space<vmem>> -> memref<1x96xi32, #tpu.memory_space<vmem>>
      %dma_start3A_654 = tpu.memref_squeeze %dma_start3A_653 : memref<1x96xi32, #tpu.memory_space<vmem>> -> memref<96xi32, #tpu.memory_space<vmem>>
      %dma_start3A_655 = tpu.memref_slice %arg4[%add3A_650] : memref<320000xi32, #tpu.memory_space<hbm>> -> memref<96xi32, #tpu.memory_space<hbm>>
      %dma_start3A_656 = arith.constant 0 : i32
      %dma_start3A_657 = tpu.memref_slice %arg12[%dma_start3A_651, %dma_start3A_656] : memref<2x96xi32, #tpu.memory_space<vmem>> -> memref<1x96xi32, #tpu.memory_space<vmem>>
      %dma_start3A_658 = tpu.memref_squeeze %dma_start3A_657 : memref<1x96xi32, #tpu.memory_space<vmem>> -> memref<96xi32, #tpu.memory_space<vmem>>
      %dma_start3A_659 = tpu.memref_slice %arg4[%add3A_650] : memref<320000xi32, #tpu.memory_space<hbm>> -> memref<96xi32, #tpu.memory_space<hbm>>
      tpu.enqueue_dma source(%dma_start3A_659 : memref<96xi32, #tpu.memory_space<hbm>>) target(%dma_start3A_658 : memref<96xi32, #tpu.memory_space<vmem>>) target_semaphore(%arg17 : memref<!tpu.dma_semaphore, #tpu.memory_space<semaphore_mem>>)
      %dma_wait3A_660 = arith.constant 0 : i32
      %dma_wait3A_661 = arith.constant 0 : i32
      %dma_wait3A_662 = tpu.memref_slice %arg14[%dma_wait3A_660, %dma_wait3A_661] : memref<2x96xi32, #tpu.memory_space<vmem>> -> memref<1x96xi32, #tpu.memory_space<vmem>>
      %dma_wait3A_663 = tpu.memref_squeeze %dma_wait3A_662 : memref<1x96xi32, #tpu.memory_space<vmem>> -> memref<96xi32, #tpu.memory_space<vmem>>
      %dma_wait3A_664 = arith.constant 0 : i32
      %dma_wait3A_665 = arith.constant 0 : i32
      %dma_wait3A_666 = tpu.memref_slice %arg2[%dma_wait3A_664, %dma_wait3A_665] : memref<10000x128xf32, #tpu.memory_space<hbm>> -> memref<10000x128xf32, #tpu.memory_space<hbm>>
      tpu.wait_indirect_dma semaphore(%arg23 : memref<!tpu.dma_semaphore, #tpu.memory_space<semaphore_mem>>) src(%dma_wait3A_666 : memref<10000x128xf32, #tpu.memory_space<hbm>>) dst(%arg10 : memref<96x128xf32, #tpu.memory_space<vmem>>)
      %dma_start3A_667 = arith.constant 1 : i32
      %dma_start3A_668 = arith.constant 0 : i32
      %dma_start3A_669 = tpu.memref_slice %arg14[%dma_start3A_667, %dma_start3A_668] : memref<2x96xi32, #tpu.memory_space<vmem>> -> memref<1x96xi32, #tpu.memory_space<vmem>>
      %dma_start3A_670 = tpu.memref_squeeze %dma_start3A_669 : memref<1x96xi32, #tpu.memory_space<vmem>> -> memref<96xi32, #tpu.memory_space<vmem>>
      %dma_start3A_671 = arith.constant 0 : i32
      %dma_start3A_672 = arith.constant 0 : i32
      %dma_start3A_673 = tpu.memref_slice %arg15[%dma_start3A_671, %dma_start3A_672] : memref<10000x128xf32, #tpu.memory_space<vmem_shared>> -> memref<10000x128xf32, #tpu.memory_space<vmem_shared>>
      tpu.enqueue_indirect_dma source(%arg10 : memref<96x128xf32, #tpu.memory_space<vmem>>) target(%dma_start3A_673 : memref<10000x128xf32, #tpu.memory_space<vmem_shared>>) offsets(%dma_start3A_670 : memref<96xi32, #tpu.memory_space<vmem>>) semaphore(%arg27 : memref<!tpu.dma_semaphore, #tpu.memory_space<semaphore_mem>>) {add = true}
      %add3A_674 = arith.constant 1 : i32
      %add3A_675 = arith.addi %add3A_626, %add3A_674 : i32
      %mul3A_676 = arith.constant 96 : i32
      %mul3A_677 = arith.muli %add3A_675, %mul3A_676 : i32
      %add3A_678 = arith.addi %mul3A_2, %mul3A_677 : i32
      %dma_wait3A_679 = arith.constant 0 : i32
      %dma_wait3A_680 = arith.constant 0 : i32
      %dma_wait3A_681 = tpu.memref_slice %arg11[%dma_wait3A_679, %dma_wait3A_680] : memref<2x96xi32, #tpu.memory_space<vmem>> -> memref<1x96xi32, #tpu.memory_space<vmem>>
      %dma_wait3A_682 = tpu.memref_squeeze %dma_wait3A_681 : memref<1x96xi32, #tpu.memory_space<vmem>> -> memref<96xi32, #tpu.memory_space<vmem>>
      %dma_wait3A_683 = tpu.memref_slice %arg3[%add3A_678] : memref<320000xi32, #tpu.memory_space<hbm>> -> memref<96xi32, #tpu.memory_space<hbm>>
      %dma_wait3A_684 = arith.constant 0 : i32
      %dma_wait3A_685 = tpu.memref_slice %arg11[%dma_wait3A_679, %dma_wait3A_684] : memref<2x96xi32, #tpu.memory_space<vmem>> -> memref<1x96xi32, #tpu.memory_space<vmem>>
      %dma_wait3A_686 = tpu.memref_squeeze %dma_wait3A_685 : memref<1x96xi32, #tpu.memory_space<vmem>> -> memref<96xi32, #tpu.memory_space<vmem>>
      %dma_wait3A_687 = tpu.memref_slice %arg3[%add3A_678] : memref<320000xi32, #tpu.memory_space<hbm>> -> memref<96xi32, #tpu.memory_space<hbm>>
      tpu.wait_dma2 semaphore(%arg16 : memref<!tpu.dma_semaphore, #tpu.memory_space<semaphore_mem>>) src(%dma_wait3A_687 : memref<96xi32, #tpu.memory_space<hbm>>) dst(%dma_wait3A_686 : memref<96xi32, #tpu.memory_space<vmem>>)
      %mul3A_688 = arith.constant 96 : i32
      %mul3A_689 = arith.muli %add3A_675, %mul3A_688 : i32
      %add3A_690 = arith.addi %mul3A_2, %mul3A_689 : i32
      %dma_wait3A_691 = arith.constant 1 : i32
      %dma_wait3A_692 = arith.constant 0 : i32
      %dma_wait3A_693 = tpu.memref_slice %arg11[%dma_wait3A_691, %dma_wait3A_692] : memref<2x96xi32, #tpu.memory_space<vmem>> -> memref<1x96xi32, #tpu.memory_space<vmem>>
      %dma_wait3A_694 = tpu.memref_squeeze %dma_wait3A_693 : memref<1x96xi32, #tpu.memory_space<vmem>> -> memref<96xi32, #tpu.memory_space<vmem>>
      %dma_wait3A_695 = tpu.memref_slice %arg4[%add3A_690] : memref<320000xi32, #tpu.memory_space<hbm>> -> memref<96xi32, #tpu.memory_space<hbm>>
      %dma_wait3A_696 = arith.constant 0 : i32
      %dma_wait3A_697 = tpu.memref_slice %arg11[%dma_wait3A_691, %dma_wait3A_696] : memref<2x96xi32, #tpu.memory_space<vmem>> -> memref<1x96xi32, #tpu.memory_space<vmem>>
      %dma_wait3A_698 = tpu.memref_squeeze %dma_wait3A_697 : memref<1x96xi32, #tpu.memory_space<vmem>> -> memref<96xi32, #tpu.memory_space<vmem>>
      %dma_wait3A_699 = tpu.memref_slice %arg4[%add3A_690] : memref<320000xi32, #tpu.memory_space<hbm>> -> memref<96xi32, #tpu.memory_space<hbm>>
      tpu.wait_dma2 semaphore(%arg16 : memref<!tpu.dma_semaphore, #tpu.memory_space<semaphore_mem>>) src(%dma_wait3A_699 : memref<96xi32, #tpu.memory_space<hbm>>) dst(%dma_wait3A_698 : memref<96xi32, #tpu.memory_space<vmem>>)
      %dma_start3A_700 = arith.constant 0 : i32
      %dma_start3A_701 = arith.constant 0 : i32
      %dma_start3A_702 = tpu.memref_slice %arg11[%dma_start3A_700, %dma_start3A_701] : memref<2x96xi32, #tpu.memory_space<vmem>> -> memref<1x96xi32, #tpu.memory_space<vmem>>
      %dma_start3A_703 = tpu.memref_squeeze %dma_start3A_702 : memref<1x96xi32, #tpu.memory_space<vmem>> -> memref<96xi32, #tpu.memory_space<vmem>>
      %dma_start3A_704 = arith.constant 0 : i32
      %dma_start3A_705 = arith.constant 0 : i32
      %dma_start3A_706 = tpu.memref_slice %arg2[%dma_start3A_704, %dma_start3A_705] : memref<10000x128xf32, #tpu.memory_space<hbm>> -> memref<10000x128xf32, #tpu.memory_space<hbm>>
      tpu.enqueue_indirect_dma source(%dma_start3A_706 : memref<10000x128xf32, #tpu.memory_space<hbm>>) target(%arg7 : memref<96x128xf32, #tpu.memory_space<vmem>>) offsets(%dma_start3A_703 : memref<96xi32, #tpu.memory_space<vmem>>) semaphore(%arg20 : memref<!tpu.dma_semaphore, #tpu.memory_space<semaphore_mem>>)
    }
    %scan3A_80 = arith.constant 25 : i32
    %dma_wait3A_81 = arith.constant 1 : i32
    %dma_wait3A_82 = arith.constant 0 : i32
    %dma_wait3A_83 = tpu.memref_slice %arg13[%dma_wait3A_81, %dma_wait3A_82] : memref<2x96xi32, #tpu.memory_space<vmem>> -> memref<1x96xi32, #tpu.memory_space<vmem>>
    %dma_wait3A_84 = tpu.memref_squeeze %dma_wait3A_83 : memref<1x96xi32, #tpu.memory_space<vmem>> -> memref<96xi32, #tpu.memory_space<vmem>>
    %dma_wait3A_85 = arith.constant 0 : i32
    %dma_wait3A_86 = arith.constant 0 : i32
    %dma_wait3A_87 = tpu.memref_slice %arg15[%dma_wait3A_85, %dma_wait3A_86] : memref<10000x128xf32, #tpu.memory_space<vmem_shared>> -> memref<10000x128xf32, #tpu.memory_space<vmem_shared>>
    tpu.wait_indirect_dma semaphore(%arg26 : memref<!tpu.dma_semaphore, #tpu.memory_space<semaphore_mem>>) src(%arg9 : memref<96x128xf32, #tpu.memory_space<vmem>>) dst(%dma_wait3A_87 : memref<10000x128xf32, #tpu.memory_space<vmem_shared>>)
    %add3A_88 = arith.constant 9792 : i32
    %add3A_89 = arith.addi %mul3A_2, %add3A_88 : i32
    %dma_start3A_90 = arith.constant 0 : i32
    %dma_start3A_91 = arith.constant 0 : i32
    %dma_start3A_92 = tpu.memref_slice %arg13[%dma_start3A_90, %dma_start3A_91] : memref<2x96xi32, #tpu.memory_space<vmem>> -> memref<1x96xi32, #tpu.memory_space<vmem>>
    %dma_start3A_93 = tpu.memref_squeeze %dma_start3A_92 : memref<1x96xi32, #tpu.memory_space<vmem>> -> memref<96xi32, #tpu.memory_space<vmem>>
    %dma_start3A_94 = tpu.memref_slice %arg3[%add3A_89] : memref<320000xi32, #tpu.memory_space<hbm>> -> memref<96xi32, #tpu.memory_space<hbm>>
    %dma_start3A_95 = arith.constant 0 : i32
    %dma_start3A_96 = tpu.memref_slice %arg13[%dma_start3A_90, %dma_start3A_95] : memref<2x96xi32, #tpu.memory_space<vmem>> -> memref<1x96xi32, #tpu.memory_space<vmem>>
    %dma_start3A_97 = tpu.memref_squeeze %dma_start3A_96 : memref<1x96xi32, #tpu.memory_space<vmem>> -> memref<96xi32, #tpu.memory_space<vmem>>
    %dma_start3A_98 = tpu.memref_slice %arg3[%add3A_89] : memref<320000xi32, #tpu.memory_space<hbm>> -> memref<96xi32, #tpu.memory_space<hbm>>
    tpu.enqueue_dma source(%dma_start3A_98 : memref<96xi32, #tpu.memory_space<hbm>>) target(%dma_start3A_97 : memref<96xi32, #tpu.memory_space<vmem>>) target_semaphore(%arg18 : memref<!tpu.dma_semaphore, #tpu.memory_space<semaphore_mem>>)
    %add3A_99 = arith.constant 9792 : i32
    %add3A_100 = arith.addi %mul3A_2, %add3A_99 : i32
    %dma_start3A_101 = arith.constant 1 : i32
    %dma_start3A_102 = arith.constant 0 : i32
    %dma_start3A_103 = tpu.memref_slice %arg13[%dma_start3A_101, %dma_start3A_102] : memref<2x96xi32, #tpu.memory_space<vmem>> -> memref<1x96xi32, #tpu.memory_space<vmem>>
    %dma_start3A_104 = tpu.memref_squeeze %dma_start3A_103 : memref<1x96xi32, #tpu.memory_space<vmem>> -> memref<96xi32, #tpu.memory_space<vmem>>
    %dma_start3A_105 = tpu.memref_slice %arg4[%add3A_100] : memref<320000xi32, #tpu.memory_space<hbm>> -> memref<96xi32, #tpu.memory_space<hbm>>
    %dma_start3A_106 = arith.constant 0 : i32
    %dma_start3A_107 = tpu.memref_slice %arg13[%dma_start3A_101, %dma_start3A_106] : memref<2x96xi32, #tpu.memory_space<vmem>> -> memref<1x96xi32, #tpu.memory_space<vmem>>
    %dma_start3A_108 = tpu.memref_squeeze %dma_start3A_107 : memref<1x96xi32, #tpu.memory_space<vmem>> -> memref<96xi32, #tpu.memory_space<vmem>>
    %dma_start3A_109 = tpu.memref_slice %arg4[%add3A_100] : memref<320000xi32, #tpu.memory_space<hbm>> -> memref<96xi32, #tpu.memory_space<hbm>>
    tpu.enqueue_dma source(%dma_start3A_109 : memref<96xi32, #tpu.memory_space<hbm>>) target(%dma_start3A_108 : memref<96xi32, #tpu.memory_space<vmem>>) target_semaphore(%arg18 : memref<!tpu.dma_semaphore, #tpu.memory_space<semaphore_mem>>)
    %dma_wait3A_110 = arith.constant 0 : i32
    %dma_wait3A_111 = arith.constant 0 : i32
    %dma_wait3A_112 = tpu.memref_slice %arg11[%dma_wait3A_110, %dma_wait3A_111] : memref<2x96xi32, #tpu.memory_space<vmem>> -> memref<1x96xi32, #tpu.memory_space<vmem>>
    %dma_wait3A_113 = tpu.memref_squeeze %dma_wait3A_112 : memref<1x96xi32, #tpu.memory_space<vmem>> -> memref<96xi32, #tpu.memory_space<vmem>>
    %dma_wait3A_114 = arith.constant 0 : i32
    %dma_wait3A_115 = arith.constant 0 : i32
    %dma_wait3A_116 = tpu.memref_slice %arg2[%dma_wait3A_114, %dma_wait3A_115] : memref<10000x128xf32, #tpu.memory_space<hbm>> -> memref<10000x128xf32, #tpu.memory_space<hbm>>
    tpu.wait_indirect_dma semaphore(%arg20 : memref<!tpu.dma_semaphore, #tpu.memory_space<semaphore_mem>>) src(%dma_wait3A_116 : memref<10000x128xf32, #tpu.memory_space<hbm>>) dst(%arg7 : memref<96x128xf32, #tpu.memory_space<vmem>>)
    %dma_start3A_117 = arith.constant 1 : i32
    %dma_start3A_118 = arith.constant 0 : i32
    %dma_start3A_119 = tpu.memref_slice %arg11[%dma_start3A_117, %dma_start3A_118] : memref<2x96xi32, #tpu.memory_space<vmem>> -> memref<1x96xi32, #tpu.memory_space<vmem>>
    %dma_start3A_120 = tpu.memref_squeeze %dma_start3A_119 : memref<1x96xi32, #tpu.memory_space<vmem>> -> memref<96xi32, #tpu.memory_space<vmem>>
    %dma_start3A_121 = arith.constant 0 : i32
    %dma_start3A_122 = arith.constant 0 : i32
    %dma_start3A_123 = tpu.memref_slice %arg15[%dma_start3A_121, %dma_start3A_122] : memref<10000x128xf32, #tpu.memory_space<vmem_shared>> -> memref<10000x128xf32, #tpu.memory_space<vmem_shared>>
    tpu.enqueue_indirect_dma source(%arg7 : memref<96x128xf32, #tpu.memory_space<vmem>>) target(%dma_start3A_123 : memref<10000x128xf32, #tpu.memory_space<vmem_shared>>) offsets(%dma_start3A_120 : memref<96xi32, #tpu.memory_space<vmem>>) semaphore(%arg24 : memref<!tpu.dma_semaphore, #tpu.memory_space<semaphore_mem>>) {add = true}
    %add3A_124 = arith.constant 9696 : i32
    %add3A_125 = arith.addi %mul3A_2, %add3A_124 : i32
    %dma_wait3A_126 = arith.constant 0 : i32
    %dma_wait3A_127 = arith.constant 0 : i32
    %dma_wait3A_128 = tpu.memref_slice %arg12[%dma_wait3A_126, %dma_wait3A_127] : memref<2x96xi32, #tpu.memory_space<vmem>> -> memref<1x96xi32, #tpu.memory_space<vmem>>
    %dma_wait3A_129 = tpu.memref_squeeze %dma_wait3A_128 : memref<1x96xi32, #tpu.memory_space<vmem>> -> memref<96xi32, #tpu.memory_space<vmem>>
    %dma_wait3A_130 = tpu.memref_slice %arg3[%add3A_125] : memref<320000xi32, #tpu.memory_space<hbm>> -> memref<96xi32, #tpu.memory_space<hbm>>
    %dma_wait3A_131 = arith.constant 0 : i32
    %dma_wait3A_132 = tpu.memref_slice %arg12[%dma_wait3A_126, %dma_wait3A_131] : memref<2x96xi32, #tpu.memory_space<vmem>> -> memref<1x96xi32, #tpu.memory_space<vmem>>
    %dma_wait3A_133 = tpu.memref_squeeze %dma_wait3A_132 : memref<1x96xi32, #tpu.memory_space<vmem>> -> memref<96xi32, #tpu.memory_space<vmem>>
    %dma_wait3A_134 = tpu.memref_slice %arg3[%add3A_125] : memref<320000xi32, #tpu.memory_space<hbm>> -> memref<96xi32, #tpu.memory_space<hbm>>
    tpu.wait_dma2 semaphore(%arg17 : memref<!tpu.dma_semaphore, #tpu.memory_space<semaphore_mem>>) src(%dma_wait3A_134 : memref<96xi32, #tpu.memory_space<hbm>>) dst(%dma_wait3A_133 : memref<96xi32, #tpu.memory_space<vmem>>)
    %add3A_135 = arith.constant 9696 : i32
    %add3A_136 = arith.addi %mul3A_2, %add3A_135 : i32
    %dma_wait3A_137 = arith.constant 1 : i32
    %dma_wait3A_138 = arith.constant 0 : i32
    %dma_wait3A_139 = tpu.memref_slice %arg12[%dma_wait3A_137, %dma_wait3A_138] : memref<2x96xi32, #tpu.memory_space<vmem>> -> memref<1x96xi32, #tpu.memory_space<vmem>>
    %dma_wait3A_140 = tpu.memref_squeeze %dma_wait3A_139 : memref<1x96xi32, #tpu.memory_space<vmem>> -> memref<96xi32, #tpu.memory_space<vmem>>
    %dma_wait3A_141 = tpu.memref_slice %arg4[%add3A_136] : memref<320000xi32, #tpu.memory_space<hbm>> -> memref<96xi32, #tpu.memory_space<hbm>>
    %dma_wait3A_142 = arith.constant 0 : i32
    %dma_wait3A_143 = tpu.memref_slice %arg12[%dma_wait3A_137, %dma_wait3A_142] : memref<2x96xi32, #tpu.memory_space<vmem>> -> memref<1x96xi32, #tpu.memory_space<vmem>>
    %dma_wait3A_144 = tpu.memref_squeeze %dma_wait3A_143 : memref<1x96xi32, #tpu.memory_space<vmem>> -> memref<96xi32, #tpu.memory_space<vmem>>
    %dma_wait3A_145 = tpu.memref_slice %arg4[%add3A_136] : memref<320000xi32, #tpu.memory_space<hbm>> -> memref<96xi32, #tpu.memory_space<hbm>>
    tpu.wait_dma2 semaphore(%arg17 : memref<!tpu.dma_semaphore, #tpu.memory_space<semaphore_mem>>) src(%dma_wait3A_145 : memref<96xi32, #tpu.memory_space<hbm>>) dst(%dma_wait3A_144 : memref<96xi32, #tpu.memory_space<vmem>>)
    %dma_start3A_146 = arith.constant 0 : i32
    %dma_start3A_147 = arith.constant 0 : i32
    %dma_start3A_148 = tpu.memref_slice %arg12[%dma_start3A_146, %dma_start3A_147] : memref<2x96xi32, #tpu.memory_space<vmem>> -> memref<1x96xi32, #tpu.memory_space<vmem>>
    %dma_start3A_149 = tpu.memref_squeeze %dma_start3A_148 : memref<1x96xi32, #tpu.memory_space<vmem>> -> memref<96xi32, #tpu.memory_space<vmem>>
    %dma_start3A_150 = arith.constant 0 : i32
    %dma_start3A_151 = arith.constant 0 : i32
    %dma_start3A_152 = tpu.memref_slice %arg2[%dma_start3A_150, %dma_start3A_151] : memref<10000x128xf32, #tpu.memory_space<hbm>> -> memref<10000x128xf32, #tpu.memory_space<hbm>>
    tpu.enqueue_indirect_dma source(%dma_start3A_152 : memref<10000x128xf32, #tpu.memory_space<hbm>>) target(%arg8 : memref<96x128xf32, #tpu.memory_space<vmem>>) offsets(%dma_start3A_149 : memref<96xi32, #tpu.memory_space<vmem>>) semaphore(%arg21 : memref<!tpu.dma_semaphore, #tpu.memory_space<semaphore_mem>>)
    %dma_wait3A_153 = arith.constant 1 : i32
    %dma_wait3A_154 = arith.constant 0 : i32
    %dma_wait3A_155 = tpu.memref_slice %arg14[%dma_wait3A_153, %dma_wait3A_154] : memref<2x96xi32, #tpu.memory_space<vmem>> -> memref<1x96xi32, #tpu.memory_space<vmem>>
    %dma_wait3A_156 = tpu.memref_squeeze %dma_wait3A_155 : memref<1x96xi32, #tpu.memory_space<vmem>> -> memref<96xi32, #tpu.memory_space<vmem>>
    %dma_wait3A_157 = arith.constant 0 : i32
    %dma_wait3A_158 = arith.constant 0 : i32
    %dma_wait3A_159 = tpu.memref_slice %arg15[%dma_wait3A_157, %dma_wait3A_158] : memref<10000x128xf32, #tpu.memory_space<vmem_shared>> -> memref<10000x128xf32, #tpu.memory_space<vmem_shared>>
    tpu.wait_indirect_dma semaphore(%arg27 : memref<!tpu.dma_semaphore, #tpu.memory_space<semaphore_mem>>) src(%arg10 : memref<96x128xf32, #tpu.memory_space<vmem>>) dst(%dma_wait3A_159 : memref<10000x128xf32, #tpu.memory_space<vmem_shared>>)
    %add3A_160 = arith.constant 9888 : i32
    %add3A_161 = arith.addi %mul3A_2, %add3A_160 : i32
    %dma_start3A_162 = arith.constant 0 : i32
    %dma_start3A_163 = arith.constant 0 : i32
    %dma_start3A_164 = tpu.memref_slice %arg14[%dma_start3A_162, %dma_start3A_163] : memref<2x96xi32, #tpu.memory_space<vmem>> -> memref<1x96xi32, #tpu.memory_space<vmem>>
    %dma_start3A_165 = tpu.memref_squeeze %dma_start3A_164 : memref<1x96xi32, #tpu.memory_space<vmem>> -> memref<96xi32, #tpu.memory_space<vmem>>
    %dma_start3A_166 = tpu.memref_slice %arg3[%add3A_161] : memref<320000xi32, #tpu.memory_space<hbm>> -> memref<96xi32, #tpu.memory_space<hbm>>
    %dma_start3A_167 = arith.constant 0 : i32
    %dma_start3A_168 = tpu.memref_slice %arg14[%dma_start3A_162, %dma_start3A_167] : memref<2x96xi32, #tpu.memory_space<vmem>> -> memref<1x96xi32, #tpu.memory_space<vmem>>
    %dma_start3A_169 = tpu.memref_squeeze %dma_start3A_168 : memref<1x96xi32, #tpu.memory_space<vmem>> -> memref<96xi32, #tpu.memory_space<vmem>>
    %dma_start3A_170 = tpu.memref_slice %arg3[%add3A_161] : memref<320000xi32, #tpu.memory_space<hbm>> -> memref<96xi32, #tpu.memory_space<hbm>>
    tpu.enqueue_dma source(%dma_start3A_170 : memref<96xi32, #tpu.memory_space<hbm>>) target(%dma_start3A_169 : memref<96xi32, #tpu.memory_space<vmem>>) target_semaphore(%arg19 : memref<!tpu.dma_semaphore, #tpu.memory_space<semaphore_mem>>)
    %add3A_171 = arith.constant 9888 : i32
    %add3A_172 = arith.addi %mul3A_2, %add3A_171 : i32
    %dma_start3A_173 = arith.constant 1 : i32
    %dma_start3A_174 = arith.constant 0 : i32
    %dma_start3A_175 = tpu.memref_slice %arg14[%dma_start3A_173, %dma_start3A_174] : memref<2x96xi32, #tpu.memory_space<vmem>> -> memref<1x96xi32, #tpu.memory_space<vmem>>
    %dma_start3A_176 = tpu.memref_squeeze %dma_start3A_175 : memref<1x96xi32, #tpu.memory_space<vmem>> -> memref<96xi32, #tpu.memory_space<vmem>>
    %dma_start3A_177 = tpu.memref_slice %arg4[%add3A_172] : memref<320000xi32, #tpu.memory_space<hbm>> -> memref<96xi32, #tpu.memory_space<hbm>>
    %dma_start3A_178 = arith.constant 0 : i32
    %dma_start3A_179 = tpu.memref_slice %arg14[%dma_start3A_173, %dma_start3A_178] : memref<2x96xi32, #tpu.memory_space<vmem>> -> memref<1x96xi32, #tpu.memory_space<vmem>>
    %dma_start3A_180 = tpu.memref_squeeze %dma_start3A_179 : memref<1x96xi32, #tpu.memory_space<vmem>> -> memref<96xi32, #tpu.memory_space<vmem>>
    %dma_start3A_181 = tpu.memref_slice %arg4[%add3A_172] : memref<320000xi32, #tpu.memory_space<hbm>> -> memref<96xi32, #tpu.memory_space<hbm>>
    tpu.enqueue_dma source(%dma_start3A_181 : memref<96xi32, #tpu.memory_space<hbm>>) target(%dma_start3A_180 : memref<96xi32, #tpu.memory_space<vmem>>) target_semaphore(%arg19 : memref<!tpu.dma_semaphore, #tpu.memory_space<semaphore_mem>>)
    %dma_wait3A_182 = arith.constant 0 : i32
    %dma_wait3A_183 = arith.constant 0 : i32
    %dma_wait3A_184 = tpu.memref_slice %arg12[%dma_wait3A_182, %dma_wait3A_183] : memref<2x96xi32, #tpu.memory_space<vmem>> -> memref<1x96xi32, #tpu.memory_space<vmem>>
    %dma_wait3A_185 = tpu.memref_squeeze %dma_wait3A_184 : memref<1x96xi32, #tpu.memory_space<vmem>> -> memref<96xi32, #tpu.memory_space<vmem>>
    %dma_wait3A_186 = arith.constant 0 : i32
    %dma_wait3A_187 = arith.constant 0 : i32
    %dma_wait3A_188 = tpu.memref_slice %arg2[%dma_wait3A_186, %dma_wait3A_187] : memref<10000x128xf32, #tpu.memory_space<hbm>> -> memref<10000x128xf32, #tpu.memory_space<hbm>>
    tpu.wait_indirect_dma semaphore(%arg21 : memref<!tpu.dma_semaphore, #tpu.memory_space<semaphore_mem>>) src(%dma_wait3A_188 : memref<10000x128xf32, #tpu.memory_space<hbm>>) dst(%arg8 : memref<96x128xf32, #tpu.memory_space<vmem>>)
    %dma_start3A_189 = arith.constant 1 : i32
    %dma_start3A_190 = arith.constant 0 : i32
    %dma_start3A_191 = tpu.memref_slice %arg12[%dma_start3A_189, %dma_start3A_190] : memref<2x96xi32, #tpu.memory_space<vmem>> -> memref<1x96xi32, #tpu.memory_space<vmem>>
    %dma_start3A_192 = tpu.memref_squeeze %dma_start3A_191 : memref<1x96xi32, #tpu.memory_space<vmem>> -> memref<96xi32, #tpu.memory_space<vmem>>
    %dma_start3A_193 = arith.constant 0 : i32
    %dma_start3A_194 = arith.constant 0 : i32
    %dma_start3A_195 = tpu.memref_slice %arg15[%dma_start3A_193, %dma_start3A_194] : memref<10000x128xf32, #tpu.memory_space<vmem_shared>> -> memref<10000x128xf32, #tpu.memory_space<vmem_shared>>
    tpu.enqueue_indirect_dma source(%arg8 : memref<96x128xf32, #tpu.memory_space<vmem>>) target(%dma_start3A_195 : memref<10000x128xf32, #tpu.memory_space<vmem_shared>>) offsets(%dma_start3A_192 : memref<96xi32, #tpu.memory_space<vmem>>) semaphore(%arg25 : memref<!tpu.dma_semaphore, #tpu.memory_space<semaphore_mem>>) {add = true}
    %add3A_196 = arith.constant 9792 : i32
    %add3A_197 = arith.addi %mul3A_2, %add3A_196 : i32
    %dma_wait3A_198 = arith.constant 0 : i32
    %dma_wait3A_199 = arith.constant 0 : i32
    %dma_wait3A_200 = tpu.memref_slice %arg13[%dma_wait3A_198, %dma_wait3A_199] : memref<2x96xi32, #tpu.memory_space<vmem>> -> memref<1x96xi32, #tpu.memory_space<vmem>>
    %dma_wait3A_201 = tpu.memref_squeeze %dma_wait3A_200 : memref<1x96xi32, #tpu.memory_space<vmem>> -> memref<96xi32, #tpu.memory_space<vmem>>
    %dma_wait3A_202 = tpu.memref_slice %arg3[%add3A_197] : memref<320000xi32, #tpu.memory_space<hbm>> -> memref<96xi32, #tpu.memory_space<hbm>>
    %dma_wait3A_203 = arith.constant 0 : i32
    %dma_wait3A_204 = tpu.memref_slice %arg13[%dma_wait3A_198, %dma_wait3A_203] : memref<2x96xi32, #tpu.memory_space<vmem>> -> memref<1x96xi32, #tpu.memory_space<vmem>>
    %dma_wait3A_205 = tpu.memref_squeeze %dma_wait3A_204 : memref<1x96xi32, #tpu.memory_space<vmem>> -> memref<96xi32, #tpu.memory_space<vmem>>
    %dma_wait3A_206 = tpu.memref_slice %arg3[%add3A_197] : memref<320000xi32, #tpu.memory_space<hbm>> -> memref<96xi32, #tpu.memory_space<hbm>>
    tpu.wait_dma2 semaphore(%arg18 : memref<!tpu.dma_semaphore, #tpu.memory_space<semaphore_mem>>) src(%dma_wait3A_206 : memref<96xi32, #tpu.memory_space<hbm>>) dst(%dma_wait3A_205 : memref<96xi32, #tpu.memory_space<vmem>>)
    %add3A_207 = arith.constant 9792 : i32
    %add3A_208 = arith.addi %mul3A_2, %add3A_207 : i32
    %dma_wait3A_209 = arith.constant 1 : i32
    %dma_wait3A_210 = arith.constant 0 : i32
    %dma_wait3A_211 = tpu.memref_slice %arg13[%dma_wait3A_209, %dma_wait3A_210] : memref<2x96xi32, #tpu.memory_space<vmem>> -> memref<1x96xi32, #tpu.memory_space<vmem>>
    %dma_wait3A_212 = tpu.memref_squeeze %dma_wait3A_211 : memref<1x96xi32, #tpu.memory_space<vmem>> -> memref<96xi32, #tpu.memory_space<vmem>>
    %dma_wait3A_213 = tpu.memref_slice %arg4[%add3A_208] : memref<320000xi32, #tpu.memory_space<hbm>> -> memref<96xi32, #tpu.memory_space<hbm>>
    %dma_wait3A_214 = arith.constant 0 : i32
    %dma_wait3A_215 = tpu.memref_slice %arg13[%dma_wait3A_209, %dma_wait3A_214] : memref<2x96xi32, #tpu.memory_space<vmem>> -> memref<1x96xi32, #tpu.memory_space<vmem>>
    %dma_wait3A_216 = tpu.memref_squeeze %dma_wait3A_215 : memref<1x96xi32, #tpu.memory_space<vmem>> -> memref<96xi32, #tpu.memory_space<vmem>>
    %dma_wait3A_217 = tpu.memref_slice %arg4[%add3A_208] : memref<320000xi32, #tpu.memory_space<hbm>> -> memref<96xi32, #tpu.memory_space<hbm>>
    tpu.wait_dma2 semaphore(%arg18 : memref<!tpu.dma_semaphore, #tpu.memory_space<semaphore_mem>>) src(%dma_wait3A_217 : memref<96xi32, #tpu.memory_space<hbm>>) dst(%dma_wait3A_216 : memref<96xi32, #tpu.memory_space<vmem>>)
    %dma_start3A_218 = arith.constant 0 : i32
    %dma_start3A_219 = arith.constant 0 : i32
    %dma_start3A_220 = tpu.memref_slice %arg13[%dma_start3A_218, %dma_start3A_219] : memref<2x96xi32, #tpu.memory_space<vmem>> -> memref<1x96xi32, #tpu.memory_space<vmem>>
    %dma_start3A_221 = tpu.memref_squeeze %dma_start3A_220 : memref<1x96xi32, #tpu.memory_space<vmem>> -> memref<96xi32, #tpu.memory_space<vmem>>
    %dma_start3A_222 = arith.constant 0 : i32
    %dma_start3A_223 = arith.constant 0 : i32
    %dma_start3A_224 = tpu.memref_slice %arg2[%dma_start3A_222, %dma_start3A_223] : memref<10000x128xf32, #tpu.memory_space<hbm>> -> memref<10000x128xf32, #tpu.memory_space<hbm>>
    tpu.enqueue_indirect_dma source(%dma_start3A_224 : memref<10000x128xf32, #tpu.memory_space<hbm>>) target(%arg9 : memref<96x128xf32, #tpu.memory_space<vmem>>) offsets(%dma_start3A_221 : memref<96xi32, #tpu.memory_space<vmem>>) semaphore(%arg22 : memref<!tpu.dma_semaphore, #tpu.memory_space<semaphore_mem>>)
    %dma_wait3A_225 = arith.constant 1 : i32
    %dma_wait3A_226 = arith.constant 0 : i32
    %dma_wait3A_227 = tpu.memref_slice %arg11[%dma_wait3A_225, %dma_wait3A_226] : memref<2x96xi32, #tpu.memory_space<vmem>> -> memref<1x96xi32, #tpu.memory_space<vmem>>
    %dma_wait3A_228 = tpu.memref_squeeze %dma_wait3A_227 : memref<1x96xi32, #tpu.memory_space<vmem>> -> memref<96xi32, #tpu.memory_space<vmem>>
    %dma_wait3A_229 = arith.constant 0 : i32
    %dma_wait3A_230 = arith.constant 0 : i32
    %dma_wait3A_231 = tpu.memref_slice %arg15[%dma_wait3A_229, %dma_wait3A_230] : memref<10000x128xf32, #tpu.memory_space<vmem_shared>> -> memref<10000x128xf32, #tpu.memory_space<vmem_shared>>
    tpu.wait_indirect_dma semaphore(%arg24 : memref<!tpu.dma_semaphore, #tpu.memory_space<semaphore_mem>>) src(%arg7 : memref<96x128xf32, #tpu.memory_space<vmem>>) dst(%dma_wait3A_231 : memref<10000x128xf32, #tpu.memory_space<vmem_shared>>)
    %add3A_232 = arith.constant 9984 : i32
    %add3A_233 = arith.addi %mul3A_2, %add3A_232 : i32
    %dma_start3A_234 = arith.constant 0 : i32
    %dma_start3A_235 = arith.constant 0 : i32
    %dma_start3A_236 = tpu.memref_slice %arg11[%dma_start3A_234, %dma_start3A_235] : memref<2x96xi32, #tpu.memory_space<vmem>> -> memref<1x16xi32, #tpu.memory_space<vmem>>
    %dma_start3A_237 = tpu.memref_squeeze %dma_start3A_236 : memref<1x16xi32, #tpu.memory_space<vmem>> -> memref<16xi32, #tpu.memory_space<vmem>>
    %dma_start3A_238 = tpu.memref_slice %arg3[%add3A_233] : memref<320000xi32, #tpu.memory_space<hbm>> -> memref<16xi32, #tpu.memory_space<hbm>>
    %dma_start3A_239 = arith.constant 0 : i32
    %dma_start3A_240 = tpu.memref_slice %arg11[%dma_start3A_234, %dma_start3A_239] : memref<2x96xi32, #tpu.memory_space<vmem>> -> memref<1x16xi32, #tpu.memory_space<vmem>>
    %dma_start3A_241 = tpu.memref_squeeze %dma_start3A_240 : memref<1x16xi32, #tpu.memory_space<vmem>> -> memref<16xi32, #tpu.memory_space<vmem>>
    %dma_start3A_242 = tpu.memref_slice %arg3[%add3A_233] : memref<320000xi32, #tpu.memory_space<hbm>> -> memref<16xi32, #tpu.memory_space<hbm>>
    tpu.enqueue_dma source(%dma_start3A_242 : memref<16xi32, #tpu.memory_space<hbm>>) target(%dma_start3A_241 : memref<16xi32, #tpu.memory_space<vmem>>) target_semaphore(%arg16 : memref<!tpu.dma_semaphore, #tpu.memory_space<semaphore_mem>>)
    %add3A_243 = arith.constant 9984 : i32
    %add3A_244 = arith.addi %mul3A_2, %add3A_243 : i32
    %dma_start3A_245 = arith.constant 1 : i32
    %dma_start3A_246 = arith.constant 0 : i32
    %dma_start3A_247 = tpu.memref_slice %arg11[%dma_start3A_245, %dma_start3A_246] : memref<2x96xi32, #tpu.memory_space<vmem>> -> memref<1x16xi32, #tpu.memory_space<vmem>>
    %dma_start3A_248 = tpu.memref_squeeze %dma_start3A_247 : memref<1x16xi32, #tpu.memory_space<vmem>> -> memref<16xi32, #tpu.memory_space<vmem>>
    %dma_start3A_249 = tpu.memref_slice %arg4[%add3A_244] : memref<320000xi32, #tpu.memory_space<hbm>> -> memref<16xi32, #tpu.memory_space<hbm>>
    %dma_start3A_250 = arith.constant 0 : i32
    %dma_start3A_251 = tpu.memref_slice %arg11[%dma_start3A_245, %dma_start3A_250] : memref<2x96xi32, #tpu.memory_space<vmem>> -> memref<1x16xi32, #tpu.memory_space<vmem>>
    %dma_start3A_252 = tpu.memref_squeeze %dma_start3A_251 : memref<1x16xi32, #tpu.memory_space<vmem>> -> memref<16xi32, #tpu.memory_space<vmem>>
    %dma_start3A_253 = tpu.memref_slice %arg4[%add3A_244] : memref<320000xi32, #tpu.memory_space<hbm>> -> memref<16xi32, #tpu.memory_space<hbm>>
    tpu.enqueue_dma source(%dma_start3A_253 : memref<16xi32, #tpu.memory_space<hbm>>) target(%dma_start3A_252 : memref<16xi32, #tpu.memory_space<vmem>>) target_semaphore(%arg16 : memref<!tpu.dma_semaphore, #tpu.memory_space<semaphore_mem>>)
    %dma_wait3A_254 = arith.constant 0 : i32
    %dma_wait3A_255 = arith.constant 0 : i32
    %dma_wait3A_256 = tpu.memref_slice %arg13[%dma_wait3A_254, %dma_wait3A_255] : memref<2x96xi32, #tpu.memory_space<vmem>> -> memref<1x96xi32, #tpu.memory_space<vmem>>
    %dma_wait3A_257 = tpu.memref_squeeze %dma_wait3A_256 : memref<1x96xi32, #tpu.memory_space<vmem>> -> memref<96xi32, #tpu.memory_space<vmem>>
    %dma_wait3A_258 = arith.constant 0 : i32
    %dma_wait3A_259 = arith.constant 0 : i32
    %dma_wait3A_260 = tpu.memref_slice %arg2[%dma_wait3A_258, %dma_wait3A_259] : memref<10000x128xf32, #tpu.memory_space<hbm>> -> memref<10000x128xf32, #tpu.memory_space<hbm>>
    tpu.wait_indirect_dma semaphore(%arg22 : memref<!tpu.dma_semaphore, #tpu.memory_space<semaphore_mem>>) src(%dma_wait3A_260 : memref<10000x128xf32, #tpu.memory_space<hbm>>) dst(%arg9 : memref<96x128xf32, #tpu.memory_space<vmem>>)
    %dma_start3A_261 = arith.constant 1 : i32
    %dma_start3A_262 = arith.constant 0 : i32
    %dma_start3A_263 = tpu.memref_slice %arg13[%dma_start3A_261, %dma_start3A_262] : memref<2x96xi32, #tpu.memory_space<vmem>> -> memref<1x96xi32, #tpu.memory_space<vmem>>
    %dma_start3A_264 = tpu.memref_squeeze %dma_start3A_263 : memref<1x96xi32, #tpu.memory_space<vmem>> -> memref<96xi32, #tpu.memory_space<vmem>>
    %dma_start3A_265 = arith.constant 0 : i32
    %dma_start3A_266 = arith.constant 0 : i32
    %dma_start3A_267 = tpu.memref_slice %arg15[%dma_start3A_265, %dma_start3A_266] : memref<10000x128xf32, #tpu.memory_space<vmem_shared>> -> memref<10000x128xf32, #tpu.memory_space<vmem_shared>>
    tpu.enqueue_indirect_dma source(%arg9 : memref<96x128xf32, #tpu.memory_space<vmem>>) target(%dma_start3A_267 : memref<10000x128xf32, #tpu.memory_space<vmem_shared>>) offsets(%dma_start3A_264 : memref<96xi32, #tpu.memory_space<vmem>>) semaphore(%arg26 : memref<!tpu.dma_semaphore, #tpu.memory_space<semaphore_mem>>) {add = true}
    %add3A_268 = arith.constant 9888 : i32
    %add3A_269 = arith.addi %mul3A_2, %add3A_268 : i32
    %dma_wait3A_270 = arith.constant 0 : i32
    %dma_wait3A_271 = arith.constant 0 : i32
    %dma_wait3A_272 = tpu.memref_slice %arg14[%dma_wait3A_270, %dma_wait3A_271] : memref<2x96xi32, #tpu.memory_space<vmem>> -> memref<1x96xi32, #tpu.memory_space<vmem>>
    %dma_wait3A_273 = tpu.memref_squeeze %dma_wait3A_272 : memref<1x96xi32, #tpu.memory_space<vmem>> -> memref<96xi32, #tpu.memory_space<vmem>>
    %dma_wait3A_274 = tpu.memref_slice %arg3[%add3A_269] : memref<320000xi32, #tpu.memory_space<hbm>> -> memref<96xi32, #tpu.memory_space<hbm>>
    %dma_wait3A_275 = arith.constant 0 : i32
    %dma_wait3A_276 = tpu.memref_slice %arg14[%dma_wait3A_270, %dma_wait3A_275] : memref<2x96xi32, #tpu.memory_space<vmem>> -> memref<1x96xi32, #tpu.memory_space<vmem>>
    %dma_wait3A_277 = tpu.memref_squeeze %dma_wait3A_276 : memref<1x96xi32, #tpu.memory_space<vmem>> -> memref<96xi32, #tpu.memory_space<vmem>>
    %dma_wait3A_278 = tpu.memref_slice %arg3[%add3A_269] : memref<320000xi32, #tpu.memory_space<hbm>> -> memref<96xi32, #tpu.memory_space<hbm>>
    tpu.wait_dma2 semaphore(%arg19 : memref<!tpu.dma_semaphore, #tpu.memory_space<semaphore_mem>>) src(%dma_wait3A_278 : memref<96xi32, #tpu.memory_space<hbm>>) dst(%dma_wait3A_277 : memref<96xi32, #tpu.memory_space<vmem>>)
    %add3A_279 = arith.constant 9888 : i32
    %add3A_280 = arith.addi %mul3A_2, %add3A_279 : i32
    %dma_wait3A_281 = arith.constant 1 : i32
    %dma_wait3A_282 = arith.constant 0 : i32
    %dma_wait3A_283 = tpu.memref_slice %arg14[%dma_wait3A_281, %dma_wait3A_282] : memref<2x96xi32, #tpu.memory_space<vmem>> -> memref<1x96xi32, #tpu.memory_space<vmem>>
    %dma_wait3A_284 = tpu.memref_squeeze %dma_wait3A_283 : memref<1x96xi32, #tpu.memory_space<vmem>> -> memref<96xi32, #tpu.memory_space<vmem>>
    %dma_wait3A_285 = tpu.memref_slice %arg4[%add3A_280] : memref<320000xi32, #tpu.memory_space<hbm>> -> memref<96xi32, #tpu.memory_space<hbm>>
    %dma_wait3A_286 = arith.constant 0 : i32
    %dma_wait3A_287 = tpu.memref_slice %arg14[%dma_wait3A_281, %dma_wait3A_286] : memref<2x96xi32, #tpu.memory_space<vmem>> -> memref<1x96xi32, #tpu.memory_space<vmem>>
    %dma_wait3A_288 = tpu.memref_squeeze %dma_wait3A_287 : memref<1x96xi32, #tpu.memory_space<vmem>> -> memref<96xi32, #tpu.memory_space<vmem>>
    %dma_wait3A_289 = tpu.memref_slice %arg4[%add3A_280] : memref<320000xi32, #tpu.memory_space<hbm>> -> memref<96xi32, #tpu.memory_space<hbm>>
    tpu.wait_dma2 semaphore(%arg19 : memref<!tpu.dma_semaphore, #tpu.memory_space<semaphore_mem>>) src(%dma_wait3A_289 : memref<96xi32, #tpu.memory_space<hbm>>) dst(%dma_wait3A_288 : memref<96xi32, #tpu.memory_space<vmem>>)
    %dma_start3A_290 = arith.constant 0 : i32
    %dma_start3A_291 = arith.constant 0 : i32
    %dma_start3A_292 = tpu.memref_slice %arg14[%dma_start3A_290, %dma_start3A_291] : memref<2x96xi32, #tpu.memory_space<vmem>> -> memref<1x96xi32, #tpu.memory_space<vmem>>
    %dma_start3A_293 = tpu.memref_squeeze %dma_start3A_292 : memref<1x96xi32, #tpu.memory_space<vmem>> -> memref<96xi32, #tpu.memory_space<vmem>>
    %dma_start3A_294 = arith.constant 0 : i32
    %dma_start3A_295 = arith.constant 0 : i32
    %dma_start3A_296 = tpu.memref_slice %arg2[%dma_start3A_294, %dma_start3A_295] : memref<10000x128xf32, #tpu.memory_space<hbm>> -> memref<10000x128xf32, #tpu.memory_space<hbm>>
    tpu.enqueue_indirect_dma source(%dma_start3A_296 : memref<10000x128xf32, #tpu.memory_space<hbm>>) target(%arg10 : memref<96x128xf32, #tpu.memory_space<vmem>>) offsets(%dma_start3A_293 : memref<96xi32, #tpu.memory_space<vmem>>) semaphore(%arg23 : memref<!tpu.dma_semaphore, #tpu.memory_space<semaphore_mem>>)
    %dma_wait3A_297 = arith.constant 1 : i32
    %dma_wait3A_298 = arith.constant 0 : i32
    %dma_wait3A_299 = tpu.memref_slice %arg12[%dma_wait3A_297, %dma_wait3A_298] : memref<2x96xi32, #tpu.memory_space<vmem>> -> memref<1x96xi32, #tpu.memory_space<vmem>>
    %dma_wait3A_300 = tpu.memref_squeeze %dma_wait3A_299 : memref<1x96xi32, #tpu.memory_space<vmem>> -> memref<96xi32, #tpu.memory_space<vmem>>
    %dma_wait3A_301 = arith.constant 0 : i32
    %dma_wait3A_302 = arith.constant 0 : i32
    %dma_wait3A_303 = tpu.memref_slice %arg15[%dma_wait3A_301, %dma_wait3A_302] : memref<10000x128xf32, #tpu.memory_space<vmem_shared>> -> memref<10000x128xf32, #tpu.memory_space<vmem_shared>>
    tpu.wait_indirect_dma semaphore(%arg25 : memref<!tpu.dma_semaphore, #tpu.memory_space<semaphore_mem>>) src(%arg8 : memref<96x128xf32, #tpu.memory_space<vmem>>) dst(%dma_wait3A_303 : memref<10000x128xf32, #tpu.memory_space<vmem_shared>>)
    %dma_wait3A_304 = arith.constant 0 : i32
    %dma_wait3A_305 = arith.constant 0 : i32
    %dma_wait3A_306 = tpu.memref_slice %arg14[%dma_wait3A_304, %dma_wait3A_305] : memref<2x96xi32, #tpu.memory_space<vmem>> -> memref<1x96xi32, #tpu.memory_space<vmem>>
    %dma_wait3A_307 = tpu.memref_squeeze %dma_wait3A_306 : memref<1x96xi32, #tpu.memory_space<vmem>> -> memref<96xi32, #tpu.memory_space<vmem>>
    %dma_wait3A_308 = arith.constant 0 : i32
    %dma_wait3A_309 = arith.constant 0 : i32
    %dma_wait3A_310 = tpu.memref_slice %arg2[%dma_wait3A_308, %dma_wait3A_309] : memref<10000x128xf32, #tpu.memory_space<hbm>> -> memref<10000x128xf32, #tpu.memory_space<hbm>>
    tpu.wait_indirect_dma semaphore(%arg23 : memref<!tpu.dma_semaphore, #tpu.memory_space<semaphore_mem>>) src(%dma_wait3A_310 : memref<10000x128xf32, #tpu.memory_space<hbm>>) dst(%arg10 : memref<96x128xf32, #tpu.memory_space<vmem>>)
    %dma_start3A_311 = arith.constant 1 : i32
    %dma_start3A_312 = arith.constant 0 : i32
    %dma_start3A_313 = tpu.memref_slice %arg14[%dma_start3A_311, %dma_start3A_312] : memref<2x96xi32, #tpu.memory_space<vmem>> -> memref<1x96xi32, #tpu.memory_space<vmem>>
    %dma_start3A_314 = tpu.memref_squeeze %dma_start3A_313 : memref<1x96xi32, #tpu.memory_space<vmem>> -> memref<96xi32, #tpu.memory_space<vmem>>
    %dma_start3A_315 = arith.constant 0 : i32
    %dma_start3A_316 = arith.constant 0 : i32
    %dma_start3A_317 = tpu.memref_slice %arg15[%dma_start3A_315, %dma_start3A_316] : memref<10000x128xf32, #tpu.memory_space<vmem_shared>> -> memref<10000x128xf32, #tpu.memory_space<vmem_shared>>
    tpu.enqueue_indirect_dma source(%arg10 : memref<96x128xf32, #tpu.memory_space<vmem>>) target(%dma_start3A_317 : memref<10000x128xf32, #tpu.memory_space<vmem_shared>>) offsets(%dma_start3A_314 : memref<96xi32, #tpu.memory_space<vmem>>) semaphore(%arg27 : memref<!tpu.dma_semaphore, #tpu.memory_space<semaphore_mem>>) {add = true}
    %add3A_318 = arith.constant 9984 : i32
    %add3A_319 = arith.addi %mul3A_2, %add3A_318 : i32
    %dma_wait3A_320 = arith.constant 0 : i32
    %dma_wait3A_321 = arith.constant 0 : i32
    %dma_wait3A_322 = tpu.memref_slice %arg11[%dma_wait3A_320, %dma_wait3A_321] : memref<2x96xi32, #tpu.memory_space<vmem>> -> memref<1x16xi32, #tpu.memory_space<vmem>>
    %dma_wait3A_323 = tpu.memref_squeeze %dma_wait3A_322 : memref<1x16xi32, #tpu.memory_space<vmem>> -> memref<16xi32, #tpu.memory_space<vmem>>
    %dma_wait3A_324 = tpu.memref_slice %arg3[%add3A_319] : memref<320000xi32, #tpu.memory_space<hbm>> -> memref<16xi32, #tpu.memory_space<hbm>>
    %dma_wait3A_325 = arith.constant 0 : i32
    %dma_wait3A_326 = tpu.memref_slice %arg11[%dma_wait3A_320, %dma_wait3A_325] : memref<2x96xi32, #tpu.memory_space<vmem>> -> memref<1x16xi32, #tpu.memory_space<vmem>>
    %dma_wait3A_327 = tpu.memref_squeeze %dma_wait3A_326 : memref<1x16xi32, #tpu.memory_space<vmem>> -> memref<16xi32, #tpu.memory_space<vmem>>
    %dma_wait3A_328 = tpu.memref_slice %arg3[%add3A_319] : memref<320000xi32, #tpu.memory_space<hbm>> -> memref<16xi32, #tpu.memory_space<hbm>>
    tpu.wait_dma2 semaphore(%arg16 : memref<!tpu.dma_semaphore, #tpu.memory_space<semaphore_mem>>) src(%dma_wait3A_328 : memref<16xi32, #tpu.memory_space<hbm>>) dst(%dma_wait3A_327 : memref<16xi32, #tpu.memory_space<vmem>>)
    %add3A_329 = arith.constant 9984 : i32
    %add3A_330 = arith.addi %mul3A_2, %add3A_329 : i32
    %dma_wait3A_331 = arith.constant 1 : i32
    %dma_wait3A_332 = arith.constant 0 : i32
    %dma_wait3A_333 = tpu.memref_slice %arg11[%dma_wait3A_331, %dma_wait3A_332] : memref<2x96xi32, #tpu.memory_space<vmem>> -> memref<1x16xi32, #tpu.memory_space<vmem>>
    %dma_wait3A_334 = tpu.memref_squeeze %dma_wait3A_333 : memref<1x16xi32, #tpu.memory_space<vmem>> -> memref<16xi32, #tpu.memory_space<vmem>>
    %dma_wait3A_335 = tpu.memref_slice %arg4[%add3A_330] : memref<320000xi32, #tpu.memory_space<hbm>> -> memref<16xi32, #tpu.memory_space<hbm>>
    %dma_wait3A_336 = arith.constant 0 : i32
    %dma_wait3A_337 = tpu.memref_slice %arg11[%dma_wait3A_331, %dma_wait3A_336] : memref<2x96xi32, #tpu.memory_space<vmem>> -> memref<1x16xi32, #tpu.memory_space<vmem>>
    %dma_wait3A_338 = tpu.memref_squeeze %dma_wait3A_337 : memref<1x16xi32, #tpu.memory_space<vmem>> -> memref<16xi32, #tpu.memory_space<vmem>>
    %dma_wait3A_339 = tpu.memref_slice %arg4[%add3A_330] : memref<320000xi32, #tpu.memory_space<hbm>> -> memref<16xi32, #tpu.memory_space<hbm>>
    tpu.wait_dma2 semaphore(%arg16 : memref<!tpu.dma_semaphore, #tpu.memory_space<semaphore_mem>>) src(%dma_wait3A_339 : memref<16xi32, #tpu.memory_space<hbm>>) dst(%dma_wait3A_338 : memref<16xi32, #tpu.memory_space<vmem>>)
    %dma_start3A_340 = arith.constant 0 : i32
    %dma_start3A_341 = arith.constant 0 : i32
    %dma_start3A_342 = arith.constant 0 : i32
    %dma_start3A_343 = tpu.memref_slice %arg7[%dma_start3A_341, %dma_start3A_342] : memref<96x128xf32, #tpu.memory_space<vmem>> -> memref<16x128xf32, #tpu.memory_space<vmem>>
    %dma_start3A_344 = arith.constant 0 : i32
    %dma_start3A_345 = tpu.memref_slice %arg11[%dma_start3A_340, %dma_start3A_344] : memref<2x96xi32, #tpu.memory_space<vmem>> -> memref<1x16xi32, #tpu.memory_space<vmem>>
    %dma_start3A_346 = tpu.memref_squeeze %dma_start3A_345 : memref<1x16xi32, #tpu.memory_space<vmem>> -> memref<16xi32, #tpu.memory_space<vmem>>
    %dma_start3A_347 = arith.constant 0 : i32
    %dma_start3A_348 = arith.constant 0 : i32
    %dma_start3A_349 = tpu.memref_slice %arg2[%dma_start3A_347, %dma_start3A_348] : memref<10000x128xf32, #tpu.memory_space<hbm>> -> memref<10000x128xf32, #tpu.memory_space<hbm>>
    tpu.enqueue_indirect_dma source(%dma_start3A_349 : memref<10000x128xf32, #tpu.memory_space<hbm>>) target(%dma_start3A_343 : memref<16x128xf32, #tpu.memory_space<vmem>>) offsets(%dma_start3A_346 : memref<16xi32, #tpu.memory_space<vmem>>) semaphore(%arg20 : memref<!tpu.dma_semaphore, #tpu.memory_space<semaphore_mem>>)
    %dma_wait3A_350 = arith.constant 1 : i32
    %dma_wait3A_351 = arith.constant 0 : i32
    %dma_wait3A_352 = tpu.memref_slice %arg13[%dma_wait3A_350, %dma_wait3A_351] : memref<2x96xi32, #tpu.memory_space<vmem>> -> memref<1x96xi32, #tpu.memory_space<vmem>>
    %dma_wait3A_353 = tpu.memref_squeeze %dma_wait3A_352 : memref<1x96xi32, #tpu.memory_space<vmem>> -> memref<96xi32, #tpu.memory_space<vmem>>
    %dma_wait3A_354 = arith.constant 0 : i32
    %dma_wait3A_355 = arith.constant 0 : i32
    %dma_wait3A_356 = tpu.memref_slice %arg15[%dma_wait3A_354, %dma_wait3A_355] : memref<10000x128xf32, #tpu.memory_space<vmem_shared>> -> memref<10000x128xf32, #tpu.memory_space<vmem_shared>>
    tpu.wait_indirect_dma semaphore(%arg26 : memref<!tpu.dma_semaphore, #tpu.memory_space<semaphore_mem>>) src(%arg9 : memref<96x128xf32, #tpu.memory_space<vmem>>) dst(%dma_wait3A_356 : memref<10000x128xf32, #tpu.memory_space<vmem_shared>>)
    %dma_wait3A_357 = arith.constant 1 : i32
    %dma_wait3A_358 = arith.constant 0 : i32
    %dma_wait3A_359 = tpu.memref_slice %arg14[%dma_wait3A_357, %dma_wait3A_358] : memref<2x96xi32, #tpu.memory_space<vmem>> -> memref<1x96xi32, #tpu.memory_space<vmem>>
    %dma_wait3A_360 = tpu.memref_squeeze %dma_wait3A_359 : memref<1x96xi32, #tpu.memory_space<vmem>> -> memref<96xi32, #tpu.memory_space<vmem>>
    %dma_wait3A_361 = arith.constant 0 : i32
    %dma_wait3A_362 = arith.constant 0 : i32
    %dma_wait3A_363 = tpu.memref_slice %arg15[%dma_wait3A_361, %dma_wait3A_362] : memref<10000x128xf32, #tpu.memory_space<vmem_shared>> -> memref<10000x128xf32, #tpu.memory_space<vmem_shared>>
    tpu.wait_indirect_dma semaphore(%arg27 : memref<!tpu.dma_semaphore, #tpu.memory_space<semaphore_mem>>) src(%arg10 : memref<96x128xf32, #tpu.memory_space<vmem>>) dst(%dma_wait3A_363 : memref<10000x128xf32, #tpu.memory_space<vmem_shared>>)
    %dma_wait3A_364 = arith.constant 0 : i32
    %dma_wait3A_365 = arith.constant 0 : i32
    %dma_wait3A_366 = arith.constant 0 : i32
    %dma_wait3A_367 = tpu.memref_slice %arg7[%dma_wait3A_365, %dma_wait3A_366] : memref<96x128xf32, #tpu.memory_space<vmem>> -> memref<16x128xf32, #tpu.memory_space<vmem>>
    %dma_wait3A_368 = arith.constant 0 : i32
    %dma_wait3A_369 = tpu.memref_slice %arg11[%dma_wait3A_364, %dma_wait3A_368] : memref<2x96xi32, #tpu.memory_space<vmem>> -> memref<1x16xi32, #tpu.memory_space<vmem>>
    %dma_wait3A_370 = tpu.memref_squeeze %dma_wait3A_369 : memref<1x16xi32, #tpu.memory_space<vmem>> -> memref<16xi32, #tpu.memory_space<vmem>>
    %dma_wait3A_371 = arith.constant 0 : i32
    %dma_wait3A_372 = arith.constant 0 : i32
    %dma_wait3A_373 = tpu.memref_slice %arg2[%dma_wait3A_371, %dma_wait3A_372] : memref<10000x128xf32, #tpu.memory_space<hbm>> -> memref<10000x128xf32, #tpu.memory_space<hbm>>
    tpu.wait_indirect_dma semaphore(%arg20 : memref<!tpu.dma_semaphore, #tpu.memory_space<semaphore_mem>>) src(%dma_wait3A_373 : memref<10000x128xf32, #tpu.memory_space<hbm>>) dst(%dma_wait3A_367 : memref<16x128xf32, #tpu.memory_space<vmem>>)
    %run_scoped3A = arith.constant 1 : i32
    "tpu.region"() ({
      %run_scoped3A_377 = tpu.sem_alloc : memref<!tpu.dma_semaphore, #tpu.memory_space<semaphore_mem>>
      %dma_start3A_378 = arith.constant 0 : i32
      %dma_start3A_379 = arith.constant 0 : i32
      %dma_start3A_380 = tpu.memref_slice %arg7[%dma_start3A_378, %dma_start3A_379] : memref<96x128xf32, #tpu.memory_space<vmem>> -> memref<16x128xf32, #tpu.memory_space<vmem>>
      %dma_start3A_381 = arith.constant 0 : i32
      %dma_start3A_382 = tpu.memref_slice %arg11[%run_scoped3A, %dma_start3A_381] : memref<2x96xi32, #tpu.memory_space<vmem>> -> memref<1x16xi32, #tpu.memory_space<vmem>>
      %dma_start3A_383 = tpu.memref_squeeze %dma_start3A_382 : memref<1x16xi32, #tpu.memory_space<vmem>> -> memref<16xi32, #tpu.memory_space<vmem>>
      %dma_start3A_384 = arith.constant 0 : i32
      %dma_start3A_385 = arith.constant 0 : i32
      %dma_start3A_386 = tpu.memref_slice %arg15[%dma_start3A_384, %dma_start3A_385] : memref<10000x128xf32, #tpu.memory_space<vmem_shared>> -> memref<10000x128xf32, #tpu.memory_space<vmem_shared>>
      tpu.enqueue_indirect_dma source(%dma_start3A_380 : memref<16x128xf32, #tpu.memory_space<vmem>>) target(%dma_start3A_386 : memref<10000x128xf32, #tpu.memory_space<vmem_shared>>) offsets(%dma_start3A_383 : memref<16xi32, #tpu.memory_space<vmem>>) semaphore(%run_scoped3A_377 : memref<!tpu.dma_semaphore, #tpu.memory_space<semaphore_mem>>) {add = true}
      %dma_wait3A_387 = arith.constant 0 : i32
      %dma_wait3A_388 = arith.constant 0 : i32
      %dma_wait3A_389 = tpu.memref_slice %arg7[%dma_wait3A_387, %dma_wait3A_388] : memref<96x128xf32, #tpu.memory_space<vmem>> -> memref<16x128xf32, #tpu.memory_space<vmem>>
      %dma_wait3A_390 = arith.constant 0 : i32
      %dma_wait3A_391 = tpu.memref_slice %arg11[%run_scoped3A, %dma_wait3A_390] : memref<2x96xi32, #tpu.memory_space<vmem>> -> memref<1x16xi32, #tpu.memory_space<vmem>>
      %dma_wait3A_392 = tpu.memref_squeeze %dma_wait3A_391 : memref<1x16xi32, #tpu.memory_space<vmem>> -> memref<16xi32, #tpu.memory_space<vmem>>
      %dma_wait3A_393 = arith.constant 0 : i32
      %dma_wait3A_394 = arith.constant 0 : i32
      %dma_wait3A_395 = tpu.memref_slice %arg15[%dma_wait3A_393, %dma_wait3A_394] : memref<10000x128xf32, #tpu.memory_space<vmem_shared>> -> memref<10000x128xf32, #tpu.memory_space<vmem_shared>>
      tpu.wait_indirect_dma semaphore(%run_scoped3A_377 : memref<!tpu.dma_semaphore, #tpu.memory_space<semaphore_mem>>) src(%dma_wait3A_389 : memref<16x128xf32, #tpu.memory_space<vmem>>) dst(%dma_wait3A_395 : memref<10000x128xf32, #tpu.memory_space<vmem_shared>>)
      tpu.yield
    }) : () -> ()
    %barrier3A_374 = arith.constant 0 : index
    tpu.barrier barrier_id(%barrier3A_374)
    %mul3A_375 = arith.constant 625 : i32
    %mul3A_376 = arith.muli %arg1, %mul3A_375 : i32
    "tpu.region"() ({
      %run_scoped3A_377 = tpu.sem_alloc : memref<!tpu.dma_semaphore, #tpu.memory_space<semaphore_mem>>
      %dma_start3A_378 = arith.constant 0 : i32
      %dma_start3A_379 = arith.constant 0 : i32
      %dma_start3A_380 = tpu.memref_slice %arg6[%arg0, %arg1, %dma_start3A_378, %dma_start3A_379] : memref<2x16x625x128xf32, #tpu.memory_space<hbm>> -> memref<1x1x625x128xf32, #tpu.memory_space<hbm>>
      %dma_start3A_381 = tpu.memref_squeeze %dma_start3A_380 : memref<1x1x625x128xf32, #tpu.memory_space<hbm>> -> memref<625x128xf32, #tpu.memory_space<hbm>>
      %dma_start3A_382 = arith.constant 0 : i32
      %dma_start3A_383 = tpu.memref_slice %arg15[%mul3A_376, %dma_start3A_382] : memref<10000x128xf32, #tpu.memory_space<vmem_shared>> -> memref<625x128xf32, #tpu.memory_space<vmem_shared>>
      tpu.enqueue_dma source(%dma_start3A_383 : memref<625x128xf32, #tpu.memory_space<vmem_shared>>) target(%dma_start3A_381 : memref<625x128xf32, #tpu.memory_space<hbm>>) target_semaphore(%run_scoped3A_377 : memref<!tpu.dma_semaphore, #tpu.memory_space<semaphore_mem>>)
      %dma_wait3A_384 = arith.constant 0 : i32
      %dma_wait3A_385 = arith.constant 0 : i32
      %dma_wait3A_386 = tpu.memref_slice %arg6[%arg0, %arg1, %dma_wait3A_384, %dma_wait3A_385] : memref<2x16x625x128xf32, #tpu.memory_space<hbm>> -> memref<1x1x625x128xf32, #tpu.memory_space<hbm>>
      %dma_wait3A_387 = tpu.memref_squeeze %dma_wait3A_386 : memref<1x1x625x128xf32, #tpu.memory_space<hbm>> -> memref<625x128xf32, #tpu.memory_space<hbm>>
      %dma_wait3A_388 = arith.constant 0 : i32
      %dma_wait3A_389 = tpu.memref_slice %arg15[%mul3A_376, %dma_wait3A_388] : memref<10000x128xf32, #tpu.memory_space<vmem_shared>> -> memref<625x128xf32, #tpu.memory_space<vmem_shared>>
      tpu.wait_dma2 semaphore(%run_scoped3A_377 : memref<!tpu.dma_semaphore, #tpu.memory_space<semaphore_mem>>) src(%dma_wait3A_389 : memref<625x128xf32, #tpu.memory_space<vmem_shared>>) dst(%dma_wait3A_387 : memref<625x128xf32, #tpu.memory_space<hbm>>)
      tpu.yield
    }) : () -> ()
    return
  }
}

module attributes {stable_mosaic.version = 14 : i64} {
  func.func @body(%arg0: i32, %arg1: memref<400x128xf32, #tpu.memory_space<vmem>>, %arg2: memref<2x2x400x16xf32, #tpu.memory_space<vmem>>, %arg3: memref<128x128xf32, #tpu.memory_space<vmem>>, %arg4: memref<400x128xf32, #tpu.memory_space<vmem>>) attributes {dimension_semantics = [#tpu.dimension_semantics<arbitrary>], iteration_bounds = array<i64: 25>, scalar_prefetch = 0 : i64, scratch_operands = 0 : i64, tpu.core_type = #tpu.core_type<tc>, window_params = [{transform_indices = @transform_0, window_bounds = array<i64: 400, 128>}, {transform_indices = @transform_1, window_bounds = array<i64: 2, 2, 400, 16>}, {pipeline_mode = #tpu.pipeline_mode<synchronous>, transform_indices = @transform_2, window_bounds = array<i64: 128, 128>}, {transform_indices = @transform_3, window_bounds = array<i64: 400, 128>}]} {
    %get3A = arith.constant 0 : index
    %get3A_0 = arith.constant 0 : index
    %get3A_1 = arith.constant 0 : index
    %get3A_2 = arith.constant 0 : index
    %get3A_3 = vector.load %arg2[%get3A, %get3A_0, %get3A_1, %get3A_2] : memref<2x2x400x16xf32, #tpu.memory_space<vmem>>, vector<2x2x400x16xf32>
    %slice3A = vector.extract_strided_slice %get3A_3 {offsets = [0, 0, 0, 0], sizes = [1, 1, 400, 1], strides = [1, 1, 1, 1]} : vector<2x2x400x16xf32> to vector<1x1x400x1xf32>
    %squeeze3A = vector.shape_cast %slice3A : vector<1x1x400x1xf32> to vector<400x1xf32>
    %slice3A_4 = vector.extract_strided_slice %get3A_3 {offsets = [1, 0, 0, 0], sizes = [1, 1, 400, 1], strides = [1, 1, 1, 1]} : vector<2x2x400x16xf32> to vector<1x1x400x1xf32>
    %squeeze3A_5 = vector.shape_cast %slice3A_4 : vector<1x1x400x1xf32> to vector<400x1xf32>
    %add3A = arith.addf %squeeze3A, %squeeze3A_5 : vector<400x1xf32>
    %max3A = arith.constant 1.000000e+00 : f32
    %max3A_6 = vector.broadcast %max3A : f32 to vector<400x1xf32>
    %max3A_7 = arith.maximumf %add3A, %max3A_6 : vector<400x1xf32>
    %rsqrt3A = math.rsqrt %max3A_7 : vector<400x1xf32>
    %get3A_8 = arith.constant 0 : index
    %get3A_9 = arith.constant 0 : index
    %get3A_10 = vector.load %arg1[%get3A_8, %get3A_9] : memref<400x128xf32, #tpu.memory_space<vmem>>, vector<400x128xf32>
    %mul3A = vector.broadcast %rsqrt3A : vector<400x1xf32> to vector<400x128xf32>
    %mul3A_11 = arith.mulf %get3A_10, %mul3A : vector<400x128xf32>
    %get3A_12 = arith.constant 0 : index
    %get3A_13 = arith.constant 0 : index
    %get3A_14 = vector.load %arg3[%get3A_12, %get3A_13] : memref<128x128xf32, #tpu.memory_space<vmem>>, vector<128x128xf32>
    %dot_general3A = arith.constant dense<0.000000e+00> : vector<400x128xf32>
    %dot_general3A_15 = tpu.matmul %mul3A_11, %get3A_14, %dot_general3A {dimension_numbers = #tpu.dot_dimension_numbers<[1], [0], [0], [1], [0, 0, 1, 1], [], []>, transpose_lhs_hint = false} : vector<400x128xf32>, vector<128x128xf32>, vector<400x128xf32> -> vector<400x128xf32>
    %swap3A = arith.constant 0 : index
    %swap3A_16 = arith.constant 0 : index
    %swap3A_17 = vector.load %arg4[%swap3A, %swap3A_16] : memref<400x128xf32, #tpu.memory_space<vmem>>, vector<400x128xf32>
    tpu.vector_store %arg4[%swap3A, %swap3A_16], %dot_general3A_15 {strides = array<i32>} : memref<400x128xf32, #tpu.memory_space<vmem>>, vector<400x128xf32>,
    return
  }
  func.func @transform_0(%arg0: i32) -> (i32, i32) {
    %c0_i32 = arith.constant 0 : i32
    %c0_i32_0 = arith.constant 0 : i32
    return %arg0, %c0_i32 : i32, i32
  }
  func.func @transform_1(%arg0: i32) -> (i32, i32, i32, i32) {
    %c0_i32 = arith.constant 0 : i32
    %c0_i32_0 = arith.constant 0 : i32
    %c0_i32_1 = arith.constant 0 : i32
    %c0_i32_2 = arith.constant 0 : i32
    return %c0_i32, %c0_i32_0, %arg0, %c0_i32_1 : i32, i32, i32, i32
  }
  func.func @transform_2(%arg0: i32) -> (i32, i32) {
    %c0_i32 = arith.constant 0 : i32
    %c0_i32_0 = arith.constant 0 : i32
    %c0_i32_1 = arith.constant 0 : i32
    return %c0_i32, %c0_i32_0 : i32, i32
  }
  func.func @transform_3(%arg0: i32) -> (i32, i32) {
    %c0_i32 = arith.constant 0 : i32
    %c0_i32_0 = arith.constant 0 : i32
    return %arg0, %c0_i32 : i32, i32
  }
}

module attributes {stable_mosaic.version = 14 : i64} {
  func.func @body(%arg0: i32, %arg1: memref<2x400x128xf32, #tpu.memory_space<vmem>>, %arg2: memref<2x2x400x16xf32, #tpu.memory_space<vmem>>, %arg3: memref<1x128xf32, #tpu.memory_space<vmem>>, %arg4: memref<400x128xf32, #tpu.memory_space<vmem>>) attributes {dimension_semantics = [#tpu.dimension_semantics<arbitrary>], iteration_bounds = array<i64: 25>, scalar_prefetch = 0 : i64, scratch_operands = 0 : i64, tpu.core_type = #tpu.core_type<tc>, window_params = [{transform_indices = @transform_0, window_bounds = array<i64: 2, 400, 128>}, {transform_indices = @transform_1, window_bounds = array<i64: 2, 2, 400, 16>}, {pipeline_mode = #tpu.pipeline_mode<synchronous>, transform_indices = @transform_2, window_bounds = array<i64: 1, 128>}, {transform_indices = @transform_3, window_bounds = array<i64: 400, 128>}]} {
    %get3A = arith.constant 0 : index
    %get3A_0 = arith.constant 0 : index
    %get3A_1 = arith.constant 0 : index
    %get3A_2 = arith.constant 0 : index
    %get3A_3 = vector.load %arg2[%get3A, %get3A_0, %get3A_1, %get3A_2] : memref<2x2x400x16xf32, #tpu.memory_space<vmem>>, vector<2x2x400x16xf32>
    %slice3A = vector.extract_strided_slice %get3A_3 {offsets = [0, 0, 0, 0], sizes = [1, 1, 400, 1], strides = [1, 1, 1, 1]} : vector<2x2x400x16xf32> to vector<1x1x400x1xf32>
    %squeeze3A = vector.shape_cast %slice3A : vector<1x1x400x1xf32> to vector<400x1xf32>
    %slice3A_4 = vector.extract_strided_slice %get3A_3 {offsets = [1, 0, 0, 0], sizes = [1, 1, 400, 1], strides = [1, 1, 1, 1]} : vector<2x2x400x16xf32> to vector<1x1x400x1xf32>
    %squeeze3A_5 = vector.shape_cast %slice3A_4 : vector<1x1x400x1xf32> to vector<400x1xf32>
    %add3A = arith.addf %squeeze3A, %squeeze3A_5 : vector<400x1xf32>
    %max3A = arith.constant 1.000000e+00 : f32
    %max3A_6 = vector.broadcast %max3A : f32 to vector<400x1xf32>
    %max3A_7 = arith.maximumf %add3A, %max3A_6 : vector<400x1xf32>
    %rsqrt3A = math.rsqrt %max3A_7 : vector<400x1xf32>
    %slice3A_8 = vector.extract_strided_slice %get3A_3 {offsets = [0, 1, 0, 0], sizes = [1, 1, 400, 1], strides = [1, 1, 1, 1]} : vector<2x2x400x16xf32> to vector<1x1x400x1xf32>
    %squeeze3A_9 = vector.shape_cast %slice3A_8 : vector<1x1x400x1xf32> to vector<400x1xf32>
    %slice3A_10 = vector.extract_strided_slice %get3A_3 {offsets = [1, 1, 0, 0], sizes = [1, 1, 400, 1], strides = [1, 1, 1, 1]} : vector<2x2x400x16xf32> to vector<1x1x400x1xf32>
    %squeeze3A_11 = vector.shape_cast %slice3A_10 : vector<1x1x400x1xf32> to vector<400x1xf32>
    %add3A_12 = arith.addf %squeeze3A_9, %squeeze3A_11 : vector<400x1xf32>
    %max3A_13 = arith.constant 1.000000e+00 : f32
    %max3A_14 = vector.broadcast %max3A_13 : f32 to vector<400x1xf32>
    %max3A_15 = arith.maximumf %add3A_12, %max3A_14 : vector<400x1xf32>
    %rsqrt3A_16 = math.rsqrt %max3A_15 : vector<400x1xf32>
    %get3A_17 = arith.constant 0 : index
    %get3A_18 = arith.constant 0 : index
    %get3A_19 = arith.constant 0 : index
    %get3A_20 = vector.load %arg1[%get3A_17, %get3A_18, %get3A_19] : memref<2x400x128xf32, #tpu.memory_space<vmem>>, vector<1x400x128xf32>
    %get3A_21 = vector.shape_cast %get3A_20 : vector<1x400x128xf32> to vector<400x128xf32>
    %get3A_22 = arith.constant 1 : index
    %get3A_23 = arith.constant 0 : index
    %get3A_24 = arith.constant 0 : index
    %get3A_25 = vector.load %arg1[%get3A_22, %get3A_23, %get3A_24] : memref<2x400x128xf32, #tpu.memory_space<vmem>>, vector<1x400x128xf32>
    %get3A_26 = vector.shape_cast %get3A_25 : vector<1x400x128xf32> to vector<400x128xf32>
    %add3A_27 = arith.addf %get3A_21, %get3A_26 : vector<400x128xf32>
    %mul3A = vector.broadcast %rsqrt3A_16 : vector<400x1xf32> to vector<400x128xf32>
    %mul3A_28 = arith.mulf %add3A_27, %mul3A : vector<400x128xf32>
    %get3A_29 = arith.constant 0 : index
    %get3A_30 = arith.constant 0 : index
    %get3A_31 = vector.load %arg3[%get3A_29, %get3A_30] : memref<1x128xf32, #tpu.memory_space<vmem>>, vector<1x128xf32>
    %add3A_32 = vector.broadcast %get3A_31 : vector<1x128xf32> to vector<400x128xf32>
    %add3A_33 = arith.addf %mul3A_28, %add3A_32 : vector<400x128xf32>
    %max3A_34 = arith.constant 0.000000e+00 : f32
    %max3A_35 = vector.broadcast %max3A_34 : f32 to vector<400x128xf32>
    %max3A_36 = arith.maximumf %add3A_33, %max3A_35 : vector<400x128xf32>
    %mul3A_37 = vector.broadcast %rsqrt3A : vector<400x1xf32> to vector<400x128xf32>
    %mul3A_38 = arith.mulf %max3A_36, %mul3A_37 : vector<400x128xf32>
    %swap3A = arith.constant 0 : index
    %swap3A_39 = arith.constant 0 : index
    %swap3A_40 = vector.load %arg4[%swap3A, %swap3A_39] : memref<400x128xf32, #tpu.memory_space<vmem>>, vector<400x128xf32>
    tpu.vector_store %arg4[%swap3A, %swap3A_39], %mul3A_38 {strides = array<i32>} : memref<400x128xf32, #tpu.memory_space<vmem>>, vector<400x128xf32>,
    return
  }
  func.func @transform_0(%arg0: i32) -> (i32, i32, i32) {
    %c0_i32 = arith.constant 0 : i32
    %c0_i32_0 = arith.constant 0 : i32
    %c0_i32_1 = arith.constant 0 : i32
    return %c0_i32, %arg0, %c0_i32_0 : i32, i32, i32
  }
  func.func @transform_1(%arg0: i32) -> (i32, i32, i32, i32) {
    %c0_i32 = arith.constant 0 : i32
    %c0_i32_0 = arith.constant 0 : i32
    %c0_i32_1 = arith.constant 0 : i32
    %c0_i32_2 = arith.constant 0 : i32
    return %c0_i32, %c0_i32_0, %arg0, %c0_i32_1 : i32, i32, i32, i32
  }
  func.func @transform_2(%arg0: i32) -> (i32, i32) {
    %c0_i32 = arith.constant 0 : i32
    %c0_i32_0 = arith.constant 0 : i32
    %c0_i32_1 = arith.constant 0 : i32
    return %c0_i32, %c0_i32_0 : i32, i32
  }
  func.func @transform_3(%arg0: i32) -> (i32, i32) {
    %c0_i32 = arith.constant 0 : i32
    %c0_i32_0 = arith.constant 0 : i32
    return %arg0, %c0_i32 : i32, i32
  }
}

module attributes {stable_mosaic.version = 14 : i64} {
  func.func @body(%arg0: i32, %arg1: memref<2x400x128xf32, #tpu.memory_space<vmem>>, %arg2: memref<2x2x400x16xf32, #tpu.memory_space<vmem>>, %arg3: memref<128x40xf32, #tpu.memory_space<vmem>>, %arg4: memref<1x40xf32, #tpu.memory_space<vmem>>, %arg5: memref<400x40xf32, #tpu.memory_space<vmem>>) attributes {dimension_semantics = [#tpu.dimension_semantics<arbitrary>], iteration_bounds = array<i64: 25>, scalar_prefetch = 0 : i64, scratch_operands = 0 : i64, tpu.core_type = #tpu.core_type<tc>, window_params = [{transform_indices = @transform_0, window_bounds = array<i64: 2, 400, 128>}, {transform_indices = @transform_1, window_bounds = array<i64: 2, 2, 400, 16>}, {pipeline_mode = #tpu.pipeline_mode<synchronous>, transform_indices = @transform_2, window_bounds = array<i64: 128, 40>}, {pipeline_mode = #tpu.pipeline_mode<synchronous>, transform_indices = @transform_3, window_bounds = array<i64: 1, 40>}, {transform_indices = @transform_4, window_bounds = array<i64: 400, 40>}]} {
    %get3A = arith.constant 0 : index
    %get3A_0 = arith.constant 0 : index
    %get3A_1 = arith.constant 0 : index
    %get3A_2 = arith.constant 0 : index
    %get3A_3 = vector.load %arg2[%get3A, %get3A_0, %get3A_1, %get3A_2] : memref<2x2x400x16xf32, #tpu.memory_space<vmem>>, vector<2x2x400x16xf32>
    %slice3A = vector.extract_strided_slice %get3A_3 {offsets = [0, 1, 0, 0], sizes = [1, 1, 400, 1], strides = [1, 1, 1, 1]} : vector<2x2x400x16xf32> to vector<1x1x400x1xf32>
    %squeeze3A = vector.shape_cast %slice3A : vector<1x1x400x1xf32> to vector<400x1xf32>
    %slice3A_4 = vector.extract_strided_slice %get3A_3 {offsets = [1, 1, 0, 0], sizes = [1, 1, 400, 1], strides = [1, 1, 1, 1]} : vector<2x2x400x16xf32> to vector<1x1x400x1xf32>
    %squeeze3A_5 = vector.shape_cast %slice3A_4 : vector<1x1x400x1xf32> to vector<400x1xf32>
    %add3A = arith.addf %squeeze3A, %squeeze3A_5 : vector<400x1xf32>
    %max3A = arith.constant 1.000000e+00 : f32
    %max3A_6 = vector.broadcast %max3A : f32 to vector<400x1xf32>
    %max3A_7 = arith.maximumf %add3A, %max3A_6 : vector<400x1xf32>
    %rsqrt3A = math.rsqrt %max3A_7 : vector<400x1xf32>
    %get3A_8 = arith.constant 0 : index
    %get3A_9 = arith.constant 0 : index
    %get3A_10 = arith.constant 0 : index
    %get3A_11 = vector.load %arg1[%get3A_8, %get3A_9, %get3A_10] : memref<2x400x128xf32, #tpu.memory_space<vmem>>, vector<1x400x128xf32>
    %get3A_12 = vector.shape_cast %get3A_11 : vector<1x400x128xf32> to vector<400x128xf32>
    %get3A_13 = arith.constant 1 : index
    %get3A_14 = arith.constant 0 : index
    %get3A_15 = arith.constant 0 : index
    %get3A_16 = vector.load %arg1[%get3A_13, %get3A_14, %get3A_15] : memref<2x400x128xf32, #tpu.memory_space<vmem>>, vector<1x400x128xf32>
    %get3A_17 = vector.shape_cast %get3A_16 : vector<1x400x128xf32> to vector<400x128xf32>
    %add3A_18 = arith.addf %get3A_12, %get3A_17 : vector<400x128xf32>
    %mul3A = vector.broadcast %rsqrt3A : vector<400x1xf32> to vector<400x128xf32>
    %mul3A_19 = arith.mulf %add3A_18, %mul3A : vector<400x128xf32>
    %get3A_20 = arith.constant 0 : index
    %get3A_21 = arith.constant 0 : index
    %get3A_22 = vector.load %arg3[%get3A_20, %get3A_21] : memref<128x40xf32, #tpu.memory_space<vmem>>, vector<128x40xf32>
    %dot_general3A = arith.constant dense<0.000000e+00> : vector<400x40xf32>
    %dot_general3A_23 = tpu.matmul %mul3A_19, %get3A_22, %dot_general3A {dimension_numbers = #tpu.dot_dimension_numbers<[1], [0], [0], [1], [0, 0, 1, 1], [], []>, transpose_lhs_hint = false} : vector<400x128xf32>, vector<128x40xf32>, vector<400x40xf32> -> vector<400x40xf32>
    %get3A_24 = arith.constant 0 : index
    %get3A_25 = arith.constant 0 : index
    %get3A_26 = vector.load %arg4[%get3A_24, %get3A_25] : memref<1x40xf32, #tpu.memory_space<vmem>>, vector<1x40xf32>
    %add3A_27 = vector.broadcast %get3A_26 : vector<1x40xf32> to vector<400x40xf32>
    %add3A_28 = arith.addf %dot_general3A_23, %add3A_27 : vector<400x40xf32>
    %swap3A = arith.constant 0 : index
    %swap3A_29 = arith.constant 0 : index
    %swap3A_30 = vector.load %arg5[%swap3A, %swap3A_29] : memref<400x40xf32, #tpu.memory_space<vmem>>, vector<400x40xf32>
    tpu.vector_store %arg5[%swap3A, %swap3A_29], %add3A_28 {strides = array<i32>} : memref<400x40xf32, #tpu.memory_space<vmem>>, vector<400x40xf32>,
    return
  }
  func.func @transform_0(%arg0: i32) -> (i32, i32, i32) {
    %c0_i32 = arith.constant 0 : i32
    %c0_i32_0 = arith.constant 0 : i32
    %c0_i32_1 = arith.constant 0 : i32
    return %c0_i32, %arg0, %c0_i32_0 : i32, i32, i32
  }
  func.func @transform_1(%arg0: i32) -> (i32, i32, i32, i32) {
    %c0_i32 = arith.constant 0 : i32
    %c0_i32_0 = arith.constant 0 : i32
    %c0_i32_1 = arith.constant 0 : i32
    %c0_i32_2 = arith.constant 0 : i32
    return %c0_i32, %c0_i32_0, %arg0, %c0_i32_1 : i32, i32, i32, i32
  }
  func.func @transform_2(%arg0: i32) -> (i32, i32) {
    %c0_i32 = arith.constant 0 : i32
    %c0_i32_0 = arith.constant 0 : i32
    %c0_i32_1 = arith.constant 0 : i32
    return %c0_i32, %c0_i32_0 : i32, i32
  }
  func.func @transform_3(%arg0: i32) -> (i32, i32) {
    %c0_i32 = arith.constant 0 : i32
    %c0_i32_0 = arith.constant 0 : i32
    %c0_i32_1 = arith.constant 0 : i32
    return %c0_i32, %c0_i32_0 : i32, i32
  }
  func.func @transform_4(%arg0: i32) -> (i32, i32) {
    %c0_i32 = arith.constant 0 : i32
    %c0_i32_0 = arith.constant 0 : i32
    return %arg0, %c0_i32 : i32, i32
  }
}

</mosaic_0001>

<sc_bundles>
// kernel: kernel.11.cloned.1.call-start
scs
__scs_entry_jumppad:
0x0: {  	(pc) =	sbr.rel $0x88, $3  }
0x1: {  	(tag) =	ssettag $0x0;
	lr =	simm.s32 $0x1  }
0x2: {  	[smem:$0x3F9B] =	sst lr;
	_ =	strace $0xD0000000  }
0x3: {  	_ = 	snop  }
0x4: {  	_ = 	snop  }
0x5: {  	_ = 	snop  }
0x6: {  	_ = 	snop  }
0x7: {  	_ = 	snop  }
__scs_overlays_trampoline_lowered:
0x8: {  	[smem:$0x3FAA] =	sst s0  }
0x9: {  	[smem:$0x3FAB] =	sst s1  }
0xa: {  	[smem:$0x3FAC] =	sst s2  }
0xb: {  	[smem:$0x3FAD] =	sst s3  }
0xc: {  	[smem:$0x3FAE] =	sst s4  }
0xd: {  	[smem:$0x3FAF] =	sst s5  }
0xe: {  	[smem:$0x3FB0] =	sst s6  }
0xf: {  	[smem:$0x3FB1] =	sst s7  }
0x10: {  	[smem:$0x3FB2] =	sst s8  }
0x11: {  	[smem:$0x3FB3] =	sst s9;
	s0 =	simm.s32 @!p0 $0x0  }
0x12: {  	s1 =	sld [smem:$0x3F99];
	s0 =	simm.s32 @p0 $0x1  }
0x13: {  	[smem:$0x3FB4] =	sst s0;
	s0 =	simm.s32 @!p1 $0x0  }
0x14: {  	s2 =	sld [smem:$0x3F98];
	s0 =	simm.s32 @p1 $0x1  }
0x15: {  	[smem:$0x3FB5] =	sst s0;
	s0 =	simm.s32 @!p2 $0x0  }
0x16: {  	s3 =	sld [smem:$0x3FDB];
	s0 =	simm.s32 @p2 $0x1  }
0x17: {  	s4 =	simm.s32 $0x1BF5;
	[smem:$0x3FB7] =	sst s0  }
0x18: {  	s0 =	sld [smem:$0x3F9A];
	_ =	swait.ge [sflag:s4], $0x0  }
0x19: {  	s7 =	sld [smem:$0x3F9B]  }
0x1a: {  	s8 =	sadd.s32 $0xFFFFE003, lr  }
0x1b: {  	s9 =	sadd.s32 $0xFFFFFEF7, lr;
	s5 =	simm.s32 $0xFFFFFFFF;
	p2 =	slt.u32 s8, $0xFFFFF086  }
0x1c: {  	p1 =	slt.u32 s9, $0xF7A;
	s5 =	simm.s32 @!p2 $0x0  }
0x1d: {  	s5 =	simm.s32 @p1 $0x1;
	p0 =	seq.s32 s7, s2  }
0x1e: {  	s7 =	smul.u32 @!p0 $0xF7A, s2;
	p2 =	seq.s32 @!p0 s5, $0x0  }
0x1f: {  	s9 =	smul.u32 $0xF7A, s1;
	s8 =	simm.s32 @!p0 $0x1BF5;
	p2 =	por !p2, p0  }
0x20: {  	[sflag:s8] =	ssyncset.s32 @!p0 $0xFFFFF086;
	s6 =	sadd.s32 @!p0 s3, s7;
	s7 =	simm.s32 @!p0 $0x108  }
0x21: {  	s3 =	sadd.s32 s3, s9;
	s6 =	sadd.s32 @!p0 $0x88, s6;
	s7 =	simm.s32 @p2 $0x1082  }
0x22: {  	[simem:s7], [sflag:s8] =	dma.local @!p0 [hbm:s6], $0xF7A  }
0x23: {  	s9 =	sor.u32 $0xD0000000, s2;
	s6 =	simm.s32 $0x108;
	_ =	swait.ge @!p0 [sflag:s8], $0x0  }
0x24: {  	s3 =	sadd.s32 $0x88, s3;
	s6 =	simm.s32 @!p1 $0x1082;
	[sflag:s4] =	ssyncset.s32 $0xFFFFF086  }
0x25: {  	[simem:s6], [sflag:s4] =	dma.local [hbm:s3], $0xF7A  }
0x26: {  	[smem:$0x3F9B] =	sst s1;
	(tag) =	ssettag s2;
	_ =	strace s9  }
0x27: {  	s1 =	sld [smem:$0x3FAB]  }
0x28: {  	s2 =	sld [smem:$0x3FAC]  }
0x29: {  	s4 =	sld [smem:$0x3FAE]  }
0x2a: {  	p0 =	seq.s32 s5, $0x0;
	s5 =	sld [smem:$0x3FAF]  }
0x2b: {  	s6 =	sld [smem:$0x3FB0]  }
0x2c: {  	s7 =	sld [smem:$0x3FB1]  }
0x2d: {  	s3 =	simm.s32 $0x108;
	s8 =	sld [smem:$0x3FB2]  }
0x2e: {  	s3 =	simm.s32 @!p0 $0x1082;
	s9 =	sld [smem:$0x3FB3]  }
0x2f: {  	lr =	sadd.s32 s0, s3;
	s0 =	sld [smem:$0x3FAA]  }
0x30: {  	s3 =	sld [smem:$0x3FAD]  }
0x31: {  	[smem:$0x3FB6] =	sst s10  }
0x32: {  	s10 =	sld [smem:$0x3FB4];
	_ =	sdelay $0x3  }
0x33: {  	p0 =	seq.s32 s10, $0x1;
	s10 =	sld [smem:$0x3FB6];
	_ =	sdelay $0x3  }
0x34: {  	[smem:$0x3FB6] =	sst s10  }
0x35: {  	s10 =	sld [smem:$0x3FB5];
	_ =	sdelay $0x3  }
0x36: {  	p1 =	seq.s32 s10, $0x1;
	s10 =	sld [smem:$0x3FB6];
	_ =	sdelay $0x3  }
0x37: {  	[smem:$0x3FB6] =	sst s10  }
0x38: {  	s10 =	sld [smem:$0x3FB7]  }
0x39: {  	_ = 	snop;
	(pc) =	sbr.ind lr, $3  }
0x3a: {  	_ = 	snop  }
0x3b: {  	_ = 	snop  }
0x3c: {  	p2 =	seq.s32 s10, $0x1;
	s10 =	sld [smem:$0x3FB6]  }
0x3d: {  	_ =	shalt  }
0x3e: {  	_ =	shalt  }
0x3f: {  	_ =	shalt  }
0x40: {  	_ =	shalt  }
0x41: {  	_ =	shalt  }
0x42: {  	_ =	shalt  }
0x43: {  	_ =	shalt  }
0x44: {  	_ =	shalt  }
0x45: {  	_ =	shalt  }
0x46: {  	_ =	shalt  }
0x47: {  	_ =	shalt  }
0x48: {  	_ =	shalt  }
0x49: {  	_ =	shalt  }
0x4a: {  	_ =	shalt  }
0x4b: {  	_ =	shalt  }
0x4c: {  	_ =	shalt  }
0x4d: {  	_ =	shalt  }
0x4e: {  	_ =	shalt  }
0x4f: {  	_ =	shalt  }
0x50: {  	_ =	shalt  }
0x51: {  	_ =	shalt  }
0x52: {  	_ =	shalt  }
0x53: {  	_ =	shalt  }
0x54: {  	_ =	shalt  }
0x55: {  	_ =	shalt  }
0x56: {  	_ =	shalt  }
0x57: {  	_ =	shalt  }
0x58: {  	_ =	shalt  }
0x59: {  	_ =	shalt  }
0x5a: {  	_ =	shalt  }
0x5b: {  	_ =	shalt  }
0x5c: {  	_ =	shalt  }
0x5d: {  	_ =	shalt  }
0x5e: {  	_ =	shalt  }
0x5f: {  	_ =	shalt  }
0x60: {  	_ =	shalt  }
0x61: {  	_ =	shalt  }
0x62: {  	_ =	shalt  }
0x63: {  	_ =	shalt  }
0x64: {  	_ =	shalt  }
0x65: {  	_ =	shalt  }
0x66: {  	_ =	shalt  }
0x67: {  	_ =	shalt  }
0x68: {  	_ =	shalt  }
0x69: {  	_ =	shalt  }
0x6a: {  	_ =	shalt  }
0x6b: {  	_ =	shalt  }
0x6c: {  	_ =	shalt  }
0x6d: {  	_ =	shalt  }
0x6e: {  	_ =	shalt  }
0x6f: {  	_ =	shalt  }
0x70: {  	_ =	shalt  }
0x71: {  	_ =	shalt  }
0x72: {  	_ =	shalt  }
0x73: {  	_ =	shalt  }
0x74: {  	_ =	shalt  }
0x75: {  	_ =	shalt  }
0x76: {  	_ =	shalt  }
0x77: {  	_ =	shalt  }
0x78: {  	_ =	shalt  }
0x79: {  	_ =	shalt  }
0x7a: {  	_ =	shalt  }
0x7b: {  	_ =	shalt  }
0x7c: {  	_ =	shalt  }
0x7d: {  	_ =	shalt  }
0x7e: {  	_ =	shalt  }
0x7f: {  	_ =	shalt  }
0x80: {  	_ =	shalt  }
0x81: {  	_ =	shalt  }
0x82: {  	_ =	shalt  }
0x83: {  	_ =	shalt  }
0x84: {  	_ =	shalt  }
0x85: {  	_ =	shalt  }
0x86: {  	_ =	shalt  }
0x87: {  	_ =	shalt  }
.Lfunc_end0:
.L_simem_size_0:
called_computation.1_lowered:
.L_overlay_start_0:
0x88: {  	s2 =	sld [smem:$0x3FD9]  }
0x89: {  	s3 =	sld [smem:$0x3FFE];
	_ =	sdelay $0x1  }
0x8a: {  	s1 =	srdreg.scid  }
0x8b: {  	s0 =	sand.u32 $0x1, s1  }
0x8c: {  	s17 =	sshll.u32 s0, $0xA;
	s2 =	sadd.s32 s3, s2  }
0x8d: {  	s2 =	sadd.s32 s2, s17  }
0x8e: {  	[smem:$0x3FC2] =	sst s2  }
0x8f: {  	_ = 	snop  }
0x90: {  	s2 =	sld [smem:$0x3FD0];
	(tm) =	ssettm $0x1  }
0x91: {  	s18 =	sld [smem:$0x3FFB];
	_ =	sdelay $0x3  }
0x92: {  	_ =	strace s18  }
0x93: {  	s3 =	sld [smem:$0x3FFC];
	_ =	sdelay $0x3  }
0x94: {  	_ =	strace s3  }
0x95: {  	s3 =	sld [smem:$0x3FFD];
	_ =	sdelay $0x3  }
0x96: {  	_ =	strace s3  }
0x97: {  	_ =	strace $0x8FFFFFFF  }
0x98: {  	s19 =	sld [smem:$0x3FDB];
	_ =	sdelay $0x1  }
0x99: {  	s4 =	simm.s32 $_scs_section_size  }
0x9a: {  	s5 =	simm.s32 $_size__tile_overlayer_lowered;
	s6 =	simm.s32 $_tile_overlayer_lowered  }
0x9b: {  	s22 =	simm.s32 $0x1BFF;
	s21 =	sshll.u32 s6, $0x1;
	s3 =	sadd.s32 s4, s19  }
0x9c: {  	s7 =	simm.s32 $0x0;
	s20 =	sshll.u32 s5, $0x1;
	s5 =	sadd.s32 s21, s3  }
0x9d: {  	[timem:s7], [sflag:s22] =	dma.local [hbm:s5], s20  }
0x9e: {  	_ =	swait.ge [sflag:s22], s20  }
0x9f: {  	s4 =	ssub.s32 $0x0, s20;
	[sflag:s22] =	ssyncset.done $0x0  }
0xa0: {  	[sflag:s22] =	ssyncadd.s32 s4;
	_ =	sdelay $0x1  }
0xa1: {  	s23 =	simm.s32 $0x1B8B  }
0xa2: {  	_ =	swait.ge [sflag:s23], $0x1  }
0xa3: {  	[sflag:s23] =	ssyncset.done $0x0  }
0xa4: {  	s25 =	simm.s32 $0x1B8E;
	s24 =	sld [smem:$0x3FFE];
	[sflag:s23] =	ssyncadd.s32 $0xFFFFFFFF  }
0xa5: {  	s26 =	simm.s32 $execute0_lowered;
	[smem:$0x3FD2] =	sst s25  }
0xa6: {  	s5 =	sshll.u32 s26, $0x1;
	_ =	strace $0x80000049;
	[dreg:$0x1] =	wrdreg $0xFFFFFFFF  }
0xa7: {  	s28 =	simm.s32 $_size_execute0_lowered;
	s3 =	sadd.s32 s3, s5;
	[dreg:$0x0] =	wrdreg $0x0  }
0xa8: {  	s5 =	sshll.u32 s28, $0x1;
	[dreg:$0x2] =	wrdreg s3  }
0xa9: {  	[dreg:$0x3] =	wrdreg s5  }
0xaa: {  	[dreg:$0x4] =	wrdreg $0xC0  }
0xab: {  	_ =	task [dreg:s7], $0x5FFFF  }
0xac: {  	[dreg:$0x1] =	wrdreg $0xFFFFFFFF  }
0xad: {  	[dreg:$0x0] =	wrdreg $0x60  }
0xae: {  	[dreg:$0x2] =	wrdreg s24  }
0xaf: {  	[dreg:$0x3] =	wrdreg s2  }
0xb0: {  	[dreg:$0x4] =	wrdreg $0xC4000  }
0xb1: {  	[dreg:$0x5] =	wrdreg $0x9  }
0xb2: {  	_ =	task.clear_ibuf [dreg:s7], $0x6FFFF;
	_ =	strace $0x90000049  }
0xb3: {  	s29 =	simm.s32 $0x9;
	_ =	strace $0x8000004B  }
0xb4: {  	_ =	swait.ge [sflag:s29], $0x1  }
0xb5: {  	[sflag:s29] =	ssyncadd.s32 $0xFFFFFFFF  }
0xb6: {  	_ =	strace $0x9000004B  }
0xb7: {  	_ =	sfence  }
0xb8: {  	s30 =	sld [smem:$0x0];
	_ =	sdelay $0x2  }
0xb9: {  	s31 =	sshll.u32 s1, $0xD;
	s1 =	sshrl.u32 s1, $0x2  }
0xba: {  	s3 =	sand.u32 $0x4000, s31;
	s1 =	sadd.s32 s1, s30  }
0xbb: {  	s0 =	sor.u32 s3, s0;
	s1 =	sshll.u32 s1, $0x11  }
0xbc: {  	s0 =	sor.u32 s1, s0  }
0xbd: {  	s0 =	sadd.s32 $0x8F2B, s0  }
0xbe: {  	[sflag:s0] =	ssyncadd.remote.s32 $0x1  }
0xbf: {  	_ =	sfence.sel $0xFFFF  }
0xc0: {  	[dreg:$0x0] =	wrdreg $0xFFFFFFFF;
	(pc) =	sbr.abs _section_cstart, $3  }
0xc1: {  	[dreg:$0x1] =	wrdreg $0xFFFFFFFF  }
0xc2: {  	_ =	task.clear_ibuf [dreg:s7], $0x2FFFF;
	_ =	strace $0x9FFFFFFF  }
0xc3: {  	(tm) =	ssettm $0x7FFFFFFF  }
tec
execute0_lowered:
.L_overlay_start_1:
0x0: {  	(tag) =	ssettag $0x1  }
0x1: {  	s0 =	rddreg [dreg:$0x0]  }
0x2: {  	s6 =	rddreg [dreg:$0x1]  }
0x3: {  	s3 =	rddreg [dreg:$0x2];
	s4 =	simm.s32 $0x0  }
0x4: {  	s2 =	stileid.u32;
	s1 =	srdreg.scid;
	s29 =	simm.s32 $0x1  }
0x5: {  	s30 =	simm.s32 $0x60;
	s31 =	simm.s32 $0xC200;
	[smem:$0x7FF] =	sst s4  }
0x6: {  	s7 =	smul.u32 $0x13C00, s2;
	s1 =	sand.u32 $0x1, s1;
	s9 =	sshll.u32 s2, $0x1  }
0x7: {  	s5 =	sadd.s32 $0xC0600, s0;
	s12 =	sadd.s32 $0x1800, s0;
	s11 =	smul.u32 $0x4E200, s2  }
0x8: {  	s22 =	smul.u32 $0x4E20, s2;
	s23 =	sshll.u32 s2, $0x6;
	_ =	strace $0x8000004A  }
0x9: {  	s8 =	smul.u32 $0x13C000, s1;
	s9 =	sor.u32 s1, s9;
	s16 =	ssub.s32 $0x2, s1  }
0xa: {  	s1 =	smul.u32 $0x2710, s1;
	[dreg:$0xa] =	wrdreg s12;
	s10 =	sshrl.u32 s7, $0x3  }
0xb: {  	s14 =	smul.u32 $0x2710, s9;
	s17 =	sshrl.u32 s16, $0x1;
	s21 =	sshrl.u32 s11, $0x2  }
0xc: {  	s7 =	sadd.s32 s7, s8;
	s15 =	sadd.s32 s10, s0;
	s1 =	sadd.s32 s1, s22  }
0xd: {  	s7 =	sshrl.u32 s7, $0x3;
	s8 =	sshrl.u32 s14, $0x3;
	s24 =	sadd.s32 $0xE7800, s15  }
0xe: {  	s15 =	sadd.s32 $0x1E0, s1;
	s13 =	sadd.s32 s12, s8;
	[dreg:$0x10] =	wrdreg s24  }
0xf: {  	s18 =	sadd.s32 $0xC, s8;
	s19 =	sadd.s32 s6, s8;
	[dreg:$0xb] =	wrdreg s13  }
0x10: {  	s0 =	sadd.s32 s7, s0;
	[dreg:$0xc] =	wrdreg s19;
	s20 =	sadd.s32 s12, s18  }
0x11: {  	s25 =	sadd.s32 $0x4C8, s8;
	s10 =	sadd.s32 s6, s18;
	[dreg:$0xd] =	wrdreg s20  }
0x12: {  	s7 =	ssub.s32 s16, s17;
	s26 =	sadd.s32 s12, s25;
	[dreg:$0xe] =	wrdreg s10  }
0x13: {  	s28 =	sadd.s32 $0x4D4, s8;
	s11 =	sadd.s32 s6, s25;
	[dreg:$0x12] =	wrdreg s26  }
0x14: {  	s8 =	sadd.s32 $0x4E0, s8;
	s14 =	sadd.s32 s12, s28;
	[dreg:$0x13] =	wrdreg s11  }
0x15: {  	s9 =	sshrl.u32 s15, $0x3;
	s16 =	sadd.s32 s6, s28;
	[dreg:$0x14] =	wrdreg s14  }
0x16: {  	s15 =	simm.s32 $0x9;
	s17 =	sadd.s32 s12, s8;
	[dreg:$0x15] =	wrdreg s16  }
0x17: {  	s13 =	sor.u32 $0x1C0D, s23;
	s18 =	sadd.s32 s9, s6;
	[dreg:$0x16] =	wrdreg s17  }
0x18: {  	s9 =	sadd.s32 s9, s12;
	s24 =	sadd.s32 s6, s8;
	[dreg:$0x4] =	wrdreg s18  }
0x19: {  	s0 =	sadd.s32 $0x10F000, s0;
	s28 =	smax.u32 s7, $0x1;
	[dreg:$0x5] =	wrdreg s9  }
0x1a: {  	s7 =	simm.s32 $0x2;
	s8 =	simm.s32 $0x3000;
	[dreg:$0x17] =	wrdreg s24  }
0x1b: {  	s10 =	sadd.s32 s21, s3;
	s11 =	sadd.s32 $0x120, s1;
	[dreg:$0x18] =	wrdreg s0  }
0x1c: {  	s21 =	sadd.s32 $0xC0, s1;
	[dreg:$0x19] =	wrdreg s28;
	s1 =	sadd.s32 $0x180, s1  }
0x1d: {  	s0 =	simm.s32 $0xC280;
	s9 =	simm.s32 $0xC300;
	s14 =	simm.s32 $0x6000  }
0x1e: {  	s16 =	simm.s32 $0x7;
	s17 =	simm.s32 $0x4;
	[dreg:$0x11] =	wrdreg s13  }
0x1f: {  	s18 =	simm.s32 $0x9000;
	[dreg:$0xf] =	wrdreg s10;
	s19 =	sshrl.u32 s11, $0x3  }
0x20: {  	s23 =	sshrl.u32 s21, $0x3;
	[dreg:$0x1a] =	wrdreg s1;
	s1 =	simm.s32 $0x5  }
0x21: {  	s10 =	simm.s32 $0xC380;
	s11 =	simm.s32 $0x6;
	s20 =	sadd.s32 s19, s6  }
0x22: {  	s21 =	simm.s32 $0x0;
	s22 =	sadd.s32 s19, s12;
	[dreg:$0x6] =	wrdreg s20  }
0x23: {  	s25 =	sadd.s32 s23, s6;
	s26 =	sadd.s32 s23, s12;
	[dreg:$0x7] =	wrdreg s22  }
0x24: {  	s6 =	simm.s32 $0xD;
	s12 =	simm.s32 $0x3;
	[dreg:$0x8] =	wrdreg s25  }
0x25: {  	s19 =	simm.s32 $0xA;
	[dreg:$0x9] =	wrdreg s26;
	s20 =	simm.s32 $0x8  }
.LBB2_1:
0x26: {  	[dreg:$0x1b] =	wrdreg s21  }
0x27: {  	s2 =	rddreg [dreg:$0xb]  }
0x28: {  	s25 =	rddreg [dreg:$0xc]  }
0x29: {  	s26 =	rddreg [dreg:$0xd]  }
0x2a: {  	s23 =	simm.s32 $0xC000;
	s21 =	rddreg [dreg:$0xe]  }
0x2b: {  	[tilespmem:s23], [sflag:$0x1] =	stream.linear.gather [hbm4b:s2+s4], $0x60, $0x38;
	[tilespmem:$0x1FC80] =	vst v63  }
0x2c: {  	s24 =	simm.s32 $0xC080;
	s22 =	rddreg [dreg:$0xf]  }
0x2d: {  	[tilespmem:s24], [sflag:$0x1] =	stream.linear.gather [hbm4b:s25+s4], $0x60, $0x38;
	[tilespmem:$0x1FC80] =	vst v63  }
0x2e: {  	s2 =	sshrl.u32 s22, $0x3;
	s22 =	rddreg [dreg:$0x10];
	s25 =	simm.s32 $0xC100  }
0x2f: {  	[tilespmem:s25], [sflag:$0x2] =	stream.linear.gather [hbm4b:s26+s4], $0x60, $0x38;
	[tilespmem:$0x1FC80] =	vst v63  }
0x30: {  	[dreg:$0x1c] =	wrdreg s2;
	s26 =	simm.s32 $0xC180  }
0x31: {  	[tilespmem:s26], [sflag:$0x2] =	stream.linear.gather [hbm4b:s21+s4], $0x60, $0x38;
	[tilespmem:$0x1FC80] =	vst v63  }
0x32: {  	[spmem:s2], [sflag:s13] =	dma.local [hbm:s22], $0x2710  }
0x33: {  	_ =	swait.ge [sflag:s6], $0x2710  }
0x34: {  	[sflag:s6] =	ssyncset.done $0x0  }
0x35: {  	[sflag:s6] =	ssyncadd.s32 $0xFFFFD8F0  }
0x36: {  	_ =	swait.ge [sflag:s29], $0x60  }
0x37: {  	[sflag:s29] =	ssyncset.done $0x0  }
0x38: {  	[sflag:s29] =	ssyncadd.s32 $0xFFFFFFA0  }
0x39: {  	_ =	swait.ge [sflag:s29], $0x60  }
0x3a: {  	[sflag:s29] =	ssyncset.done $0x0  }
0x3b: {  	p0 =	por $0x1, $0x1;
	[sflag:s29] =	ssyncadd.s32 $0xFFFFFFA0  }
0x3c: {  	[tilespmem:s4], [sflag:$0x5] =	stream.indirect.gather [hbm4b:s5+s30], $0x80, s23, s30, $0xb8;
	[tilespmem:$0x1FC80] =	vst v63  }
0x3d: {  	s13 =	simm.s32 @!p0 $0xB;
	[bflag:$0x0] =	sbarrier.arrive $0xFFFF  }
0x3e: {  	_ =	swait.ge @!p0 [sflag:s13], $0x3000  }
0x3f: {  	s2 =	rddreg [dreg:$0x9];
	[sflag:s13] =	ssyncset.done @!p0 $0x0  }
0x40: {  	s22 =	rddreg [dreg:$0x8];
	[sflag:s13] =	ssyncadd.s32 @!p0 $0xFFFFD000;
	s6 =	sadd.s32 $0x0, s2  }
0x41: {  	[tilespmem:s31], [sflag:$0x3] =	stream.linear.gather [hbm4b:s6+s4], $0x60, $0x38;
	[tilespmem:$0x1FC80] =	vst v63  }
0x42: {  	s21 =	sadd.s32 $0x0, s22  }
0x43: {  	[tilespmem:s0], [sflag:$0x3] =	stream.linear.gather [hbm4b:s21+s4], $0x60, $0x38;
	[tilespmem:$0x1FC80] =	vst v63  }
0x44: {  	_ =	swait.ge [sflag:s1], $0x3000  }
0x45: {  	[sflag:s1] =	ssyncset.done $0x0  }
0x46: {  	[sflag:s1] =	ssyncadd.s32 $0xFFFFD000  }
0x47: {  	[spmem:s3] =	stream.indirect.scatter.add.f32 [tilespmem:s4], [sflag:$0x9], $0x80, s24, s30, $0xb8;
	[tilespmem:$0x1FC80] =	vst v63  }
0x48: {  	_ =	swait.ge [sflag:s7], $0x60  }
0x49: {  	[sflag:s7] =	ssyncset.done $0x0  }
0x4a: {  	[sflag:s7] =	ssyncadd.s32 $0xFFFFFFA0  }
0x4b: {  	_ =	swait.ge [sflag:s7], $0x60  }
0x4c: {  	[sflag:s7] =	ssyncset.done $0x0  }
0x4d: {  	s13 =	simm.s32 @!p0 $0xC;
	[sflag:s7] =	ssyncadd.s32 $0xFFFFFFA0  }
0x4e: {  	[tilespmem:s8], [sflag:$0x6] =	stream.indirect.gather [hbm4b:s5+s30], $0x80, s25, s30, $0xb8;
	[tilespmem:$0x1FC80] =	vst v63  }
0x4f: {  	_ =	swait.ge @!p0 [sflag:s13], $0x3000  }
0x50: {  	s22 =	rddreg [dreg:$0x7];
	[sflag:s13] =	ssyncset.done @!p0 $0x0  }
0x51: {  	s2 =	rddreg [dreg:$0x6];
	[sflag:s13] =	ssyncadd.s32 @!p0 $0xFFFFD000;
	s6 =	sadd.s32 $0x0, s22  }
0x52: {  	[tilespmem:s9], [sflag:$0x4] =	stream.linear.gather [hbm4b:s6+s4], $0x60, $0x38;
	[tilespmem:$0x1FC80] =	vst v63  }
0x53: {  	s21 =	sadd.s32 $0x0, s2  }
0x54: {  	[tilespmem:s10], [sflag:$0x4] =	stream.linear.gather [hbm4b:s21+s4], $0x60, $0x38;
	[tilespmem:$0x1FC80] =	vst v63  }
0x55: {  	_ =	swait.ge [sflag:s11], $0x3000  }
0x56: {  	[sflag:s11] =	ssyncset.done $0x0  }
0x57: {  	[sflag:s11] =	ssyncadd.s32 $0xFFFFD000  }
0x58: {  	[spmem:s3] =	stream.indirect.scatter.add.f32 [tilespmem:s8], [sflag:$0xA], $0x80, s26, s30, $0xb8;
	[tilespmem:$0x1FC80] =	vst v63  }
0x59: {  	_ =	swait.ge [sflag:s12], $0x60  }
0x5a: {  	[sflag:s12] =	ssyncset.done $0x0  }
0x5b: {  	[sflag:s12] =	ssyncadd.s32 $0xFFFFFFA0  }
0x5c: {  	_ =	swait.ge [sflag:s12], $0x60  }
0x5d: {  	[sflag:s12] =	ssyncset.done $0x0  }
0x5e: {  	[sflag:s12] =	ssyncadd.s32 $0xFFFFFFA0  }
0x5f: {  	[tilespmem:s14], [sflag:$0x7] =	stream.indirect.gather [hbm4b:s5+s30], $0x80, s31, s30, $0xb8;
	[tilespmem:$0x1FC80] =	vst v63  }
0x60: {  	_ =	swait.ge [sflag:s15], $0x3000  }
0x61: {  	[sflag:s15] =	ssyncset.done $0x0;
	s6 =	rddreg [dreg:$0x1a]  }
0x62: {  	s22 =	rddreg [dreg:$0xa];
	s13 =	sshrl.u32 s6, $0x3;
	[sflag:s15] =	ssyncadd.s32 $0xFFFFD000  }
0x63: {  	s2 =	sadd.s32 s22, s13;
	s22 =	rddreg [dreg:$0x1]  }
0x64: {  	[tilespmem:s23], [sflag:$0x1] =	stream.linear.gather [hbm4b:s2+s4], $0x60, $0x38;
	[tilespmem:$0x1FC80] =	vst v63  }
0x65: {  	s13 =	sadd.s32 s22, s13  }
0x66: {  	[tilespmem:s24], [sflag:$0x1] =	stream.linear.gather [hbm4b:s13+s4], $0x60, $0x38;
	[tilespmem:$0x1FC80] =	vst v63  }
0x67: {  	_ =	swait.ge [sflag:s16], $0x3000  }
0x68: {  	[sflag:s16] =	ssyncset.done $0x0  }
0x69: {  	[sflag:s16] =	ssyncadd.s32 $0xFFFFD000  }
0x6a: {  	[spmem:s3] =	stream.indirect.scatter.add.f32 [tilespmem:s14], [sflag:$0xB], $0x80, s0, s30, $0xb8;
	[tilespmem:$0x1FC80] =	vst v63  }
0x6b: {  	_ =	swait.ge [sflag:s17], $0x60  }
0x6c: {  	[sflag:s17] =	ssyncset.done $0x0  }
0x6d: {  	[sflag:s17] =	ssyncadd.s32 $0xFFFFFFA0  }
0x6e: {  	_ =	swait.ge [sflag:s17], $0x60  }
0x6f: {  	[sflag:s17] =	ssyncset.done $0x0  }
0x70: {  	[sflag:s17] =	ssyncadd.s32 $0xFFFFFFA0  }
0x71: {  	[tilespmem:s18], [sflag:$0x8] =	stream.indirect.gather [hbm4b:s5+s30], $0x80, s9, s30, $0xb8;
	[tilespmem:$0x1FC80] =	vst v63  }
0x72: {  	_ =	swait.ge [sflag:s19], $0x3000  }
0x73: {  	s23 =	rddreg [dreg:$0x5];
	[sflag:s19] =	ssyncset.done $0x0  }
0x74: {  	s24 =	rddreg [dreg:$0x4];
	[sflag:s19] =	ssyncadd.s32 $0xFFFFD000;
	s13 =	sadd.s32 $0x0, s23  }
0x75: {  	[tilespmem:s25], [sflag:$0x2] =	stream.linear.gather [hbm4b:s13+s4], $0x60, $0x38;
	[tilespmem:$0x1FC80] =	vst v63  }
0x76: {  	s25 =	sadd.s32 $0x0, s24  }
0x77: {  	[tilespmem:s26], [sflag:$0x2] =	stream.linear.gather [hbm4b:s25+s4], $0x60, $0x38;
	[tilespmem:$0x1FC80] =	vst v63  }
0x78: {  	_ =	swait.ge [sflag:s20], $0x3000  }
0x79: {  	[sflag:s20] =	ssyncset.done $0x0  }
0x7a: {  	[sflag:s20] =	ssyncadd.s32 $0xFFFFD000  }
0x7b: {  	[spmem:s3] =	stream.indirect.scatter.add.f32 [tilespmem:s18], [sflag:$0xC], $0x80, s10, s30, $0xb8;
	[tilespmem:$0x1FC80] =	vst v63  }
0x7c: {  	_ =	swait.ge [sflag:s29], $0x60  }
0x7d: {  	[sflag:s29] =	ssyncset.done $0x0  }
0x7e: {  	[sflag:s29] =	ssyncadd.s32 $0xFFFFFFA0  }
0x7f: {  	s28 =	simm.s32 $0x60;
	p1 =	por $0x0, $0x0;
	_ =	swait.ge [sflag:s29], $0x60  }
0x80: {  	s21 =	sadd.s32 $0x180, s6;
	s13 =	simm.s32 $0x30;
	[sflag:s29] =	ssyncset.done $0x0  }
.LBB2_2:
0x81: {  	s2 =	simm.s32 @!p1 $0xB;
	[sflag:s29] =	ssyncadd.s32 $0xFFFFFFA0;
	s24 =	simm.s32 $0xC000  }
0x82: {  	[tilespmem:s4], [sflag:$0x5] =	stream.indirect.gather [hbm4b:s5+s30], $0x80, s24, s30, $0xb8;
	[tilespmem:$0x1FC80] =	vst v63  }
0x83: {  	_ =	swait.ge @!p1 [sflag:s2], $0x3000  }
0x84: {  	[sflag:s2] =	ssyncset.done @!p1 $0x0;
	s6 =	rddreg [dreg:$0x9]  }
0x85: {  	s26 =	rddreg [dreg:$0x8];
	[sflag:s2] =	ssyncadd.s32 @!p1 $0xFFFFD000;
	s6 =	sadd.s32 s13, s6  }
0x86: {  	[tilespmem:s31], [sflag:$0x3] =	stream.linear.gather [hbm4b:s6+s4], $0x60, $0x38;
	[tilespmem:$0x1FC80] =	vst v63  }
0x87: {  	s2 =	sadd.s32 s13, s26  }
0x88: {  	[tilespmem:s0], [sflag:$0x3] =	stream.linear.gather [hbm4b:s2+s4], $0x60, $0x38;
	[tilespmem:$0x1FC80] =	vst v63  }
0x89: {  	_ =	swait.ge [sflag:s1], $0x3000  }
0x8a: {  	[sflag:s1] =	ssyncset.done $0x0  }
0x8b: {  	s25 =	simm.s32 $0xC080;
	[sflag:s1] =	ssyncadd.s32 $0xFFFFD000  }
0x8c: {  	[spmem:s3] =	stream.indirect.scatter.add.f32 [tilespmem:s4], [sflag:$0x9], $0x80, s25, s30, $0xb8;
	[tilespmem:$0x1FC80] =	vst v63  }
0x8d: {  	_ =	swait.ge [sflag:s7], $0x60  }
0x8e: {  	[sflag:s7] =	ssyncset.done $0x0  }
0x8f: {  	[sflag:s7] =	ssyncadd.s32 $0xFFFFFFA0  }
0x90: {  	_ =	swait.ge [sflag:s7], $0x60  }
0x91: {  	[sflag:s7] =	ssyncset.done $0x0  }
0x92: {  	s26 =	simm.s32 $0xC100;
	s2 =	simm.s32 @!p1 $0xC;
	[sflag:s7] =	ssyncadd.s32 $0xFFFFFFA0  }
0x93: {  	[tilespmem:s8], [sflag:$0x6] =	stream.indirect.gather [hbm4b:s5+s30], $0x80, s26, s30, $0xb8;
	[tilespmem:$0x1FC80] =	vst v63  }
0x94: {  	_ =	swait.ge @!p1 [sflag:s2], $0x3000  }
0x95: {  	s6 =	rddreg [dreg:$0x7];
	[sflag:s2] =	ssyncset.done @!p1 $0x0  }
0x96: {  	s23 =	rddreg [dreg:$0x6];
	[sflag:s2] =	ssyncadd.s32 @!p1 $0xFFFFD000;
	s6 =	sadd.s32 s13, s6  }
0x97: {  	[tilespmem:s9], [sflag:$0x4] =	stream.linear.gather [hbm4b:s6+s4], $0x60, $0x38;
	[tilespmem:$0x1FC80] =	vst v63  }
0x98: {  	s23 =	sadd.s32 s13, s23  }
0x99: {  	[tilespmem:s10], [sflag:$0x4] =	stream.linear.gather [hbm4b:s23+s4], $0x60, $0x38;
	[tilespmem:$0x1FC80] =	vst v63  }
0x9a: {  	_ =	swait.ge [sflag:s11], $0x3000  }
0x9b: {  	[sflag:s11] =	ssyncset.done $0x0  }
0x9c: {  	s23 =	simm.s32 $0xC180;
	[sflag:s11] =	ssyncadd.s32 $0xFFFFD000  }
0x9d: {  	[spmem:s3] =	stream.indirect.scatter.add.f32 [tilespmem:s8], [sflag:$0xA], $0x80, s23, s30, $0xb8;
	[tilespmem:$0x1FC80] =	vst v63  }
0x9e: {  	_ =	swait.ge [sflag:s12], $0x60  }
0x9f: {  	[sflag:s12] =	ssyncset.done $0x0  }
0xa0: {  	[sflag:s12] =	ssyncadd.s32 $0xFFFFFFA0  }
0xa1: {  	_ =	swait.ge [sflag:s12], $0x60  }
0xa2: {  	[sflag:s12] =	ssyncset.done $0x0  }
0xa3: {  	[sflag:s12] =	ssyncadd.s32 $0xFFFFFFA0  }
0xa4: {  	[tilespmem:s14], [sflag:$0x7] =	stream.indirect.gather [hbm4b:s5+s30], $0x80, s31, s30, $0xb8;
	[tilespmem:$0x1FC80] =	vst v63  }
0xa5: {  	_ =	swait.ge [sflag:s15], $0x3000  }
0xa6: {  	s2 =	sshrl.u32 s21, $0x3;
	[sflag:s15] =	ssyncset.done $0x0;
	s6 =	rddreg [dreg:$0xa]  }
0xa7: {  	[sflag:s15] =	ssyncadd.s32 $0xFFFFD000;
	s6 =	sadd.s32 s6, s2  }
0xa8: {  	[tilespmem:s24], [sflag:$0x1] =	stream.linear.gather [hbm4b:s6+s4], $0x60, $0x38;
	[tilespmem:$0x1FC80] =	vst v63  }
0xa9: {  	s24 =	rddreg [dreg:$0x1]  }
0xaa: {  	s2 =	sadd.s32 s24, s2  }
0xab: {  	[tilespmem:s25], [sflag:$0x1] =	stream.linear.gather [hbm4b:s2+s4], $0x60, $0x38;
	[tilespmem:$0x1FC80] =	vst v63  }
0xac: {  	_ =	swait.ge [sflag:s16], $0x3000  }
0xad: {  	[sflag:s16] =	ssyncset.done $0x0  }
0xae: {  	[sflag:s16] =	ssyncadd.s32 $0xFFFFD000  }
0xaf: {  	[spmem:s3] =	stream.indirect.scatter.add.f32 [tilespmem:s14], [sflag:$0xB], $0x80, s0, s30, $0xb8;
	[tilespmem:$0x1FC80] =	vst v63  }
0xb0: {  	_ =	swait.ge [sflag:s17], $0x60  }
0xb1: {  	[sflag:s17] =	ssyncset.done $0x0  }
0xb2: {  	[sflag:s17] =	ssyncadd.s32 $0xFFFFFFA0  }
0xb3: {  	_ =	swait.ge [sflag:s17], $0x60  }
0xb4: {  	[sflag:s17] =	ssyncset.done $0x0  }
0xb5: {  	[sflag:s17] =	ssyncadd.s32 $0xFFFFFFA0  }
0xb6: {  	[tilespmem:s18], [sflag:$0x8] =	stream.indirect.gather [hbm4b:s5+s30], $0x80, s9, s30, $0xb8;
	[tilespmem:$0x1FC80] =	vst v63  }
0xb7: {  	_ =	swait.ge [sflag:s19], $0x3000  }
0xb8: {  	s24 =	rddreg [dreg:$0x5];
	[sflag:s19] =	ssyncset.done $0x0  }
0xb9: {  	s25 =	rddreg [dreg:$0x4];
	[sflag:s19] =	ssyncadd.s32 $0xFFFFD000;
	s2 =	sadd.s32 s13, s24  }
0xba: {  	[tilespmem:s26], [sflag:$0x2] =	stream.linear.gather [hbm4b:s2+s4], $0x60, $0x38;
	[tilespmem:$0x1FC80] =	vst v63  }
0xbb: {  	s26 =	sadd.s32 s13, s25  }
0xbc: {  	[tilespmem:s23], [sflag:$0x2] =	stream.linear.gather [hbm4b:s26+s4], $0x60, $0x38;
	[tilespmem:$0x1FC80] =	vst v63  }
0xbd: {  	_ =	swait.ge [sflag:s20], $0x3000  }
0xbe: {  	s22 =	smov.u32 s28;
	s28 =	sadd.s32 $0x30, s28;
	[sflag:s20] =	ssyncset.done $0x0  }
0xbf: {  	p0 =	sne.s32 s28, $0x4B0;
	[sflag:s20] =	ssyncadd.s32 $0xFFFFD000  }
0xc0: {  	[spmem:s3] =	stream.indirect.scatter.add.f32 [tilespmem:s18], [sflag:$0xC], $0x80, s10, s30, $0xb8;
	[tilespmem:$0x1FC80] =	vst v63  }
.Ltmp0:
0xc1: {  	_ =	swait.ge [sflag:s29], $0x60;
	(pc) =	sbr.rel @p0 .LBB2_2-.Ltmp0, $4  }
0xc2: {  	[sflag:s29] =	ssyncset.done $0x0  }
0xc3: {  	[sflag:s29] =	ssyncadd.s32 $0xFFFFFFA0  }
0xc4: {  	s13 =	smov.u32 s22;
	_ =	swait.ge [sflag:s29], $0x60  }
0xc5: {  	s21 =	sadd.s32 $0x180, s21;
	p1 =	seq.s32 s13, $0x0;
	[sflag:s29] =	ssyncset.done $0x0  }
0xc6: {  	s2 =	simm.s32 @!p1 $0xB;
	[sflag:s29] =	ssyncadd.s32 $0xFFFFFFA0;
	s23 =	simm.s32 $0xC000  }
0xc7: {  	[tilespmem:s4], [sflag:$0x5] =	stream.indirect.gather [hbm4b:s5+s30], $0x80, s23, s30, $0xb8;
	[tilespmem:$0x1FC80] =	vst v63  }
0xc8: {  	_ =	swait.ge @!p1 [sflag:s2], $0x3000  }
0xc9: {  	s6 =	rddreg [dreg:$0x9];
	[sflag:s2] =	ssyncset.done @!p1 $0x0  }
0xca: {  	s22 =	rddreg [dreg:$0x8];
	[sflag:s2] =	ssyncadd.s32 @!p1 $0xFFFFD000;
	s24 =	sadd.s32 s13, s6  }
0xcb: {  	[tilespmem:s31], [sflag:$0x3] =	stream.linear.gather [hbm4b:s24+s4], $0x60, $0x38;
	[tilespmem:$0x1FC80] =	vst v63  }
0xcc: {  	s25 =	sadd.s32 s13, s22  }
0xcd: {  	[tilespmem:s0], [sflag:$0x3] =	stream.linear.gather [hbm4b:s25+s4], $0x60, $0x38;
	[tilespmem:$0x1FC80] =	vst v63  }
0xce: {  	_ =	swait.ge [sflag:s1], $0x3000  }
0xcf: {  	[sflag:s1] =	ssyncset.done $0x0  }
0xd0: {  	s24 =	simm.s32 $0xC080;
	[sflag:s1] =	ssyncadd.s32 $0xFFFFD000  }
0xd1: {  	[spmem:s3] =	stream.indirect.scatter.add.f32 [tilespmem:s4], [sflag:$0x9], $0x80, s24, s30, $0xb8;
	[tilespmem:$0x1FC80] =	vst v63  }
0xd2: {  	_ =	swait.ge [sflag:s7], $0x60  }
0xd3: {  	[sflag:s7] =	ssyncset.done $0x0  }
0xd4: {  	[sflag:s7] =	ssyncadd.s32 $0xFFFFFFA0  }
0xd5: {  	_ =	swait.ge [sflag:s7], $0x60  }
0xd6: {  	[sflag:s7] =	ssyncset.done $0x0  }
0xd7: {  	s2 =	simm.s32 @!p1 $0xC;
	s25 =	simm.s32 $0xC100;
	[sflag:s7] =	ssyncadd.s32 $0xFFFFFFA0  }
0xd8: {  	[tilespmem:s8], [sflag:$0x6] =	stream.indirect.gather [hbm4b:s5+s30], $0x80, s25, s30, $0xb8;
	[tilespmem:$0x1FC80] =	vst v63  }
0xd9: {  	_ =	swait.ge @!p1 [sflag:s2], $0x3000  }
0xda: {  	s26 =	rddreg [dreg:$0x7];
	[sflag:s2] =	ssyncset.done @!p1 $0x0  }
0xdb: {  	s28 =	rddreg [dreg:$0x6];
	[sflag:s2] =	ssyncadd.s32 @!p1 $0xFFFFD000;
	s6 =	sadd.s32 s13, s26  }
0xdc: {  	[tilespmem:s9], [sflag:$0x4] =	stream.linear.gather [hbm4b:s6+s4], $0x60, $0x38;
	[tilespmem:$0x1FC80] =	vst v63  }
0xdd: {  	s22 =	sadd.s32 s13, s28  }
0xde: {  	[tilespmem:s10], [sflag:$0x4] =	stream.linear.gather [hbm4b:s22+s4], $0x60, $0x38;
	[tilespmem:$0x1FC80] =	vst v63  }
0xdf: {  	_ =	swait.ge [sflag:s11], $0x3000  }
0xe0: {  	[sflag:s11] =	ssyncset.done $0x0  }
0xe1: {  	s22 =	simm.s32 $0xC180;
	[sflag:s11] =	ssyncadd.s32 $0xFFFFD000  }
0xe2: {  	[spmem:s3] =	stream.indirect.scatter.add.f32 [tilespmem:s8], [sflag:$0xA], $0x80, s22, s30, $0xb8;
	[tilespmem:$0x1FC80] =	vst v63  }
0xe3: {  	_ =	swait.ge [sflag:s12], $0x60  }
0xe4: {  	[sflag:s12] =	ssyncset.done $0x0  }
0xe5: {  	[sflag:s12] =	ssyncadd.s32 $0xFFFFFFA0  }
0xe6: {  	_ =	swait.ge [sflag:s12], $0x60  }
0xe7: {  	[sflag:s12] =	ssyncset.done $0x0  }
0xe8: {  	[sflag:s12] =	ssyncadd.s32 $0xFFFFFFA0  }
0xe9: {  	[tilespmem:s14], [sflag:$0x7] =	stream.indirect.gather [hbm4b:s5+s30], $0x80, s31, s30, $0xb8;
	[tilespmem:$0x1FC80] =	vst v63  }
0xea: {  	_ =	swait.ge [sflag:s15], $0x3000  }
0xeb: {  	s26 =	sshrl.u32 s21, $0x3;
	[sflag:s15] =	ssyncset.done $0x0;
	s28 =	rddreg [dreg:$0xa]  }
0xec: {  	[sflag:s15] =	ssyncadd.s32 $0xFFFFD000;
	s6 =	sadd.s32 s28, s26  }
0xed: {  	[tilespmem:s23], [sflag:$0x1] =	stream.linear.gather [hbm4b:s6+s4], $0x60, $0x38;
	[tilespmem:$0x1FC80] =	vst v63  }
0xee: {  	s21 =	rddreg [dreg:$0x1]  }
0xef: {  	s2 =	sadd.s32 s21, s26  }
0xf0: {  	[tilespmem:s24], [sflag:$0x1] =	stream.linear.gather [hbm4b:s2+s4], $0x60, $0x38;
	[tilespmem:$0x1FC80] =	vst v63  }
0xf1: {  	_ =	swait.ge [sflag:s16], $0x3000  }
0xf2: {  	[sflag:s16] =	ssyncset.done $0x0  }
0xf3: {  	[sflag:s16] =	ssyncadd.s32 $0xFFFFD000  }
0xf4: {  	[spmem:s3] =	stream.indirect.scatter.add.f32 [tilespmem:s14], [sflag:$0xB], $0x80, s0, s30, $0xb8;
	[tilespmem:$0x1FC80] =	vst v63  }
0xf5: {  	_ =	swait.ge [sflag:s17], $0x60  }
0xf6: {  	[sflag:s17] =	ssyncset.done $0x0  }
0xf7: {  	[sflag:s17] =	ssyncadd.s32 $0xFFFFFFA0  }
0xf8: {  	_ =	swait.ge [sflag:s17], $0x60  }
0xf9: {  	[sflag:s17] =	ssyncset.done $0x0  }
0xfa: {  	[sflag:s17] =	ssyncadd.s32 $0xFFFFFFA0  }
0xfb: {  	[tilespmem:s18], [sflag:$0x8] =	stream.indirect.gather [hbm4b:s5+s30], $0x80, s9, s30, $0xb8;
	[tilespmem:$0x1FC80] =	vst v63  }
0xfc: {  	_ =	swait.ge [sflag:s19], $0x3000  }
0xfd: {  	s26 =	rddreg [dreg:$0x5];
	[sflag:s19] =	ssyncset.done $0x0  }
0xfe: {  	s28 =	rddreg [dreg:$0x4];
	[sflag:s19] =	ssyncadd.s32 $0xFFFFD000;
	s2 =	sadd.s32 s13, s26  }
0xff: {  	[tilespmem:s25], [sflag:$0x2] =	stream.linear.gather [hbm4b:s2+s4], $0x60, $0x38;
	[tilespmem:$0x1FC80] =	vst v63  }
0x100: {  	s6 =	sadd.s32 s13, s28  }
0x101: {  	[tilespmem:s22], [sflag:$0x2] =	stream.linear.gather [hbm4b:s6+s4], $0x60, $0x38;
	[tilespmem:$0x1FC80] =	vst v63  }
0x102: {  	_ =	swait.ge [sflag:s20], $0x3000  }
0x103: {  	[sflag:s20] =	ssyncset.done $0x0  }
0x104: {  	[sflag:s20] =	ssyncadd.s32 $0xFFFFD000  }
0x105: {  	[spmem:s3] =	stream.indirect.scatter.add.f32 [tilespmem:s18], [sflag:$0xC], $0x80, s10, s30, $0xb8;
	[tilespmem:$0x1FC80] =	vst v63  }
0x106: {  	_ =	swait.ge [sflag:s29], $0x60  }
0x107: {  	[sflag:s29] =	ssyncset.done $0x0  }
0x108: {  	[sflag:s29] =	ssyncadd.s32 $0xFFFFFFA0  }
0x109: {  	_ =	swait.ge [sflag:s29], $0x60  }
0x10a: {  	[sflag:s29] =	ssyncset.done $0x0  }
0x10b: {  	s6 =	simm.s32 $0xB;
	[sflag:s29] =	ssyncadd.s32 $0xFFFFFFA0  }
0x10c: {  	[tilespmem:s4], [sflag:$0x5] =	stream.indirect.gather [hbm4b:s5+s30], $0x80, s23, s30, $0xb8;
	[tilespmem:$0x1FC80] =	vst v63  }
0x10d: {  	_ =	swait.ge [sflag:s6], $0x3000  }
0x10e: {  	[sflag:s6] =	ssyncset.done $0x0  }
0x10f: {  	s13 =	rddreg [dreg:$0x12];
	[sflag:s6] =	ssyncadd.s32 $0xFFFFD000  }
0x110: {  	[tilespmem:s31], [sflag:$0x3] =	stream.linear.gather [hbm4b:s13+s4], $0x60, $0x38;
	[tilespmem:$0x1FC80] =	vst v63  }
0x111: {  	s21 =	rddreg [dreg:$0x13]  }
0x112: {  	[tilespmem:s0], [sflag:$0x3] =	stream.linear.gather [hbm4b:s21+s4], $0x60, $0x38;
	[tilespmem:$0x1FC80] =	vst v63  }
0x113: {  	_ =	swait.ge [sflag:s1], $0x3000  }
0x114: {  	[sflag:s1] =	ssyncset.done $0x0  }
0x115: {  	[sflag:s1] =	ssyncadd.s32 $0xFFFFD000  }
0x116: {  	[spmem:s3] =	stream.indirect.scatter.add.f32 [tilespmem:s4], [sflag:$0x9], $0x80, s24, s30, $0xb8;
	[tilespmem:$0x1FC80] =	vst v63  }
0x117: {  	_ =	swait.ge [sflag:s7], $0x60  }
0x118: {  	[sflag:s7] =	ssyncset.done $0x0  }
0x119: {  	[sflag:s7] =	ssyncadd.s32 $0xFFFFFFA0  }
0x11a: {  	_ =	swait.ge [sflag:s7], $0x60  }
0x11b: {  	[sflag:s7] =	ssyncset.done $0x0  }
0x11c: {  	s13 =	simm.s32 $0xC;
	[sflag:s7] =	ssyncadd.s32 $0xFFFFFFA0  }
0x11d: {  	[tilespmem:s8], [sflag:$0x6] =	stream.indirect.gather [hbm4b:s5+s30], $0x80, s25, s30, $0xb8;
	[tilespmem:$0x1FC80] =	vst v63  }
0x11e: {  	_ =	swait.ge [sflag:s13], $0x3000  }
0x11f: {  	[sflag:s13] =	ssyncset.done $0x0  }
0x120: {  	s25 =	rddreg [dreg:$0x14];
	[sflag:s13] =	ssyncadd.s32 $0xFFFFD000  }
0x121: {  	[tilespmem:s9], [sflag:$0x4] =	stream.linear.gather [hbm4b:s25+s4], $0x60, $0x38;
	[tilespmem:$0x1FC80] =	vst v63  }
0x122: {  	s26 =	rddreg [dreg:$0x15]  }
0x123: {  	[tilespmem:s10], [sflag:$0x4] =	stream.linear.gather [hbm4b:s26+s4], $0x60, $0x38;
	[tilespmem:$0x1FC80] =	vst v63  }
0x124: {  	_ =	swait.ge [sflag:s11], $0x3000  }
0x125: {  	[sflag:s11] =	ssyncset.done $0x0  }
0x126: {  	[sflag:s11] =	ssyncadd.s32 $0xFFFFD000  }
0x127: {  	[spmem:s3] =	stream.indirect.scatter.add.f32 [tilespmem:s8], [sflag:$0xA], $0x80, s22, s30, $0xb8;
	[tilespmem:$0x1FC80] =	vst v63  }
0x128: {  	_ =	swait.ge [sflag:s12], $0x60  }
0x129: {  	[sflag:s12] =	ssyncset.done $0x0  }
0x12a: {  	[sflag:s12] =	ssyncadd.s32 $0xFFFFFFA0  }
0x12b: {  	_ =	swait.ge [sflag:s12], $0x60  }
0x12c: {  	[sflag:s12] =	ssyncset.done $0x0  }
0x12d: {  	[sflag:s12] =	ssyncadd.s32 $0xFFFFFFA0  }
0x12e: {  	[tilespmem:s14], [sflag:$0x7] =	stream.indirect.gather [hbm4b:s5+s30], $0x80, s31, s30, $0xb8;
	[tilespmem:$0x1FC80] =	vst v63  }
0x12f: {  	_ =	swait.ge [sflag:s15], $0x3000  }
0x130: {  	[sflag:s15] =	ssyncset.done $0x0  }
0x131: {  	s28 =	rddreg [dreg:$0x16];
	[sflag:s15] =	ssyncadd.s32 $0xFFFFD000  }
0x132: {  	[tilespmem:s23], [sflag:$0x1] =	stream.linear.gather [hbm4b:s28+s4], $0x10, $0x38;
	[tilespmem:$0x1FC80] =	vst v63  }
0x133: {  	s21 =	rddreg [dreg:$0x17]  }
0x134: {  	[tilespmem:s24], [sflag:$0x1] =	stream.linear.gather [hbm4b:s21+s4], $0x10, $0x38;
	[tilespmem:$0x1FC80] =	vst v63  }
0x135: {  	_ =	swait.ge [sflag:s16], $0x3000  }
0x136: {  	[sflag:s16] =	ssyncset.done $0x0  }
0x137: {  	[sflag:s16] =	ssyncadd.s32 $0xFFFFD000  }
0x138: {  	[spmem:s3] =	stream.indirect.scatter.add.f32 [tilespmem:s14], [sflag:$0xB], $0x80, s0, s30, $0xb8;
	[tilespmem:$0x1FC80] =	vst v63  }
0x139: {  	_ =	swait.ge [sflag:s17], $0x60  }
0x13a: {  	[sflag:s17] =	ssyncset.done $0x0  }
0x13b: {  	[sflag:s17] =	ssyncadd.s32 $0xFFFFFFA0  }
0x13c: {  	_ =	swait.ge [sflag:s17], $0x60  }
0x13d: {  	[sflag:s17] =	ssyncset.done $0x0  }
0x13e: {  	[sflag:s17] =	ssyncadd.s32 $0xFFFFFFA0  }
0x13f: {  	[tilespmem:s18], [sflag:$0x8] =	stream.indirect.gather [hbm4b:s5+s30], $0x80, s9, s30, $0xb8;
	[tilespmem:$0x1FC80] =	vst v63  }
0x140: {  	_ =	swait.ge [sflag:s19], $0x3000  }
0x141: {  	[sflag:s19] =	ssyncset.done $0x0  }
0x142: {  	[sflag:s19] =	ssyncadd.s32 $0xFFFFD000  }
0x143: {  	_ =	swait.ge [sflag:s20], $0x3000  }
0x144: {  	[sflag:s20] =	ssyncset.done $0x0  }
0x145: {  	[sflag:s20] =	ssyncadd.s32 $0xFFFFD000  }
0x146: {  	[spmem:s3] =	stream.indirect.scatter.add.f32 [tilespmem:s18], [sflag:$0xC], $0x80, s10, s30, $0xb8;
	[tilespmem:$0x1FC80] =	vst v63  }
0x147: {  	_ =	swait.ge [sflag:s29], $0x10  }
0x148: {  	[sflag:s29] =	ssyncset.done $0x0  }
0x149: {  	[sflag:s29] =	ssyncadd.s32 $0xFFFFFFF0  }
0x14a: {  	_ =	swait.ge [sflag:s29], $0x10  }
0x14b: {  	[sflag:s29] =	ssyncset.done $0x0  }
0x14c: {  	s22 =	simm.s32 $0x10;
	[sflag:s29] =	ssyncadd.s32 $0xFFFFFFF0  }
0x14d: {  	[tilespmem:s4], [sflag:$0x5] =	stream.indirect.gather [hbm4b:s5+s22], $0x80, s23, s22, $0xb8;
	[tilespmem:$0x1FC80] =	vst v63  }
0x14e: {  	_ =	swait.ge [sflag:s6], $0x3000  }
0x14f: {  	[sflag:s6] =	ssyncset.done $0x0  }
0x150: {  	[sflag:s6] =	ssyncadd.s32 $0xFFFFD000  }
0x151: {  	_ =	swait.ge [sflag:s13], $0x3000  }
0x152: {  	[sflag:s13] =	ssyncset.done $0x0  }
0x153: {  	[sflag:s13] =	ssyncadd.s32 $0xFFFFD000  }
0x154: {  	_ =	swait.ge [sflag:s1], $0x800  }
0x155: {  	[sflag:s1] =	ssyncset.done $0x0  }
0x156: {  	s6 =	simm.s32 $0xD;
	[sflag:s1] =	ssyncadd.s32 $0xFFFFF800  }
0x157: {  	[spmem:s3] =	stream.indirect.scatter.add.f32 [tilespmem:s4], [sflag:$0xD], $0x80, s24, s22, $0xb8;
	[tilespmem:$0x1FC80] =	vst v63  }
0x158: {  	_ =	swait.ge [sflag:s6], $0x800  }
0x159: {  	[sflag:s6] =	ssyncset.done $0x0  }
0x15a: {  	[sflag:s6] =	ssyncadd.s32 $0xFFFFF800  }
0x15b: {  	[bflag:$0x0] =	sbarrier.arrive $0xFFFF  }
0x15c: {  	s13 =	rddreg [dreg:$0x11]  }
0x15d: {  	s24 =	rddreg [dreg:$0x18]  }
0x15e: {  	s25 =	rddreg [dreg:$0x1c]  }
0x15f: {  	[hbm:s24], [sflag:s13] =	dma.local [spmem:s25], $0x2710  }
0x160: {  	_ =	swait.ge [sflag:s6], $0x2710  }
0x161: {  	s26 =	rddreg [dreg:$0x1b]  }
0x162: {  	s28 =	rddreg [dreg:$0x19];
	s21 =	sadd.s32 $0x1, s26  }
0x163: {  	p0 =	sne.s32 s21, s28  }
.Ltmp1:
0x164: {  	_ = 	snop;
	(pc) =	sbr.rel @p0 .LBB2_1-.Ltmp1, $3  }
0x165: {  	_ =	sdelay $0x1  }
0x166: {  	[sflag:s6] =	ssyncset.done $0x0  }
0x167: {  	[sflag:s6] =	ssyncadd.s32 $0xFFFFD8F0  }
0x168: {  	_ =	sfence.sel $0x180000  }
0x169: {  	[bflag:$0x0] =	sbarrier.arrive $0xFFFF  }
0x16a: {  	_ =	strace $0x9000004A  }
0x16b: {  	s0 =	stileid.u32;
	[bflag:$0x2] =	sbarrier.arrive $0xFFFF  }
0x16c: {  	p0 =	sne.s32 s0, $0x0;
	s0 =	rddreg [dreg:$0x3]  }
0x16d: {  	s0 =	sadd.s32 @!p0 $0x100000, s0  }
0x16e: {  	[sflag:s0] =	ssyncadd.tile.s32 @!p0 $0x1;
	_ =	shalt  }
.Lfunc_end2:
_tile_overlayer_lowered:
.L_overlay_start_2:
0x16f: {  	(tag) =	ssettag $0x2  }
0x170: {  	s0 =	rddreg [dreg:$0x0];
	s2 =	stileid.u32  }
0x171: {  	s1 =	rddreg [dreg:$0x1];
	p0 =	sne.s32 s2, $0x0  }
0x172: {  	s3 =	rddreg [dreg:$0x2];
	[bflag:$0x3] =	sbarrier.arrive $0xFFFF;
	s2 =	simm.s32 @!p0 $0x1C0D  }
0x173: {  	[timem:s3], [sflag:s2] =	dma.local @!p0 [hbm:s0], s1  }
0x174: {  	s0 =	simm.s32 @!p0 $0xD  }
0x175: {  	_ =	swait.ge @!p0 [sflag:s0], s1  }
0x176: {  	s1 =	ssub.s32 @!p0 $0x0, s1;
	[sflag:s0] =	ssyncset.done @!p0 $0x0  }
0x177: {  	[sflag:s0] =	ssyncadd.s32 @!p0 s1  }
0x178: {  	[bflag:$0x3] =	sbarrier.arrive $0xFFFF  }
0x179: {  	_ =	shalt  }

// kernel: kernel.14.cloned.1.call-start
scs
__scs_entry_jumppad:
0x0: {  	(pc) =	sbr.rel $0x88, $3  }
0x1: {  	(tag) =	ssettag $0x0;
	lr =	simm.s32 $0x1  }
0x2: {  	[smem:$0x3F9B] =	sst lr;
	_ =	strace $0xD0000000  }
0x3: {  	_ = 	snop  }
0x4: {  	_ = 	snop  }
0x5: {  	_ = 	snop  }
0x6: {  	_ = 	snop  }
0x7: {  	_ = 	snop  }
__scs_overlays_trampoline_lowered:
0x8: {  	[smem:$0x3FAA] =	sst s0  }
0x9: {  	[smem:$0x3FAB] =	sst s1  }
0xa: {  	[smem:$0x3FAC] =	sst s2  }
0xb: {  	[smem:$0x3FAD] =	sst s3  }
0xc: {  	[smem:$0x3FAE] =	sst s4  }
0xd: {  	[smem:$0x3FAF] =	sst s5  }
0xe: {  	[smem:$0x3FB0] =	sst s6  }
0xf: {  	[smem:$0x3FB1] =	sst s7  }
0x10: {  	[smem:$0x3FB2] =	sst s8  }
0x11: {  	[smem:$0x3FB3] =	sst s9;
	s0 =	simm.s32 @!p0 $0x0  }
0x12: {  	s1 =	sld [smem:$0x3F99];
	s0 =	simm.s32 @p0 $0x1  }
0x13: {  	[smem:$0x3FB4] =	sst s0;
	s0 =	simm.s32 @!p1 $0x0  }
0x14: {  	s2 =	sld [smem:$0x3F98];
	s0 =	simm.s32 @p1 $0x1  }
0x15: {  	[smem:$0x3FB5] =	sst s0;
	s0 =	simm.s32 @!p2 $0x0  }
0x16: {  	s3 =	sld [smem:$0x3FDB];
	s0 =	simm.s32 @p2 $0x1  }
0x17: {  	s4 =	simm.s32 $0x1BF5;
	[smem:$0x3FB7] =	sst s0  }
0x18: {  	s0 =	sld [smem:$0x3F9A];
	_ =	swait.ge [sflag:s4], $0x0  }
0x19: {  	s7 =	sld [smem:$0x3F9B]  }
0x1a: {  	s8 =	sadd.s32 $0xFFFFE003, lr  }
0x1b: {  	s9 =	sadd.s32 $0xFFFFFEF7, lr;
	s5 =	simm.s32 $0xFFFFFFFF;
	p2 =	slt.u32 s8, $0xFFFFF086  }
0x1c: {  	p1 =	slt.u32 s9, $0xF7A;
	s5 =	simm.s32 @!p2 $0x0  }
0x1d: {  	s5 =	simm.s32 @p1 $0x1;
	p0 =	seq.s32 s7, s2  }
0x1e: {  	s7 =	smul.u32 @!p0 $0xF7A, s2;
	p2 =	seq.s32 @!p0 s5, $0x0  }
0x1f: {  	s9 =	smul.u32 $0xF7A, s1;
	s8 =	simm.s32 @!p0 $0x1BF5;
	p2 =	por !p2, p0  }
0x20: {  	[sflag:s8] =	ssyncset.s32 @!p0 $0xFFFFF086;
	s6 =	sadd.s32 @!p0 s3, s7;
	s7 =	simm.s32 @!p0 $0x108  }
0x21: {  	s3 =	sadd.s32 s3, s9;
	s6 =	sadd.s32 @!p0 $0x88, s6;
	s7 =	simm.s32 @p2 $0x1082  }
0x22: {  	[simem:s7], [sflag:s8] =	dma.local @!p0 [hbm:s6], $0xF7A  }
0x23: {  	s9 =	sor.u32 $0xD0000000, s2;
	s6 =	simm.s32 $0x108;
	_ =	swait.ge @!p0 [sflag:s8], $0x0  }
0x24: {  	s3 =	sadd.s32 $0x88, s3;
	s6 =	simm.s32 @!p1 $0x1082;
	[sflag:s4] =	ssyncset.s32 $0xFFFFF086  }
0x25: {  	[simem:s6], [sflag:s4] =	dma.local [hbm:s3], $0xF7A  }
0x26: {  	[smem:$0x3F9B] =	sst s1;
	(tag) =	ssettag s2;
	_ =	strace s9  }
0x27: {  	s1 =	sld [smem:$0x3FAB]  }
0x28: {  	s2 =	sld [smem:$0x3FAC]  }
0x29: {  	s4 =	sld [smem:$0x3FAE]  }
0x2a: {  	p0 =	seq.s32 s5, $0x0;
	s5 =	sld [smem:$0x3FAF]  }
0x2b: {  	s6 =	sld [smem:$0x3FB0]  }
0x2c: {  	s7 =	sld [smem:$0x3FB1]  }
0x2d: {  	s3 =	simm.s32 $0x108;
	s8 =	sld [smem:$0x3FB2]  }
0x2e: {  	s3 =	simm.s32 @!p0 $0x1082;
	s9 =	sld [smem:$0x3FB3]  }
0x2f: {  	lr =	sadd.s32 s0, s3;
	s0 =	sld [smem:$0x3FAA]  }
0x30: {  	s3 =	sld [smem:$0x3FAD]  }
0x31: {  	[smem:$0x3FB6] =	sst s10  }
0x32: {  	s10 =	sld [smem:$0x3FB4];
	_ =	sdelay $0x3  }
0x33: {  	p0 =	seq.s32 s10, $0x1;
	s10 =	sld [smem:$0x3FB6];
	_ =	sdelay $0x3  }
0x34: {  	[smem:$0x3FB6] =	sst s10  }
0x35: {  	s10 =	sld [smem:$0x3FB5];
	_ =	sdelay $0x3  }
0x36: {  	p1 =	seq.s32 s10, $0x1;
	s10 =	sld [smem:$0x3FB6];
	_ =	sdelay $0x3  }
0x37: {  	[smem:$0x3FB6] =	sst s10  }
0x38: {  	s10 =	sld [smem:$0x3FB7]  }
0x39: {  	_ = 	snop;
	(pc) =	sbr.ind lr, $3  }
0x3a: {  	_ = 	snop  }
0x3b: {  	_ = 	snop  }
0x3c: {  	p2 =	seq.s32 s10, $0x1;
	s10 =	sld [smem:$0x3FB6]  }
0x3d: {  	_ =	shalt  }
0x3e: {  	_ =	shalt  }
0x3f: {  	_ =	shalt  }
0x40: {  	_ =	shalt  }
0x41: {  	_ =	shalt  }
0x42: {  	_ =	shalt  }
0x43: {  	_ =	shalt  }
0x44: {  	_ =	shalt  }
0x45: {  	_ =	shalt  }
0x46: {  	_ =	shalt  }
0x47: {  	_ =	shalt  }
0x48: {  	_ =	shalt  }
0x49: {  	_ =	shalt  }
0x4a: {  	_ =	shalt  }
0x4b: {  	_ =	shalt  }
0x4c: {  	_ =	shalt  }
0x4d: {  	_ =	shalt  }
0x4e: {  	_ =	shalt  }
0x4f: {  	_ =	shalt  }
0x50: {  	_ =	shalt  }
0x51: {  	_ =	shalt  }
0x52: {  	_ =	shalt  }
0x53: {  	_ =	shalt  }
0x54: {  	_ =	shalt  }
0x55: {  	_ =	shalt  }
0x56: {  	_ =	shalt  }
0x57: {  	_ =	shalt  }
0x58: {  	_ =	shalt  }
0x59: {  	_ =	shalt  }
0x5a: {  	_ =	shalt  }
0x5b: {  	_ =	shalt  }
0x5c: {  	_ =	shalt  }
0x5d: {  	_ =	shalt  }
0x5e: {  	_ =	shalt  }
0x5f: {  	_ =	shalt  }
0x60: {  	_ =	shalt  }
0x61: {  	_ =	shalt  }
0x62: {  	_ =	shalt  }
0x63: {  	_ =	shalt  }
0x64: {  	_ =	shalt  }
0x65: {  	_ =	shalt  }
0x66: {  	_ =	shalt  }
0x67: {  	_ =	shalt  }
0x68: {  	_ =	shalt  }
0x69: {  	_ =	shalt  }
0x6a: {  	_ =	shalt  }
0x6b: {  	_ =	shalt  }
0x6c: {  	_ =	shalt  }
0x6d: {  	_ =	shalt  }
0x6e: {  	_ =	shalt  }
0x6f: {  	_ =	shalt  }
0x70: {  	_ =	shalt  }
0x71: {  	_ =	shalt  }
0x72: {  	_ =	shalt  }
0x73: {  	_ =	shalt  }
0x74: {  	_ =	shalt  }
0x75: {  	_ =	shalt  }
0x76: {  	_ =	shalt  }
0x77: {  	_ =	shalt  }
0x78: {  	_ =	shalt  }
0x79: {  	_ =	shalt  }
0x7a: {  	_ =	shalt  }
0x7b: {  	_ =	shalt  }
0x7c: {  	_ =	shalt  }
0x7d: {  	_ =	shalt  }
0x7e: {  	_ =	shalt  }
0x7f: {  	_ =	shalt  }
0x80: {  	_ =	shalt  }
0x81: {  	_ =	shalt  }
0x82: {  	_ =	shalt  }
0x83: {  	_ =	shalt  }
0x84: {  	_ =	shalt  }
0x85: {  	_ =	shalt  }
0x86: {  	_ =	shalt  }
0x87: {  	_ =	shalt  }
.Lfunc_end0:
.L_simem_size_0:
called_computation.2_lowered:
.L_overlay_start_0:
0x88: {  	s2 =	sld [smem:$0x3FD9]  }
0x89: {  	s3 =	sld [smem:$0x3FFE];
	_ =	sdelay $0x1  }
0x8a: {  	s1 =	srdreg.scid  }
0x8b: {  	s0 =	sand.u32 $0x1, s1  }
0x8c: {  	s17 =	sshll.u32 s0, $0xA;
	s2 =	sadd.s32 s3, s2  }
0x8d: {  	s2 =	sadd.s32 s2, s17  }
0x8e: {  	[smem:$0x3FC2] =	sst s2  }
0x8f: {  	_ = 	snop  }
0x90: {  	s2 =	sld [smem:$0x3FD0];
	(tm) =	ssettm $0x1  }
0x91: {  	s18 =	sld [smem:$0x3FFB];
	_ =	sdelay $0x3  }
0x92: {  	_ =	strace s18  }
0x93: {  	s3 =	sld [smem:$0x3FFC];
	_ =	sdelay $0x3  }
0x94: {  	_ =	strace s3  }
0x95: {  	s3 =	sld [smem:$0x3FFD];
	_ =	sdelay $0x3  }
0x96: {  	_ =	strace s3  }
0x97: {  	_ =	strace $0x8FFFFFFF  }
0x98: {  	s19 =	sld [smem:$0x3FDB];
	_ =	sdelay $0x1  }
0x99: {  	s4 =	simm.s32 $_scs_section_size  }
0x9a: {  	s5 =	simm.s32 $_size__tile_overlayer_lowered;
	s6 =	simm.s32 $_tile_overlayer_lowered  }
0x9b: {  	s22 =	simm.s32 $0x1BFF;
	s21 =	sshll.u32 s6, $0x1;
	s3 =	sadd.s32 s4, s19  }
0x9c: {  	s7 =	simm.s32 $0x0;
	s20 =	sshll.u32 s5, $0x1;
	s5 =	sadd.s32 s21, s3  }
0x9d: {  	[timem:s7], [sflag:s22] =	dma.local [hbm:s5], s20  }
0x9e: {  	_ =	swait.ge [sflag:s22], s20  }
0x9f: {  	s4 =	ssub.s32 $0x0, s20;
	[sflag:s22] =	ssyncset.done $0x0  }
0xa0: {  	[sflag:s22] =	ssyncadd.s32 s4;
	_ =	sdelay $0x1  }
0xa1: {  	s23 =	simm.s32 $0x1B8B  }
0xa2: {  	_ =	swait.ge [sflag:s23], $0x1  }
0xa3: {  	[sflag:s23] =	ssyncset.done $0x0  }
0xa4: {  	s25 =	simm.s32 $0x1B8E;
	s24 =	sld [smem:$0x3FFE];
	[sflag:s23] =	ssyncadd.s32 $0xFFFFFFFF  }
0xa5: {  	s26 =	simm.s32 $execute0_lowered;
	[smem:$0x3FD2] =	sst s25  }
0xa6: {  	s5 =	sshll.u32 s26, $0x1;
	_ =	strace $0x8000004C;
	[dreg:$0x1] =	wrdreg $0xFFFFFFFF  }
0xa7: {  	s28 =	simm.s32 $_size_execute0_lowered;
	s3 =	sadd.s32 s3, s5;
	[dreg:$0x0] =	wrdreg $0x0  }
0xa8: {  	s5 =	sshll.u32 s28, $0x1;
	[dreg:$0x2] =	wrdreg s3  }
0xa9: {  	[dreg:$0x3] =	wrdreg s5  }
0xaa: {  	[dreg:$0x4] =	wrdreg $0xC0  }
0xab: {  	_ =	task [dreg:s7], $0x5FFFF  }
0xac: {  	[dreg:$0x1] =	wrdreg $0xFFFFFFFF  }
0xad: {  	[dreg:$0x0] =	wrdreg $0x60  }
0xae: {  	[dreg:$0x2] =	wrdreg s24  }
0xaf: {  	[dreg:$0x3] =	wrdreg s2  }
0xb0: {  	[dreg:$0x4] =	wrdreg $0xC4000  }
0xb1: {  	[dreg:$0x5] =	wrdreg $0x9  }
0xb2: {  	_ =	task.clear_ibuf [dreg:s7], $0x6FFFF;
	_ =	strace $0x9000004C  }
0xb3: {  	s29 =	simm.s32 $0x9;
	_ =	strace $0x8000004E  }
0xb4: {  	_ =	swait.ge [sflag:s29], $0x1  }
0xb5: {  	[sflag:s29] =	ssyncadd.s32 $0xFFFFFFFF  }
0xb6: {  	_ =	strace $0x9000004E  }
0xb7: {  	_ =	sfence  }
0xb8: {  	s30 =	sld [smem:$0x0];
	_ =	sdelay $0x2  }
0xb9: {  	s31 =	sshll.u32 s1, $0xD;
	s1 =	sshrl.u32 s1, $0x2  }
0xba: {  	s3 =	sand.u32 $0x4000, s31;
	s1 =	sadd.s32 s1, s30  }
0xbb: {  	s0 =	sor.u32 s3, s0;
	s1 =	sshll.u32 s1, $0x11  }
0xbc: {  	s0 =	sor.u32 s1, s0  }
0xbd: {  	s0 =	sadd.s32 $0x8F2B, s0  }
0xbe: {  	[sflag:s0] =	ssyncadd.remote.s32 $0x1  }
0xbf: {  	_ =	sfence.sel $0xFFFF  }
0xc0: {  	[dreg:$0x0] =	wrdreg $0xFFFFFFFF;
	(pc) =	sbr.abs _section_cstart, $3  }
0xc1: {  	[dreg:$0x1] =	wrdreg $0xFFFFFFFF  }
0xc2: {  	_ =	task.clear_ibuf [dreg:s7], $0x2FFFF;
	_ =	strace $0x9FFFFFFF  }
0xc3: {  	(tm) =	ssettm $0x7FFFFFFF  }
tec
execute0_lowered:
.L_overlay_start_1:
0x0: {  	(tag) =	ssettag $0x1  }
0x1: {  	s0 =	rddreg [dreg:$0x0]  }
0x2: {  	s6 =	rddreg [dreg:$0x1]  }
0x3: {  	s3 =	rddreg [dreg:$0x2];
	s4 =	simm.s32 $0x0  }
0x4: {  	s2 =	stileid.u32;
	s1 =	srdreg.scid;
	s29 =	simm.s32 $0x1  }
0x5: {  	s30 =	simm.s32 $0x60;
	s31 =	simm.s32 $0xC200;
	[smem:$0x7FF] =	sst s4  }
0x6: {  	s7 =	smul.u32 $0x13C00, s2;
	s1 =	sand.u32 $0x1, s1;
	s9 =	sshll.u32 s2, $0x1  }
0x7: {  	s5 =	sadd.s32 $0xC0600, s0;
	s12 =	sadd.s32 $0x1800, s0;
	s11 =	smul.u32 $0x4E200, s2  }
0x8: {  	s22 =	smul.u32 $0x4E20, s2;
	s23 =	sshll.u32 s2, $0x6;
	_ =	strace $0x8000004D  }
0x9: {  	s8 =	smul.u32 $0x13C000, s1;
	s9 =	sor.u32 s1, s9;
	s16 =	ssub.s32 $0x2, s1  }
0xa: {  	s1 =	smul.u32 $0x2710, s1;
	[dreg:$0xa] =	wrdreg s12;
	s10 =	sshrl.u32 s7, $0x3  }
0xb: {  	s14 =	smul.u32 $0x2710, s9;
	s17 =	sshrl.u32 s16, $0x1;
	s21 =	sshrl.u32 s11, $0x2  }
0xc: {  	s7 =	sadd.s32 s7, s8;
	s15 =	sadd.s32 s10, s0;
	s1 =	sadd.s32 s1, s22  }
0xd: {  	s7 =	sshrl.u32 s7, $0x3;
	s8 =	sshrl.u32 s14, $0x3;
	s24 =	sadd.s32 $0xE7800, s15  }
0xe: {  	s15 =	sadd.s32 $0x1E0, s1;
	s13 =	sadd.s32 s12, s8;
	[dreg:$0x10] =	wrdreg s24  }
0xf: {  	s18 =	sadd.s32 $0xC, s8;
	s19 =	sadd.s32 s6, s8;
	[dreg:$0xb] =	wrdreg s13  }
0x10: {  	s0 =	sadd.s32 s7, s0;
	[dreg:$0xc] =	wrdreg s19;
	s20 =	sadd.s32 s12, s18  }
0x11: {  	s25 =	sadd.s32 $0x4C8, s8;
	s10 =	sadd.s32 s6, s18;
	[dreg:$0xd] =	wrdreg s20  }
0x12: {  	s7 =	ssub.s32 s16, s17;
	s26 =	sadd.s32 s12, s25;
	[dreg:$0xe] =	wrdreg s10  }
0x13: {  	s28 =	sadd.s32 $0x4D4, s8;
	s11 =	sadd.s32 s6, s25;
	[dreg:$0x12] =	wrdreg s26  }
0x14: {  	s8 =	sadd.s32 $0x4E0, s8;
	s14 =	sadd.s32 s12, s28;
	[dreg:$0x13] =	wrdreg s11  }
0x15: {  	s9 =	sshrl.u32 s15, $0x3;
	s16 =	sadd.s32 s6, s28;
	[dreg:$0x14] =	wrdreg s14  }
0x16: {  	s15 =	simm.s32 $0x9;
	s17 =	sadd.s32 s12, s8;
	[dreg:$0x15] =	wrdreg s16  }
0x17: {  	s13 =	sor.u32 $0x1C0D, s23;
	s18 =	sadd.s32 s9, s6;
	[dreg:$0x16] =	wrdreg s17  }
0x18: {  	s9 =	sadd.s32 s9, s12;
	s24 =	sadd.s32 s6, s8;
	[dreg:$0x4] =	wrdreg s18  }
0x19: {  	s0 =	sadd.s32 $0x10F000, s0;
	s28 =	smax.u32 s7, $0x1;
	[dreg:$0x5] =	wrdreg s9  }
0x1a: {  	s7 =	simm.s32 $0x2;
	s8 =	simm.s32 $0x3000;
	[dreg:$0x17] =	wrdreg s24  }
0x1b: {  	s10 =	sadd.s32 s21, s3;
	s11 =	sadd.s32 $0x120, s1;
	[dreg:$0x18] =	wrdreg s0  }
0x1c: {  	s21 =	sadd.s32 $0xC0, s1;
	[dreg:$0x19] =	wrdreg s28;
	s1 =	sadd.s32 $0x180, s1  }
0x1d: {  	s0 =	simm.s32 $0xC280;
	s9 =	simm.s32 $0xC300;
	s14 =	simm.s32 $0x6000  }
0x1e: {  	s16 =	simm.s32 $0x7;
	s17 =	simm.s32 $0x4;
	[dreg:$0x11] =	wrdreg s13  }
0x1f: {  	s18 =	simm.s32 $0x9000;
	[dreg:$0xf] =	wrdreg s10;
	s19 =	sshrl.u32 s11, $0x3  }
0x20: {  	s23 =	sshrl.u32 s21, $0x3;
	[dreg:$0x1a] =	wrdreg s1;
	s1 =	simm.s32 $0x5  }
0x21: {  	s10 =	simm.s32 $0xC380;
	s11 =	simm.s32 $0x6;
	s20 =	sadd.s32 s19, s6  }
0x22: {  	s21 =	simm.s32 $0x0;
	s22 =	sadd.s32 s19, s12;
	[dreg:$0x6] =	wrdreg s20  }
0x23: {  	s25 =	sadd.s32 s23, s6;
	s26 =	sadd.s32 s23, s12;
	[dreg:$0x7] =	wrdreg s22  }
0x24: {  	s6 =	simm.s32 $0xD;
	s12 =	simm.s32 $0x3;
	[dreg:$0x8] =	wrdreg s25  }
0x25: {  	s19 =	simm.s32 $0xA;
	[dreg:$0x9] =	wrdreg s26;
	s20 =	simm.s32 $0x8  }
.LBB2_1:
0x26: {  	[dreg:$0x1b] =	wrdreg s21  }
0x27: {  	s2 =	rddreg [dreg:$0xb]  }
0x28: {  	s25 =	rddreg [dreg:$0xc]  }
0x29: {  	s26 =	rddreg [dreg:$0xd]  }
0x2a: {  	s23 =	simm.s32 $0xC000;
	s21 =	rddreg [dreg:$0xe]  }
0x2b: {  	[tilespmem:s23], [sflag:$0x1] =	stream.linear.gather [hbm4b:s2+s4], $0x60, $0x38;
	[tilespmem:$0x1FC80] =	vst v63  }
0x2c: {  	s24 =	simm.s32 $0xC080;
	s22 =	rddreg [dreg:$0xf]  }
0x2d: {  	[tilespmem:s24], [sflag:$0x1] =	stream.linear.gather [hbm4b:s25+s4], $0x60, $0x38;
	[tilespmem:$0x1FC80] =	vst v63  }
0x2e: {  	s2 =	sshrl.u32 s22, $0x3;
	s22 =	rddreg [dreg:$0x10];
	s25 =	simm.s32 $0xC100  }
0x2f: {  	[tilespmem:s25], [sflag:$0x2] =	stream.linear.gather [hbm4b:s26+s4], $0x60, $0x38;
	[tilespmem:$0x1FC80] =	vst v63  }
0x30: {  	[dreg:$0x1c] =	wrdreg s2;
	s26 =	simm.s32 $0xC180  }
0x31: {  	[tilespmem:s26], [sflag:$0x2] =	stream.linear.gather [hbm4b:s21+s4], $0x60, $0x38;
	[tilespmem:$0x1FC80] =	vst v63  }
0x32: {  	[spmem:s2], [sflag:s13] =	dma.local [hbm:s22], $0x2710  }
0x33: {  	_ =	swait.ge [sflag:s6], $0x2710  }
0x34: {  	[sflag:s6] =	ssyncset.done $0x0  }
0x35: {  	[sflag:s6] =	ssyncadd.s32 $0xFFFFD8F0  }
0x36: {  	_ =	swait.ge [sflag:s29], $0x60  }
0x37: {  	[sflag:s29] =	ssyncset.done $0x0  }
0x38: {  	[sflag:s29] =	ssyncadd.s32 $0xFFFFFFA0  }
0x39: {  	_ =	swait.ge [sflag:s29], $0x60  }
0x3a: {  	[sflag:s29] =	ssyncset.done $0x0  }
0x3b: {  	p0 =	por $0x1, $0x1;
	[sflag:s29] =	ssyncadd.s32 $0xFFFFFFA0  }
0x3c: {  	[tilespmem:s4], [sflag:$0x5] =	stream.indirect.gather [hbm4b:s5+s30], $0x80, s23, s30, $0xb8;
	[tilespmem:$0x1FC80] =	vst v63  }
0x3d: {  	s13 =	simm.s32 @!p0 $0xB;
	[bflag:$0x0] =	sbarrier.arrive $0xFFFF  }
0x3e: {  	_ =	swait.ge @!p0 [sflag:s13], $0x3000  }
0x3f: {  	s2 =	rddreg [dreg:$0x9];
	[sflag:s13] =	ssyncset.done @!p0 $0x0  }
0x40: {  	s22 =	rddreg [dreg:$0x8];
	[sflag:s13] =	ssyncadd.s32 @!p0 $0xFFFFD000;
	s6 =	sadd.s32 $0x0, s2  }
0x41: {  	[tilespmem:s31], [sflag:$0x3] =	stream.linear.gather [hbm4b:s6+s4], $0x60, $0x38;
	[tilespmem:$0x1FC80] =	vst v63  }
0x42: {  	s21 =	sadd.s32 $0x0, s22  }
0x43: {  	[tilespmem:s0], [sflag:$0x3] =	stream.linear.gather [hbm4b:s21+s4], $0x60, $0x38;
	[tilespmem:$0x1FC80] =	vst v63  }
0x44: {  	_ =	swait.ge [sflag:s1], $0x3000  }
0x45: {  	[sflag:s1] =	ssyncset.done $0x0  }
0x46: {  	[sflag:s1] =	ssyncadd.s32 $0xFFFFD000  }
0x47: {  	[spmem:s3] =	stream.indirect.scatter.add.f32 [tilespmem:s4], [sflag:$0x9], $0x80, s24, s30, $0xb8;
	[tilespmem:$0x1FC80] =	vst v63  }
0x48: {  	_ =	swait.ge [sflag:s7], $0x60  }
0x49: {  	[sflag:s7] =	ssyncset.done $0x0  }
0x4a: {  	[sflag:s7] =	ssyncadd.s32 $0xFFFFFFA0  }
0x4b: {  	_ =	swait.ge [sflag:s7], $0x60  }
0x4c: {  	[sflag:s7] =	ssyncset.done $0x0  }
0x4d: {  	s13 =	simm.s32 @!p0 $0xC;
	[sflag:s7] =	ssyncadd.s32 $0xFFFFFFA0  }
0x4e: {  	[tilespmem:s8], [sflag:$0x6] =	stream.indirect.gather [hbm4b:s5+s30], $0x80, s25, s30, $0xb8;
	[tilespmem:$0x1FC80] =	vst v63  }
0x4f: {  	_ =	swait.ge @!p0 [sflag:s13], $0x3000  }
0x50: {  	s22 =	rddreg [dreg:$0x7];
	[sflag:s13] =	ssyncset.done @!p0 $0x0  }
0x51: {  	s2 =	rddreg [dreg:$0x6];
	[sflag:s13] =	ssyncadd.s32 @!p0 $0xFFFFD000;
	s6 =	sadd.s32 $0x0, s22  }
0x52: {  	[tilespmem:s9], [sflag:$0x4] =	stream.linear.gather [hbm4b:s6+s4], $0x60, $0x38;
	[tilespmem:$0x1FC80] =	vst v63  }
0x53: {  	s21 =	sadd.s32 $0x0, s2  }
0x54: {  	[tilespmem:s10], [sflag:$0x4] =	stream.linear.gather [hbm4b:s21+s4], $0x60, $0x38;
	[tilespmem:$0x1FC80] =	vst v63  }
0x55: {  	_ =	swait.ge [sflag:s11], $0x3000  }
0x56: {  	[sflag:s11] =	ssyncset.done $0x0  }
0x57: {  	[sflag:s11] =	ssyncadd.s32 $0xFFFFD000  }
0x58: {  	[spmem:s3] =	stream.indirect.scatter.add.f32 [tilespmem:s8], [sflag:$0xA], $0x80, s26, s30, $0xb8;
	[tilespmem:$0x1FC80] =	vst v63  }
0x59: {  	_ =	swait.ge [sflag:s12], $0x60  }
0x5a: {  	[sflag:s12] =	ssyncset.done $0x0  }
0x5b: {  	[sflag:s12] =	ssyncadd.s32 $0xFFFFFFA0  }
0x5c: {  	_ =	swait.ge [sflag:s12], $0x60  }
0x5d: {  	[sflag:s12] =	ssyncset.done $0x0  }
0x5e: {  	[sflag:s12] =	ssyncadd.s32 $0xFFFFFFA0  }
0x5f: {  	[tilespmem:s14], [sflag:$0x7] =	stream.indirect.gather [hbm4b:s5+s30], $0x80, s31, s30, $0xb8;
	[tilespmem:$0x1FC80] =	vst v63  }
0x60: {  	_ =	swait.ge [sflag:s15], $0x3000  }
0x61: {  	[sflag:s15] =	ssyncset.done $0x0;
	s6 =	rddreg [dreg:$0x1a]  }
0x62: {  	s22 =	rddreg [dreg:$0xa];
	s13 =	sshrl.u32 s6, $0x3;
	[sflag:s15] =	ssyncadd.s32 $0xFFFFD000  }
0x63: {  	s2 =	sadd.s32 s22, s13;
	s22 =	rddreg [dreg:$0x1]  }
0x64: {  	[tilespmem:s23], [sflag:$0x1] =	stream.linear.gather [hbm4b:s2+s4], $0x60, $0x38;
	[tilespmem:$0x1FC80] =	vst v63  }
0x65: {  	s13 =	sadd.s32 s22, s13  }
0x66: {  	[tilespmem:s24], [sflag:$0x1] =	stream.linear.gather [hbm4b:s13+s4], $0x60, $0x38;
	[tilespmem:$0x1FC80] =	vst v63  }
0x67: {  	_ =	swait.ge [sflag:s16], $0x3000  }
0x68: {  	[sflag:s16] =	ssyncset.done $0x0  }
0x69: {  	[sflag:s16] =	ssyncadd.s32 $0xFFFFD000  }
0x6a: {  	[spmem:s3] =	stream.indirect.scatter.add.f32 [tilespmem:s14], [sflag:$0xB], $0x80, s0, s30, $0xb8;
	[tilespmem:$0x1FC80] =	vst v63  }
0x6b: {  	_ =	swait.ge [sflag:s17], $0x60  }
0x6c: {  	[sflag:s17] =	ssyncset.done $0x0  }
0x6d: {  	[sflag:s17] =	ssyncadd.s32 $0xFFFFFFA0  }
0x6e: {  	_ =	swait.ge [sflag:s17], $0x60  }
0x6f: {  	[sflag:s17] =	ssyncset.done $0x0  }
0x70: {  	[sflag:s17] =	ssyncadd.s32 $0xFFFFFFA0  }
0x71: {  	[tilespmem:s18], [sflag:$0x8] =	stream.indirect.gather [hbm4b:s5+s30], $0x80, s9, s30, $0xb8;
	[tilespmem:$0x1FC80] =	vst v63  }
0x72: {  	_ =	swait.ge [sflag:s19], $0x3000  }
0x73: {  	s23 =	rddreg [dreg:$0x5];
	[sflag:s19] =	ssyncset.done $0x0  }
0x74: {  	s24 =	rddreg [dreg:$0x4];
	[sflag:s19] =	ssyncadd.s32 $0xFFFFD000;
	s13 =	sadd.s32 $0x0, s23  }
0x75: {  	[tilespmem:s25], [sflag:$0x2] =	stream.linear.gather [hbm4b:s13+s4], $0x60, $0x38;
	[tilespmem:$0x1FC80] =	vst v63  }
0x76: {  	s25 =	sadd.s32 $0x0, s24  }
0x77: {  	[tilespmem:s26], [sflag:$0x2] =	stream.linear.gather [hbm4b:s25+s4], $0x60, $0x38;
	[tilespmem:$0x1FC80] =	vst v63  }
0x78: {  	_ =	swait.ge [sflag:s20], $0x3000  }
0x79: {  	[sflag:s20] =	ssyncset.done $0x0  }
0x7a: {  	[sflag:s20] =	ssyncadd.s32 $0xFFFFD000  }
0x7b: {  	[spmem:s3] =	stream.indirect.scatter.add.f32 [tilespmem:s18], [sflag:$0xC], $0x80, s10, s30, $0xb8;
	[tilespmem:$0x1FC80] =	vst v63  }
0x7c: {  	_ =	swait.ge [sflag:s29], $0x60  }
0x7d: {  	[sflag:s29] =	ssyncset.done $0x0  }
0x7e: {  	[sflag:s29] =	ssyncadd.s32 $0xFFFFFFA0  }
0x7f: {  	s28 =	simm.s32 $0x60;
	p1 =	por $0x0, $0x0;
	_ =	swait.ge [sflag:s29], $0x60  }
0x80: {  	s21 =	sadd.s32 $0x180, s6;
	s13 =	simm.s32 $0x30;
	[sflag:s29] =	ssyncset.done $0x0  }
.LBB2_2:
0x81: {  	s2 =	simm.s32 @!p1 $0xB;
	[sflag:s29] =	ssyncadd.s32 $0xFFFFFFA0;
	s24 =	simm.s32 $0xC000  }
0x82: {  	[tilespmem:s4], [sflag:$0x5] =	stream.indirect.gather [hbm4b:s5+s30], $0x80, s24, s30, $0xb8;
	[tilespmem:$0x1FC80] =	vst v63  }
0x83: {  	_ =	swait.ge @!p1 [sflag:s2], $0x3000  }
0x84: {  	[sflag:s2] =	ssyncset.done @!p1 $0x0;
	s6 =	rddreg [dreg:$0x9]  }
0x85: {  	s26 =	rddreg [dreg:$0x8];
	[sflag:s2] =	ssyncadd.s32 @!p1 $0xFFFFD000;
	s6 =	sadd.s32 s13, s6  }
0x86: {  	[tilespmem:s31], [sflag:$0x3] =	stream.linear.gather [hbm4b:s6+s4], $0x60, $0x38;
	[tilespmem:$0x1FC80] =	vst v63  }
0x87: {  	s2 =	sadd.s32 s13, s26  }
0x88: {  	[tilespmem:s0], [sflag:$0x3] =	stream.linear.gather [hbm4b:s2+s4], $0x60, $0x38;
	[tilespmem:$0x1FC80] =	vst v63  }
0x89: {  	_ =	swait.ge [sflag:s1], $0x3000  }
0x8a: {  	[sflag:s1] =	ssyncset.done $0x0  }
0x8b: {  	s25 =	simm.s32 $0xC080;
	[sflag:s1] =	ssyncadd.s32 $0xFFFFD000  }
0x8c: {  	[spmem:s3] =	stream.indirect.scatter.add.f32 [tilespmem:s4], [sflag:$0x9], $0x80, s25, s30, $0xb8;
	[tilespmem:$0x1FC80] =	vst v63  }
0x8d: {  	_ =	swait.ge [sflag:s7], $0x60  }
0x8e: {  	[sflag:s7] =	ssyncset.done $0x0  }
0x8f: {  	[sflag:s7] =	ssyncadd.s32 $0xFFFFFFA0  }
0x90: {  	_ =	swait.ge [sflag:s7], $0x60  }
0x91: {  	[sflag:s7] =	ssyncset.done $0x0  }
0x92: {  	s26 =	simm.s32 $0xC100;
	s2 =	simm.s32 @!p1 $0xC;
	[sflag:s7] =	ssyncadd.s32 $0xFFFFFFA0  }
0x93: {  	[tilespmem:s8], [sflag:$0x6] =	stream.indirect.gather [hbm4b:s5+s30], $0x80, s26, s30, $0xb8;
	[tilespmem:$0x1FC80] =	vst v63  }
0x94: {  	_ =	swait.ge @!p1 [sflag:s2], $0x3000  }
0x95: {  	s6 =	rddreg [dreg:$0x7];
	[sflag:s2] =	ssyncset.done @!p1 $0x0  }
0x96: {  	s23 =	rddreg [dreg:$0x6];
	[sflag:s2] =	ssyncadd.s32 @!p1 $0xFFFFD000;
	s6 =	sadd.s32 s13, s6  }
0x97: {  	[tilespmem:s9], [sflag:$0x4] =	stream.linear.gather [hbm4b:s6+s4], $0x60, $0x38;
	[tilespmem:$0x1FC80] =	vst v63  }
0x98: {  	s23 =	sadd.s32 s13, s23  }
0x99: {  	[tilespmem:s10], [sflag:$0x4] =	stream.linear.gather [hbm4b:s23+s4], $0x60, $0x38;
	[tilespmem:$0x1FC80] =	vst v63  }
0x9a: {  	_ =	swait.ge [sflag:s11], $0x3000  }
0x9b: {  	[sflag:s11] =	ssyncset.done $0x0  }
0x9c: {  	s23 =	simm.s32 $0xC180;
	[sflag:s11] =	ssyncadd.s32 $0xFFFFD000  }
0x9d: {  	[spmem:s3] =	stream.indirect.scatter.add.f32 [tilespmem:s8], [sflag:$0xA], $0x80, s23, s30, $0xb8;
	[tilespmem:$0x1FC80] =	vst v63  }
0x9e: {  	_ =	swait.ge [sflag:s12], $0x60  }
0x9f: {  	[sflag:s12] =	ssyncset.done $0x0  }
0xa0: {  	[sflag:s12] =	ssyncadd.s32 $0xFFFFFFA0  }
0xa1: {  	_ =	swait.ge [sflag:s12], $0x60  }
0xa2: {  	[sflag:s12] =	ssyncset.done $0x0  }
0xa3: {  	[sflag:s12] =	ssyncadd.s32 $0xFFFFFFA0  }
0xa4: {  	[tilespmem:s14], [sflag:$0x7] =	stream.indirect.gather [hbm4b:s5+s30], $0x80, s31, s30, $0xb8;
	[tilespmem:$0x1FC80] =	vst v63  }
0xa5: {  	_ =	swait.ge [sflag:s15], $0x3000  }
0xa6: {  	s2 =	sshrl.u32 s21, $0x3;
	[sflag:s15] =	ssyncset.done $0x0;
	s6 =	rddreg [dreg:$0xa]  }
0xa7: {  	[sflag:s15] =	ssyncadd.s32 $0xFFFFD000;
	s6 =	sadd.s32 s6, s2  }
0xa8: {  	[tilespmem:s24], [sflag:$0x1] =	stream.linear.gather [hbm4b:s6+s4], $0x60, $0x38;
	[tilespmem:$0x1FC80] =	vst v63  }
0xa9: {  	s24 =	rddreg [dreg:$0x1]  }
0xaa: {  	s2 =	sadd.s32 s24, s2  }
0xab: {  	[tilespmem:s25], [sflag:$0x1] =	stream.linear.gather [hbm4b:s2+s4], $0x60, $0x38;
	[tilespmem:$0x1FC80] =	vst v63  }
0xac: {  	_ =	swait.ge [sflag:s16], $0x3000  }
0xad: {  	[sflag:s16] =	ssyncset.done $0x0  }
0xae: {  	[sflag:s16] =	ssyncadd.s32 $0xFFFFD000  }
0xaf: {  	[spmem:s3] =	stream.indirect.scatter.add.f32 [tilespmem:s14], [sflag:$0xB], $0x80, s0, s30, $0xb8;
	[tilespmem:$0x1FC80] =	vst v63  }
0xb0: {  	_ =	swait.ge [sflag:s17], $0x60  }
0xb1: {  	[sflag:s17] =	ssyncset.done $0x0  }
0xb2: {  	[sflag:s17] =	ssyncadd.s32 $0xFFFFFFA0  }
0xb3: {  	_ =	swait.ge [sflag:s17], $0x60  }
0xb4: {  	[sflag:s17] =	ssyncset.done $0x0  }
0xb5: {  	[sflag:s17] =	ssyncadd.s32 $0xFFFFFFA0  }
0xb6: {  	[tilespmem:s18], [sflag:$0x8] =	stream.indirect.gather [hbm4b:s5+s30], $0x80, s9, s30, $0xb8;
	[tilespmem:$0x1FC80] =	vst v63  }
0xb7: {  	_ =	swait.ge [sflag:s19], $0x3000  }
0xb8: {  	s24 =	rddreg [dreg:$0x5];
	[sflag:s19] =	ssyncset.done $0x0  }
0xb9: {  	s25 =	rddreg [dreg:$0x4];
	[sflag:s19] =	ssyncadd.s32 $0xFFFFD000;
	s2 =	sadd.s32 s13, s24  }
0xba: {  	[tilespmem:s26], [sflag:$0x2] =	stream.linear.gather [hbm4b:s2+s4], $0x60, $0x38;
	[tilespmem:$0x1FC80] =	vst v63  }
0xbb: {  	s26 =	sadd.s32 s13, s25  }
0xbc: {  	[tilespmem:s23], [sflag:$0x2] =	stream.linear.gather [hbm4b:s26+s4], $0x60, $0x38;
	[tilespmem:$0x1FC80] =	vst v63  }
0xbd: {  	_ =	swait.ge [sflag:s20], $0x3000  }
0xbe: {  	s22 =	smov.u32 s28;
	s28 =	sadd.s32 $0x30, s28;
	[sflag:s20] =	ssyncset.done $0x0  }
0xbf: {  	p0 =	sne.s32 s28, $0x4B0;
	[sflag:s20] =	ssyncadd.s32 $0xFFFFD000  }
0xc0: {  	[spmem:s3] =	stream.indirect.scatter.add.f32 [tilespmem:s18], [sflag:$0xC], $0x80, s10, s30, $0xb8;
	[tilespmem:$0x1FC80] =	vst v63  }
.Ltmp0:
0xc1: {  	_ =	swait.ge [sflag:s29], $0x60;
	(pc) =	sbr.rel @p0 .LBB2_2-.Ltmp0, $4  }
0xc2: {  	[sflag:s29] =	ssyncset.done $0x0  }
0xc3: {  	[sflag:s29] =	ssyncadd.s32 $0xFFFFFFA0  }
0xc4: {  	s13 =	smov.u32 s22;
	_ =	swait.ge [sflag:s29], $0x60  }
0xc5: {  	s21 =	sadd.s32 $0x180, s21;
	p1 =	seq.s32 s13, $0x0;
	[sflag:s29] =	ssyncset.done $0x0  }
0xc6: {  	s2 =	simm.s32 @!p1 $0xB;
	[sflag:s29] =	ssyncadd.s32 $0xFFFFFFA0;
	s23 =	simm.s32 $0xC000  }
0xc7: {  	[tilespmem:s4], [sflag:$0x5] =	stream.indirect.gather [hbm4b:s5+s30], $0x80, s23, s30, $0xb8;
	[tilespmem:$0x1FC80] =	vst v63  }
0xc8: {  	_ =	swait.ge @!p1 [sflag:s2], $0x3000  }
0xc9: {  	s6 =	rddreg [dreg:$0x9];
	[sflag:s2] =	ssyncset.done @!p1 $0x0  }
0xca: {  	s22 =	rddreg [dreg:$0x8];
	[sflag:s2] =	ssyncadd.s32 @!p1 $0xFFFFD000;
	s24 =	sadd.s32 s13, s6  }
0xcb: {  	[tilespmem:s31], [sflag:$0x3] =	stream.linear.gather [hbm4b:s24+s4], $0x60, $0x38;
	[tilespmem:$0x1FC80] =	vst v63  }
0xcc: {  	s25 =	sadd.s32 s13, s22  }
0xcd: {  	[tilespmem:s0], [sflag:$0x3] =	stream.linear.gather [hbm4b:s25+s4], $0x60, $0x38;
	[tilespmem:$0x1FC80] =	vst v63  }
0xce: {  	_ =	swait.ge [sflag:s1], $0x3000  }
0xcf: {  	[sflag:s1] =	ssyncset.done $0x0  }
0xd0: {  	s24 =	simm.s32 $0xC080;
	[sflag:s1] =	ssyncadd.s32 $0xFFFFD000  }
0xd1: {  	[spmem:s3] =	stream.indirect.scatter.add.f32 [tilespmem:s4], [sflag:$0x9], $0x80, s24, s30, $0xb8;
	[tilespmem:$0x1FC80] =	vst v63  }
0xd2: {  	_ =	swait.ge [sflag:s7], $0x60  }
0xd3: {  	[sflag:s7] =	ssyncset.done $0x0  }
0xd4: {  	[sflag:s7] =	ssyncadd.s32 $0xFFFFFFA0  }
0xd5: {  	_ =	swait.ge [sflag:s7], $0x60  }
0xd6: {  	[sflag:s7] =	ssyncset.done $0x0  }
0xd7: {  	s2 =	simm.s32 @!p1 $0xC;
	s25 =	simm.s32 $0xC100;
	[sflag:s7] =	ssyncadd.s32 $0xFFFFFFA0  }
0xd8: {  	[tilespmem:s8], [sflag:$0x6] =	stream.indirect.gather [hbm4b:s5+s30], $0x80, s25, s30, $0xb8;
	[tilespmem:$0x1FC80] =	vst v63  }
0xd9: {  	_ =	swait.ge @!p1 [sflag:s2], $0x3000  }
0xda: {  	s26 =	rddreg [dreg:$0x7];
	[sflag:s2] =	ssyncset.done @!p1 $0x0  }
0xdb: {  	s28 =	rddreg [dreg:$0x6];
	[sflag:s2] =	ssyncadd.s32 @!p1 $0xFFFFD000;
	s6 =	sadd.s32 s13, s26  }
0xdc: {  	[tilespmem:s9], [sflag:$0x4] =	stream.linear.gather [hbm4b:s6+s4], $0x60, $0x38;
	[tilespmem:$0x1FC80] =	vst v63  }
0xdd: {  	s22 =	sadd.s32 s13, s28  }
0xde: {  	[tilespmem:s10], [sflag:$0x4] =	stream.linear.gather [hbm4b:s22+s4], $0x60, $0x38;
	[tilespmem:$0x1FC80] =	vst v63  }
0xdf: {  	_ =	swait.ge [sflag:s11], $0x3000  }
0xe0: {  	[sflag:s11] =	ssyncset.done $0x0  }
0xe1: {  	s22 =	simm.s32 $0xC180;
	[sflag:s11] =	ssyncadd.s32 $0xFFFFD000  }
0xe2: {  	[spmem:s3] =	stream.indirect.scatter.add.f32 [tilespmem:s8], [sflag:$0xA], $0x80, s22, s30, $0xb8;
	[tilespmem:$0x1FC80] =	vst v63  }
0xe3: {  	_ =	swait.ge [sflag:s12], $0x60  }
0xe4: {  	[sflag:s12] =	ssyncset.done $0x0  }
0xe5: {  	[sflag:s12] =	ssyncadd.s32 $0xFFFFFFA0  }
0xe6: {  	_ =	swait.ge [sflag:s12], $0x60  }
0xe7: {  	[sflag:s12] =	ssyncset.done $0x0  }
0xe8: {  	[sflag:s12] =	ssyncadd.s32 $0xFFFFFFA0  }
0xe9: {  	[tilespmem:s14], [sflag:$0x7] =	stream.indirect.gather [hbm4b:s5+s30], $0x80, s31, s30, $0xb8;
	[tilespmem:$0x1FC80] =	vst v63  }
0xea: {  	_ =	swait.ge [sflag:s15], $0x3000  }
0xeb: {  	s26 =	sshrl.u32 s21, $0x3;
	[sflag:s15] =	ssyncset.done $0x0;
	s28 =	rddreg [dreg:$0xa]  }
0xec: {  	[sflag:s15] =	ssyncadd.s32 $0xFFFFD000;
	s6 =	sadd.s32 s28, s26  }
0xed: {  	[tilespmem:s23], [sflag:$0x1] =	stream.linear.gather [hbm4b:s6+s4], $0x60, $0x38;
	[tilespmem:$0x1FC80] =	vst v63  }
0xee: {  	s21 =	rddreg [dreg:$0x1]  }
0xef: {  	s2 =	sadd.s32 s21, s26  }
0xf0: {  	[tilespmem:s24], [sflag:$0x1] =	stream.linear.gather [hbm4b:s2+s4], $0x60, $0x38;
	[tilespmem:$0x1FC80] =	vst v63  }
0xf1: {  	_ =	swait.ge [sflag:s16], $0x3000  }
0xf2: {  	[sflag:s16] =	ssyncset.done $0x0  }
0xf3: {  	[sflag:s16] =	ssyncadd.s32 $0xFFFFD000  }
0xf4: {  	[spmem:s3] =	stream.indirect.scatter.add.f32 [tilespmem:s14], [sflag:$0xB], $0x80, s0, s30, $0xb8;
	[tilespmem:$0x1FC80] =	vst v63  }
0xf5: {  	_ =	swait.ge [sflag:s17], $0x60  }
0xf6: {  	[sflag:s17] =	ssyncset.done $0x0  }
0xf7: {  	[sflag:s17] =	ssyncadd.s32 $0xFFFFFFA0  }
0xf8: {  	_ =	swait.ge [sflag:s17], $0x60  }
0xf9: {  	[sflag:s17] =	ssyncset.done $0x0  }
0xfa: {  	[sflag:s17] =	ssyncadd.s32 $0xFFFFFFA0  }
0xfb: {  	[tilespmem:s18], [sflag:$0x8] =	stream.indirect.gather [hbm4b:s5+s30], $0x80, s9, s30, $0xb8;
	[tilespmem:$0x1FC80] =	vst v63  }
0xfc: {  	_ =	swait.ge [sflag:s19], $0x3000  }
0xfd: {  	s26 =	rddreg [dreg:$0x5];
	[sflag:s19] =	ssyncset.done $0x0  }
0xfe: {  	s28 =	rddreg [dreg:$0x4];
	[sflag:s19] =	ssyncadd.s32 $0xFFFFD000;
	s2 =	sadd.s32 s13, s26  }
0xff: {  	[tilespmem:s25], [sflag:$0x2] =	stream.linear.gather [hbm4b:s2+s4], $0x60, $0x38;
	[tilespmem:$0x1FC80] =	vst v63  }
0x100: {  	s6 =	sadd.s32 s13, s28  }
0x101: {  	[tilespmem:s22], [sflag:$0x2] =	stream.linear.gather [hbm4b:s6+s4], $0x60, $0x38;
	[tilespmem:$0x1FC80] =	vst v63  }
0x102: {  	_ =	swait.ge [sflag:s20], $0x3000  }
0x103: {  	[sflag:s20] =	ssyncset.done $0x0  }
0x104: {  	[sflag:s20] =	ssyncadd.s32 $0xFFFFD000  }
0x105: {  	[spmem:s3] =	stream.indirect.scatter.add.f32 [tilespmem:s18], [sflag:$0xC], $0x80, s10, s30, $0xb8;
	[tilespmem:$0x1FC80] =	vst v63  }
0x106: {  	_ =	swait.ge [sflag:s29], $0x60  }
0x107: {  	[sflag:s29] =	ssyncset.done $0x0  }
0x108: {  	[sflag:s29] =	ssyncadd.s32 $0xFFFFFFA0  }
0x109: {  	_ =	swait.ge [sflag:s29], $0x60  }
0x10a: {  	[sflag:s29] =	ssyncset.done $0x0  }
0x10b: {  	s6 =	simm.s32 $0xB;
	[sflag:s29] =	ssyncadd.s32 $0xFFFFFFA0  }
0x10c: {  	[tilespmem:s4], [sflag:$0x5] =	stream.indirect.gather [hbm4b:s5+s30], $0x80, s23, s30, $0xb8;
	[tilespmem:$0x1FC80] =	vst v63  }
0x10d: {  	_ =	swait.ge [sflag:s6], $0x3000  }
0x10e: {  	[sflag:s6] =	ssyncset.done $0x0  }
0x10f: {  	s13 =	rddreg [dreg:$0x12];
	[sflag:s6] =	ssyncadd.s32 $0xFFFFD000  }
0x110: {  	[tilespmem:s31], [sflag:$0x3] =	stream.linear.gather [hbm4b:s13+s4], $0x60, $0x38;
	[tilespmem:$0x1FC80] =	vst v63  }
0x111: {  	s21 =	rddreg [dreg:$0x13]  }
0x112: {  	[tilespmem:s0], [sflag:$0x3] =	stream.linear.gather [hbm4b:s21+s4], $0x60, $0x38;
	[tilespmem:$0x1FC80] =	vst v63  }
0x113: {  	_ =	swait.ge [sflag:s1], $0x3000  }
0x114: {  	[sflag:s1] =	ssyncset.done $0x0  }
0x115: {  	[sflag:s1] =	ssyncadd.s32 $0xFFFFD000  }
0x116: {  	[spmem:s3] =	stream.indirect.scatter.add.f32 [tilespmem:s4], [sflag:$0x9], $0x80, s24, s30, $0xb8;
	[tilespmem:$0x1FC80] =	vst v63  }
0x117: {  	_ =	swait.ge [sflag:s7], $0x60  }
0x118: {  	[sflag:s7] =	ssyncset.done $0x0  }
0x119: {  	[sflag:s7] =	ssyncadd.s32 $0xFFFFFFA0  }
0x11a: {  	_ =	swait.ge [sflag:s7], $0x60  }
0x11b: {  	[sflag:s7] =	ssyncset.done $0x0  }
0x11c: {  	s13 =	simm.s32 $0xC;
	[sflag:s7] =	ssyncadd.s32 $0xFFFFFFA0  }
0x11d: {  	[tilespmem:s8], [sflag:$0x6] =	stream.indirect.gather [hbm4b:s5+s30], $0x80, s25, s30, $0xb8;
	[tilespmem:$0x1FC80] =	vst v63  }
0x11e: {  	_ =	swait.ge [sflag:s13], $0x3000  }
0x11f: {  	[sflag:s13] =	ssyncset.done $0x0  }
0x120: {  	s25 =	rddreg [dreg:$0x14];
	[sflag:s13] =	ssyncadd.s32 $0xFFFFD000  }
0x121: {  	[tilespmem:s9], [sflag:$0x4] =	stream.linear.gather [hbm4b:s25+s4], $0x60, $0x38;
	[tilespmem:$0x1FC80] =	vst v63  }
0x122: {  	s26 =	rddreg [dreg:$0x15]  }
0x123: {  	[tilespmem:s10], [sflag:$0x4] =	stream.linear.gather [hbm4b:s26+s4], $0x60, $0x38;
	[tilespmem:$0x1FC80] =	vst v63  }
0x124: {  	_ =	swait.ge [sflag:s11], $0x3000  }
0x125: {  	[sflag:s11] =	ssyncset.done $0x0  }
0x126: {  	[sflag:s11] =	ssyncadd.s32 $0xFFFFD000  }
0x127: {  	[spmem:s3] =	stream.indirect.scatter.add.f32 [tilespmem:s8], [sflag:$0xA], $0x80, s22, s30, $0xb8;
	[tilespmem:$0x1FC80] =	vst v63  }
0x128: {  	_ =	swait.ge [sflag:s12], $0x60  }
0x129: {  	[sflag:s12] =	ssyncset.done $0x0  }
0x12a: {  	[sflag:s12] =	ssyncadd.s32 $0xFFFFFFA0  }
0x12b: {  	_ =	swait.ge [sflag:s12], $0x60  }
0x12c: {  	[sflag:s12] =	ssyncset.done $0x0  }
0x12d: {  	[sflag:s12] =	ssyncadd.s32 $0xFFFFFFA0  }
0x12e: {  	[tilespmem:s14], [sflag:$0x7] =	stream.indirect.gather [hbm4b:s5+s30], $0x80, s31, s30, $0xb8;
	[tilespmem:$0x1FC80] =	vst v63  }
0x12f: {  	_ =	swait.ge [sflag:s15], $0x3000  }
0x130: {  	[sflag:s15] =	ssyncset.done $0x0  }
0x131: {  	s28 =	rddreg [dreg:$0x16];
	[sflag:s15] =	ssyncadd.s32 $0xFFFFD000  }
0x132: {  	[tilespmem:s23], [sflag:$0x1] =	stream.linear.gather [hbm4b:s28+s4], $0x10, $0x38;
	[tilespmem:$0x1FC80] =	vst v63  }
0x133: {  	s21 =	rddreg [dreg:$0x17]  }
0x134: {  	[tilespmem:s24], [sflag:$0x1] =	stream.linear.gather [hbm4b:s21+s4], $0x10, $0x38;
	[tilespmem:$0x1FC80] =	vst v63  }
0x135: {  	_ =	swait.ge [sflag:s16], $0x3000  }
0x136: {  	[sflag:s16] =	ssyncset.done $0x0  }
0x137: {  	[sflag:s16] =	ssyncadd.s32 $0xFFFFD000  }
0x138: {  	[spmem:s3] =	stream.indirect.scatter.add.f32 [tilespmem:s14], [sflag:$0xB], $0x80, s0, s30, $0xb8;
	[tilespmem:$0x1FC80] =	vst v63  }
0x139: {  	_ =	swait.ge [sflag:s17], $0x60  }
0x13a: {  	[sflag:s17] =	ssyncset.done $0x0  }
0x13b: {  	[sflag:s17] =	ssyncadd.s32 $0xFFFFFFA0  }
0x13c: {  	_ =	swait.ge [sflag:s17], $0x60  }
0x13d: {  	[sflag:s17] =	ssyncset.done $0x0  }
0x13e: {  	[sflag:s17] =	ssyncadd.s32 $0xFFFFFFA0  }
0x13f: {  	[tilespmem:s18], [sflag:$0x8] =	stream.indirect.gather [hbm4b:s5+s30], $0x80, s9, s30, $0xb8;
	[tilespmem:$0x1FC80] =	vst v63  }
0x140: {  	_ =	swait.ge [sflag:s19], $0x3000  }
0x141: {  	[sflag:s19] =	ssyncset.done $0x0  }
0x142: {  	[sflag:s19] =	ssyncadd.s32 $0xFFFFD000  }
0x143: {  	_ =	swait.ge [sflag:s20], $0x3000  }
0x144: {  	[sflag:s20] =	ssyncset.done $0x0  }
0x145: {  	[sflag:s20] =	ssyncadd.s32 $0xFFFFD000  }
0x146: {  	[spmem:s3] =	stream.indirect.scatter.add.f32 [tilespmem:s18], [sflag:$0xC], $0x80, s10, s30, $0xb8;
	[tilespmem:$0x1FC80] =	vst v63  }
0x147: {  	_ =	swait.ge [sflag:s29], $0x10  }
0x148: {  	[sflag:s29] =	ssyncset.done $0x0  }
0x149: {  	[sflag:s29] =	ssyncadd.s32 $0xFFFFFFF0  }
0x14a: {  	_ =	swait.ge [sflag:s29], $0x10  }
0x14b: {  	[sflag:s29] =	ssyncset.done $0x0  }
0x14c: {  	s22 =	simm.s32 $0x10;
	[sflag:s29] =	ssyncadd.s32 $0xFFFFFFF0  }
0x14d: {  	[tilespmem:s4], [sflag:$0x5] =	stream.indirect.gather [hbm4b:s5+s22], $0x80, s23, s22, $0xb8;
	[tilespmem:$0x1FC80] =	vst v63  }
0x14e: {  	_ =	swait.ge [sflag:s6], $0x3000  }
0x14f: {  	[sflag:s6] =	ssyncset.done $0x0  }
0x150: {  	[sflag:s6] =	ssyncadd.s32 $0xFFFFD000  }
0x151: {  	_ =	swait.ge [sflag:s13], $0x3000  }
0x152: {  	[sflag:s13] =	ssyncset.done $0x0  }
0x153: {  	[sflag:s13] =	ssyncadd.s32 $0xFFFFD000  }
0x154: {  	_ =	swait.ge [sflag:s1], $0x800  }
0x155: {  	[sflag:s1] =	ssyncset.done $0x0  }
0x156: {  	s6 =	simm.s32 $0xD;
	[sflag:s1] =	ssyncadd.s32 $0xFFFFF800  }
0x157: {  	[spmem:s3] =	stream.indirect.scatter.add.f32 [tilespmem:s4], [sflag:$0xD], $0x80, s24, s22, $0xb8;
	[tilespmem:$0x1FC80] =	vst v63  }
0x158: {  	_ =	swait.ge [sflag:s6], $0x800  }
0x159: {  	[sflag:s6] =	ssyncset.done $0x0  }
0x15a: {  	[sflag:s6] =	ssyncadd.s32 $0xFFFFF800  }
0x15b: {  	[bflag:$0x0] =	sbarrier.arrive $0xFFFF  }
0x15c: {  	s13 =	rddreg [dreg:$0x11]  }
0x15d: {  	s24 =	rddreg [dreg:$0x18]  }
0x15e: {  	s25 =	rddreg [dreg:$0x1c]  }
0x15f: {  	[hbm:s24], [sflag:s13] =	dma.local [spmem:s25], $0x2710  }
0x160: {  	_ =	swait.ge [sflag:s6], $0x2710  }
0x161: {  	s26 =	rddreg [dreg:$0x1b]  }
0x162: {  	s28 =	rddreg [dreg:$0x19];
	s21 =	sadd.s32 $0x1, s26  }
0x163: {  	p0 =	sne.s32 s21, s28  }
.Ltmp1:
0x164: {  	_ = 	snop;
	(pc) =	sbr.rel @p0 .LBB2_1-.Ltmp1, $3  }
0x165: {  	_ =	sdelay $0x1  }
0x166: {  	[sflag:s6] =	ssyncset.done $0x0  }
0x167: {  	[sflag:s6] =	ssyncadd.s32 $0xFFFFD8F0  }
0x168: {  	_ =	sfence.sel $0x180000  }
0x169: {  	[bflag:$0x0] =	sbarrier.arrive $0xFFFF  }
0x16a: {  	_ =	strace $0x9000004D  }
0x16b: {  	s0 =	stileid.u32;
	[bflag:$0x2] =	sbarrier.arrive $0xFFFF  }
0x16c: {  	p0 =	sne.s32 s0, $0x0;
	s0 =	rddreg [dreg:$0x3]  }
0x16d: {  	s0 =	sadd.s32 @!p0 $0x100000, s0  }
0x16e: {  	[sflag:s0] =	ssyncadd.tile.s32 @!p0 $0x1;
	_ =	shalt  }
.Lfunc_end2:
_tile_overlayer_lowered:
.L_overlay_start_2:
0x16f: {  	(tag) =	ssettag $0x2  }
0x170: {  	s0 =	rddreg [dreg:$0x0];
	s2 =	stileid.u32  }
0x171: {  	s1 =	rddreg [dreg:$0x1];
	p0 =	sne.s32 s2, $0x0  }
0x172: {  	s3 =	rddreg [dreg:$0x2];
	[bflag:$0x3] =	sbarrier.arrive $0xFFFF;
	s2 =	simm.s32 @!p0 $0x1C0D  }
0x173: {  	[timem:s3], [sflag:s2] =	dma.local @!p0 [hbm:s0], s1  }
0x174: {  	s0 =	simm.s32 @!p0 $0xD  }
0x175: {  	_ =	swait.ge @!p0 [sflag:s0], s1  }
0x176: {  	s1 =	ssub.s32 @!p0 $0x0, s1;
	[sflag:s0] =	ssyncset.done @!p0 $0x0  }
0x177: {  	[sflag:s0] =	ssyncadd.s32 @!p0 s1  }
0x178: {  	[bflag:$0x3] =	sbarrier.arrive $0xFFFF  }
0x179: {  	_ =	shalt  }

// kernel: kernel.8.cloned.1.call-start
scs
__scs_entry_jumppad:
0x0: {  	(pc) =	sbr.rel $0x88, $3  }
0x1: {  	(tag) =	ssettag $0x0;
	lr =	simm.s32 $0x1  }
0x2: {  	[smem:$0x3F9B] =	sst lr;
	_ =	strace $0xD0000000  }
0x3: {  	_ = 	snop  }
0x4: {  	_ = 	snop  }
0x5: {  	_ = 	snop  }
0x6: {  	_ = 	snop  }
0x7: {  	_ = 	snop  }
__scs_overlays_trampoline_lowered:
0x8: {  	[smem:$0x3FAA] =	sst s0  }
0x9: {  	[smem:$0x3FAB] =	sst s1  }
0xa: {  	[smem:$0x3FAC] =	sst s2  }
0xb: {  	[smem:$0x3FAD] =	sst s3  }
0xc: {  	[smem:$0x3FAE] =	sst s4  }
0xd: {  	[smem:$0x3FAF] =	sst s5  }
0xe: {  	[smem:$0x3FB0] =	sst s6  }
0xf: {  	[smem:$0x3FB1] =	sst s7  }
0x10: {  	[smem:$0x3FB2] =	sst s8  }
0x11: {  	[smem:$0x3FB3] =	sst s9;
	s0 =	simm.s32 @!p0 $0x0  }
0x12: {  	s1 =	sld [smem:$0x3F99];
	s0 =	simm.s32 @p0 $0x1  }
0x13: {  	[smem:$0x3FB4] =	sst s0;
	s0 =	simm.s32 @!p1 $0x0  }
0x14: {  	s2 =	sld [smem:$0x3F98];
	s0 =	simm.s32 @p1 $0x1  }
0x15: {  	[smem:$0x3FB5] =	sst s0;
	s0 =	simm.s32 @!p2 $0x0  }
0x16: {  	s3 =	sld [smem:$0x3FDB];
	s0 =	simm.s32 @p2 $0x1  }
0x17: {  	s4 =	simm.s32 $0x1BF5;
	[smem:$0x3FB7] =	sst s0  }
0x18: {  	s0 =	sld [smem:$0x3F9A];
	_ =	swait.ge [sflag:s4], $0x0  }
0x19: {  	s7 =	sld [smem:$0x3F9B]  }
0x1a: {  	s8 =	sadd.s32 $0xFFFFE003, lr  }
0x1b: {  	s9 =	sadd.s32 $0xFFFFFEF7, lr;
	s5 =	simm.s32 $0xFFFFFFFF;
	p2 =	slt.u32 s8, $0xFFFFF086  }
0x1c: {  	p1 =	slt.u32 s9, $0xF7A;
	s5 =	simm.s32 @!p2 $0x0  }
0x1d: {  	s5 =	simm.s32 @p1 $0x1;
	p0 =	seq.s32 s7, s2  }
0x1e: {  	s7 =	smul.u32 @!p0 $0xF7A, s2;
	p2 =	seq.s32 @!p0 s5, $0x0  }
0x1f: {  	s9 =	smul.u32 $0xF7A, s1;
	s8 =	simm.s32 @!p0 $0x1BF5;
	p2 =	por !p2, p0  }
0x20: {  	[sflag:s8] =	ssyncset.s32 @!p0 $0xFFFFF086;
	s6 =	sadd.s32 @!p0 s3, s7;
	s7 =	simm.s32 @!p0 $0x108  }
0x21: {  	s3 =	sadd.s32 s3, s9;
	s6 =	sadd.s32 @!p0 $0x88, s6;
	s7 =	simm.s32 @p2 $0x1082  }
0x22: {  	[simem:s7], [sflag:s8] =	dma.local @!p0 [hbm:s6], $0xF7A  }
0x23: {  	s9 =	sor.u32 $0xD0000000, s2;
	s6 =	simm.s32 $0x108;
	_ =	swait.ge @!p0 [sflag:s8], $0x0  }
0x24: {  	s3 =	sadd.s32 $0x88, s3;
	s6 =	simm.s32 @!p1 $0x1082;
	[sflag:s4] =	ssyncset.s32 $0xFFFFF086  }
0x25: {  	[simem:s6], [sflag:s4] =	dma.local [hbm:s3], $0xF7A  }
0x26: {  	[smem:$0x3F9B] =	sst s1;
	(tag) =	ssettag s2;
	_ =	strace s9  }
0x27: {  	s1 =	sld [smem:$0x3FAB]  }
0x28: {  	s2 =	sld [smem:$0x3FAC]  }
0x29: {  	s4 =	sld [smem:$0x3FAE]  }
0x2a: {  	p0 =	seq.s32 s5, $0x0;
	s5 =	sld [smem:$0x3FAF]  }
0x2b: {  	s6 =	sld [smem:$0x3FB0]  }
0x2c: {  	s7 =	sld [smem:$0x3FB1]  }
0x2d: {  	s3 =	simm.s32 $0x108;
	s8 =	sld [smem:$0x3FB2]  }
0x2e: {  	s3 =	simm.s32 @!p0 $0x1082;
	s9 =	sld [smem:$0x3FB3]  }
0x2f: {  	lr =	sadd.s32 s0, s3;
	s0 =	sld [smem:$0x3FAA]  }
0x30: {  	s3 =	sld [smem:$0x3FAD]  }
0x31: {  	[smem:$0x3FB6] =	sst s10  }
0x32: {  	s10 =	sld [smem:$0x3FB4];
	_ =	sdelay $0x3  }
0x33: {  	p0 =	seq.s32 s10, $0x1;
	s10 =	sld [smem:$0x3FB6];
	_ =	sdelay $0x3  }
0x34: {  	[smem:$0x3FB6] =	sst s10  }
0x35: {  	s10 =	sld [smem:$0x3FB5];
	_ =	sdelay $0x3  }
0x36: {  	p1 =	seq.s32 s10, $0x1;
	s10 =	sld [smem:$0x3FB6];
	_ =	sdelay $0x3  }
0x37: {  	[smem:$0x3FB6] =	sst s10  }
0x38: {  	s10 =	sld [smem:$0x3FB7]  }
0x39: {  	_ = 	snop;
	(pc) =	sbr.ind lr, $3  }
0x3a: {  	_ = 	snop  }
0x3b: {  	_ = 	snop  }
0x3c: {  	p2 =	seq.s32 s10, $0x1;
	s10 =	sld [smem:$0x3FB6]  }
0x3d: {  	_ =	shalt  }
0x3e: {  	_ =	shalt  }
0x3f: {  	_ =	shalt  }
0x40: {  	_ =	shalt  }
0x41: {  	_ =	shalt  }
0x42: {  	_ =	shalt  }
0x43: {  	_ =	shalt  }
0x44: {  	_ =	shalt  }
0x45: {  	_ =	shalt  }
0x46: {  	_ =	shalt  }
0x47: {  	_ =	shalt  }
0x48: {  	_ =	shalt  }
0x49: {  	_ =	shalt  }
0x4a: {  	_ =	shalt  }
0x4b: {  	_ =	shalt  }
0x4c: {  	_ =	shalt  }
0x4d: {  	_ =	shalt  }
0x4e: {  	_ =	shalt  }
0x4f: {  	_ =	shalt  }
0x50: {  	_ =	shalt  }
0x51: {  	_ =	shalt  }
0x52: {  	_ =	shalt  }
0x53: {  	_ =	shalt  }
0x54: {  	_ =	shalt  }
0x55: {  	_ =	shalt  }
0x56: {  	_ =	shalt  }
0x57: {  	_ =	shalt  }
0x58: {  	_ =	shalt  }
0x59: {  	_ =	shalt  }
0x5a: {  	_ =	shalt  }
0x5b: {  	_ =	shalt  }
0x5c: {  	_ =	shalt  }
0x5d: {  	_ =	shalt  }
0x5e: {  	_ =	shalt  }
0x5f: {  	_ =	shalt  }
0x60: {  	_ =	shalt  }
0x61: {  	_ =	shalt  }
0x62: {  	_ =	shalt  }
0x63: {  	_ =	shalt  }
0x64: {  	_ =	shalt  }
0x65: {  	_ =	shalt  }
0x66: {  	_ =	shalt  }
0x67: {  	_ =	shalt  }
0x68: {  	_ =	shalt  }
0x69: {  	_ =	shalt  }
0x6a: {  	_ =	shalt  }
0x6b: {  	_ =	shalt  }
0x6c: {  	_ =	shalt  }
0x6d: {  	_ =	shalt  }
0x6e: {  	_ =	shalt  }
0x6f: {  	_ =	shalt  }
0x70: {  	_ =	shalt  }
0x71: {  	_ =	shalt  }
0x72: {  	_ =	shalt  }
0x73: {  	_ =	shalt  }
0x74: {  	_ =	shalt  }
0x75: {  	_ =	shalt  }
0x76: {  	_ =	shalt  }
0x77: {  	_ =	shalt  }
0x78: {  	_ =	shalt  }
0x79: {  	_ =	shalt  }
0x7a: {  	_ =	shalt  }
0x7b: {  	_ =	shalt  }
0x7c: {  	_ =	shalt  }
0x7d: {  	_ =	shalt  }
0x7e: {  	_ =	shalt  }
0x7f: {  	_ =	shalt  }
0x80: {  	_ =	shalt  }
0x81: {  	_ =	shalt  }
0x82: {  	_ =	shalt  }
0x83: {  	_ =	shalt  }
0x84: {  	_ =	shalt  }
0x85: {  	_ =	shalt  }
0x86: {  	_ =	shalt  }
0x87: {  	_ =	shalt  }
.Lfunc_end0:
.L_simem_size_0:
called_computation_lowered:
.L_overlay_start_0:
0x88: {  	s2 =	sld [smem:$0x3FD9]  }
0x89: {  	s3 =	sld [smem:$0x3FFE];
	_ =	sdelay $0x1  }
0x8a: {  	s1 =	srdreg.scid  }
0x8b: {  	s0 =	sand.u32 $0x1, s1  }
0x8c: {  	s17 =	sshll.u32 s0, $0xA;
	s2 =	sadd.s32 s3, s2  }
0x8d: {  	s2 =	sadd.s32 s2, s17  }
0x8e: {  	[smem:$0x3FC2] =	sst s2  }
0x8f: {  	_ = 	snop  }
0x90: {  	s2 =	sld [smem:$0x3FD0];
	(tm) =	ssettm $0x1  }
0x91: {  	s18 =	sld [smem:$0x3FFB];
	_ =	sdelay $0x3  }
0x92: {  	_ =	strace s18  }
0x93: {  	s3 =	sld [smem:$0x3FFC];
	_ =	sdelay $0x3  }
0x94: {  	_ =	strace s3  }
0x95: {  	s3 =	sld [smem:$0x3FFD];
	_ =	sdelay $0x3  }
0x96: {  	_ =	strace s3  }
0x97: {  	_ =	strace $0x8FFFFFFF  }
0x98: {  	s19 =	sld [smem:$0x3FDB];
	_ =	sdelay $0x1  }
0x99: {  	s4 =	simm.s32 $_scs_section_size  }
0x9a: {  	s5 =	simm.s32 $_size__tile_overlayer_lowered;
	s6 =	simm.s32 $_tile_overlayer_lowered  }
0x9b: {  	s22 =	simm.s32 $0x1BFF;
	s21 =	sshll.u32 s6, $0x1;
	s3 =	sadd.s32 s4, s19  }
0x9c: {  	s7 =	simm.s32 $0x0;
	s20 =	sshll.u32 s5, $0x1;
	s5 =	sadd.s32 s21, s3  }
0x9d: {  	[timem:s7], [sflag:s22] =	dma.local [hbm:s5], s20  }
0x9e: {  	_ =	swait.ge [sflag:s22], s20  }
0x9f: {  	s4 =	ssub.s32 $0x0, s20;
	[sflag:s22] =	ssyncset.done $0x0  }
0xa0: {  	[sflag:s22] =	ssyncadd.s32 s4;
	_ =	sdelay $0x1  }
0xa1: {  	s23 =	simm.s32 $0x1B8B  }
0xa2: {  	_ =	swait.ge [sflag:s23], $0x1  }
0xa3: {  	[sflag:s23] =	ssyncset.done $0x0  }
0xa4: {  	s25 =	simm.s32 $0x1B8E;
	s24 =	sld [smem:$0x3FFE];
	[sflag:s23] =	ssyncadd.s32 $0xFFFFFFFF  }
0xa5: {  	s26 =	simm.s32 $execute0_lowered;
	[smem:$0x3FD2] =	sst s25  }
0xa6: {  	s5 =	sshll.u32 s26, $0x1;
	_ =	strace $0x80000046;
	[dreg:$0x1] =	wrdreg $0xFFFFFFFF  }
0xa7: {  	s28 =	simm.s32 $_size_execute0_lowered;
	s3 =	sadd.s32 s3, s5;
	[dreg:$0x0] =	wrdreg $0x0  }
0xa8: {  	s5 =	sshll.u32 s28, $0x1;
	[dreg:$0x2] =	wrdreg s3  }
0xa9: {  	[dreg:$0x3] =	wrdreg s5  }
0xaa: {  	[dreg:$0x4] =	wrdreg $0xC0  }
0xab: {  	_ =	task [dreg:s7], $0x5FFFF  }
0xac: {  	[dreg:$0x1] =	wrdreg $0xFFFFFFFF  }
0xad: {  	[dreg:$0x0] =	wrdreg $0x60  }
0xae: {  	[dreg:$0x2] =	wrdreg s24  }
0xaf: {  	[dreg:$0x3] =	wrdreg s2  }
0xb0: {  	[dreg:$0x4] =	wrdreg $0x53200  }
0xb1: {  	[dreg:$0x5] =	wrdreg $0x7A300  }
0xb2: {  	[dreg:$0x6] =	wrdreg $0x9  }
0xb3: {  	_ =	task.clear_ibuf [dreg:s7], $0x7FFFF;
	_ =	strace $0x90000046  }
0xb4: {  	s29 =	simm.s32 $0x9;
	_ =	strace $0x80000048  }
0xb5: {  	_ =	swait.ge [sflag:s29], $0x1  }
0xb6: {  	[sflag:s29] =	ssyncadd.s32 $0xFFFFFFFF  }
0xb7: {  	_ =	strace $0x90000048  }
0xb8: {  	_ =	sfence  }
0xb9: {  	s30 =	sld [smem:$0x0];
	_ =	sdelay $0x2  }
0xba: {  	s31 =	sshll.u32 s1, $0xD;
	s1 =	sshrl.u32 s1, $0x2  }
0xbb: {  	s3 =	sand.u32 $0x4000, s31;
	s1 =	sadd.s32 s1, s30  }
0xbc: {  	s0 =	sor.u32 s3, s0;
	s1 =	sshll.u32 s1, $0x11  }
0xbd: {  	s0 =	sor.u32 s1, s0  }
0xbe: {  	s0 =	sadd.s32 $0x8F2B, s0  }
0xbf: {  	[sflag:s0] =	ssyncadd.remote.s32 $0x1  }
0xc0: {  	_ =	sfence.sel $0xFFFF  }
0xc1: {  	[dreg:$0x0] =	wrdreg $0xFFFFFFFF;
	(pc) =	sbr.abs _section_cstart, $3  }
0xc2: {  	[dreg:$0x1] =	wrdreg $0xFFFFFFFF  }
0xc3: {  	_ =	task.clear_ibuf [dreg:s7], $0x2FFFF;
	_ =	strace $0x9FFFFFFF  }
0xc4: {  	(tm) =	ssettm $0x7FFFFFFF  }
0xc5: {  	_ =	shalt  }
tec
execute0_lowered:
.L_overlay_start_1:
0x0: {  	(tag) =	ssettag $0x1  }
0x1: {  	s6 =	rddreg [dreg:$0x0]  }
0x2: {  	s1 =	srdreg.scid;
	s7 =	rddreg [dreg:$0x1]  }
0x3: {  	s0 =	stileid.u32;
	s2 =	rddreg [dreg:$0x2]  }
0x4: {  	s3 =	rddreg [dreg:$0x3];
	s4 =	simm.s32 $0x0;
	s18 =	simm.s32 $0x50  }
0x5: {  	s19 =	simm.s32 $0x1;
	s20 =	simm.s32 $0x0;
	s5 =	sand.u32 $0x1, s1  }
0x6: {  	s31 =	sshll.u32 s0, $0x1;
	s9 =	smul.u32 $0x2710, s0;
	[smem:$0x7FF] =	sst s4  }
0x7: {  	s15 =	sshll.u32 s0, $0x6;
	s1 =	sor.u32 s5, s31;
	s10 =	smul.u32 $0x4E200, s5  }
0x8: {  	s13 =	ssub.s32 $0x2, s5;
	s5 =	sadd.s32 $0x10600, s6;
	s15 =	sor.u32 $0x1C02, s15  }
0x9: {  	s8 =	smul.u32 $0x4E2, s1;
	s1 =	rddreg [dreg:$0x4];
	_ =	strace $0x80000047  }
0xa: {  	s12 =	sshrl.u32 s9, $0x3;
	s14 =	sshrl.u32 s13, $0x1;
	s16 =	sadd.s32 s9, s2  }
0xb: {  	s17 =	sadd.s32 s9, s3;
	s10 =	sadd.s32 s9, s10;
	s12 =	sadd.s32 s12, s6  }
0xc: {  	s13 =	ssub.s32 s13, s14;
	s14 =	simm.s32 $0x4E20;
	s16 =	sshrl.u32 s16, $0x3  }
0xd: {  	s17 =	sshrl.u32 s17, $0x3;
	s11 =	sadd.s32 s8, s6;
	s10 =	sshrl.u32 s10, $0x3  }
0xe: {  	s7 =	sadd.s32 s7, s8;
	s8 =	sadd.s32 $0xB600, s12;
	s12 =	simm.s32 $0x2  }
0xf: {  	s10 =	sadd.s32 s10, s6;
	s6 =	sadd.s32 $0x1800, s11;
	s11 =	smax.u32 s13, $0x1  }
0x10: {  	s13 =	simm.s32 $0x2710;
	s9 =	sadd.s32 $0x10800, s10;
	s10 =	sadd.s32 $0x15620, s10  }
.LBB2_1:
0x11: {  	[tilespmem:s4], [sflag:$0x2] =	stream.linear.gather [hbm4b:s6+s4], $0x2710, $0x38;
	[tilespmem:$0xA140] =	vst v63  }
0x12: {  	_ =	swait.ge [sflag:s12], $0x2710  }
0x13: {  	[sflag:s12] =	ssyncset.done $0x0  }
0x14: {  	[sflag:s12] =	ssyncadd.s32 $0xFFFFD8F0  }
0x15: {  	[tilespmem:s13], [sflag:$0x2] =	stream.linear.gather [hbm4b:s7+s4], $0x2710, $0x38;
	[tilespmem:$0xA140] =	vst v63  }
0x16: {  	_ =	swait.ge [sflag:s12], $0x2710  }
0x17: {  	[sflag:s12] =	ssyncset.done $0x0  }
0x18: {  	[sflag:s12] =	ssyncadd.s32 $0xFFFFD8F0  }
0x19: {  	[tilespmem:s14], [sflag:$0x2] =	stream.linear.gather [hbm4b:s5+s4], $0x500, $0x38;
	[tilespmem:$0xA140] =	vst v63  }
0x1a: {  	_ =	swait.ge [sflag:s12], $0x500  }
0x1b: {  	[sflag:s12] =	ssyncset.done $0x0  }
0x1c: {  	[sflag:s12] =	ssyncadd.s32 $0xFFFFFB00  }
0x1d: {  	[spmem:s16], [sflag:s15] =	dma.local [hbm:s8], $0x4E2  }
0x1e: {  	_ =	swait.ge [sflag:s12], $0x4E2  }
0x1f: {  	[sflag:s12] =	ssyncset.done $0x0  }
0x20: {  	[sflag:s12] =	ssyncadd.s32 $0xFFFFFB1E  }
0x21: {  	[spmem:s17], [sflag:s15] =	dma.local [hbm:s8], $0x4E2  }
0x22: {  	_ =	swait.ge [sflag:s12], $0x4E2  }
0x23: {  	[sflag:s12] =	ssyncset.done $0x0  }
0x24: {  	[sflag:s12] =	ssyncadd.s32 $0xFFFFFB1E  }
0x25: {  	s21 =	simm.s32 $0x0;
	[bflag:$0x0] =	sbarrier.arrive $0xFFFF  }
0x26: {  	[spmem:s2] =	stream.indirect.scatter.add.f32 [tilespmem:s14], [sflag:$0x1], $0x10, s21, s18, $0xb8;
	[tilespmem:$0xA140] =	vst v63  }
0x27: {  	s22 =	simm.s32 $0x2710;
	s21 =	simm.s32 $0x140  }
.LBB2_2:
0x28: {  	[spmem:s3] =	stream.indirect.scatter.add.f32 [tilespmem:s14], [sflag:$0x1], $0x10, s22, s18, $0xb8;
	[tilespmem:$0xA140] =	vst v63  }
0x29: {  	s22 =	smov.u32 s21;
	p0 =	sne.s32 s21, $0x9B00  }
.Ltmp0:
0x2a: {  	s21 =	sadd.s32 $0x140, s21;
	(pc) =	sbr.rel @p0 .LBB2_2-.Ltmp0, $4  }
0x2b: {  	_ = 	snop  }
0x2c: {  	s22 =	sshra.s32 s22, $0x2  }
0x2d: {  	[spmem:s2] =	stream.indirect.scatter.add.f32 [tilespmem:s14], [sflag:$0x1], $0x10, s22, s18, $0xb8;
	[tilespmem:$0xA140] =	vst v63  }
0x2e: {  	s22 =	sadd.s32 $0x2710, s22  }
0x2f: {  	[spmem:s3] =	stream.indirect.scatter.add.f32 [tilespmem:s14], [sflag:$0x1], $0x10, s22, s18, $0xb8;
	[tilespmem:$0xA140] =	vst v63  }
0x30: {  	_ =	swait.ge [sflag:s19], $0x500  }
0x31: {  	[sflag:s19] =	ssyncset.done $0x0  }
0x32: {  	[sflag:s19] =	ssyncadd.s32 $0xFFFFFB00  }
0x33: {  	_ =	swait.ge [sflag:s19], $0x500  }
0x34: {  	s21 =	simm.s32 $0x7C;
	[sflag:s19] =	ssyncset.done $0x0  }
.LBB2_4:
0x35: {  	p0 =	sne.s32 s21, $0x1;
	s21 =	sadd.s32 $0xFFFFFFFF, s21;
	[sflag:s19] =	ssyncadd.s32 $0xFFFFFB00  }
.Ltmp1:
0x36: {  	_ =	swait.ge [sflag:s19], $0x500;
	(pc) =	sbr.rel @p0 .LBB2_4-.Ltmp1, $4  }
0x37: {  	[sflag:s19] =	ssyncset.done $0x0  }
0x38: {  	[sflag:s19] =	ssyncadd.s32 $0xFFFFFB00  }
0x39: {  	_ =	swait.ge [sflag:s19], $0x500  }
0x3a: {  	[sflag:s19] =	ssyncset.done $0x0  }
0x3b: {  	[sflag:s19] =	ssyncadd.s32 $0xFFFFFB00  }
0x3c: {  	[bflag:$0x0] =	sbarrier.arrive $0xFFFF  }
0x3d: {  	[hbm:s9], [sflag:s15] =	dma.local [spmem:s16], $0x4E2  }
0x3e: {  	s20 =	sadd.s32 $0x1, s20;
	_ =	swait.ge [sflag:s12], $0x4E2  }
0x3f: {  	p0 =	sne.s32 s20, s11;
	[sflag:s12] =	ssyncset.done $0x0  }
.Ltmp2:
0x40: {  	[sflag:s12] =	ssyncadd.s32 $0xFFFFFB1E;
	(pc) =	sbr.rel @p0 .LBB2_1-.Ltmp2, $4  }
0x41: {  	[hbm:s10], [sflag:s15] =	dma.local [spmem:s17], $0x4E2  }
0x42: {  	_ =	swait.ge [sflag:s12], $0x4E2  }
0x43: {  	[sflag:s12] =	ssyncset.done $0x0  }
0x44: {  	[sflag:s12] =	ssyncadd.s32 $0xFFFFFB1E  }
0x45: {  	_ =	sfence.sel $0x180000  }
0x46: {  	[bflag:$0x0] =	sbarrier.arrive $0xFFFF  }
0x47: {  	p0 =	sne.s32 s0, $0x0;
	_ =	strace $0x90000047  }
0x48: {  	s0 =	sadd.s32 @!p0 $0x100000, s1;
	[bflag:$0x2] =	sbarrier.arrive $0xFFFF  }
0x49: {  	[sflag:s0] =	ssyncadd.tile.s32 @!p0 $0x1;
	_ =	shalt  }
.Lfunc_end2:
_tile_overlayer_lowered:
.L_overlay_start_2:
0x4a: {  	(tag) =	ssettag $0x2  }
0x4b: {  	s0 =	rddreg [dreg:$0x0];
	s2 =	stileid.u32  }
0x4c: {  	s1 =	rddreg [dreg:$0x1];
	p0 =	sne.s32 s2, $0x0  }
0x4d: {  	s3 =	rddreg [dreg:$0x2];
	[bflag:$0x3] =	sbarrier.arrive $0xFFFF;
	s2 =	simm.s32 @!p0 $0x1C02  }
0x4e: {  	[timem:s3], [sflag:s2] =	dma.local @!p0 [hbm:s0], s1  }
0x4f: {  	s0 =	simm.s32 @!p0 $0x2  }
0x50: {  	_ =	swait.ge @!p0 [sflag:s0], s1  }
0x51: {  	s1 =	ssub.s32 @!p0 $0x0, s1;
	[sflag:s0] =	ssyncset.done @!p0 $0x0  }
0x52: {  	[sflag:s0] =	ssyncadd.s32 @!p0 s1  }
0x53: {  	[bflag:$0x3] =	sbarrier.arrive $0xFFFF  }
0x54: {  	_ =	shalt  }

</sc_bundles>
